<compile_context>
chip_gen: v7x
topology: tpu7x:2x2x1
jax: 0.10.2.dev20260603
libtpu: 0.0.44.dev20260713+nightly
codegen_flags: <defaults>
</compile_context>

<pallas_src>
import functools

import jax
import jax.numpy as jnp
import numpy as np
from jax import lax
from jax.experimental import pallas as pl
from jax.experimental.pallas import tpu as pltpu
from jax.experimental.pallas import tpu_sc as plsc

N = 10000
E = 320000
D = 128
H = 4
DH = D // H

NC = 2
NS = 16
NW = NC * NS
EPW = E // NW
EB = 80
NBLK = EPW // EB
NP8 = 10240
RPT = NP8 // NS
RCH = 16
NCH = RPT // RCH
DR = NP8 // 32
DNT = 8
DRT = DR // DNT
DZC = 8


def _proj_body(x_ref, w_ref, b_ref, q_ref, kv_ref):
    res = jnp.dot(x_ref[...], w_ref[...], preferred_element_type=jnp.float32)
    res = res + b_ref[...]
    q_ref[...] = res[:, :D]
    kv_ref[...] = res[:, D:]


def _proj(x, w1t, b1):
    bn = 1000
    return pl.pallas_call(
        _proj_body,
        grid=(N // bn,),
        in_specs=[
            pl.BlockSpec((bn, D), lambda i: (i, 0)),
            pl.BlockSpec((D, 3 * D), lambda i: (0, 0)),
            pl.BlockSpec((1, 3 * D), lambda i: (0, 0)),
        ],
        out_specs=[
            pl.BlockSpec((bn, D), lambda i: (i, 0)),
            pl.BlockSpec((bn, 2 * D), lambda i: (i, 0)),
        ],
        out_shape=[
            jax.ShapeDtypeStruct((N, D), jnp.float32),
            jax.ShapeDtypeStruct((N, 2 * D), jnp.float32),
        ],
    )(x, w1t, b1)


@functools.cache
def _edge_kernel():
    mesh = plsc.VectorSubcoreMesh(
        core_axis_name="c", subcore_axis_name="s",
        num_cores=NC, num_subcores=NS,
    )
    return pl.kernel(
        _edge_body,
        out_type=jax.ShapeDtypeStruct((NC, NP8 + DR, D), jnp.float32),
        mesh=mesh,
        scratch_types=[
            pltpu.VMEM((EB, 2 * D), jnp.float32),
            pltpu.VMEM((EB, D), jnp.float32),
            pltpu.VMEM((EB, D), jnp.float32),
            pltpu.VMEM((EB,), jnp.int32),
            pltpu.VMEM((EB,), jnp.int32),
            pltpu.VMEM((EB,), jnp.int32),
            pltpu.VMEM((17 * 16 * 4,), jnp.float32),
            pltpu.VMEM((RCH, D), jnp.float32),
            pltpu.VMEM((DZC, D), jnp.float32),
            pltpu.VMEM_SHARED((NP8, D), jnp.float32),
            pltpu.VMEM_SHARED((DR, D), jnp.float32),
            pltpu.SemaphoreType.DMA,
            pltpu.SemaphoreType.DMA,
        ],
        compiler_params=pltpu.CompilerParams(needs_layout_passes=False),
    )


def _edge_body(kv_hbm, q_hbm, src_hbm, dst_hbm, out_hbm,
               kv_buf, q_buf, d_buf, src_buf, dst_buf, dstq_buf,
               flat_buf, zv, zd, acc_v, acc_d, sem, sem2):
    cid = lax.axis_index("c")
    sid = lax.axis_index("s")
    wid = cid * NS + sid

    zero16 = jnp.zeros((16,), jnp.float32)

    def _zero_row(r, _):
        for c in range(D // 16):
            zv[r, pl.ds(c * 16, 16)] = zero16
        return 0

    lax.fori_loop(0, RCH, _zero_row, 0)

    def _zero_zd(r, _):
        for c in range(D // 16):
            zd[r, pl.ds(c * 16, 16)] = zero16
        return 0

    lax.fori_loop(0, DZC, _zero_zd, 0)

    def _zero_dbuf(r, _):
        for c in range(D // 16):
            d_buf[r, pl.ds(c * 16, 16)] = zero16
        return 0

    lax.fori_loop(0, EB, _zero_dbuf, 0)

    for j in range(NCH):
        base = sid * RPT + j * RCH
        pltpu.sync_copy(zv, acc_v.at[pl.ds(base, RCH)])
    @pl.when(sid < DNT)
    def _zero_accd():
        for j in range(DRT // DZC):
            pltpu.sync_copy(zd, acc_d.at[pl.ds(sid * DRT + j * DZC, DZC)])

    plsc.subcore_barrier()

    def _block(i, _):
        ebase = wid * EPW + i * EB
        ci = pltpu.async_copy(src_hbm.at[pl.ds(ebase, EB)], src_buf, sem)
        ci2 = pltpu.async_copy(dst_hbm.at[pl.ds(ebase, EB)], dst_buf, sem2)
        ci.wait()
        ci2.wait()
        cg = pltpu.async_copy(kv_hbm.at[src_buf], kv_buf, sem)
        cg2 = pltpu.async_copy(q_hbm.at[dst_buf], q_buf, sem2)
        cg.wait()
        cg2.wait()

        lanes = lax.iota(jnp.int32, 16)

        def _group(g, _):
            rows = lanes + g * 16
            dstv = plsc.load_gather(dst_buf, [rows])
            plsc.store_scatter(dstq_buf, [rows],
                               lax.shift_right_logical(dstv, 5))
            dcol0 = lax.shift_left(lax.bitwise_and(dstv, 31), 2)

            @plsc.parallel_loop(0, 16, 1, unroll=8)
            def _p1(el):
                e = g * 16 + el
                for h in range(H):
                    c = h * DH
                    m = (kv_buf[e, pl.ds(c, 16)] * q_buf[e, pl.ds(c, 16)]
                         + kv_buf[e, pl.ds(c + 16, 16)]
                         * q_buf[e, pl.ds(c + 16, 16)])
                    plsc.store_scatter(
                        flat_buf, [lanes + (16 * h + el) * 17], m)

            P = []
            for h in range(H):
                s = jnp.zeros((16,), jnp.float32)
                for c in range(16):
                    s = s + plsc.load_gather(
                        flat_buf, [lanes * 17 + (17 * 16 * h + c)])
                P.append(jnp.exp(s))
                plsc.store_scatter(d_buf, [rows, dcol0 + h], P[h])

            @plsc.parallel_loop(0, 16, 1, unroll=8)
            def _p3(el):
                e = g * 16 + el
                idx = jnp.full((16,), el, jnp.int32)
                for h in range(H):
                    pb = jnp.take_along_axis(P[h], idx, axis=0)
                    c = h * DH
                    q_buf[e, pl.ds(c, 16)] = (
                        kv_buf[e, pl.ds(D + c, 16)] * pb)
                    q_buf[e, pl.ds(c + 16, 16)] = (
                        kv_buf[e, pl.ds(D + c + 16, 16)] * pb)

            return 0

        lax.fori_loop(0, EB // 16, _group, 0)
        cs = pltpu.async_copy(q_buf, acc_v.at[dst_buf], sem, add=True)
        cs2 = pltpu.async_copy(d_buf, acc_d.at[dstq_buf], sem2, add=True)
        cs.wait()
        cs2.wait()

        def _clean(g, _):
            rows = lax.iota(jnp.int32, 16) + g * 16
            dstv = plsc.load_gather(dst_buf, [rows])
            dcol0 = lax.shift_left(lax.bitwise_and(dstv, 31), 2)
            for h in range(H):
                plsc.store_scatter(d_buf, [rows, dcol0 + h], zero16)
            return 0

        lax.fori_loop(0, EB // 16, _clean, 0)
        return 0

    lax.fori_loop(0, NBLK, _block, 0)
    plsc.subcore_barrier()

    for j in range(NCH):
        base = sid * RPT + j * RCH
        pltpu.sync_copy(acc_v.at[pl.ds(base, RCH)], zv)
        pltpu.sync_copy(zv, out_hbm.at[cid, pl.ds(base, RCH)])
    @pl.when(sid < DNT)
    def _copyout_accd():
        for j in range(DRT // DZC):
            base = sid * DRT + j * DZC
            pltpu.sync_copy(acc_d.at[pl.ds(base, DZC)], zd)
            pltpu.sync_copy(zd, out_hbm.at[cid, pl.ds(NP8 + base, DZC)])


def _out_body(av_ref, ad_ref, s_ref, w_ref, b_ref, o_ref):
    sum_v = av_ref[0] + av_ref[1]
    sum_d = ad_ref[0] + ad_ref[1]
    drep = jnp.dot(sum_d, s_ref[...], preferred_element_type=jnp.float32)
    pos = drep > 0.0
    safe = jnp.where(pos, sum_v, 0.0) / jnp.where(pos, drep, 1.0)
    o_ref[...] = (
        jnp.dot(safe, w_ref[...], preferred_element_type=jnp.float32)
        + b_ref[...]
    )


def _out_proj(av, ad, s_mat, wout_t, bout2d):
    bn = 1000
    return pl.pallas_call(
        _out_body,
        grid=(N // bn,),
        in_specs=[
            pl.BlockSpec((NC, bn, D), lambda i: (0, i, 0)),
            pl.BlockSpec((NC, bn, H), lambda i: (0, i, 0)),
            pl.BlockSpec((H, D), lambda i: (0, 0)),
            pl.BlockSpec((D, D), lambda i: (0, 0)),
            pl.BlockSpec((1, D), lambda i: (0, 0)),
        ],
        out_specs=pl.BlockSpec((bn, D), lambda i: (i, 0)),
        out_shape=jax.ShapeDtypeStruct((N, D), jnp.float32),
    )(av, ad, s_mat, wout_t, bout2d)


_QPERM = np.concatenate([np.arange(h * 3 * DH, h * 3 * DH + DH)
                         for h in range(H)])
_KPERM = _QPERM + DH
_VPERM = _QPERM + 2 * DH

_SMAT = np.zeros((H, D), np.float32)
for _h in range(H):
    _SMAT[_h, _h * DH:(_h + 1) * DH] = 1.0


def kernel(x, edge_index, Wqkv, bqkv, Wout, bout):
    coef = np.float32(1.0 / np.sqrt(DH))
    w1 = jnp.concatenate(
        [Wqkv[_QPERM], coef * Wqkv[_KPERM], Wqkv[_VPERM]], axis=0)
    b1 = jnp.concatenate(
        [bqkv[_QPERM], coef * bqkv[_KPERM], bqkv[_VPERM]])
    q, kv = _proj(x, w1.T, b1[None, :])
    src = edge_index[0]
    dst = edge_index[1]
    fused = _edge_kernel()(kv, q, src, dst)
    av = fused[:, :N, :]
    ad = fused[:, NP8:, :].reshape(NC, NP8, H)[:, :N, :]
    return _out_proj(av, ad, jnp.asarray(_SMAT), Wout.T, bout[None, :])

# --- scband reference (transcript-rebuilt; emitter-appended) ---
"""Pipeline reference for scband-transformer-attention-module-59390807769625 (READ-ONLY COPY).

The authoritative reference and input builder live on the scoring server;
editing this copy changes nothing except your own understanding.
"""

import jax, jax.numpy as jnp
import numpy as np

N = 10000
E = 320000
D = 128
H = 4
DH = D // H


def setup_inputs(seed: int = 0) -> dict:
    key = jax.random.key(seed)
    k1, k2, k3, k4 = jax.random.split(key, 4)
    x = jax.random.normal(k1, (N, D), dtype=jnp.float32)
    edge_index = jax.random.randint(k2, (2, E), 0, N, dtype=jnp.int32)
    Wqkv = jax.random.normal(k3, (3 * D, D), dtype=jnp.float32) * 0.05
    bqkv = jnp.zeros((3 * D,), dtype=jnp.float32)
    Wout = jax.random.normal(k4, (D, D), dtype=jnp.float32) * 0.05
    bout = jnp.zeros((D,), dtype=jnp.float32)
    return {"x": x, "edge_index": edge_index, "Wqkv": Wqkv, "bqkv": bqkv, "Wout": Wout, "bout": bout}


def reference(x, edge_index, Wqkv, bqkv, Wout, bout):
    coef = 1.0 / np.sqrt(DH).astype(np.float32)
    qkv = x @ Wqkv.T + bqkv
    qkv = qkv.reshape(-1, H, 3 * DH)
    q, k, v = jnp.split(qkv, 3, axis=-1)  # each [N, H, DH]
    src = edge_index[0]
    dst = edge_index[1]
    # ops.u_dot_v(graph, k, q): per-edge dot of k[src] and q[dst], per head -> [E, H, 1]
    attn_scores = jnp.sum(k[src] * q[dst], axis=-1, keepdims=True) * coef
    # ops.edge_softmax(graph, attn_scores): softmax over incoming edges of each dst node
    smax = jax.ops.segment_max(attn_scores, dst, num_segments=N)
    sexp = jnp.exp(attn_scores - smax[dst])
    ssum = jax.ops.segment_sum(sexp, dst, num_segments=N)
    attn_probs = sexp / ssum[dst]
    # ops.u_mul_e_sum(graph, v, attn_probs): aggregate v[src] * prob into dst
    out = jax.ops.segment_sum(v[src] * attn_probs, dst, num_segments=N)
    out = out.reshape(-1, D)
    out = out @ Wout.T + bout
    # dropout p=0.0 is identity
    return out

if __name__ == "__main__":
    import jax
    _d = setup_inputs()
    print(jax.jit(kernel)(*tuple(_d.values())))

</pallas_src>

<mosaic_0001>
#map = affine_map<(d0, d1) -> (0, 0)>
#map1 = affine_map<(d0, d1) -> (0)>
#map2 = affine_map<(d0, d1) -> (0, 0, 0)>
module attributes {stable_mosaic.version = 14 : i64} {
  func.func @_edge_body(%arg0: i32, %arg1: i32, %arg2: memref<10000x256xf32, #tpu.memory_space<hbm>>, %arg3: memref<10000x128xf32, #tpu.memory_space<hbm>>, %arg4: memref<320000xi32, #tpu.memory_space<hbm>>, %arg5: memref<320000xi32, #tpu.memory_space<hbm>>, %arg6: memref<2x10560x128xf32, #tpu.memory_space<hbm>>, %arg7: memref<80x256xf32, #tpu.memory_space<vmem>>, %arg8: memref<80x128xf32, #tpu.memory_space<vmem>>, %arg9: memref<80x128xf32, #tpu.memory_space<vmem>>, %arg10: memref<80xi32, #tpu.memory_space<vmem>>, %arg11: memref<80xi32, #tpu.memory_space<vmem>>, %arg12: memref<80xi32, #tpu.memory_space<vmem>>, %arg13: memref<1088xf32, #tpu.memory_space<vmem>>, %arg14: memref<16x128xf32, #tpu.memory_space<vmem>>, %arg15: memref<8x128xf32, #tpu.memory_space<vmem>>, %arg16: memref<10240x128xf32, #tpu.memory_space<vmem_shared>>, %arg17: memref<320x128xf32, #tpu.memory_space<vmem_shared>>, %arg18: memref<!tpu.dma_semaphore, #tpu.memory_space<semaphore_mem>>, %arg19: memref<!tpu.dma_semaphore, #tpu.memory_space<semaphore_mem>>) attributes {dimension_semantics = [#tpu.dimension_semantics<core_parallel>, #tpu.dimension_semantics<subcore_parallel>], iteration_bounds = array<i64: 2, 16>, scalar_prefetch = 0 : i64, scratch_operands = 13 : i64, tpu.core_type = #tpu.core_type<sc_vector_subcore>, window_params = [{transform_indices = #map}, {transform_indices = #map}, {transform_indices = #map1}, {transform_indices = #map1}, {transform_indices = #map2}]} {
    %mul3A = arith.constant 16 : i32
    %mul3A_0 = arith.muli %arg0, %mul3A : i32
    %add3A = arith.addi %mul3A_0, %arg1 : i32
    %broadcast_in_dim3A = arith.constant 0.000000e+00 : f32
    %broadcast_in_dim3A_1 = vector.broadcast %broadcast_in_dim3A : f32 to vector<16xf32>
    %scan3A = arith.constant 0 : i32
    %scan3A_2 = arith.constant 0 : i32
    %scan3A_3 = arith.constant 16 : i32
    %scan3A_4 = arith.addi %scan3A_2, %scan3A_3 : i32
    %scan3A_5 = arith.constant 1 : i32
    %scan3A_6 = scf.for %scan3A_357 = %scan3A_2 to %scan3A_4 step %scan3A_5 iter_args(%scan3A_358 = %scan3A) -> (i32)  : i32 {
      %swap3A = arith.index_cast %scan3A_357 : i32 to index
      %swap3A_359 = arith.constant 0 : index
      %swap3A_360 = tpu.vector_load %arg14[%swap3A, %swap3A_359] {strides = array<i32>} : memref<16x128xf32, #tpu.memory_space<vmem>>, vector<16xf32>,
      tpu.vector_store %arg14[%swap3A, %swap3A_359], %broadcast_in_dim3A_1 {strides = array<i32>} : memref<16x128xf32, #tpu.memory_space<vmem>>, vector<16xf32>,
      %swap3A_361 = arith.index_cast %scan3A_357 : i32 to index
      %swap3A_362 = arith.constant 16 : index
      %swap3A_363 = tpu.vector_load %arg14[%swap3A_361, %swap3A_362] {strides = array<i32>} : memref<16x128xf32, #tpu.memory_space<vmem>>, vector<16xf32>,
      tpu.vector_store %arg14[%swap3A_361, %swap3A_362], %broadcast_in_dim3A_1 {strides = array<i32>} : memref<16x128xf32, #tpu.memory_space<vmem>>, vector<16xf32>,
      %swap3A_364 = arith.index_cast %scan3A_357 : i32 to index
      %swap3A_365 = arith.constant 32 : index
      %swap3A_366 = tpu.vector_load %arg14[%swap3A_364, %swap3A_365] {strides = array<i32>} : memref<16x128xf32, #tpu.memory_space<vmem>>, vector<16xf32>,
      tpu.vector_store %arg14[%swap3A_364, %swap3A_365], %broadcast_in_dim3A_1 {strides = array<i32>} : memref<16x128xf32, #tpu.memory_space<vmem>>, vector<16xf32>,
      %swap3A_367 = arith.index_cast %scan3A_357 : i32 to index
      %swap3A_368 = arith.constant 48 : index
      %swap3A_369 = tpu.vector_load %arg14[%swap3A_367, %swap3A_368] {strides = array<i32>} : memref<16x128xf32, #tpu.memory_space<vmem>>, vector<16xf32>,
      tpu.vector_store %arg14[%swap3A_367, %swap3A_368], %broadcast_in_dim3A_1 {strides = array<i32>} : memref<16x128xf32, #tpu.memory_space<vmem>>, vector<16xf32>,
      %swap3A_370 = arith.index_cast %scan3A_357 : i32 to index
      %swap3A_371 = arith.constant 64 : index
      %swap3A_372 = tpu.vector_load %arg14[%swap3A_370, %swap3A_371] {strides = array<i32>} : memref<16x128xf32, #tpu.memory_space<vmem>>, vector<16xf32>,
      tpu.vector_store %arg14[%swap3A_370, %swap3A_371], %broadcast_in_dim3A_1 {strides = array<i32>} : memref<16x128xf32, #tpu.memory_space<vmem>>, vector<16xf32>,
      %swap3A_373 = arith.index_cast %scan3A_357 : i32 to index
      %swap3A_374 = arith.constant 80 : index
      %swap3A_375 = tpu.vector_load %arg14[%swap3A_373, %swap3A_374] {strides = array<i32>} : memref<16x128xf32, #tpu.memory_space<vmem>>, vector<16xf32>,
      tpu.vector_store %arg14[%swap3A_373, %swap3A_374], %broadcast_in_dim3A_1 {strides = array<i32>} : memref<16x128xf32, #tpu.memory_space<vmem>>, vector<16xf32>,
      %swap3A_376 = arith.index_cast %scan3A_357 : i32 to index
      %swap3A_377 = arith.constant 96 : index
      %swap3A_378 = tpu.vector_load %arg14[%swap3A_376, %swap3A_377] {strides = array<i32>} : memref<16x128xf32, #tpu.memory_space<vmem>>, vector<16xf32>,
      tpu.vector_store %arg14[%swap3A_376, %swap3A_377], %broadcast_in_dim3A_1 {strides = array<i32>} : memref<16x128xf32, #tpu.memory_space<vmem>>, vector<16xf32>,
      %swap3A_379 = arith.index_cast %scan3A_357 : i32 to index
      %swap3A_380 = arith.constant 112 : index
      %swap3A_381 = tpu.vector_load %arg14[%swap3A_379, %swap3A_380] {strides = array<i32>} : memref<16x128xf32, #tpu.memory_space<vmem>>, vector<16xf32>,
      tpu.vector_store %arg14[%swap3A_379, %swap3A_380], %broadcast_in_dim3A_1 {strides = array<i32>} : memref<16x128xf32, #tpu.memory_space<vmem>>, vector<16xf32>,
      %scan3A_382 = arith.constant 0 : i32
      scf.yield %scan3A_382 : i32
    }
    %scan3A_7 = arith.constant 16 : i32
    %scan3A_8 = arith.constant 0 : i32
    %scan3A_9 = arith.constant 0 : i32
    %scan3A_10 = arith.constant 8 : i32
    %scan3A_11 = arith.addi %scan3A_9, %scan3A_10 : i32
    %scan3A_12 = arith.constant 1 : i32
    %scan3A_13 = scf.for %scan3A_357 = %scan3A_9 to %scan3A_11 step %scan3A_12 iter_args(%scan3A_358 = %scan3A_8) -> (i32)  : i32 {
      %swap3A = arith.index_cast %scan3A_357 : i32 to index
      %swap3A_359 = arith.constant 0 : index
      %swap3A_360 = tpu.vector_load %arg15[%swap3A, %swap3A_359] {strides = array<i32>} : memref<8x128xf32, #tpu.memory_space<vmem>>, vector<16xf32>,
      tpu.vector_store %arg15[%swap3A, %swap3A_359], %broadcast_in_dim3A_1 {strides = array<i32>} : memref<8x128xf32, #tpu.memory_space<vmem>>, vector<16xf32>,
      %swap3A_361 = arith.index_cast %scan3A_357 : i32 to index
      %swap3A_362 = arith.constant 16 : index
      %swap3A_363 = tpu.vector_load %arg15[%swap3A_361, %swap3A_362] {strides = array<i32>} : memref<8x128xf32, #tpu.memory_space<vmem>>, vector<16xf32>,
      tpu.vector_store %arg15[%swap3A_361, %swap3A_362], %broadcast_in_dim3A_1 {strides = array<i32>} : memref<8x128xf32, #tpu.memory_space<vmem>>, vector<16xf32>,
      %swap3A_364 = arith.index_cast %scan3A_357 : i32 to index
      %swap3A_365 = arith.constant 32 : index
      %swap3A_366 = tpu.vector_load %arg15[%swap3A_364, %swap3A_365] {strides = array<i32>} : memref<8x128xf32, #tpu.memory_space<vmem>>, vector<16xf32>,
      tpu.vector_store %arg15[%swap3A_364, %swap3A_365], %broadcast_in_dim3A_1 {strides = array<i32>} : memref<8x128xf32, #tpu.memory_space<vmem>>, vector<16xf32>,
      %swap3A_367 = arith.index_cast %scan3A_357 : i32 to index
      %swap3A_368 = arith.constant 48 : index
      %swap3A_369 = tpu.vector_load %arg15[%swap3A_367, %swap3A_368] {strides = array<i32>} : memref<8x128xf32, #tpu.memory_space<vmem>>, vector<16xf32>,
      tpu.vector_store %arg15[%swap3A_367, %swap3A_368], %broadcast_in_dim3A_1 {strides = array<i32>} : memref<8x128xf32, #tpu.memory_space<vmem>>, vector<16xf32>,
      %swap3A_370 = arith.index_cast %scan3A_357 : i32 to index
      %swap3A_371 = arith.constant 64 : index
      %swap3A_372 = tpu.vector_load %arg15[%swap3A_370, %swap3A_371] {strides = array<i32>} : memref<8x128xf32, #tpu.memory_space<vmem>>, vector<16xf32>,
      tpu.vector_store %arg15[%swap3A_370, %swap3A_371], %broadcast_in_dim3A_1 {strides = array<i32>} : memref<8x128xf32, #tpu.memory_space<vmem>>, vector<16xf32>,
      %swap3A_373 = arith.index_cast %scan3A_357 : i32 to index
      %swap3A_374 = arith.constant 80 : index
      %swap3A_375 = tpu.vector_load %arg15[%swap3A_373, %swap3A_374] {strides = array<i32>} : memref<8x128xf32, #tpu.memory_space<vmem>>, vector<16xf32>,
      tpu.vector_store %arg15[%swap3A_373, %swap3A_374], %broadcast_in_dim3A_1 {strides = array<i32>} : memref<8x128xf32, #tpu.memory_space<vmem>>, vector<16xf32>,
      %swap3A_376 = arith.index_cast %scan3A_357 : i32 to index
      %swap3A_377 = arith.constant 96 : index
      %swap3A_378 = tpu.vector_load %arg15[%swap3A_376, %swap3A_377] {strides = array<i32>} : memref<8x128xf32, #tpu.memory_space<vmem>>, vector<16xf32>,
      tpu.vector_store %arg15[%swap3A_376, %swap3A_377], %broadcast_in_dim3A_1 {strides = array<i32>} : memref<8x128xf32, #tpu.memory_space<vmem>>, vector<16xf32>,
      %swap3A_379 = arith.index_cast %scan3A_357 : i32 to index
      %swap3A_380 = arith.constant 112 : index
      %swap3A_381 = tpu.vector_load %arg15[%swap3A_379, %swap3A_380] {strides = array<i32>} : memref<8x128xf32, #tpu.memory_space<vmem>>, vector<16xf32>,
      tpu.vector_store %arg15[%swap3A_379, %swap3A_380], %broadcast_in_dim3A_1 {strides = array<i32>} : memref<8x128xf32, #tpu.memory_space<vmem>>, vector<16xf32>,
      %scan3A_382 = arith.constant 0 : i32
      scf.yield %scan3A_382 : i32
    }
    %scan3A_14 = arith.constant 8 : i32
    %scan3A_15 = arith.constant 0 : i32
    %scan3A_16 = arith.constant 0 : i32
    %scan3A_17 = arith.constant 80 : i32
    %scan3A_18 = arith.addi %scan3A_16, %scan3A_17 : i32
    %scan3A_19 = arith.constant 1 : i32
    %scan3A_20 = scf.for %scan3A_357 = %scan3A_16 to %scan3A_18 step %scan3A_19 iter_args(%scan3A_358 = %scan3A_15) -> (i32)  : i32 {
      %swap3A = arith.index_cast %scan3A_357 : i32 to index
      %swap3A_359 = arith.constant 0 : index
      %swap3A_360 = tpu.vector_load %arg9[%swap3A, %swap3A_359] {strides = array<i32>} : memref<80x128xf32, #tpu.memory_space<vmem>>, vector<16xf32>,
      tpu.vector_store %arg9[%swap3A, %swap3A_359], %broadcast_in_dim3A_1 {strides = array<i32>} : memref<80x128xf32, #tpu.memory_space<vmem>>, vector<16xf32>,
      %swap3A_361 = arith.index_cast %scan3A_357 : i32 to index
      %swap3A_362 = arith.constant 16 : index
      %swap3A_363 = tpu.vector_load %arg9[%swap3A_361, %swap3A_362] {strides = array<i32>} : memref<80x128xf32, #tpu.memory_space<vmem>>, vector<16xf32>,
      tpu.vector_store %arg9[%swap3A_361, %swap3A_362], %broadcast_in_dim3A_1 {strides = array<i32>} : memref<80x128xf32, #tpu.memory_space<vmem>>, vector<16xf32>,
      %swap3A_364 = arith.index_cast %scan3A_357 : i32 to index
      %swap3A_365 = arith.constant 32 : index
      %swap3A_366 = tpu.vector_load %arg9[%swap3A_364, %swap3A_365] {strides = array<i32>} : memref<80x128xf32, #tpu.memory_space<vmem>>, vector<16xf32>,
      tpu.vector_store %arg9[%swap3A_364, %swap3A_365], %broadcast_in_dim3A_1 {strides = array<i32>} : memref<80x128xf32, #tpu.memory_space<vmem>>, vector<16xf32>,
      %swap3A_367 = arith.index_cast %scan3A_357 : i32 to index
      %swap3A_368 = arith.constant 48 : index
      %swap3A_369 = tpu.vector_load %arg9[%swap3A_367, %swap3A_368] {strides = array<i32>} : memref<80x128xf32, #tpu.memory_space<vmem>>, vector<16xf32>,
      tpu.vector_store %arg9[%swap3A_367, %swap3A_368], %broadcast_in_dim3A_1 {strides = array<i32>} : memref<80x128xf32, #tpu.memory_space<vmem>>, vector<16xf32>,
      %swap3A_370 = arith.index_cast %scan3A_357 : i32 to index
      %swap3A_371 = arith.constant 64 : index
      %swap3A_372 = tpu.vector_load %arg9[%swap3A_370, %swap3A_371] {strides = array<i32>} : memref<80x128xf32, #tpu.memory_space<vmem>>, vector<16xf32>,
      tpu.vector_store %arg9[%swap3A_370, %swap3A_371], %broadcast_in_dim3A_1 {strides = array<i32>} : memref<80x128xf32, #tpu.memory_space<vmem>>, vector<16xf32>,
      %swap3A_373 = arith.index_cast %scan3A_357 : i32 to index
      %swap3A_374 = arith.constant 80 : index
      %swap3A_375 = tpu.vector_load %arg9[%swap3A_373, %swap3A_374] {strides = array<i32>} : memref<80x128xf32, #tpu.memory_space<vmem>>, vector<16xf32>,
      tpu.vector_store %arg9[%swap3A_373, %swap3A_374], %broadcast_in_dim3A_1 {strides = array<i32>} : memref<80x128xf32, #tpu.memory_space<vmem>>, vector<16xf32>,
      %swap3A_376 = arith.index_cast %scan3A_357 : i32 to index
      %swap3A_377 = arith.constant 96 : index
      %swap3A_378 = tpu.vector_load %arg9[%swap3A_376, %swap3A_377] {strides = array<i32>} : memref<80x128xf32, #tpu.memory_space<vmem>>, vector<16xf32>,
      tpu.vector_store %arg9[%swap3A_376, %swap3A_377], %broadcast_in_dim3A_1 {strides = array<i32>} : memref<80x128xf32, #tpu.memory_space<vmem>>, vector<16xf32>,
      %swap3A_379 = arith.index_cast %scan3A_357 : i32 to index
      %swap3A_380 = arith.constant 112 : index
      %swap3A_381 = tpu.vector_load %arg9[%swap3A_379, %swap3A_380] {strides = array<i32>} : memref<80x128xf32, #tpu.memory_space<vmem>>, vector<16xf32>,
      tpu.vector_store %arg9[%swap3A_379, %swap3A_380], %broadcast_in_dim3A_1 {strides = array<i32>} : memref<80x128xf32, #tpu.memory_space<vmem>>, vector<16xf32>,
      %scan3A_382 = arith.constant 0 : i32
      scf.yield %scan3A_382 : i32
    }
    %scan3A_21 = arith.constant 80 : i32
    %mul3A_22 = arith.constant 640 : i32
    %mul3A_23 = arith.muli %arg1, %mul3A_22 : i32
    %add3A_24 = arith.constant 0 : i32
    %add3A_25 = arith.addi %mul3A_23, %add3A_24 : i32
    "tpu.region"() ({
      %run_scoped3A = tpu.sem_alloc : memref<!tpu.dma_semaphore, #tpu.memory_space<semaphore_mem>>
      %dma_start3A = arith.constant 0 : i32
      %dma_start3A_357 = tpu.memref_slice %arg16[%add3A_25, %dma_start3A] : memref<10240x128xf32, #tpu.memory_space<vmem_shared>> -> memref<16x128xf32, #tpu.memory_space<vmem_shared>>
      %dma_start3A_358 = arith.constant 0 : i32
      %dma_start3A_359 = tpu.memref_slice %arg16[%add3A_25, %dma_start3A_358] : memref<10240x128xf32, #tpu.memory_space<vmem_shared>> -> memref<16x128xf32, #tpu.memory_space<vmem_shared>>
      tpu.enqueue_dma source(%arg14 : memref<16x128xf32, #tpu.memory_space<vmem>>) target(%dma_start3A_359 : memref<16x128xf32, #tpu.memory_space<vmem_shared>>) target_semaphore(%run_scoped3A : memref<!tpu.dma_semaphore, #tpu.memory_space<semaphore_mem>>)
      %dma_wait3A = arith.constant 0 : i32
      %dma_wait3A_360 = tpu.memref_slice %arg16[%add3A_25, %dma_wait3A] : memref<10240x128xf32, #tpu.memory_space<vmem_shared>> -> memref<16x128xf32, #tpu.memory_space<vmem_shared>>
      %dma_wait3A_361 = arith.constant 0 : i32
      %dma_wait3A_362 = tpu.memref_slice %arg16[%add3A_25, %dma_wait3A_361] : memref<10240x128xf32, #tpu.memory_space<vmem_shared>> -> memref<16x128xf32, #tpu.memory_space<vmem_shared>>
      tpu.wait_dma2 semaphore(%run_scoped3A : memref<!tpu.dma_semaphore, #tpu.memory_space<semaphore_mem>>) src(%arg14 : memref<16x128xf32, #tpu.memory_space<vmem>>) dst(%dma_wait3A_362 : memref<16x128xf32, #tpu.memory_space<vmem_shared>>)
      tpu.yield
    }) : () -> ()
    %mul3A_26 = arith.constant 640 : i32
    %mul3A_27 = arith.muli %arg1, %mul3A_26 : i32
    %add3A_28 = arith.constant 16 : i32
    %add3A_29 = arith.addi %mul3A_27, %add3A_28 : i32
    "tpu.region"() ({
      %run_scoped3A = tpu.sem_alloc : memref<!tpu.dma_semaphore, #tpu.memory_space<semaphore_mem>>
      %dma_start3A = arith.constant 0 : i32
      %dma_start3A_357 = tpu.memref_slice %arg16[%add3A_29, %dma_start3A] : memref<10240x128xf32, #tpu.memory_space<vmem_shared>> -> memref<16x128xf32, #tpu.memory_space<vmem_shared>>
      %dma_start3A_358 = arith.constant 0 : i32
      %dma_start3A_359 = tpu.memref_slice %arg16[%add3A_29, %dma_start3A_358] : memref<10240x128xf32, #tpu.memory_space<vmem_shared>> -> memref<16x128xf32, #tpu.memory_space<vmem_shared>>
      tpu.enqueue_dma source(%arg14 : memref<16x128xf32, #tpu.memory_space<vmem>>) target(%dma_start3A_359 : memref<16x128xf32, #tpu.memory_space<vmem_shared>>) target_semaphore(%run_scoped3A : memref<!tpu.dma_semaphore, #tpu.memory_space<semaphore_mem>>)
      %dma_wait3A = arith.constant 0 : i32
      %dma_wait3A_360 = tpu.memref_slice %arg16[%add3A_29, %dma_wait3A] : memref<10240x128xf32, #tpu.memory_space<vmem_shared>> -> memref<16x128xf32, #tpu.memory_space<vmem_shared>>
      %dma_wait3A_361 = arith.constant 0 : i32
      %dma_wait3A_362 = tpu.memref_slice %arg16[%add3A_29, %dma_wait3A_361] : memref<10240x128xf32, #tpu.memory_space<vmem_shared>> -> memref<16x128xf32, #tpu.memory_space<vmem_shared>>
      tpu.wait_dma2 semaphore(%run_scoped3A : memref<!tpu.dma_semaphore, #tpu.memory_space<semaphore_mem>>) src(%arg14 : memref<16x128xf32, #tpu.memory_space<vmem>>) dst(%dma_wait3A_362 : memref<16x128xf32, #tpu.memory_space<vmem_shared>>)
      tpu.yield
    }) : () -> ()
    %mul3A_30 = arith.constant 640 : i32
    %mul3A_31 = arith.muli %arg1, %mul3A_30 : i32
    %add3A_32 = arith.constant 32 : i32
    %add3A_33 = arith.addi %mul3A_31, %add3A_32 : i32
    "tpu.region"() ({
      %run_scoped3A = tpu.sem_alloc : memref<!tpu.dma_semaphore, #tpu.memory_space<semaphore_mem>>
      %dma_start3A = arith.constant 0 : i32
      %dma_start3A_357 = tpu.memref_slice %arg16[%add3A_33, %dma_start3A] : memref<10240x128xf32, #tpu.memory_space<vmem_shared>> -> memref<16x128xf32, #tpu.memory_space<vmem_shared>>
      %dma_start3A_358 = arith.constant 0 : i32
      %dma_start3A_359 = tpu.memref_slice %arg16[%add3A_33, %dma_start3A_358] : memref<10240x128xf32, #tpu.memory_space<vmem_shared>> -> memref<16x128xf32, #tpu.memory_space<vmem_shared>>
      tpu.enqueue_dma source(%arg14 : memref<16x128xf32, #tpu.memory_space<vmem>>) target(%dma_start3A_359 : memref<16x128xf32, #tpu.memory_space<vmem_shared>>) target_semaphore(%run_scoped3A : memref<!tpu.dma_semaphore, #tpu.memory_space<semaphore_mem>>)
      %dma_wait3A = arith.constant 0 : i32
      %dma_wait3A_360 = tpu.memref_slice %arg16[%add3A_33, %dma_wait3A] : memref<10240x128xf32, #tpu.memory_space<vmem_shared>> -> memref<16x128xf32, #tpu.memory_space<vmem_shared>>
      %dma_wait3A_361 = arith.constant 0 : i32
      %dma_wait3A_362 = tpu.memref_slice %arg16[%add3A_33, %dma_wait3A_361] : memref<10240x128xf32, #tpu.memory_space<vmem_shared>> -> memref<16x128xf32, #tpu.memory_space<vmem_shared>>
      tpu.wait_dma2 semaphore(%run_scoped3A : memref<!tpu.dma_semaphore, #tpu.memory_space<semaphore_mem>>) src(%arg14 : memref<16x128xf32, #tpu.memory_space<vmem>>) dst(%dma_wait3A_362 : memref<16x128xf32, #tpu.memory_space<vmem_shared>>)
      tpu.yield
    }) : () -> ()
    %mul3A_34 = arith.constant 640 : i32
    %mul3A_35 = arith.muli %arg1, %mul3A_34 : i32
    %add3A_36 = arith.constant 48 : i32
    %add3A_37 = arith.addi %mul3A_35, %add3A_36 : i32
    "tpu.region"() ({
      %run_scoped3A = tpu.sem_alloc : memref<!tpu.dma_semaphore, #tpu.memory_space<semaphore_mem>>
      %dma_start3A = arith.constant 0 : i32
      %dma_start3A_357 = tpu.memref_slice %arg16[%add3A_37, %dma_start3A] : memref<10240x128xf32, #tpu.memory_space<vmem_shared>> -> memref<16x128xf32, #tpu.memory_space<vmem_shared>>
      %dma_start3A_358 = arith.constant 0 : i32
      %dma_start3A_359 = tpu.memref_slice %arg16[%add3A_37, %dma_start3A_358] : memref<10240x128xf32, #tpu.memory_space<vmem_shared>> -> memref<16x128xf32, #tpu.memory_space<vmem_shared>>
      tpu.enqueue_dma source(%arg14 : memref<16x128xf32, #tpu.memory_space<vmem>>) target(%dma_start3A_359 : memref<16x128xf32, #tpu.memory_space<vmem_shared>>) target_semaphore(%run_scoped3A : memref<!tpu.dma_semaphore, #tpu.memory_space<semaphore_mem>>)
      %dma_wait3A = arith.constant 0 : i32
      %dma_wait3A_360 = tpu.memref_slice %arg16[%add3A_37, %dma_wait3A] : memref<10240x128xf32, #tpu.memory_space<vmem_shared>> -> memref<16x128xf32, #tpu.memory_space<vmem_shared>>
      %dma_wait3A_361 = arith.constant 0 : i32
      %dma_wait3A_362 = tpu.memref_slice %arg16[%add3A_37, %dma_wait3A_361] : memref<10240x128xf32, #tpu.memory_space<vmem_shared>> -> memref<16x128xf32, #tpu.memory_space<vmem_shared>>
      tpu.wait_dma2 semaphore(%run_scoped3A : memref<!tpu.dma_semaphore, #tpu.memory_space<semaphore_mem>>) src(%arg14 : memref<16x128xf32, #tpu.memory_space<vmem>>) dst(%dma_wait3A_362 : memref<16x128xf32, #tpu.memory_space<vmem_shared>>)
      tpu.yield
    }) : () -> ()
    %mul3A_38 = arith.constant 640 : i32
    %mul3A_39 = arith.muli %arg1, %mul3A_38 : i32
    %add3A_40 = arith.constant 64 : i32
    %add3A_41 = arith.addi %mul3A_39, %add3A_40 : i32
    "tpu.region"() ({
      %run_scoped3A = tpu.sem_alloc : memref<!tpu.dma_semaphore, #tpu.memory_space<semaphore_mem>>
      %dma_start3A = arith.constant 0 : i32
      %dma_start3A_357 = tpu.memref_slice %arg16[%add3A_41, %dma_start3A] : memref<10240x128xf32, #tpu.memory_space<vmem_shared>> -> memref<16x128xf32, #tpu.memory_space<vmem_shared>>
      %dma_start3A_358 = arith.constant 0 : i32
      %dma_start3A_359 = tpu.memref_slice %arg16[%add3A_41, %dma_start3A_358] : memref<10240x128xf32, #tpu.memory_space<vmem_shared>> -> memref<16x128xf32, #tpu.memory_space<vmem_shared>>
      tpu.enqueue_dma source(%arg14 : memref<16x128xf32, #tpu.memory_space<vmem>>) target(%dma_start3A_359 : memref<16x128xf32, #tpu.memory_space<vmem_shared>>) target_semaphore(%run_scoped3A : memref<!tpu.dma_semaphore, #tpu.memory_space<semaphore_mem>>)
      %dma_wait3A = arith.constant 0 : i32
      %dma_wait3A_360 = tpu.memref_slice %arg16[%add3A_41, %dma_wait3A] : memref<10240x128xf32, #tpu.memory_space<vmem_shared>> -> memref<16x128xf32, #tpu.memory_space<vmem_shared>>
      %dma_wait3A_361 = arith.constant 0 : i32
      %dma_wait3A_362 = tpu.memref_slice %arg16[%add3A_41, %dma_wait3A_361] : memref<10240x128xf32, #tpu.memory_space<vmem_shared>> -> memref<16x128xf32, #tpu.memory_space<vmem_shared>>
      tpu.wait_dma2 semaphore(%run_scoped3A : memref<!tpu.dma_semaphore, #tpu.memory_space<semaphore_mem>>) src(%arg14 : memref<16x128xf32, #tpu.memory_space<vmem>>) dst(%dma_wait3A_362 : memref<16x128xf32, #tpu.memory_space<vmem_shared>>)
      tpu.yield
    }) : () -> ()
    %mul3A_42 = arith.constant 640 : i32
    %mul3A_43 = arith.muli %arg1, %mul3A_42 : i32
    %add3A_44 = arith.constant 80 : i32
    %add3A_45 = arith.addi %mul3A_43, %add3A_44 : i32
    "tpu.region"() ({
      %run_scoped3A = tpu.sem_alloc : memref<!tpu.dma_semaphore, #tpu.memory_space<semaphore_mem>>
      %dma_start3A = arith.constant 0 : i32
      %dma_start3A_357 = tpu.memref_slice %arg16[%add3A_45, %dma_start3A] : memref<10240x128xf32, #tpu.memory_space<vmem_shared>> -> memref<16x128xf32, #tpu.memory_space<vmem_shared>>
      %dma_start3A_358 = arith.constant 0 : i32
      %dma_start3A_359 = tpu.memref_slice %arg16[%add3A_45, %dma_start3A_358] : memref<10240x128xf32, #tpu.memory_space<vmem_shared>> -> memref<16x128xf32, #tpu.memory_space<vmem_shared>>
      tpu.enqueue_dma source(%arg14 : memref<16x128xf32, #tpu.memory_space<vmem>>) target(%dma_start3A_359 : memref<16x128xf32, #tpu.memory_space<vmem_shared>>) target_semaphore(%run_scoped3A : memref<!tpu.dma_semaphore, #tpu.memory_space<semaphore_mem>>)
      %dma_wait3A = arith.constant 0 : i32
      %dma_wait3A_360 = tpu.memref_slice %arg16[%add3A_45, %dma_wait3A] : memref<10240x128xf32, #tpu.memory_space<vmem_shared>> -> memref<16x128xf32, #tpu.memory_space<vmem_shared>>
      %dma_wait3A_361 = arith.constant 0 : i32
      %dma_wait3A_362 = tpu.memref_slice %arg16[%add3A_45, %dma_wait3A_361] : memref<10240x128xf32, #tpu.memory_space<vmem_shared>> -> memref<16x128xf32, #tpu.memory_space<vmem_shared>>
      tpu.wait_dma2 semaphore(%run_scoped3A : memref<!tpu.dma_semaphore, #tpu.memory_space<semaphore_mem>>) src(%arg14 : memref<16x128xf32, #tpu.memory_space<vmem>>) dst(%dma_wait3A_362 : memref<16x128xf32, #tpu.memory_space<vmem_shared>>)
      tpu.yield
    }) : () -> ()
    %mul3A_46 = arith.constant 640 : i32
    %mul3A_47 = arith.muli %arg1, %mul3A_46 : i32
    %add3A_48 = arith.constant 96 : i32
    %add3A_49 = arith.addi %mul3A_47, %add3A_48 : i32
    "tpu.region"() ({
      %run_scoped3A = tpu.sem_alloc : memref<!tpu.dma_semaphore, #tpu.memory_space<semaphore_mem>>
      %dma_start3A = arith.constant 0 : i32
      %dma_start3A_357 = tpu.memref_slice %arg16[%add3A_49, %dma_start3A] : memref<10240x128xf32, #tpu.memory_space<vmem_shared>> -> memref<16x128xf32, #tpu.memory_space<vmem_shared>>
      %dma_start3A_358 = arith.constant 0 : i32
      %dma_start3A_359 = tpu.memref_slice %arg16[%add3A_49, %dma_start3A_358] : memref<10240x128xf32, #tpu.memory_space<vmem_shared>> -> memref<16x128xf32, #tpu.memory_space<vmem_shared>>
      tpu.enqueue_dma source(%arg14 : memref<16x128xf32, #tpu.memory_space<vmem>>) target(%dma_start3A_359 : memref<16x128xf32, #tpu.memory_space<vmem_shared>>) target_semaphore(%run_scoped3A : memref<!tpu.dma_semaphore, #tpu.memory_space<semaphore_mem>>)
      %dma_wait3A = arith.constant 0 : i32
      %dma_wait3A_360 = tpu.memref_slice %arg16[%add3A_49, %dma_wait3A] : memref<10240x128xf32, #tpu.memory_space<vmem_shared>> -> memref<16x128xf32, #tpu.memory_space<vmem_shared>>
      %dma_wait3A_361 = arith.constant 0 : i32
      %dma_wait3A_362 = tpu.memref_slice %arg16[%add3A_49, %dma_wait3A_361] : memref<10240x128xf32, #tpu.memory_space<vmem_shared>> -> memref<16x128xf32, #tpu.memory_space<vmem_shared>>
      tpu.wait_dma2 semaphore(%run_scoped3A : memref<!tpu.dma_semaphore, #tpu.memory_space<semaphore_mem>>) src(%arg14 : memref<16x128xf32, #tpu.memory_space<vmem>>) dst(%dma_wait3A_362 : memref<16x128xf32, #tpu.memory_space<vmem_shared>>)
      tpu.yield
    }) : () -> ()
    %mul3A_50 = arith.constant 640 : i32
    %mul3A_51 = arith.muli %arg1, %mul3A_50 : i32
    %add3A_52 = arith.constant 112 : i32
    %add3A_53 = arith.addi %mul3A_51, %add3A_52 : i32
    "tpu.region"() ({
      %run_scoped3A = tpu.sem_alloc : memref<!tpu.dma_semaphore, #tpu.memory_space<semaphore_mem>>
      %dma_start3A = arith.constant 0 : i32
      %dma_start3A_357 = tpu.memref_slice %arg16[%add3A_53, %dma_start3A] : memref<10240x128xf32, #tpu.memory_space<vmem_shared>> -> memref<16x128xf32, #tpu.memory_space<vmem_shared>>
      %dma_start3A_358 = arith.constant 0 : i32
      %dma_start3A_359 = tpu.memref_slice %arg16[%add3A_53, %dma_start3A_358] : memref<10240x128xf32, #tpu.memory_space<vmem_shared>> -> memref<16x128xf32, #tpu.memory_space<vmem_shared>>
      tpu.enqueue_dma source(%arg14 : memref<16x128xf32, #tpu.memory_space<vmem>>) target(%dma_start3A_359 : memref<16x128xf32, #tpu.memory_space<vmem_shared>>) target_semaphore(%run_scoped3A : memref<!tpu.dma_semaphore, #tpu.memory_space<semaphore_mem>>)
      %dma_wait3A = arith.constant 0 : i32
      %dma_wait3A_360 = tpu.memref_slice %arg16[%add3A_53, %dma_wait3A] : memref<10240x128xf32, #tpu.memory_space<vmem_shared>> -> memref<16x128xf32, #tpu.memory_space<vmem_shared>>
      %dma_wait3A_361 = arith.constant 0 : i32
      %dma_wait3A_362 = tpu.memref_slice %arg16[%add3A_53, %dma_wait3A_361] : memref<10240x128xf32, #tpu.memory_space<vmem_shared>> -> memref<16x128xf32, #tpu.memory_space<vmem_shared>>
      tpu.wait_dma2 semaphore(%run_scoped3A : memref<!tpu.dma_semaphore, #tpu.memory_space<semaphore_mem>>) src(%arg14 : memref<16x128xf32, #tpu.memory_space<vmem>>) dst(%dma_wait3A_362 : memref<16x128xf32, #tpu.memory_space<vmem_shared>>)
      tpu.yield
    }) : () -> ()
    %mul3A_54 = arith.constant 640 : i32
    %mul3A_55 = arith.muli %arg1, %mul3A_54 : i32
    %add3A_56 = arith.constant 128 : i32
    %add3A_57 = arith.addi %mul3A_55, %add3A_56 : i32
    "tpu.region"() ({
      %run_scoped3A = tpu.sem_alloc : memref<!tpu.dma_semaphore, #tpu.memory_space<semaphore_mem>>
      %dma_start3A = arith.constant 0 : i32
      %dma_start3A_357 = tpu.memref_slice %arg16[%add3A_57, %dma_start3A] : memref<10240x128xf32, #tpu.memory_space<vmem_shared>> -> memref<16x128xf32, #tpu.memory_space<vmem_shared>>
      %dma_start3A_358 = arith.constant 0 : i32
      %dma_start3A_359 = tpu.memref_slice %arg16[%add3A_57, %dma_start3A_358] : memref<10240x128xf32, #tpu.memory_space<vmem_shared>> -> memref<16x128xf32, #tpu.memory_space<vmem_shared>>
      tpu.enqueue_dma source(%arg14 : memref<16x128xf32, #tpu.memory_space<vmem>>) target(%dma_start3A_359 : memref<16x128xf32, #tpu.memory_space<vmem_shared>>) target_semaphore(%run_scoped3A : memref<!tpu.dma_semaphore, #tpu.memory_space<semaphore_mem>>)
      %dma_wait3A = arith.constant 0 : i32
      %dma_wait3A_360 = tpu.memref_slice %arg16[%add3A_57, %dma_wait3A] : memref<10240x128xf32, #tpu.memory_space<vmem_shared>> -> memref<16x128xf32, #tpu.memory_space<vmem_shared>>
      %dma_wait3A_361 = arith.constant 0 : i32
      %dma_wait3A_362 = tpu.memref_slice %arg16[%add3A_57, %dma_wait3A_361] : memref<10240x128xf32, #tpu.memory_space<vmem_shared>> -> memref<16x128xf32, #tpu.memory_space<vmem_shared>>
      tpu.wait_dma2 semaphore(%run_scoped3A : memref<!tpu.dma_semaphore, #tpu.memory_space<semaphore_mem>>) src(%arg14 : memref<16x128xf32, #tpu.memory_space<vmem>>) dst(%dma_wait3A_362 : memref<16x128xf32, #tpu.memory_space<vmem_shared>>)
      tpu.yield
    }) : () -> ()
    %mul3A_58 = arith.constant 640 : i32
    %mul3A_59 = arith.muli %arg1, %mul3A_58 : i32
    %add3A_60 = arith.constant 144 : i32
    %add3A_61 = arith.addi %mul3A_59, %add3A_60 : i32
    "tpu.region"() ({
      %run_scoped3A = tpu.sem_alloc : memref<!tpu.dma_semaphore, #tpu.memory_space<semaphore_mem>>
      %dma_start3A = arith.constant 0 : i32
      %dma_start3A_357 = tpu.memref_slice %arg16[%add3A_61, %dma_start3A] : memref<10240x128xf32, #tpu.memory_space<vmem_shared>> -> memref<16x128xf32, #tpu.memory_space<vmem_shared>>
      %dma_start3A_358 = arith.constant 0 : i32
      %dma_start3A_359 = tpu.memref_slice %arg16[%add3A_61, %dma_start3A_358] : memref<10240x128xf32, #tpu.memory_space<vmem_shared>> -> memref<16x128xf32, #tpu.memory_space<vmem_shared>>
      tpu.enqueue_dma source(%arg14 : memref<16x128xf32, #tpu.memory_space<vmem>>) target(%dma_start3A_359 : memref<16x128xf32, #tpu.memory_space<vmem_shared>>) target_semaphore(%run_scoped3A : memref<!tpu.dma_semaphore, #tpu.memory_space<semaphore_mem>>)
      %dma_wait3A = arith.constant 0 : i32
      %dma_wait3A_360 = tpu.memref_slice %arg16[%add3A_61, %dma_wait3A] : memref<10240x128xf32, #tpu.memory_space<vmem_shared>> -> memref<16x128xf32, #tpu.memory_space<vmem_shared>>
      %dma_wait3A_361 = arith.constant 0 : i32
      %dma_wait3A_362 = tpu.memref_slice %arg16[%add3A_61, %dma_wait3A_361] : memref<10240x128xf32, #tpu.memory_space<vmem_shared>> -> memref<16x128xf32, #tpu.memory_space<vmem_shared>>
      tpu.wait_dma2 semaphore(%run_scoped3A : memref<!tpu.dma_semaphore, #tpu.memory_space<semaphore_mem>>) src(%arg14 : memref<16x128xf32, #tpu.memory_space<vmem>>) dst(%dma_wait3A_362 : memref<16x128xf32, #tpu.memory_space<vmem_shared>>)
      tpu.yield
    }) : () -> ()
    %mul3A_62 = arith.constant 640 : i32
    %mul3A_63 = arith.muli %arg1, %mul3A_62 : i32
    %add3A_64 = arith.constant 160 : i32
    %add3A_65 = arith.addi %mul3A_63, %add3A_64 : i32
    "tpu.region"() ({
      %run_scoped3A = tpu.sem_alloc : memref<!tpu.dma_semaphore, #tpu.memory_space<semaphore_mem>>
      %dma_start3A = arith.constant 0 : i32
      %dma_start3A_357 = tpu.memref_slice %arg16[%add3A_65, %dma_start3A] : memref<10240x128xf32, #tpu.memory_space<vmem_shared>> -> memref<16x128xf32, #tpu.memory_space<vmem_shared>>
      %dma_start3A_358 = arith.constant 0 : i32
      %dma_start3A_359 = tpu.memref_slice %arg16[%add3A_65, %dma_start3A_358] : memref<10240x128xf32, #tpu.memory_space<vmem_shared>> -> memref<16x128xf32, #tpu.memory_space<vmem_shared>>
      tpu.enqueue_dma source(%arg14 : memref<16x128xf32, #tpu.memory_space<vmem>>) target(%dma_start3A_359 : memref<16x128xf32, #tpu.memory_space<vmem_shared>>) target_semaphore(%run_scoped3A : memref<!tpu.dma_semaphore, #tpu.memory_space<semaphore_mem>>)
      %dma_wait3A = arith.constant 0 : i32
      %dma_wait3A_360 = tpu.memref_slice %arg16[%add3A_65, %dma_wait3A] : memref<10240x128xf32, #tpu.memory_space<vmem_shared>> -> memref<16x128xf32, #tpu.memory_space<vmem_shared>>
      %dma_wait3A_361 = arith.constant 0 : i32
      %dma_wait3A_362 = tpu.memref_slice %arg16[%add3A_65, %dma_wait3A_361] : memref<10240x128xf32, #tpu.memory_space<vmem_shared>> -> memref<16x128xf32, #tpu.memory_space<vmem_shared>>
      tpu.wait_dma2 semaphore(%run_scoped3A : memref<!tpu.dma_semaphore, #tpu.memory_space<semaphore_mem>>) src(%arg14 : memref<16x128xf32, #tpu.memory_space<vmem>>) dst(%dma_wait3A_362 : memref<16x128xf32, #tpu.memory_space<vmem_shared>>)
      tpu.yield
    }) : () -> ()
    %mul3A_66 = arith.constant 640 : i32
    %mul3A_67 = arith.muli %arg1, %mul3A_66 : i32
    %add3A_68 = arith.constant 176 : i32
    %add3A_69 = arith.addi %mul3A_67, %add3A_68 : i32
    "tpu.region"() ({
      %run_scoped3A = tpu.sem_alloc : memref<!tpu.dma_semaphore, #tpu.memory_space<semaphore_mem>>
      %dma_start3A = arith.constant 0 : i32
      %dma_start3A_357 = tpu.memref_slice %arg16[%add3A_69, %dma_start3A] : memref<10240x128xf32, #tpu.memory_space<vmem_shared>> -> memref<16x128xf32, #tpu.memory_space<vmem_shared>>
      %dma_start3A_358 = arith.constant 0 : i32
      %dma_start3A_359 = tpu.memref_slice %arg16[%add3A_69, %dma_start3A_358] : memref<10240x128xf32, #tpu.memory_space<vmem_shared>> -> memref<16x128xf32, #tpu.memory_space<vmem_shared>>
      tpu.enqueue_dma source(%arg14 : memref<16x128xf32, #tpu.memory_space<vmem>>) target(%dma_start3A_359 : memref<16x128xf32, #tpu.memory_space<vmem_shared>>) target_semaphore(%run_scoped3A : memref<!tpu.dma_semaphore, #tpu.memory_space<semaphore_mem>>)
      %dma_wait3A = arith.constant 0 : i32
      %dma_wait3A_360 = tpu.memref_slice %arg16[%add3A_69, %dma_wait3A] : memref<10240x128xf32, #tpu.memory_space<vmem_shared>> -> memref<16x128xf32, #tpu.memory_space<vmem_shared>>
      %dma_wait3A_361 = arith.constant 0 : i32
      %dma_wait3A_362 = tpu.memref_slice %arg16[%add3A_69, %dma_wait3A_361] : memref<10240x128xf32, #tpu.memory_space<vmem_shared>> -> memref<16x128xf32, #tpu.memory_space<vmem_shared>>
      tpu.wait_dma2 semaphore(%run_scoped3A : memref<!tpu.dma_semaphore, #tpu.memory_space<semaphore_mem>>) src(%arg14 : memref<16x128xf32, #tpu.memory_space<vmem>>) dst(%dma_wait3A_362 : memref<16x128xf32, #tpu.memory_space<vmem_shared>>)
      tpu.yield
    }) : () -> ()
    %mul3A_70 = arith.constant 640 : i32
    %mul3A_71 = arith.muli %arg1, %mul3A_70 : i32
    %add3A_72 = arith.constant 192 : i32
    %add3A_73 = arith.addi %mul3A_71, %add3A_72 : i32
    "tpu.region"() ({
      %run_scoped3A = tpu.sem_alloc : memref<!tpu.dma_semaphore, #tpu.memory_space<semaphore_mem>>
      %dma_start3A = arith.constant 0 : i32
      %dma_start3A_357 = tpu.memref_slice %arg16[%add3A_73, %dma_start3A] : memref<10240x128xf32, #tpu.memory_space<vmem_shared>> -> memref<16x128xf32, #tpu.memory_space<vmem_shared>>
      %dma_start3A_358 = arith.constant 0 : i32
      %dma_start3A_359 = tpu.memref_slice %arg16[%add3A_73, %dma_start3A_358] : memref<10240x128xf32, #tpu.memory_space<vmem_shared>> -> memref<16x128xf32, #tpu.memory_space<vmem_shared>>
      tpu.enqueue_dma source(%arg14 : memref<16x128xf32, #tpu.memory_space<vmem>>) target(%dma_start3A_359 : memref<16x128xf32, #tpu.memory_space<vmem_shared>>) target_semaphore(%run_scoped3A : memref<!tpu.dma_semaphore, #tpu.memory_space<semaphore_mem>>)
      %dma_wait3A = arith.constant 0 : i32
      %dma_wait3A_360 = tpu.memref_slice %arg16[%add3A_73, %dma_wait3A] : memref<10240x128xf32, #tpu.memory_space<vmem_shared>> -> memref<16x128xf32, #tpu.memory_space<vmem_shared>>
      %dma_wait3A_361 = arith.constant 0 : i32
      %dma_wait3A_362 = tpu.memref_slice %arg16[%add3A_73, %dma_wait3A_361] : memref<10240x128xf32, #tpu.memory_space<vmem_shared>> -> memref<16x128xf32, #tpu.memory_space<vmem_shared>>
      tpu.wait_dma2 semaphore(%run_scoped3A : memref<!tpu.dma_semaphore, #tpu.memory_space<semaphore_mem>>) src(%arg14 : memref<16x128xf32, #tpu.memory_space<vmem>>) dst(%dma_wait3A_362 : memref<16x128xf32, #tpu.memory_space<vmem_shared>>)
      tpu.yield
    }) : () -> ()
    %mul3A_74 = arith.constant 640 : i32
    %mul3A_75 = arith.muli %arg1, %mul3A_74 : i32
    %add3A_76 = arith.constant 208 : i32
    %add3A_77 = arith.addi %mul3A_75, %add3A_76 : i32
    "tpu.region"() ({
      %run_scoped3A = tpu.sem_alloc : memref<!tpu.dma_semaphore, #tpu.memory_space<semaphore_mem>>
      %dma_start3A = arith.constant 0 : i32
      %dma_start3A_357 = tpu.memref_slice %arg16[%add3A_77, %dma_start3A] : memref<10240x128xf32, #tpu.memory_space<vmem_shared>> -> memref<16x128xf32, #tpu.memory_space<vmem_shared>>
      %dma_start3A_358 = arith.constant 0 : i32
      %dma_start3A_359 = tpu.memref_slice %arg16[%add3A_77, %dma_start3A_358] : memref<10240x128xf32, #tpu.memory_space<vmem_shared>> -> memref<16x128xf32, #tpu.memory_space<vmem_shared>>
      tpu.enqueue_dma source(%arg14 : memref<16x128xf32, #tpu.memory_space<vmem>>) target(%dma_start3A_359 : memref<16x128xf32, #tpu.memory_space<vmem_shared>>) target_semaphore(%run_scoped3A : memref<!tpu.dma_semaphore, #tpu.memory_space<semaphore_mem>>)
      %dma_wait3A = arith.constant 0 : i32
      %dma_wait3A_360 = tpu.memref_slice %arg16[%add3A_77, %dma_wait3A] : memref<10240x128xf32, #tpu.memory_space<vmem_shared>> -> memref<16x128xf32, #tpu.memory_space<vmem_shared>>
      %dma_wait3A_361 = arith.constant 0 : i32
      %dma_wait3A_362 = tpu.memref_slice %arg16[%add3A_77, %dma_wait3A_361] : memref<10240x128xf32, #tpu.memory_space<vmem_shared>> -> memref<16x128xf32, #tpu.memory_space<vmem_shared>>
      tpu.wait_dma2 semaphore(%run_scoped3A : memref<!tpu.dma_semaphore, #tpu.memory_space<semaphore_mem>>) src(%arg14 : memref<16x128xf32, #tpu.memory_space<vmem>>) dst(%dma_wait3A_362 : memref<16x128xf32, #tpu.memory_space<vmem_shared>>)
      tpu.yield
    }) : () -> ()
    %mul3A_78 = arith.constant 640 : i32
    %mul3A_79 = arith.muli %arg1, %mul3A_78 : i32
    %add3A_80 = arith.constant 224 : i32
    %add3A_81 = arith.addi %mul3A_79, %add3A_80 : i32
    "tpu.region"() ({
      %run_scoped3A = tpu.sem_alloc : memref<!tpu.dma_semaphore, #tpu.memory_space<semaphore_mem>>
      %dma_start3A = arith.constant 0 : i32
      %dma_start3A_357 = tpu.memref_slice %arg16[%add3A_81, %dma_start3A] : memref<10240x128xf32, #tpu.memory_space<vmem_shared>> -> memref<16x128xf32, #tpu.memory_space<vmem_shared>>
      %dma_start3A_358 = arith.constant 0 : i32
      %dma_start3A_359 = tpu.memref_slice %arg16[%add3A_81, %dma_start3A_358] : memref<10240x128xf32, #tpu.memory_space<vmem_shared>> -> memref<16x128xf32, #tpu.memory_space<vmem_shared>>
      tpu.enqueue_dma source(%arg14 : memref<16x128xf32, #tpu.memory_space<vmem>>) target(%dma_start3A_359 : memref<16x128xf32, #tpu.memory_space<vmem_shared>>) target_semaphore(%run_scoped3A : memref<!tpu.dma_semaphore, #tpu.memory_space<semaphore_mem>>)
      %dma_wait3A = arith.constant 0 : i32
      %dma_wait3A_360 = tpu.memref_slice %arg16[%add3A_81, %dma_wait3A] : memref<10240x128xf32, #tpu.memory_space<vmem_shared>> -> memref<16x128xf32, #tpu.memory_space<vmem_shared>>
      %dma_wait3A_361 = arith.constant 0 : i32
      %dma_wait3A_362 = tpu.memref_slice %arg16[%add3A_81, %dma_wait3A_361] : memref<10240x128xf32, #tpu.memory_space<vmem_shared>> -> memref<16x128xf32, #tpu.memory_space<vmem_shared>>
      tpu.wait_dma2 semaphore(%run_scoped3A : memref<!tpu.dma_semaphore, #tpu.memory_space<semaphore_mem>>) src(%arg14 : memref<16x128xf32, #tpu.memory_space<vmem>>) dst(%dma_wait3A_362 : memref<16x128xf32, #tpu.memory_space<vmem_shared>>)
      tpu.yield
    }) : () -> ()
    %mul3A_82 = arith.constant 640 : i32
    %mul3A_83 = arith.muli %arg1, %mul3A_82 : i32
    %add3A_84 = arith.constant 240 : i32
    %add3A_85 = arith.addi %mul3A_83, %add3A_84 : i32
    "tpu.region"() ({
      %run_scoped3A = tpu.sem_alloc : memref<!tpu.dma_semaphore, #tpu.memory_space<semaphore_mem>>
      %dma_start3A = arith.constant 0 : i32
      %dma_start3A_357 = tpu.memref_slice %arg16[%add3A_85, %dma_start3A] : memref<10240x128xf32, #tpu.memory_space<vmem_shared>> -> memref<16x128xf32, #tpu.memory_space<vmem_shared>>
      %dma_start3A_358 = arith.constant 0 : i32
      %dma_start3A_359 = tpu.memref_slice %arg16[%add3A_85, %dma_start3A_358] : memref<10240x128xf32, #tpu.memory_space<vmem_shared>> -> memref<16x128xf32, #tpu.memory_space<vmem_shared>>
      tpu.enqueue_dma source(%arg14 : memref<16x128xf32, #tpu.memory_space<vmem>>) target(%dma_start3A_359 : memref<16x128xf32, #tpu.memory_space<vmem_shared>>) target_semaphore(%run_scoped3A : memref<!tpu.dma_semaphore, #tpu.memory_space<semaphore_mem>>)
      %dma_wait3A = arith.constant 0 : i32
      %dma_wait3A_360 = tpu.memref_slice %arg16[%add3A_85, %dma_wait3A] : memref<10240x128xf32, #tpu.memory_space<vmem_shared>> -> memref<16x128xf32, #tpu.memory_space<vmem_shared>>
      %dma_wait3A_361 = arith.constant 0 : i32
      %dma_wait3A_362 = tpu.memref_slice %arg16[%add3A_85, %dma_wait3A_361] : memref<10240x128xf32, #tpu.memory_space<vmem_shared>> -> memref<16x128xf32, #tpu.memory_space<vmem_shared>>
      tpu.wait_dma2 semaphore(%run_scoped3A : memref<!tpu.dma_semaphore, #tpu.memory_space<semaphore_mem>>) src(%arg14 : memref<16x128xf32, #tpu.memory_space<vmem>>) dst(%dma_wait3A_362 : memref<16x128xf32, #tpu.memory_space<vmem_shared>>)
      tpu.yield
    }) : () -> ()
    %mul3A_86 = arith.constant 640 : i32
    %mul3A_87 = arith.muli %arg1, %mul3A_86 : i32
    %add3A_88 = arith.constant 256 : i32
    %add3A_89 = arith.addi %mul3A_87, %add3A_88 : i32
    "tpu.region"() ({
      %run_scoped3A = tpu.sem_alloc : memref<!tpu.dma_semaphore, #tpu.memory_space<semaphore_mem>>
      %dma_start3A = arith.constant 0 : i32
      %dma_start3A_357 = tpu.memref_slice %arg16[%add3A_89, %dma_start3A] : memref<10240x128xf32, #tpu.memory_space<vmem_shared>> -> memref<16x128xf32, #tpu.memory_space<vmem_shared>>
      %dma_start3A_358 = arith.constant 0 : i32
      %dma_start3A_359 = tpu.memref_slice %arg16[%add3A_89, %dma_start3A_358] : memref<10240x128xf32, #tpu.memory_space<vmem_shared>> -> memref<16x128xf32, #tpu.memory_space<vmem_shared>>
      tpu.enqueue_dma source(%arg14 : memref<16x128xf32, #tpu.memory_space<vmem>>) target(%dma_start3A_359 : memref<16x128xf32, #tpu.memory_space<vmem_shared>>) target_semaphore(%run_scoped3A : memref<!tpu.dma_semaphore, #tpu.memory_space<semaphore_mem>>)
      %dma_wait3A = arith.constant 0 : i32
      %dma_wait3A_360 = tpu.memref_slice %arg16[%add3A_89, %dma_wait3A] : memref<10240x128xf32, #tpu.memory_space<vmem_shared>> -> memref<16x128xf32, #tpu.memory_space<vmem_shared>>
      %dma_wait3A_361 = arith.constant 0 : i32
      %dma_wait3A_362 = tpu.memref_slice %arg16[%add3A_89, %dma_wait3A_361] : memref<10240x128xf32, #tpu.memory_space<vmem_shared>> -> memref<16x128xf32, #tpu.memory_space<vmem_shared>>
      tpu.wait_dma2 semaphore(%run_scoped3A : memref<!tpu.dma_semaphore, #tpu.memory_space<semaphore_mem>>) src(%arg14 : memref<16x128xf32, #tpu.memory_space<vmem>>) dst(%dma_wait3A_362 : memref<16x128xf32, #tpu.memory_space<vmem_shared>>)
      tpu.yield
    }) : () -> ()
    %mul3A_90 = arith.constant 640 : i32
    %mul3A_91 = arith.muli %arg1, %mul3A_90 : i32
    %add3A_92 = arith.constant 272 : i32
    %add3A_93 = arith.addi %mul3A_91, %add3A_92 : i32
    "tpu.region"() ({
      %run_scoped3A = tpu.sem_alloc : memref<!tpu.dma_semaphore, #tpu.memory_space<semaphore_mem>>
      %dma_start3A = arith.constant 0 : i32
      %dma_start3A_357 = tpu.memref_slice %arg16[%add3A_93, %dma_start3A] : memref<10240x128xf32, #tpu.memory_space<vmem_shared>> -> memref<16x128xf32, #tpu.memory_space<vmem_shared>>
      %dma_start3A_358 = arith.constant 0 : i32
      %dma_start3A_359 = tpu.memref_slice %arg16[%add3A_93, %dma_start3A_358] : memref<10240x128xf32, #tpu.memory_space<vmem_shared>> -> memref<16x128xf32, #tpu.memory_space<vmem_shared>>
      tpu.enqueue_dma source(%arg14 : memref<16x128xf32, #tpu.memory_space<vmem>>) target(%dma_start3A_359 : memref<16x128xf32, #tpu.memory_space<vmem_shared>>) target_semaphore(%run_scoped3A : memref<!tpu.dma_semaphore, #tpu.memory_space<semaphore_mem>>)
      %dma_wait3A = arith.constant 0 : i32
      %dma_wait3A_360 = tpu.memref_slice %arg16[%add3A_93, %dma_wait3A] : memref<10240x128xf32, #tpu.memory_space<vmem_shared>> -> memref<16x128xf32, #tpu.memory_space<vmem_shared>>
      %dma_wait3A_361 = arith.constant 0 : i32
      %dma_wait3A_362 = tpu.memref_slice %arg16[%add3A_93, %dma_wait3A_361] : memref<10240x128xf32, #tpu.memory_space<vmem_shared>> -> memref<16x128xf32, #tpu.memory_space<vmem_shared>>
      tpu.wait_dma2 semaphore(%run_scoped3A : memref<!tpu.dma_semaphore, #tpu.memory_space<semaphore_mem>>) src(%arg14 : memref<16x128xf32, #tpu.memory_space<vmem>>) dst(%dma_wait3A_362 : memref<16x128xf32, #tpu.memory_space<vmem_shared>>)
      tpu.yield
    }) : () -> ()
    %mul3A_94 = arith.constant 640 : i32
    %mul3A_95 = arith.muli %arg1, %mul3A_94 : i32
    %add3A_96 = arith.constant 288 : i32
    %add3A_97 = arith.addi %mul3A_95, %add3A_96 : i32
    "tpu.region"() ({
      %run_scoped3A = tpu.sem_alloc : memref<!tpu.dma_semaphore, #tpu.memory_space<semaphore_mem>>
      %dma_start3A = arith.constant 0 : i32
      %dma_start3A_357 = tpu.memref_slice %arg16[%add3A_97, %dma_start3A] : memref<10240x128xf32, #tpu.memory_space<vmem_shared>> -> memref<16x128xf32, #tpu.memory_space<vmem_shared>>
      %dma_start3A_358 = arith.constant 0 : i32
      %dma_start3A_359 = tpu.memref_slice %arg16[%add3A_97, %dma_start3A_358] : memref<10240x128xf32, #tpu.memory_space<vmem_shared>> -> memref<16x128xf32, #tpu.memory_space<vmem_shared>>
      tpu.enqueue_dma source(%arg14 : memref<16x128xf32, #tpu.memory_space<vmem>>) target(%dma_start3A_359 : memref<16x128xf32, #tpu.memory_space<vmem_shared>>) target_semaphore(%run_scoped3A : memref<!tpu.dma_semaphore, #tpu.memory_space<semaphore_mem>>)
      %dma_wait3A = arith.constant 0 : i32
      %dma_wait3A_360 = tpu.memref_slice %arg16[%add3A_97, %dma_wait3A] : memref<10240x128xf32, #tpu.memory_space<vmem_shared>> -> memref<16x128xf32, #tpu.memory_space<vmem_shared>>
      %dma_wait3A_361 = arith.constant 0 : i32
      %dma_wait3A_362 = tpu.memref_slice %arg16[%add3A_97, %dma_wait3A_361] : memref<10240x128xf32, #tpu.memory_space<vmem_shared>> -> memref<16x128xf32, #tpu.memory_space<vmem_shared>>
      tpu.wait_dma2 semaphore(%run_scoped3A : memref<!tpu.dma_semaphore, #tpu.memory_space<semaphore_mem>>) src(%arg14 : memref<16x128xf32, #tpu.memory_space<vmem>>) dst(%dma_wait3A_362 : memref<16x128xf32, #tpu.memory_space<vmem_shared>>)
      tpu.yield
    }) : () -> ()
    %mul3A_98 = arith.constant 640 : i32
    %mul3A_99 = arith.muli %arg1, %mul3A_98 : i32
    %add3A_100 = arith.constant 304 : i32
    %add3A_101 = arith.addi %mul3A_99, %add3A_100 : i32
    "tpu.region"() ({
      %run_scoped3A = tpu.sem_alloc : memref<!tpu.dma_semaphore, #tpu.memory_space<semaphore_mem>>
      %dma_start3A = arith.constant 0 : i32
      %dma_start3A_357 = tpu.memref_slice %arg16[%add3A_101, %dma_start3A] : memref<10240x128xf32, #tpu.memory_space<vmem_shared>> -> memref<16x128xf32, #tpu.memory_space<vmem_shared>>
      %dma_start3A_358 = arith.constant 0 : i32
      %dma_start3A_359 = tpu.memref_slice %arg16[%add3A_101, %dma_start3A_358] : memref<10240x128xf32, #tpu.memory_space<vmem_shared>> -> memref<16x128xf32, #tpu.memory_space<vmem_shared>>
      tpu.enqueue_dma source(%arg14 : memref<16x128xf32, #tpu.memory_space<vmem>>) target(%dma_start3A_359 : memref<16x128xf32, #tpu.memory_space<vmem_shared>>) target_semaphore(%run_scoped3A : memref<!tpu.dma_semaphore, #tpu.memory_space<semaphore_mem>>)
      %dma_wait3A = arith.constant 0 : i32
      %dma_wait3A_360 = tpu.memref_slice %arg16[%add3A_101, %dma_wait3A] : memref<10240x128xf32, #tpu.memory_space<vmem_shared>> -> memref<16x128xf32, #tpu.memory_space<vmem_shared>>
      %dma_wait3A_361 = arith.constant 0 : i32
      %dma_wait3A_362 = tpu.memref_slice %arg16[%add3A_101, %dma_wait3A_361] : memref<10240x128xf32, #tpu.memory_space<vmem_shared>> -> memref<16x128xf32, #tpu.memory_space<vmem_shared>>
      tpu.wait_dma2 semaphore(%run_scoped3A : memref<!tpu.dma_semaphore, #tpu.memory_space<semaphore_mem>>) src(%arg14 : memref<16x128xf32, #tpu.memory_space<vmem>>) dst(%dma_wait3A_362 : memref<16x128xf32, #tpu.memory_space<vmem_shared>>)
      tpu.yield
    }) : () -> ()
    %mul3A_102 = arith.constant 640 : i32
    %mul3A_103 = arith.muli %arg1, %mul3A_102 : i32
    %add3A_104 = arith.constant 320 : i32
    %add3A_105 = arith.addi %mul3A_103, %add3A_104 : i32
    "tpu.region"() ({
      %run_scoped3A = tpu.sem_alloc : memref<!tpu.dma_semaphore, #tpu.memory_space<semaphore_mem>>
      %dma_start3A = arith.constant 0 : i32
      %dma_start3A_357 = tpu.memref_slice %arg16[%add3A_105, %dma_start3A] : memref<10240x128xf32, #tpu.memory_space<vmem_shared>> -> memref<16x128xf32, #tpu.memory_space<vmem_shared>>
      %dma_start3A_358 = arith.constant 0 : i32
      %dma_start3A_359 = tpu.memref_slice %arg16[%add3A_105, %dma_start3A_358] : memref<10240x128xf32, #tpu.memory_space<vmem_shared>> -> memref<16x128xf32, #tpu.memory_space<vmem_shared>>
      tpu.enqueue_dma source(%arg14 : memref<16x128xf32, #tpu.memory_space<vmem>>) target(%dma_start3A_359 : memref<16x128xf32, #tpu.memory_space<vmem_shared>>) target_semaphore(%run_scoped3A : memref<!tpu.dma_semaphore, #tpu.memory_space<semaphore_mem>>)
      %dma_wait3A = arith.constant 0 : i32
      %dma_wait3A_360 = tpu.memref_slice %arg16[%add3A_105, %dma_wait3A] : memref<10240x128xf32, #tpu.memory_space<vmem_shared>> -> memref<16x128xf32, #tpu.memory_space<vmem_shared>>
      %dma_wait3A_361 = arith.constant 0 : i32
      %dma_wait3A_362 = tpu.memref_slice %arg16[%add3A_105, %dma_wait3A_361] : memref<10240x128xf32, #tpu.memory_space<vmem_shared>> -> memref<16x128xf32, #tpu.memory_space<vmem_shared>>
      tpu.wait_dma2 semaphore(%run_scoped3A : memref<!tpu.dma_semaphore, #tpu.memory_space<semaphore_mem>>) src(%arg14 : memref<16x128xf32, #tpu.memory_space<vmem>>) dst(%dma_wait3A_362 : memref<16x128xf32, #tpu.memory_space<vmem_shared>>)
      tpu.yield
    }) : () -> ()
    %mul3A_106 = arith.constant 640 : i32
    %mul3A_107 = arith.muli %arg1, %mul3A_106 : i32
    %add3A_108 = arith.constant 336 : i32
    %add3A_109 = arith.addi %mul3A_107, %add3A_108 : i32
    "tpu.region"() ({
      %run_scoped3A = tpu.sem_alloc : memref<!tpu.dma_semaphore, #tpu.memory_space<semaphore_mem>>
      %dma_start3A = arith.constant 0 : i32
      %dma_start3A_357 = tpu.memref_slice %arg16[%add3A_109, %dma_start3A] : memref<10240x128xf32, #tpu.memory_space<vmem_shared>> -> memref<16x128xf32, #tpu.memory_space<vmem_shared>>
      %dma_start3A_358 = arith.constant 0 : i32
      %dma_start3A_359 = tpu.memref_slice %arg16[%add3A_109, %dma_start3A_358] : memref<10240x128xf32, #tpu.memory_space<vmem_shared>> -> memref<16x128xf32, #tpu.memory_space<vmem_shared>>
      tpu.enqueue_dma source(%arg14 : memref<16x128xf32, #tpu.memory_space<vmem>>) target(%dma_start3A_359 : memref<16x128xf32, #tpu.memory_space<vmem_shared>>) target_semaphore(%run_scoped3A : memref<!tpu.dma_semaphore, #tpu.memory_space<semaphore_mem>>)
      %dma_wait3A = arith.constant 0 : i32
      %dma_wait3A_360 = tpu.memref_slice %arg16[%add3A_109, %dma_wait3A] : memref<10240x128xf32, #tpu.memory_space<vmem_shared>> -> memref<16x128xf32, #tpu.memory_space<vmem_shared>>
      %dma_wait3A_361 = arith.constant 0 : i32
      %dma_wait3A_362 = tpu.memref_slice %arg16[%add3A_109, %dma_wait3A_361] : memref<10240x128xf32, #tpu.memory_space<vmem_shared>> -> memref<16x128xf32, #tpu.memory_space<vmem_shared>>
      tpu.wait_dma2 semaphore(%run_scoped3A : memref<!tpu.dma_semaphore, #tpu.memory_space<semaphore_mem>>) src(%arg14 : memref<16x128xf32, #tpu.memory_space<vmem>>) dst(%dma_wait3A_362 : memref<16x128xf32, #tpu.memory_space<vmem_shared>>)
      tpu.yield
    }) : () -> ()
    %mul3A_110 = arith.constant 640 : i32
    %mul3A_111 = arith.muli %arg1, %mul3A_110 : i32
    %add3A_112 = arith.constant 352 : i32
    %add3A_113 = arith.addi %mul3A_111, %add3A_112 : i32
    "tpu.region"() ({
      %run_scoped3A = tpu.sem_alloc : memref<!tpu.dma_semaphore, #tpu.memory_space<semaphore_mem>>
      %dma_start3A = arith.constant 0 : i32
      %dma_start3A_357 = tpu.memref_slice %arg16[%add3A_113, %dma_start3A] : memref<10240x128xf32, #tpu.memory_space<vmem_shared>> -> memref<16x128xf32, #tpu.memory_space<vmem_shared>>
      %dma_start3A_358 = arith.constant 0 : i32
      %dma_start3A_359 = tpu.memref_slice %arg16[%add3A_113, %dma_start3A_358] : memref<10240x128xf32, #tpu.memory_space<vmem_shared>> -> memref<16x128xf32, #tpu.memory_space<vmem_shared>>
      tpu.enqueue_dma source(%arg14 : memref<16x128xf32, #tpu.memory_space<vmem>>) target(%dma_start3A_359 : memref<16x128xf32, #tpu.memory_space<vmem_shared>>) target_semaphore(%run_scoped3A : memref<!tpu.dma_semaphore, #tpu.memory_space<semaphore_mem>>)
      %dma_wait3A = arith.constant 0 : i32
      %dma_wait3A_360 = tpu.memref_slice %arg16[%add3A_113, %dma_wait3A] : memref<10240x128xf32, #tpu.memory_space<vmem_shared>> -> memref<16x128xf32, #tpu.memory_space<vmem_shared>>
      %dma_wait3A_361 = arith.constant 0 : i32
      %dma_wait3A_362 = tpu.memref_slice %arg16[%add3A_113, %dma_wait3A_361] : memref<10240x128xf32, #tpu.memory_space<vmem_shared>> -> memref<16x128xf32, #tpu.memory_space<vmem_shared>>
      tpu.wait_dma2 semaphore(%run_scoped3A : memref<!tpu.dma_semaphore, #tpu.memory_space<semaphore_mem>>) src(%arg14 : memref<16x128xf32, #tpu.memory_space<vmem>>) dst(%dma_wait3A_362 : memref<16x128xf32, #tpu.memory_space<vmem_shared>>)
      tpu.yield
    }) : () -> ()
    %mul3A_114 = arith.constant 640 : i32
    %mul3A_115 = arith.muli %arg1, %mul3A_114 : i32
    %add3A_116 = arith.constant 368 : i32
    %add3A_117 = arith.addi %mul3A_115, %add3A_116 : i32
    "tpu.region"() ({
      %run_scoped3A = tpu.sem_alloc : memref<!tpu.dma_semaphore, #tpu.memory_space<semaphore_mem>>
      %dma_start3A = arith.constant 0 : i32
      %dma_start3A_357 = tpu.memref_slice %arg16[%add3A_117, %dma_start3A] : memref<10240x128xf32, #tpu.memory_space<vmem_shared>> -> memref<16x128xf32, #tpu.memory_space<vmem_shared>>
      %dma_start3A_358 = arith.constant 0 : i32
      %dma_start3A_359 = tpu.memref_slice %arg16[%add3A_117, %dma_start3A_358] : memref<10240x128xf32, #tpu.memory_space<vmem_shared>> -> memref<16x128xf32, #tpu.memory_space<vmem_shared>>
      tpu.enqueue_dma source(%arg14 : memref<16x128xf32, #tpu.memory_space<vmem>>) target(%dma_start3A_359 : memref<16x128xf32, #tpu.memory_space<vmem_shared>>) target_semaphore(%run_scoped3A : memref<!tpu.dma_semaphore, #tpu.memory_space<semaphore_mem>>)
      %dma_wait3A = arith.constant 0 : i32
      %dma_wait3A_360 = tpu.memref_slice %arg16[%add3A_117, %dma_wait3A] : memref<10240x128xf32, #tpu.memory_space<vmem_shared>> -> memref<16x128xf32, #tpu.memory_space<vmem_shared>>
      %dma_wait3A_361 = arith.constant 0 : i32
      %dma_wait3A_362 = tpu.memref_slice %arg16[%add3A_117, %dma_wait3A_361] : memref<10240x128xf32, #tpu.memory_space<vmem_shared>> -> memref<16x128xf32, #tpu.memory_space<vmem_shared>>
      tpu.wait_dma2 semaphore(%run_scoped3A : memref<!tpu.dma_semaphore, #tpu.memory_space<semaphore_mem>>) src(%arg14 : memref<16x128xf32, #tpu.memory_space<vmem>>) dst(%dma_wait3A_362 : memref<16x128xf32, #tpu.memory_space<vmem_shared>>)
      tpu.yield
    }) : () -> ()
    %mul3A_118 = arith.constant 640 : i32
    %mul3A_119 = arith.muli %arg1, %mul3A_118 : i32
    %add3A_120 = arith.constant 384 : i32
    %add3A_121 = arith.addi %mul3A_119, %add3A_120 : i32
    "tpu.region"() ({
      %run_scoped3A = tpu.sem_alloc : memref<!tpu.dma_semaphore, #tpu.memory_space<semaphore_mem>>
      %dma_start3A = arith.constant 0 : i32
      %dma_start3A_357 = tpu.memref_slice %arg16[%add3A_121, %dma_start3A] : memref<10240x128xf32, #tpu.memory_space<vmem_shared>> -> memref<16x128xf32, #tpu.memory_space<vmem_shared>>
      %dma_start3A_358 = arith.constant 0 : i32
      %dma_start3A_359 = tpu.memref_slice %arg16[%add3A_121, %dma_start3A_358] : memref<10240x128xf32, #tpu.memory_space<vmem_shared>> -> memref<16x128xf32, #tpu.memory_space<vmem_shared>>
      tpu.enqueue_dma source(%arg14 : memref<16x128xf32, #tpu.memory_space<vmem>>) target(%dma_start3A_359 : memref<16x128xf32, #tpu.memory_space<vmem_shared>>) target_semaphore(%run_scoped3A : memref<!tpu.dma_semaphore, #tpu.memory_space<semaphore_mem>>)
      %dma_wait3A = arith.constant 0 : i32
      %dma_wait3A_360 = tpu.memref_slice %arg16[%add3A_121, %dma_wait3A] : memref<10240x128xf32, #tpu.memory_space<vmem_shared>> -> memref<16x128xf32, #tpu.memory_space<vmem_shared>>
      %dma_wait3A_361 = arith.constant 0 : i32
      %dma_wait3A_362 = tpu.memref_slice %arg16[%add3A_121, %dma_wait3A_361] : memref<10240x128xf32, #tpu.memory_space<vmem_shared>> -> memref<16x128xf32, #tpu.memory_space<vmem_shared>>
      tpu.wait_dma2 semaphore(%run_scoped3A : memref<!tpu.dma_semaphore, #tpu.memory_space<semaphore_mem>>) src(%arg14 : memref<16x128xf32, #tpu.memory_space<vmem>>) dst(%dma_wait3A_362 : memref<16x128xf32, #tpu.memory_space<vmem_shared>>)
      tpu.yield
    }) : () -> ()
    %mul3A_122 = arith.constant 640 : i32
    %mul3A_123 = arith.muli %arg1, %mul3A_122 : i32
    %add3A_124 = arith.constant 400 : i32
    %add3A_125 = arith.addi %mul3A_123, %add3A_124 : i32
    "tpu.region"() ({
      %run_scoped3A = tpu.sem_alloc : memref<!tpu.dma_semaphore, #tpu.memory_space<semaphore_mem>>
      %dma_start3A = arith.constant 0 : i32
      %dma_start3A_357 = tpu.memref_slice %arg16[%add3A_125, %dma_start3A] : memref<10240x128xf32, #tpu.memory_space<vmem_shared>> -> memref<16x128xf32, #tpu.memory_space<vmem_shared>>
      %dma_start3A_358 = arith.constant 0 : i32
      %dma_start3A_359 = tpu.memref_slice %arg16[%add3A_125, %dma_start3A_358] : memref<10240x128xf32, #tpu.memory_space<vmem_shared>> -> memref<16x128xf32, #tpu.memory_space<vmem_shared>>
      tpu.enqueue_dma source(%arg14 : memref<16x128xf32, #tpu.memory_space<vmem>>) target(%dma_start3A_359 : memref<16x128xf32, #tpu.memory_space<vmem_shared>>) target_semaphore(%run_scoped3A : memref<!tpu.dma_semaphore, #tpu.memory_space<semaphore_mem>>)
      %dma_wait3A = arith.constant 0 : i32
      %dma_wait3A_360 = tpu.memref_slice %arg16[%add3A_125, %dma_wait3A] : memref<10240x128xf32, #tpu.memory_space<vmem_shared>> -> memref<16x128xf32, #tpu.memory_space<vmem_shared>>
      %dma_wait3A_361 = arith.constant 0 : i32
      %dma_wait3A_362 = tpu.memref_slice %arg16[%add3A_125, %dma_wait3A_361] : memref<10240x128xf32, #tpu.memory_space<vmem_shared>> -> memref<16x128xf32, #tpu.memory_space<vmem_shared>>
      tpu.wait_dma2 semaphore(%run_scoped3A : memref<!tpu.dma_semaphore, #tpu.memory_space<semaphore_mem>>) src(%arg14 : memref<16x128xf32, #tpu.memory_space<vmem>>) dst(%dma_wait3A_362 : memref<16x128xf32, #tpu.memory_space<vmem_shared>>)
      tpu.yield
    }) : () -> ()
    %mul3A_126 = arith.constant 640 : i32
    %mul3A_127 = arith.muli %arg1, %mul3A_126 : i32
    %add3A_128 = arith.constant 416 : i32
    %add3A_129 = arith.addi %mul3A_127, %add3A_128 : i32
    "tpu.region"() ({
      %run_scoped3A = tpu.sem_alloc : memref<!tpu.dma_semaphore, #tpu.memory_space<semaphore_mem>>
      %dma_start3A = arith.constant 0 : i32
      %dma_start3A_357 = tpu.memref_slice %arg16[%add3A_129, %dma_start3A] : memref<10240x128xf32, #tpu.memory_space<vmem_shared>> -> memref<16x128xf32, #tpu.memory_space<vmem_shared>>
      %dma_start3A_358 = arith.constant 0 : i32
      %dma_start3A_359 = tpu.memref_slice %arg16[%add3A_129, %dma_start3A_358] : memref<10240x128xf32, #tpu.memory_space<vmem_shared>> -> memref<16x128xf32, #tpu.memory_space<vmem_shared>>
      tpu.enqueue_dma source(%arg14 : memref<16x128xf32, #tpu.memory_space<vmem>>) target(%dma_start3A_359 : memref<16x128xf32, #tpu.memory_space<vmem_shared>>) target_semaphore(%run_scoped3A : memref<!tpu.dma_semaphore, #tpu.memory_space<semaphore_mem>>)
      %dma_wait3A = arith.constant 0 : i32
      %dma_wait3A_360 = tpu.memref_slice %arg16[%add3A_129, %dma_wait3A] : memref<10240x128xf32, #tpu.memory_space<vmem_shared>> -> memref<16x128xf32, #tpu.memory_space<vmem_shared>>
      %dma_wait3A_361 = arith.constant 0 : i32
      %dma_wait3A_362 = tpu.memref_slice %arg16[%add3A_129, %dma_wait3A_361] : memref<10240x128xf32, #tpu.memory_space<vmem_shared>> -> memref<16x128xf32, #tpu.memory_space<vmem_shared>>
      tpu.wait_dma2 semaphore(%run_scoped3A : memref<!tpu.dma_semaphore, #tpu.memory_space<semaphore_mem>>) src(%arg14 : memref<16x128xf32, #tpu.memory_space<vmem>>) dst(%dma_wait3A_362 : memref<16x128xf32, #tpu.memory_space<vmem_shared>>)
      tpu.yield
    }) : () -> ()
    %mul3A_130 = arith.constant 640 : i32
    %mul3A_131 = arith.muli %arg1, %mul3A_130 : i32
    %add3A_132 = arith.constant 432 : i32
    %add3A_133 = arith.addi %mul3A_131, %add3A_132 : i32
    "tpu.region"() ({
      %run_scoped3A = tpu.sem_alloc : memref<!tpu.dma_semaphore, #tpu.memory_space<semaphore_mem>>
      %dma_start3A = arith.constant 0 : i32
      %dma_start3A_357 = tpu.memref_slice %arg16[%add3A_133, %dma_start3A] : memref<10240x128xf32, #tpu.memory_space<vmem_shared>> -> memref<16x128xf32, #tpu.memory_space<vmem_shared>>
      %dma_start3A_358 = arith.constant 0 : i32
      %dma_start3A_359 = tpu.memref_slice %arg16[%add3A_133, %dma_start3A_358] : memref<10240x128xf32, #tpu.memory_space<vmem_shared>> -> memref<16x128xf32, #tpu.memory_space<vmem_shared>>
      tpu.enqueue_dma source(%arg14 : memref<16x128xf32, #tpu.memory_space<vmem>>) target(%dma_start3A_359 : memref<16x128xf32, #tpu.memory_space<vmem_shared>>) target_semaphore(%run_scoped3A : memref<!tpu.dma_semaphore, #tpu.memory_space<semaphore_mem>>)
      %dma_wait3A = arith.constant 0 : i32
      %dma_wait3A_360 = tpu.memref_slice %arg16[%add3A_133, %dma_wait3A] : memref<10240x128xf32, #tpu.memory_space<vmem_shared>> -> memref<16x128xf32, #tpu.memory_space<vmem_shared>>
      %dma_wait3A_361 = arith.constant 0 : i32
      %dma_wait3A_362 = tpu.memref_slice %arg16[%add3A_133, %dma_wait3A_361] : memref<10240x128xf32, #tpu.memory_space<vmem_shared>> -> memref<16x128xf32, #tpu.memory_space<vmem_shared>>
      tpu.wait_dma2 semaphore(%run_scoped3A : memref<!tpu.dma_semaphore, #tpu.memory_space<semaphore_mem>>) src(%arg14 : memref<16x128xf32, #tpu.memory_space<vmem>>) dst(%dma_wait3A_362 : memref<16x128xf32, #tpu.memory_space<vmem_shared>>)
      tpu.yield
    }) : () -> ()
    %mul3A_134 = arith.constant 640 : i32
    %mul3A_135 = arith.muli %arg1, %mul3A_134 : i32
    %add3A_136 = arith.constant 448 : i32
    %add3A_137 = arith.addi %mul3A_135, %add3A_136 : i32
    "tpu.region"() ({
      %run_scoped3A = tpu.sem_alloc : memref<!tpu.dma_semaphore, #tpu.memory_space<semaphore_mem>>
      %dma_start3A = arith.constant 0 : i32
      %dma_start3A_357 = tpu.memref_slice %arg16[%add3A_137, %dma_start3A] : memref<10240x128xf32, #tpu.memory_space<vmem_shared>> -> memref<16x128xf32, #tpu.memory_space<vmem_shared>>
      %dma_start3A_358 = arith.constant 0 : i32
      %dma_start3A_359 = tpu.memref_slice %arg16[%add3A_137, %dma_start3A_358] : memref<10240x128xf32, #tpu.memory_space<vmem_shared>> -> memref<16x128xf32, #tpu.memory_space<vmem_shared>>
      tpu.enqueue_dma source(%arg14 : memref<16x128xf32, #tpu.memory_space<vmem>>) target(%dma_start3A_359 : memref<16x128xf32, #tpu.memory_space<vmem_shared>>) target_semaphore(%run_scoped3A : memref<!tpu.dma_semaphore, #tpu.memory_space<semaphore_mem>>)
      %dma_wait3A = arith.constant 0 : i32
      %dma_wait3A_360 = tpu.memref_slice %arg16[%add3A_137, %dma_wait3A] : memref<10240x128xf32, #tpu.memory_space<vmem_shared>> -> memref<16x128xf32, #tpu.memory_space<vmem_shared>>
      %dma_wait3A_361 = arith.constant 0 : i32
      %dma_wait3A_362 = tpu.memref_slice %arg16[%add3A_137, %dma_wait3A_361] : memref<10240x128xf32, #tpu.memory_space<vmem_shared>> -> memref<16x128xf32, #tpu.memory_space<vmem_shared>>
      tpu.wait_dma2 semaphore(%run_scoped3A : memref<!tpu.dma_semaphore, #tpu.memory_space<semaphore_mem>>) src(%arg14 : memref<16x128xf32, #tpu.memory_space<vmem>>) dst(%dma_wait3A_362 : memref<16x128xf32, #tpu.memory_space<vmem_shared>>)
      tpu.yield
    }) : () -> ()
    %mul3A_138 = arith.constant 640 : i32
    %mul3A_139 = arith.muli %arg1, %mul3A_138 : i32
    %add3A_140 = arith.constant 464 : i32
    %add3A_141 = arith.addi %mul3A_139, %add3A_140 : i32
    "tpu.region"() ({
      %run_scoped3A = tpu.sem_alloc : memref<!tpu.dma_semaphore, #tpu.memory_space<semaphore_mem>>
      %dma_start3A = arith.constant 0 : i32
      %dma_start3A_357 = tpu.memref_slice %arg16[%add3A_141, %dma_start3A] : memref<10240x128xf32, #tpu.memory_space<vmem_shared>> -> memref<16x128xf32, #tpu.memory_space<vmem_shared>>
      %dma_start3A_358 = arith.constant 0 : i32
      %dma_start3A_359 = tpu.memref_slice %arg16[%add3A_141, %dma_start3A_358] : memref<10240x128xf32, #tpu.memory_space<vmem_shared>> -> memref<16x128xf32, #tpu.memory_space<vmem_shared>>
      tpu.enqueue_dma source(%arg14 : memref<16x128xf32, #tpu.memory_space<vmem>>) target(%dma_start3A_359 : memref<16x128xf32, #tpu.memory_space<vmem_shared>>) target_semaphore(%run_scoped3A : memref<!tpu.dma_semaphore, #tpu.memory_space<semaphore_mem>>)
      %dma_wait3A = arith.constant 0 : i32
      %dma_wait3A_360 = tpu.memref_slice %arg16[%add3A_141, %dma_wait3A] : memref<10240x128xf32, #tpu.memory_space<vmem_shared>> -> memref<16x128xf32, #tpu.memory_space<vmem_shared>>
      %dma_wait3A_361 = arith.constant 0 : i32
      %dma_wait3A_362 = tpu.memref_slice %arg16[%add3A_141, %dma_wait3A_361] : memref<10240x128xf32, #tpu.memory_space<vmem_shared>> -> memref<16x128xf32, #tpu.memory_space<vmem_shared>>
      tpu.wait_dma2 semaphore(%run_scoped3A : memref<!tpu.dma_semaphore, #tpu.memory_space<semaphore_mem>>) src(%arg14 : memref<16x128xf32, #tpu.memory_space<vmem>>) dst(%dma_wait3A_362 : memref<16x128xf32, #tpu.memory_space<vmem_shared>>)
      tpu.yield
    }) : () -> ()
    %mul3A_142 = arith.constant 640 : i32
    %mul3A_143 = arith.muli %arg1, %mul3A_142 : i32
    %add3A_144 = arith.constant 480 : i32
    %add3A_145 = arith.addi %mul3A_143, %add3A_144 : i32
    "tpu.region"() ({
      %run_scoped3A = tpu.sem_alloc : memref<!tpu.dma_semaphore, #tpu.memory_space<semaphore_mem>>
      %dma_start3A = arith.constant 0 : i32
      %dma_start3A_357 = tpu.memref_slice %arg16[%add3A_145, %dma_start3A] : memref<10240x128xf32, #tpu.memory_space<vmem_shared>> -> memref<16x128xf32, #tpu.memory_space<vmem_shared>>
      %dma_start3A_358 = arith.constant 0 : i32
      %dma_start3A_359 = tpu.memref_slice %arg16[%add3A_145, %dma_start3A_358] : memref<10240x128xf32, #tpu.memory_space<vmem_shared>> -> memref<16x128xf32, #tpu.memory_space<vmem_shared>>
      tpu.enqueue_dma source(%arg14 : memref<16x128xf32, #tpu.memory_space<vmem>>) target(%dma_start3A_359 : memref<16x128xf32, #tpu.memory_space<vmem_shared>>) target_semaphore(%run_scoped3A : memref<!tpu.dma_semaphore, #tpu.memory_space<semaphore_mem>>)
      %dma_wait3A = arith.constant 0 : i32
      %dma_wait3A_360 = tpu.memref_slice %arg16[%add3A_145, %dma_wait3A] : memref<10240x128xf32, #tpu.memory_space<vmem_shared>> -> memref<16x128xf32, #tpu.memory_space<vmem_shared>>
      %dma_wait3A_361 = arith.constant 0 : i32
      %dma_wait3A_362 = tpu.memref_slice %arg16[%add3A_145, %dma_wait3A_361] : memref<10240x128xf32, #tpu.memory_space<vmem_shared>> -> memref<16x128xf32, #tpu.memory_space<vmem_shared>>
      tpu.wait_dma2 semaphore(%run_scoped3A : memref<!tpu.dma_semaphore, #tpu.memory_space<semaphore_mem>>) src(%arg14 : memref<16x128xf32, #tpu.memory_space<vmem>>) dst(%dma_wait3A_362 : memref<16x128xf32, #tpu.memory_space<vmem_shared>>)
      tpu.yield
    }) : () -> ()
    %mul3A_146 = arith.constant 640 : i32
    %mul3A_147 = arith.muli %arg1, %mul3A_146 : i32
    %add3A_148 = arith.constant 496 : i32
    %add3A_149 = arith.addi %mul3A_147, %add3A_148 : i32
    "tpu.region"() ({
      %run_scoped3A = tpu.sem_alloc : memref<!tpu.dma_semaphore, #tpu.memory_space<semaphore_mem>>
      %dma_start3A = arith.constant 0 : i32
      %dma_start3A_357 = tpu.memref_slice %arg16[%add3A_149, %dma_start3A] : memref<10240x128xf32, #tpu.memory_space<vmem_shared>> -> memref<16x128xf32, #tpu.memory_space<vmem_shared>>
      %dma_start3A_358 = arith.constant 0 : i32
      %dma_start3A_359 = tpu.memref_slice %arg16[%add3A_149, %dma_start3A_358] : memref<10240x128xf32, #tpu.memory_space<vmem_shared>> -> memref<16x128xf32, #tpu.memory_space<vmem_shared>>
      tpu.enqueue_dma source(%arg14 : memref<16x128xf32, #tpu.memory_space<vmem>>) target(%dma_start3A_359 : memref<16x128xf32, #tpu.memory_space<vmem_shared>>) target_semaphore(%run_scoped3A : memref<!tpu.dma_semaphore, #tpu.memory_space<semaphore_mem>>)
      %dma_wait3A = arith.constant 0 : i32
      %dma_wait3A_360 = tpu.memref_slice %arg16[%add3A_149, %dma_wait3A] : memref<10240x128xf32, #tpu.memory_space<vmem_shared>> -> memref<16x128xf32, #tpu.memory_space<vmem_shared>>
      %dma_wait3A_361 = arith.constant 0 : i32
      %dma_wait3A_362 = tpu.memref_slice %arg16[%add3A_149, %dma_wait3A_361] : memref<10240x128xf32, #tpu.memory_space<vmem_shared>> -> memref<16x128xf32, #tpu.memory_space<vmem_shared>>
      tpu.wait_dma2 semaphore(%run_scoped3A : memref<!tpu.dma_semaphore, #tpu.memory_space<semaphore_mem>>) src(%arg14 : memref<16x128xf32, #tpu.memory_space<vmem>>) dst(%dma_wait3A_362 : memref<16x128xf32, #tpu.memory_space<vmem_shared>>)
      tpu.yield
    }) : () -> ()
    %mul3A_150 = arith.constant 640 : i32
    %mul3A_151 = arith.muli %arg1, %mul3A_150 : i32
    %add3A_152 = arith.constant 512 : i32
    %add3A_153 = arith.addi %mul3A_151, %add3A_152 : i32
    "tpu.region"() ({
      %run_scoped3A = tpu.sem_alloc : memref<!tpu.dma_semaphore, #tpu.memory_space<semaphore_mem>>
      %dma_start3A = arith.constant 0 : i32
      %dma_start3A_357 = tpu.memref_slice %arg16[%add3A_153, %dma_start3A] : memref<10240x128xf32, #tpu.memory_space<vmem_shared>> -> memref<16x128xf32, #tpu.memory_space<vmem_shared>>
      %dma_start3A_358 = arith.constant 0 : i32
      %dma_start3A_359 = tpu.memref_slice %arg16[%add3A_153, %dma_start3A_358] : memref<10240x128xf32, #tpu.memory_space<vmem_shared>> -> memref<16x128xf32, #tpu.memory_space<vmem_shared>>
      tpu.enqueue_dma source(%arg14 : memref<16x128xf32, #tpu.memory_space<vmem>>) target(%dma_start3A_359 : memref<16x128xf32, #tpu.memory_space<vmem_shared>>) target_semaphore(%run_scoped3A : memref<!tpu.dma_semaphore, #tpu.memory_space<semaphore_mem>>)
      %dma_wait3A = arith.constant 0 : i32
      %dma_wait3A_360 = tpu.memref_slice %arg16[%add3A_153, %dma_wait3A] : memref<10240x128xf32, #tpu.memory_space<vmem_shared>> -> memref<16x128xf32, #tpu.memory_space<vmem_shared>>
      %dma_wait3A_361 = arith.constant 0 : i32
      %dma_wait3A_362 = tpu.memref_slice %arg16[%add3A_153, %dma_wait3A_361] : memref<10240x128xf32, #tpu.memory_space<vmem_shared>> -> memref<16x128xf32, #tpu.memory_space<vmem_shared>>
      tpu.wait_dma2 semaphore(%run_scoped3A : memref<!tpu.dma_semaphore, #tpu.memory_space<semaphore_mem>>) src(%arg14 : memref<16x128xf32, #tpu.memory_space<vmem>>) dst(%dma_wait3A_362 : memref<16x128xf32, #tpu.memory_space<vmem_shared>>)
      tpu.yield
    }) : () -> ()
    %mul3A_154 = arith.constant 640 : i32
    %mul3A_155 = arith.muli %arg1, %mul3A_154 : i32
    %add3A_156 = arith.constant 528 : i32
    %add3A_157 = arith.addi %mul3A_155, %add3A_156 : i32
    "tpu.region"() ({
      %run_scoped3A = tpu.sem_alloc : memref<!tpu.dma_semaphore, #tpu.memory_space<semaphore_mem>>
      %dma_start3A = arith.constant 0 : i32
      %dma_start3A_357 = tpu.memref_slice %arg16[%add3A_157, %dma_start3A] : memref<10240x128xf32, #tpu.memory_space<vmem_shared>> -> memref<16x128xf32, #tpu.memory_space<vmem_shared>>
      %dma_start3A_358 = arith.constant 0 : i32
      %dma_start3A_359 = tpu.memref_slice %arg16[%add3A_157, %dma_start3A_358] : memref<10240x128xf32, #tpu.memory_space<vmem_shared>> -> memref<16x128xf32, #tpu.memory_space<vmem_shared>>
      tpu.enqueue_dma source(%arg14 : memref<16x128xf32, #tpu.memory_space<vmem>>) target(%dma_start3A_359 : memref<16x128xf32, #tpu.memory_space<vmem_shared>>) target_semaphore(%run_scoped3A : memref<!tpu.dma_semaphore, #tpu.memory_space<semaphore_mem>>)
      %dma_wait3A = arith.constant 0 : i32
      %dma_wait3A_360 = tpu.memref_slice %arg16[%add3A_157, %dma_wait3A] : memref<10240x128xf32, #tpu.memory_space<vmem_shared>> -> memref<16x128xf32, #tpu.memory_space<vmem_shared>>
      %dma_wait3A_361 = arith.constant 0 : i32
      %dma_wait3A_362 = tpu.memref_slice %arg16[%add3A_157, %dma_wait3A_361] : memref<10240x128xf32, #tpu.memory_space<vmem_shared>> -> memref<16x128xf32, #tpu.memory_space<vmem_shared>>
      tpu.wait_dma2 semaphore(%run_scoped3A : memref<!tpu.dma_semaphore, #tpu.memory_space<semaphore_mem>>) src(%arg14 : memref<16x128xf32, #tpu.memory_space<vmem>>) dst(%dma_wait3A_362 : memref<16x128xf32, #tpu.memory_space<vmem_shared>>)
      tpu.yield
    }) : () -> ()
    %mul3A_158 = arith.constant 640 : i32
    %mul3A_159 = arith.muli %arg1, %mul3A_158 : i32
    %add3A_160 = arith.constant 544 : i32
    %add3A_161 = arith.addi %mul3A_159, %add3A_160 : i32
    "tpu.region"() ({
      %run_scoped3A = tpu.sem_alloc : memref<!tpu.dma_semaphore, #tpu.memory_space<semaphore_mem>>
      %dma_start3A = arith.constant 0 : i32
      %dma_start3A_357 = tpu.memref_slice %arg16[%add3A_161, %dma_start3A] : memref<10240x128xf32, #tpu.memory_space<vmem_shared>> -> memref<16x128xf32, #tpu.memory_space<vmem_shared>>
      %dma_start3A_358 = arith.constant 0 : i32
      %dma_start3A_359 = tpu.memref_slice %arg16[%add3A_161, %dma_start3A_358] : memref<10240x128xf32, #tpu.memory_space<vmem_shared>> -> memref<16x128xf32, #tpu.memory_space<vmem_shared>>
      tpu.enqueue_dma source(%arg14 : memref<16x128xf32, #tpu.memory_space<vmem>>) target(%dma_start3A_359 : memref<16x128xf32, #tpu.memory_space<vmem_shared>>) target_semaphore(%run_scoped3A : memref<!tpu.dma_semaphore, #tpu.memory_space<semaphore_mem>>)
      %dma_wait3A = arith.constant 0 : i32
      %dma_wait3A_360 = tpu.memref_slice %arg16[%add3A_161, %dma_wait3A] : memref<10240x128xf32, #tpu.memory_space<vmem_shared>> -> memref<16x128xf32, #tpu.memory_space<vmem_shared>>
      %dma_wait3A_361 = arith.constant 0 : i32
      %dma_wait3A_362 = tpu.memref_slice %arg16[%add3A_161, %dma_wait3A_361] : memref<10240x128xf32, #tpu.memory_space<vmem_shared>> -> memref<16x128xf32, #tpu.memory_space<vmem_shared>>
      tpu.wait_dma2 semaphore(%run_scoped3A : memref<!tpu.dma_semaphore, #tpu.memory_space<semaphore_mem>>) src(%arg14 : memref<16x128xf32, #tpu.memory_space<vmem>>) dst(%dma_wait3A_362 : memref<16x128xf32, #tpu.memory_space<vmem_shared>>)
      tpu.yield
    }) : () -> ()
    %mul3A_162 = arith.constant 640 : i32
    %mul3A_163 = arith.muli %arg1, %mul3A_162 : i32
    %add3A_164 = arith.constant 560 : i32
    %add3A_165 = arith.addi %mul3A_163, %add3A_164 : i32
    "tpu.region"() ({
      %run_scoped3A = tpu.sem_alloc : memref<!tpu.dma_semaphore, #tpu.memory_space<semaphore_mem>>
      %dma_start3A = arith.constant 0 : i32
      %dma_start3A_357 = tpu.memref_slice %arg16[%add3A_165, %dma_start3A] : memref<10240x128xf32, #tpu.memory_space<vmem_shared>> -> memref<16x128xf32, #tpu.memory_space<vmem_shared>>
      %dma_start3A_358 = arith.constant 0 : i32
      %dma_start3A_359 = tpu.memref_slice %arg16[%add3A_165, %dma_start3A_358] : memref<10240x128xf32, #tpu.memory_space<vmem_shared>> -> memref<16x128xf32, #tpu.memory_space<vmem_shared>>
      tpu.enqueue_dma source(%arg14 : memref<16x128xf32, #tpu.memory_space<vmem>>) target(%dma_start3A_359 : memref<16x128xf32, #tpu.memory_space<vmem_shared>>) target_semaphore(%run_scoped3A : memref<!tpu.dma_semaphore, #tpu.memory_space<semaphore_mem>>)
      %dma_wait3A = arith.constant 0 : i32
      %dma_wait3A_360 = tpu.memref_slice %arg16[%add3A_165, %dma_wait3A] : memref<10240x128xf32, #tpu.memory_space<vmem_shared>> -> memref<16x128xf32, #tpu.memory_space<vmem_shared>>
      %dma_wait3A_361 = arith.constant 0 : i32
      %dma_wait3A_362 = tpu.memref_slice %arg16[%add3A_165, %dma_wait3A_361] : memref<10240x128xf32, #tpu.memory_space<vmem_shared>> -> memref<16x128xf32, #tpu.memory_space<vmem_shared>>
      tpu.wait_dma2 semaphore(%run_scoped3A : memref<!tpu.dma_semaphore, #tpu.memory_space<semaphore_mem>>) src(%arg14 : memref<16x128xf32, #tpu.memory_space<vmem>>) dst(%dma_wait3A_362 : memref<16x128xf32, #tpu.memory_space<vmem_shared>>)
      tpu.yield
    }) : () -> ()
    %mul3A_166 = arith.constant 640 : i32
    %mul3A_167 = arith.muli %arg1, %mul3A_166 : i32
    %add3A_168 = arith.constant 576 : i32
    %add3A_169 = arith.addi %mul3A_167, %add3A_168 : i32
    "tpu.region"() ({
      %run_scoped3A = tpu.sem_alloc : memref<!tpu.dma_semaphore, #tpu.memory_space<semaphore_mem>>
      %dma_start3A = arith.constant 0 : i32
      %dma_start3A_357 = tpu.memref_slice %arg16[%add3A_169, %dma_start3A] : memref<10240x128xf32, #tpu.memory_space<vmem_shared>> -> memref<16x128xf32, #tpu.memory_space<vmem_shared>>
      %dma_start3A_358 = arith.constant 0 : i32
      %dma_start3A_359 = tpu.memref_slice %arg16[%add3A_169, %dma_start3A_358] : memref<10240x128xf32, #tpu.memory_space<vmem_shared>> -> memref<16x128xf32, #tpu.memory_space<vmem_shared>>
      tpu.enqueue_dma source(%arg14 : memref<16x128xf32, #tpu.memory_space<vmem>>) target(%dma_start3A_359 : memref<16x128xf32, #tpu.memory_space<vmem_shared>>) target_semaphore(%run_scoped3A : memref<!tpu.dma_semaphore, #tpu.memory_space<semaphore_mem>>)
      %dma_wait3A = arith.constant 0 : i32
      %dma_wait3A_360 = tpu.memref_slice %arg16[%add3A_169, %dma_wait3A] : memref<10240x128xf32, #tpu.memory_space<vmem_shared>> -> memref<16x128xf32, #tpu.memory_space<vmem_shared>>
      %dma_wait3A_361 = arith.constant 0 : i32
      %dma_wait3A_362 = tpu.memref_slice %arg16[%add3A_169, %dma_wait3A_361] : memref<10240x128xf32, #tpu.memory_space<vmem_shared>> -> memref<16x128xf32, #tpu.memory_space<vmem_shared>>
      tpu.wait_dma2 semaphore(%run_scoped3A : memref<!tpu.dma_semaphore, #tpu.memory_space<semaphore_mem>>) src(%arg14 : memref<16x128xf32, #tpu.memory_space<vmem>>) dst(%dma_wait3A_362 : memref<16x128xf32, #tpu.memory_space<vmem_shared>>)
      tpu.yield
    }) : () -> ()
    %mul3A_170 = arith.constant 640 : i32
    %mul3A_171 = arith.muli %arg1, %mul3A_170 : i32
    %add3A_172 = arith.constant 592 : i32
    %add3A_173 = arith.addi %mul3A_171, %add3A_172 : i32
    "tpu.region"() ({
      %run_scoped3A = tpu.sem_alloc : memref<!tpu.dma_semaphore, #tpu.memory_space<semaphore_mem>>
      %dma_start3A = arith.constant 0 : i32
      %dma_start3A_357 = tpu.memref_slice %arg16[%add3A_173, %dma_start3A] : memref<10240x128xf32, #tpu.memory_space<vmem_shared>> -> memref<16x128xf32, #tpu.memory_space<vmem_shared>>
      %dma_start3A_358 = arith.constant 0 : i32
      %dma_start3A_359 = tpu.memref_slice %arg16[%add3A_173, %dma_start3A_358] : memref<10240x128xf32, #tpu.memory_space<vmem_shared>> -> memref<16x128xf32, #tpu.memory_space<vmem_shared>>
      tpu.enqueue_dma source(%arg14 : memref<16x128xf32, #tpu.memory_space<vmem>>) target(%dma_start3A_359 : memref<16x128xf32, #tpu.memory_space<vmem_shared>>) target_semaphore(%run_scoped3A : memref<!tpu.dma_semaphore, #tpu.memory_space<semaphore_mem>>)
      %dma_wait3A = arith.constant 0 : i32
      %dma_wait3A_360 = tpu.memref_slice %arg16[%add3A_173, %dma_wait3A] : memref<10240x128xf32, #tpu.memory_space<vmem_shared>> -> memref<16x128xf32, #tpu.memory_space<vmem_shared>>
      %dma_wait3A_361 = arith.constant 0 : i32
      %dma_wait3A_362 = tpu.memref_slice %arg16[%add3A_173, %dma_wait3A_361] : memref<10240x128xf32, #tpu.memory_space<vmem_shared>> -> memref<16x128xf32, #tpu.memory_space<vmem_shared>>
      tpu.wait_dma2 semaphore(%run_scoped3A : memref<!tpu.dma_semaphore, #tpu.memory_space<semaphore_mem>>) src(%arg14 : memref<16x128xf32, #tpu.memory_space<vmem>>) dst(%dma_wait3A_362 : memref<16x128xf32, #tpu.memory_space<vmem_shared>>)
      tpu.yield
    }) : () -> ()
    %mul3A_174 = arith.constant 640 : i32
    %mul3A_175 = arith.muli %arg1, %mul3A_174 : i32
    %add3A_176 = arith.constant 608 : i32
    %add3A_177 = arith.addi %mul3A_175, %add3A_176 : i32
    "tpu.region"() ({
      %run_scoped3A = tpu.sem_alloc : memref<!tpu.dma_semaphore, #tpu.memory_space<semaphore_mem>>
      %dma_start3A = arith.constant 0 : i32
      %dma_start3A_357 = tpu.memref_slice %arg16[%add3A_177, %dma_start3A] : memref<10240x128xf32, #tpu.memory_space<vmem_shared>> -> memref<16x128xf32, #tpu.memory_space<vmem_shared>>
      %dma_start3A_358 = arith.constant 0 : i32
      %dma_start3A_359 = tpu.memref_slice %arg16[%add3A_177, %dma_start3A_358] : memref<10240x128xf32, #tpu.memory_space<vmem_shared>> -> memref<16x128xf32, #tpu.memory_space<vmem_shared>>
      tpu.enqueue_dma source(%arg14 : memref<16x128xf32, #tpu.memory_space<vmem>>) target(%dma_start3A_359 : memref<16x128xf32, #tpu.memory_space<vmem_shared>>) target_semaphore(%run_scoped3A : memref<!tpu.dma_semaphore, #tpu.memory_space<semaphore_mem>>)
      %dma_wait3A = arith.constant 0 : i32
      %dma_wait3A_360 = tpu.memref_slice %arg16[%add3A_177, %dma_wait3A] : memref<10240x128xf32, #tpu.memory_space<vmem_shared>> -> memref<16x128xf32, #tpu.memory_space<vmem_shared>>
      %dma_wait3A_361 = arith.constant 0 : i32
      %dma_wait3A_362 = tpu.memref_slice %arg16[%add3A_177, %dma_wait3A_361] : memref<10240x128xf32, #tpu.memory_space<vmem_shared>> -> memref<16x128xf32, #tpu.memory_space<vmem_shared>>
      tpu.wait_dma2 semaphore(%run_scoped3A : memref<!tpu.dma_semaphore, #tpu.memory_space<semaphore_mem>>) src(%arg14 : memref<16x128xf32, #tpu.memory_space<vmem>>) dst(%dma_wait3A_362 : memref<16x128xf32, #tpu.memory_space<vmem_shared>>)
      tpu.yield
    }) : () -> ()
    %mul3A_178 = arith.constant 640 : i32
    %mul3A_179 = arith.muli %arg1, %mul3A_178 : i32
    %add3A_180 = arith.constant 624 : i32
    %add3A_181 = arith.addi %mul3A_179, %add3A_180 : i32
    "tpu.region"() ({
      %run_scoped3A = tpu.sem_alloc : memref<!tpu.dma_semaphore, #tpu.memory_space<semaphore_mem>>
      %dma_start3A = arith.constant 0 : i32
      %dma_start3A_357 = tpu.memref_slice %arg16[%add3A_181, %dma_start3A] : memref<10240x128xf32, #tpu.memory_space<vmem_shared>> -> memref<16x128xf32, #tpu.memory_space<vmem_shared>>
      %dma_start3A_358 = arith.constant 0 : i32
      %dma_start3A_359 = tpu.memref_slice %arg16[%add3A_181, %dma_start3A_358] : memref<10240x128xf32, #tpu.memory_space<vmem_shared>> -> memref<16x128xf32, #tpu.memory_space<vmem_shared>>
      tpu.enqueue_dma source(%arg14 : memref<16x128xf32, #tpu.memory_space<vmem>>) target(%dma_start3A_359 : memref<16x128xf32, #tpu.memory_space<vmem_shared>>) target_semaphore(%run_scoped3A : memref<!tpu.dma_semaphore, #tpu.memory_space<semaphore_mem>>)
      %dma_wait3A = arith.constant 0 : i32
      %dma_wait3A_360 = tpu.memref_slice %arg16[%add3A_181, %dma_wait3A] : memref<10240x128xf32, #tpu.memory_space<vmem_shared>> -> memref<16x128xf32, #tpu.memory_space<vmem_shared>>
      %dma_wait3A_361 = arith.constant 0 : i32
      %dma_wait3A_362 = tpu.memref_slice %arg16[%add3A_181, %dma_wait3A_361] : memref<10240x128xf32, #tpu.memory_space<vmem_shared>> -> memref<16x128xf32, #tpu.memory_space<vmem_shared>>
      tpu.wait_dma2 semaphore(%run_scoped3A : memref<!tpu.dma_semaphore, #tpu.memory_space<semaphore_mem>>) src(%arg14 : memref<16x128xf32, #tpu.memory_space<vmem>>) dst(%dma_wait3A_362 : memref<16x128xf32, #tpu.memory_space<vmem_shared>>)
      tpu.yield
    }) : () -> ()
    %lt3A = arith.constant 8 : i32
    %lt3A_182 = arith.cmpi slt, %arg1, %lt3A : i32
    %convert_element_type3A = arith.extui %lt3A_182 : i1 to i32
    %cond3A = arith.constant 0 : i32
    %cond3A_183 = arith.cmpi ne, %convert_element_type3A, %cond3A : i32
    scf.if %cond3A_183 {
      %mul3A_357 = arith.constant 40 : i32
      %mul3A_358 = arith.muli %arg1, %mul3A_357 : i32
      %add3A_359 = arith.constant 0 : i32
      %add3A_360 = arith.addi %mul3A_358, %add3A_359 : i32
      "tpu.region"() ({
        %run_scoped3A = tpu.sem_alloc : memref<!tpu.dma_semaphore, #tpu.memory_space<semaphore_mem>>
        %dma_start3A = arith.constant 0 : i32
        %dma_start3A_377 = tpu.memref_slice %arg17[%add3A_360, %dma_start3A] : memref<320x128xf32, #tpu.memory_space<vmem_shared>> -> memref<8x128xf32, #tpu.memory_space<vmem_shared>>
        %dma_start3A_378 = arith.constant 0 : i32
        %dma_start3A_379 = tpu.memref_slice %arg17[%add3A_360, %dma_start3A_378] : memref<320x128xf32, #tpu.memory_space<vmem_shared>> -> memref<8x128xf32, #tpu.memory_space<vmem_shared>>
        tpu.enqueue_dma source(%arg15 : memref<8x128xf32, #tpu.memory_space<vmem>>) target(%dma_start3A_379 : memref<8x128xf32, #tpu.memory_space<vmem_shared>>) target_semaphore(%run_scoped3A : memref<!tpu.dma_semaphore, #tpu.memory_space<semaphore_mem>>)
        %dma_wait3A = arith.constant 0 : i32
        %dma_wait3A_380 = tpu.memref_slice %arg17[%add3A_360, %dma_wait3A] : memref<320x128xf32, #tpu.memory_space<vmem_shared>> -> memref<8x128xf32, #tpu.memory_space<vmem_shared>>
        %dma_wait3A_381 = arith.constant 0 : i32
        %dma_wait3A_382 = tpu.memref_slice %arg17[%add3A_360, %dma_wait3A_381] : memref<320x128xf32, #tpu.memory_space<vmem_shared>> -> memref<8x128xf32, #tpu.memory_space<vmem_shared>>
        tpu.wait_dma2 semaphore(%run_scoped3A : memref<!tpu.dma_semaphore, #tpu.memory_space<semaphore_mem>>) src(%arg15 : memref<8x128xf32, #tpu.memory_space<vmem>>) dst(%dma_wait3A_382 : memref<8x128xf32, #tpu.memory_space<vmem_shared>>)
        tpu.yield
      }) : () -> ()
      %mul3A_361 = arith.constant 40 : i32
      %mul3A_362 = arith.muli %arg1, %mul3A_361 : i32
      %add3A_363 = arith.constant 8 : i32
      %add3A_364 = arith.addi %mul3A_362, %add3A_363 : i32
      "tpu.region"() ({
        %run_scoped3A = tpu.sem_alloc : memref<!tpu.dma_semaphore, #tpu.memory_space<semaphore_mem>>
        %dma_start3A = arith.constant 0 : i32
        %dma_start3A_377 = tpu.memref_slice %arg17[%add3A_364, %dma_start3A] : memref<320x128xf32, #tpu.memory_space<vmem_shared>> -> memref<8x128xf32, #tpu.memory_space<vmem_shared>>
        %dma_start3A_378 = arith.constant 0 : i32
        %dma_start3A_379 = tpu.memref_slice %arg17[%add3A_364, %dma_start3A_378] : memref<320x128xf32, #tpu.memory_space<vmem_shared>> -> memref<8x128xf32, #tpu.memory_space<vmem_shared>>
        tpu.enqueue_dma source(%arg15 : memref<8x128xf32, #tpu.memory_space<vmem>>) target(%dma_start3A_379 : memref<8x128xf32, #tpu.memory_space<vmem_shared>>) target_semaphore(%run_scoped3A : memref<!tpu.dma_semaphore, #tpu.memory_space<semaphore_mem>>)
        %dma_wait3A = arith.constant 0 : i32
        %dma_wait3A_380 = tpu.memref_slice %arg17[%add3A_364, %dma_wait3A] : memref<320x128xf32, #tpu.memory_space<vmem_shared>> -> memref<8x128xf32, #tpu.memory_space<vmem_shared>>
        %dma_wait3A_381 = arith.constant 0 : i32
        %dma_wait3A_382 = tpu.memref_slice %arg17[%add3A_364, %dma_wait3A_381] : memref<320x128xf32, #tpu.memory_space<vmem_shared>> -> memref<8x128xf32, #tpu.memory_space<vmem_shared>>
        tpu.wait_dma2 semaphore(%run_scoped3A : memref<!tpu.dma_semaphore, #tpu.memory_space<semaphore_mem>>) src(%arg15 : memref<8x128xf32, #tpu.memory_space<vmem>>) dst(%dma_wait3A_382 : memref<8x128xf32, #tpu.memory_space<vmem_shared>>)
        tpu.yield
      }) : () -> ()
      %mul3A_365 = arith.constant 40 : i32
      %mul3A_366 = arith.muli %arg1, %mul3A_365 : i32
      %add3A_367 = arith.constant 16 : i32
      %add3A_368 = arith.addi %mul3A_366, %add3A_367 : i32
      "tpu.region"() ({
        %run_scoped3A = tpu.sem_alloc : memref<!tpu.dma_semaphore, #tpu.memory_space<semaphore_mem>>
        %dma_start3A = arith.constant 0 : i32
        %dma_start3A_377 = tpu.memref_slice %arg17[%add3A_368, %dma_start3A] : memref<320x128xf32, #tpu.memory_space<vmem_shared>> -> memref<8x128xf32, #tpu.memory_space<vmem_shared>>
        %dma_start3A_378 = arith.constant 0 : i32
        %dma_start3A_379 = tpu.memref_slice %arg17[%add3A_368, %dma_start3A_378] : memref<320x128xf32, #tpu.memory_space<vmem_shared>> -> memref<8x128xf32, #tpu.memory_space<vmem_shared>>
        tpu.enqueue_dma source(%arg15 : memref<8x128xf32, #tpu.memory_space<vmem>>) target(%dma_start3A_379 : memref<8x128xf32, #tpu.memory_space<vmem_shared>>) target_semaphore(%run_scoped3A : memref<!tpu.dma_semaphore, #tpu.memory_space<semaphore_mem>>)
        %dma_wait3A = arith.constant 0 : i32
        %dma_wait3A_380 = tpu.memref_slice %arg17[%add3A_368, %dma_wait3A] : memref<320x128xf32, #tpu.memory_space<vmem_shared>> -> memref<8x128xf32, #tpu.memory_space<vmem_shared>>
        %dma_wait3A_381 = arith.constant 0 : i32
        %dma_wait3A_382 = tpu.memref_slice %arg17[%add3A_368, %dma_wait3A_381] : memref<320x128xf32, #tpu.memory_space<vmem_shared>> -> memref<8x128xf32, #tpu.memory_space<vmem_shared>>
        tpu.wait_dma2 semaphore(%run_scoped3A : memref<!tpu.dma_semaphore, #tpu.memory_space<semaphore_mem>>) src(%arg15 : memref<8x128xf32, #tpu.memory_space<vmem>>) dst(%dma_wait3A_382 : memref<8x128xf32, #tpu.memory_space<vmem_shared>>)
        tpu.yield
      }) : () -> ()
      %mul3A_369 = arith.constant 40 : i32
      %mul3A_370 = arith.muli %arg1, %mul3A_369 : i32
      %add3A_371 = arith.constant 24 : i32
      %add3A_372 = arith.addi %mul3A_370, %add3A_371 : i32
      "tpu.region"() ({
        %run_scoped3A = tpu.sem_alloc : memref<!tpu.dma_semaphore, #tpu.memory_space<semaphore_mem>>
        %dma_start3A = arith.constant 0 : i32
        %dma_start3A_377 = tpu.memref_slice %arg17[%add3A_372, %dma_start3A] : memref<320x128xf32, #tpu.memory_space<vmem_shared>> -> memref<8x128xf32, #tpu.memory_space<vmem_shared>>
        %dma_start3A_378 = arith.constant 0 : i32
        %dma_start3A_379 = tpu.memref_slice %arg17[%add3A_372, %dma_start3A_378] : memref<320x128xf32, #tpu.memory_space<vmem_shared>> -> memref<8x128xf32, #tpu.memory_space<vmem_shared>>
        tpu.enqueue_dma source(%arg15 : memref<8x128xf32, #tpu.memory_space<vmem>>) target(%dma_start3A_379 : memref<8x128xf32, #tpu.memory_space<vmem_shared>>) target_semaphore(%run_scoped3A : memref<!tpu.dma_semaphore, #tpu.memory_space<semaphore_mem>>)
        %dma_wait3A = arith.constant 0 : i32
        %dma_wait3A_380 = tpu.memref_slice %arg17[%add3A_372, %dma_wait3A] : memref<320x128xf32, #tpu.memory_space<vmem_shared>> -> memref<8x128xf32, #tpu.memory_space<vmem_shared>>
        %dma_wait3A_381 = arith.constant 0 : i32
        %dma_wait3A_382 = tpu.memref_slice %arg17[%add3A_372, %dma_wait3A_381] : memref<320x128xf32, #tpu.memory_space<vmem_shared>> -> memref<8x128xf32, #tpu.memory_space<vmem_shared>>
        tpu.wait_dma2 semaphore(%run_scoped3A : memref<!tpu.dma_semaphore, #tpu.memory_space<semaphore_mem>>) src(%arg15 : memref<8x128xf32, #tpu.memory_space<vmem>>) dst(%dma_wait3A_382 : memref<8x128xf32, #tpu.memory_space<vmem_shared>>)
        tpu.yield
      }) : () -> ()
      %mul3A_373 = arith.constant 40 : i32
      %mul3A_374 = arith.muli %arg1, %mul3A_373 : i32
      %add3A_375 = arith.constant 32 : i32
      %add3A_376 = arith.addi %mul3A_374, %add3A_375 : i32
      "tpu.region"() ({
        %run_scoped3A = tpu.sem_alloc : memref<!tpu.dma_semaphore, #tpu.memory_space<semaphore_mem>>
        %dma_start3A = arith.constant 0 : i32
        %dma_start3A_377 = tpu.memref_slice %arg17[%add3A_376, %dma_start3A] : memref<320x128xf32, #tpu.memory_space<vmem_shared>> -> memref<8x128xf32, #tpu.memory_space<vmem_shared>>
        %dma_start3A_378 = arith.constant 0 : i32
        %dma_start3A_379 = tpu.memref_slice %arg17[%add3A_376, %dma_start3A_378] : memref<320x128xf32, #tpu.memory_space<vmem_shared>> -> memref<8x128xf32, #tpu.memory_space<vmem_shared>>
        tpu.enqueue_dma source(%arg15 : memref<8x128xf32, #tpu.memory_space<vmem>>) target(%dma_start3A_379 : memref<8x128xf32, #tpu.memory_space<vmem_shared>>) target_semaphore(%run_scoped3A : memref<!tpu.dma_semaphore, #tpu.memory_space<semaphore_mem>>)
        %dma_wait3A = arith.constant 0 : i32
        %dma_wait3A_380 = tpu.memref_slice %arg17[%add3A_376, %dma_wait3A] : memref<320x128xf32, #tpu.memory_space<vmem_shared>> -> memref<8x128xf32, #tpu.memory_space<vmem_shared>>
        %dma_wait3A_381 = arith.constant 0 : i32
        %dma_wait3A_382 = tpu.memref_slice %arg17[%add3A_376, %dma_wait3A_381] : memref<320x128xf32, #tpu.memory_space<vmem_shared>> -> memref<8x128xf32, #tpu.memory_space<vmem_shared>>
        tpu.wait_dma2 semaphore(%run_scoped3A : memref<!tpu.dma_semaphore, #tpu.memory_space<semaphore_mem>>) src(%arg15 : memref<8x128xf32, #tpu.memory_space<vmem>>) dst(%dma_wait3A_382 : memref<8x128xf32, #tpu.memory_space<vmem_shared>>)
        tpu.yield
      }) : () -> ()
    } else {
    }
    %barrier3A = arith.constant 0 : index
    tpu.barrier barrier_id(%barrier3A)
    %scan3A_184 = arith.constant 0 : i32
    %scan3A_185 = arith.constant 0 : i32
    %scan3A_186 = arith.constant 125 : i32
    %scan3A_187 = arith.addi %scan3A_185, %scan3A_186 : i32
    %scan3A_188 = arith.constant 1 : i32
    %scan3A_189 = scf.for %scan3A_357 = %scan3A_185 to %scan3A_187 step %scan3A_188 iter_args(%scan3A_358 = %scan3A_184) -> (i32)  : i32 {
      %mul3A_359 = arith.constant 10000 : i32
      %mul3A_360 = arith.muli %add3A, %mul3A_359 : i32
      %mul3A_361 = arith.constant 80 : i32
      %mul3A_362 = arith.muli %scan3A_357, %mul3A_361 : i32
      %add3A_363 = arith.addi %mul3A_360, %mul3A_362 : i32
      %dma_start3A = tpu.memref_slice %arg4[%add3A_363] : memref<320000xi32, #tpu.memory_space<hbm>> -> memref<80xi32, #tpu.memory_space<hbm>>
      %dma_start3A_364 = tpu.memref_slice %arg4[%add3A_363] : memref<320000xi32, #tpu.memory_space<hbm>> -> memref<80xi32, #tpu.memory_space<hbm>>
      tpu.enqueue_dma source(%dma_start3A_364 : memref<80xi32, #tpu.memory_space<hbm>>) target(%arg10 : memref<80xi32, #tpu.memory_space<vmem>>) target_semaphore(%arg18 : memref<!tpu.dma_semaphore, #tpu.memory_space<semaphore_mem>>)
      %dma_start3A_365 = tpu.memref_slice %arg5[%add3A_363] : memref<320000xi32, #tpu.memory_space<hbm>> -> memref<80xi32, #tpu.memory_space<hbm>>
      %dma_start3A_366 = tpu.memref_slice %arg5[%add3A_363] : memref<320000xi32, #tpu.memory_space<hbm>> -> memref<80xi32, #tpu.memory_space<hbm>>
      tpu.enqueue_dma source(%dma_start3A_366 : memref<80xi32, #tpu.memory_space<hbm>>) target(%arg11 : memref<80xi32, #tpu.memory_space<vmem>>) target_semaphore(%arg19 : memref<!tpu.dma_semaphore, #tpu.memory_space<semaphore_mem>>)
      %dma_wait3A = tpu.memref_slice %arg4[%add3A_363] : memref<320000xi32, #tpu.memory_space<hbm>> -> memref<80xi32, #tpu.memory_space<hbm>>
      %dma_wait3A_367 = tpu.memref_slice %arg4[%add3A_363] : memref<320000xi32, #tpu.memory_space<hbm>> -> memref<80xi32, #tpu.memory_space<hbm>>
      tpu.wait_dma2 semaphore(%arg18 : memref<!tpu.dma_semaphore, #tpu.memory_space<semaphore_mem>>) src(%dma_wait3A_367 : memref<80xi32, #tpu.memory_space<hbm>>) dst(%arg10 : memref<80xi32, #tpu.memory_space<vmem>>)
      %dma_wait3A_368 = tpu.memref_slice %arg5[%add3A_363] : memref<320000xi32, #tpu.memory_space<hbm>> -> memref<80xi32, #tpu.memory_space<hbm>>
      %dma_wait3A_369 = tpu.memref_slice %arg5[%add3A_363] : memref<320000xi32, #tpu.memory_space<hbm>> -> memref<80xi32, #tpu.memory_space<hbm>>
      tpu.wait_dma2 semaphore(%arg19 : memref<!tpu.dma_semaphore, #tpu.memory_space<semaphore_mem>>) src(%dma_wait3A_369 : memref<80xi32, #tpu.memory_space<hbm>>) dst(%arg11 : memref<80xi32, #tpu.memory_space<vmem>>)
      %dma_start3A_370 = arith.constant 0 : i32
      %dma_start3A_371 = arith.constant 0 : i32
      %dma_start3A_372 = tpu.memref_slice %arg2[%dma_start3A_370, %dma_start3A_371] : memref<10000x256xf32, #tpu.memory_space<hbm>> -> memref<10000x256xf32, #tpu.memory_space<hbm>>
      tpu.enqueue_indirect_dma source(%dma_start3A_372 : memref<10000x256xf32, #tpu.memory_space<hbm>>) target(%arg7 : memref<80x256xf32, #tpu.memory_space<vmem>>) offsets(%arg10 : memref<80xi32, #tpu.memory_space<vmem>>) semaphore(%arg18 : memref<!tpu.dma_semaphore, #tpu.memory_space<semaphore_mem>>)
      %dma_start3A_373 = arith.constant 0 : i32
      %dma_start3A_374 = arith.constant 0 : i32
      %dma_start3A_375 = tpu.memref_slice %arg3[%dma_start3A_373, %dma_start3A_374] : memref<10000x128xf32, #tpu.memory_space<hbm>> -> memref<10000x128xf32, #tpu.memory_space<hbm>>
      tpu.enqueue_indirect_dma source(%dma_start3A_375 : memref<10000x128xf32, #tpu.memory_space<hbm>>) target(%arg8 : memref<80x128xf32, #tpu.memory_space<vmem>>) offsets(%arg11 : memref<80xi32, #tpu.memory_space<vmem>>) semaphore(%arg19 : memref<!tpu.dma_semaphore, #tpu.memory_space<semaphore_mem>>)
      %dma_wait3A_376 = arith.constant 0 : i32
      %dma_wait3A_377 = arith.constant 0 : i32
      %dma_wait3A_378 = tpu.memref_slice %arg2[%dma_wait3A_376, %dma_wait3A_377] : memref<10000x256xf32, #tpu.memory_space<hbm>> -> memref<10000x256xf32, #tpu.memory_space<hbm>>
      tpu.wait_indirect_dma semaphore(%arg18 : memref<!tpu.dma_semaphore, #tpu.memory_space<semaphore_mem>>) src(%dma_wait3A_378 : memref<10000x256xf32, #tpu.memory_space<hbm>>) dst(%arg7 : memref<80x256xf32, #tpu.memory_space<vmem>>)
      %dma_wait3A_379 = arith.constant 0 : i32
      %dma_wait3A_380 = arith.constant 0 : i32
      %dma_wait3A_381 = tpu.memref_slice %arg3[%dma_wait3A_379, %dma_wait3A_380] : memref<10000x128xf32, #tpu.memory_space<hbm>> -> memref<10000x128xf32, #tpu.memory_space<hbm>>
      tpu.wait_indirect_dma semaphore(%arg19 : memref<!tpu.dma_semaphore, #tpu.memory_space<semaphore_mem>>) src(%dma_wait3A_381 : memref<10000x128xf32, #tpu.memory_space<hbm>>) dst(%arg8 : memref<80x128xf32, #tpu.memory_space<vmem>>)
      %iota3A = tpu.iota {dimensions = array<i32: 0>} : vector<16xi32>
      %scan3A_382 = arith.constant 0 : i32
      %scan3A_383 = arith.constant 0 : i32
      %scan3A_384 = arith.constant 5 : i32
      %scan3A_385 = arith.addi %scan3A_383, %scan3A_384 : i32
      %scan3A_386 = arith.constant 1 : i32
      %scan3A_387 = scf.for %scan3A_409 = %scan3A_383 to %scan3A_385 step %scan3A_386 iter_args(%scan3A_410 = %scan3A_382) -> (i32)  : i32 {
        %mul3A_411 = arith.constant 16 : i32
        %mul3A_412 = arith.muli %scan3A_409, %mul3A_411 : i32
        %add3A_413 = vector.broadcast %mul3A_412 : i32 to vector<16xi32>
        %add3A_414 = arith.addi %iota3A, %add3A_413 : vector<16xi32>
        %gather3A = tpu.vector_load_idx %arg11[%add3A_414] : memref<80xi32, #tpu.memory_space<vmem>>[vector<16xi32>], vector<16xi32>,
        %shift_right_logical3A = arith.constant 5 : i32
        %shift_right_logical3A_415 = vector.broadcast %shift_right_logical3A : i32 to vector<16xi32>
        %shift_right_logical3A_416 = arith.shrui %gather3A, %shift_right_logical3A_415 : vector<16xi32>
        tpu.vector_store_idx %arg12[%add3A_414], %shift_right_logical3A_416 : memref<80xi32, #tpu.memory_space<vmem>>[vector<16xi32>], vector<16xi32>,
        %and3A = arith.constant 31 : i32
        %and3A_417 = vector.broadcast %and3A : i32 to vector<16xi32>
        %and3A_418 = arith.andi %gather3A, %and3A_417 : vector<16xi32>
        %shift_left3A = arith.constant 2 : i32
        %shift_left3A_419 = vector.broadcast %shift_left3A : i32 to vector<16xi32>
        %shift_left3A_420 = arith.shli %and3A_418, %shift_left3A_419 : vector<16xi32>
        %parallel_loop3A = arith.constant 0 : i32
        %parallel_loop3A_421 = arith.constant 16 : i32
        %parallel_loop3A_422 = arith.constant 1 : i32
        scf.for %parallel_loop3A_962 = %parallel_loop3A to %parallel_loop3A_421 step %parallel_loop3A_422  : i32 {
          %parallel_loop3A_963 = arith.constant 16 : i32
          %parallel_loop3A_964 = arith.muli %scan3A_409, %parallel_loop3A_963 : i32
          %parallel_loop3A_965 = arith.addi %parallel_loop3A_964, %parallel_loop3A_962 : i32
          %parallel_loop3A_966 = arith.index_cast %parallel_loop3A_965 : i32 to index
          %parallel_loop3A_967 = arith.constant 0 : index
          %parallel_loop3A_968 = tpu.vector_load %arg7[%parallel_loop3A_966, %parallel_loop3A_967] {strides = array<i32>} : memref<80x256xf32, #tpu.memory_space<vmem>>, vector<16xf32>,
          %parallel_loop3A_969 = arith.index_cast %parallel_loop3A_965 : i32 to index
          %parallel_loop3A_970 = arith.constant 0 : index
          %parallel_loop3A_971 = tpu.vector_load %arg8[%parallel_loop3A_969, %parallel_loop3A_970] {strides = array<i32>} : memref<80x128xf32, #tpu.memory_space<vmem>>, vector<16xf32>,
          %parallel_loop3A_972 = arith.mulf %parallel_loop3A_968, %parallel_loop3A_971 : vector<16xf32>
          %parallel_loop3A_973 = arith.index_cast %parallel_loop3A_965 : i32 to index
          %parallel_loop3A_974 = arith.constant 16 : index
          %parallel_loop3A_975 = tpu.vector_load %arg7[%parallel_loop3A_973, %parallel_loop3A_974] {strides = array<i32>} : memref<80x256xf32, #tpu.memory_space<vmem>>, vector<16xf32>,
          %parallel_loop3A_976 = arith.index_cast %parallel_loop3A_965 : i32 to index
          %parallel_loop3A_977 = arith.constant 16 : index
          %parallel_loop3A_978 = tpu.vector_load %arg8[%parallel_loop3A_976, %parallel_loop3A_977] {strides = array<i32>} : memref<80x128xf32, #tpu.memory_space<vmem>>, vector<16xf32>,
          %parallel_loop3A_979 = arith.mulf %parallel_loop3A_975, %parallel_loop3A_978 : vector<16xf32>
          %parallel_loop3A_980 = arith.addf %parallel_loop3A_972, %parallel_loop3A_979 : vector<16xf32>
          %parallel_loop3A_981 = arith.constant 0 : i32
          %parallel_loop3A_982 = arith.addi %parallel_loop3A_981, %parallel_loop3A_962 : i32
          %parallel_loop3A_983 = arith.constant 17 : i32
          %parallel_loop3A_984 = arith.muli %parallel_loop3A_982, %parallel_loop3A_983 : i32
          %parallel_loop3A_985 = vector.broadcast %parallel_loop3A_984 : i32 to vector<16xi32>
          %parallel_loop3A_986 = arith.addi %iota3A, %parallel_loop3A_985 : vector<16xi32>
          tpu.vector_store_idx %arg13[%parallel_loop3A_986], %parallel_loop3A_980 : memref<1088xf32, #tpu.memory_space<vmem>>[vector<16xi32>], vector<16xf32>,
          %parallel_loop3A_987 = arith.index_cast %parallel_loop3A_965 : i32 to index
          %parallel_loop3A_988 = arith.constant 32 : index
          %parallel_loop3A_989 = tpu.vector_load %arg7[%parallel_loop3A_987, %parallel_loop3A_988] {strides = array<i32>} : memref<80x256xf32, #tpu.memory_space<vmem>>, vector<16xf32>,
          %parallel_loop3A_990 = arith.index_cast %parallel_loop3A_965 : i32 to index
          %parallel_loop3A_991 = arith.constant 32 : index
          %parallel_loop3A_992 = tpu.vector_load %arg8[%parallel_loop3A_990, %parallel_loop3A_991] {strides = array<i32>} : memref<80x128xf32, #tpu.memory_space<vmem>>, vector<16xf32>,
          %parallel_loop3A_993 = arith.mulf %parallel_loop3A_989, %parallel_loop3A_992 : vector<16xf32>
          %parallel_loop3A_994 = arith.index_cast %parallel_loop3A_965 : i32 to index
          %parallel_loop3A_995 = arith.constant 48 : index
          %parallel_loop3A_996 = tpu.vector_load %arg7[%parallel_loop3A_994, %parallel_loop3A_995] {strides = array<i32>} : memref<80x256xf32, #tpu.memory_space<vmem>>, vector<16xf32>,
          %parallel_loop3A_997 = arith.index_cast %parallel_loop3A_965 : i32 to index
          %parallel_loop3A_998 = arith.constant 48 : index
          %parallel_loop3A_999 = tpu.vector_load %arg8[%parallel_loop3A_997, %parallel_loop3A_998] {strides = array<i32>} : memref<80x128xf32, #tpu.memory_space<vmem>>, vector<16xf32>,
          %parallel_loop3A_1000 = arith.mulf %parallel_loop3A_996, %parallel_loop3A_999 : vector<16xf32>
          %parallel_loop3A_1001 = arith.addf %parallel_loop3A_993, %parallel_loop3A_1000 : vector<16xf32>
          %parallel_loop3A_1002 = arith.constant 16 : i32
          %parallel_loop3A_1003 = arith.addi %parallel_loop3A_1002, %parallel_loop3A_962 : i32
          %parallel_loop3A_1004 = arith.constant 17 : i32
          %parallel_loop3A_1005 = arith.muli %parallel_loop3A_1003, %parallel_loop3A_1004 : i32
          %parallel_loop3A_1006 = vector.broadcast %parallel_loop3A_1005 : i32 to vector<16xi32>
          %parallel_loop3A_1007 = arith.addi %iota3A, %parallel_loop3A_1006 : vector<16xi32>
          tpu.vector_store_idx %arg13[%parallel_loop3A_1007], %parallel_loop3A_1001 : memref<1088xf32, #tpu.memory_space<vmem>>[vector<16xi32>], vector<16xf32>,
          %parallel_loop3A_1008 = arith.index_cast %parallel_loop3A_965 : i32 to index
          %parallel_loop3A_1009 = arith.constant 64 : index
          %parallel_loop3A_1010 = tpu.vector_load %arg7[%parallel_loop3A_1008, %parallel_loop3A_1009] {strides = array<i32>} : memref<80x256xf32, #tpu.memory_space<vmem>>, vector<16xf32>,
          %parallel_loop3A_1011 = arith.index_cast %parallel_loop3A_965 : i32 to index
          %parallel_loop3A_1012 = arith.constant 64 : index
          %parallel_loop3A_1013 = tpu.vector_load %arg8[%parallel_loop3A_1011, %parallel_loop3A_1012] {strides = array<i32>} : memref<80x128xf32, #tpu.memory_space<vmem>>, vector<16xf32>,
          %parallel_loop3A_1014 = arith.mulf %parallel_loop3A_1010, %parallel_loop3A_1013 : vector<16xf32>
          %parallel_loop3A_1015 = arith.index_cast %parallel_loop3A_965 : i32 to index
          %parallel_loop3A_1016 = arith.constant 80 : index
          %parallel_loop3A_1017 = tpu.vector_load %arg7[%parallel_loop3A_1015, %parallel_loop3A_1016] {strides = array<i32>} : memref<80x256xf32, #tpu.memory_space<vmem>>, vector<16xf32>,
          %parallel_loop3A_1018 = arith.index_cast %parallel_loop3A_965 : i32 to index
          %parallel_loop3A_1019 = arith.constant 80 : index
          %parallel_loop3A_1020 = tpu.vector_load %arg8[%parallel_loop3A_1018, %parallel_loop3A_1019] {strides = array<i32>} : memref<80x128xf32, #tpu.memory_space<vmem>>, vector<16xf32>,
          %parallel_loop3A_1021 = arith.mulf %parallel_loop3A_1017, %parallel_loop3A_1020 : vector<16xf32>
          %parallel_loop3A_1022 = arith.addf %parallel_loop3A_1014, %parallel_loop3A_1021 : vector<16xf32>
          %parallel_loop3A_1023 = arith.constant 32 : i32
          %parallel_loop3A_1024 = arith.addi %parallel_loop3A_1023, %parallel_loop3A_962 : i32
          %parallel_loop3A_1025 = arith.constant 17 : i32
          %parallel_loop3A_1026 = arith.muli %parallel_loop3A_1024, %parallel_loop3A_1025 : i32
          %parallel_loop3A_1027 = vector.broadcast %parallel_loop3A_1026 : i32 to vector<16xi32>
          %parallel_loop3A_1028 = arith.addi %iota3A, %parallel_loop3A_1027 : vector<16xi32>
          tpu.vector_store_idx %arg13[%parallel_loop3A_1028], %parallel_loop3A_1022 : memref<1088xf32, #tpu.memory_space<vmem>>[vector<16xi32>], vector<16xf32>,
          %parallel_loop3A_1029 = arith.index_cast %parallel_loop3A_965 : i32 to index
          %parallel_loop3A_1030 = arith.constant 96 : index
          %parallel_loop3A_1031 = tpu.vector_load %arg7[%parallel_loop3A_1029, %parallel_loop3A_1030] {strides = array<i32>} : memref<80x256xf32, #tpu.memory_space<vmem>>, vector<16xf32>,
          %parallel_loop3A_1032 = arith.index_cast %parallel_loop3A_965 : i32 to index
          %parallel_loop3A_1033 = arith.constant 96 : index
          %parallel_loop3A_1034 = tpu.vector_load %arg8[%parallel_loop3A_1032, %parallel_loop3A_1033] {strides = array<i32>} : memref<80x128xf32, #tpu.memory_space<vmem>>, vector<16xf32>,
          %parallel_loop3A_1035 = arith.mulf %parallel_loop3A_1031, %parallel_loop3A_1034 : vector<16xf32>
          %parallel_loop3A_1036 = arith.index_cast %parallel_loop3A_965 : i32 to index
          %parallel_loop3A_1037 = arith.constant 112 : index
          %parallel_loop3A_1038 = tpu.vector_load %arg7[%parallel_loop3A_1036, %parallel_loop3A_1037] {strides = array<i32>} : memref<80x256xf32, #tpu.memory_space<vmem>>, vector<16xf32>,
          %parallel_loop3A_1039 = arith.index_cast %parallel_loop3A_965 : i32 to index
          %parallel_loop3A_1040 = arith.constant 112 : index
          %parallel_loop3A_1041 = tpu.vector_load %arg8[%parallel_loop3A_1039, %parallel_loop3A_1040] {strides = array<i32>} : memref<80x128xf32, #tpu.memory_space<vmem>>, vector<16xf32>,
          %parallel_loop3A_1042 = arith.mulf %parallel_loop3A_1038, %parallel_loop3A_1041 : vector<16xf32>
          %parallel_loop3A_1043 = arith.addf %parallel_loop3A_1035, %parallel_loop3A_1042 : vector<16xf32>
          %parallel_loop3A_1044 = arith.constant 48 : i32
          %parallel_loop3A_1045 = arith.addi %parallel_loop3A_1044, %parallel_loop3A_962 : i32
          %parallel_loop3A_1046 = arith.constant 17 : i32
          %parallel_loop3A_1047 = arith.muli %parallel_loop3A_1045, %parallel_loop3A_1046 : i32
          %parallel_loop3A_1048 = vector.broadcast %parallel_loop3A_1047 : i32 to vector<16xi32>
          %parallel_loop3A_1049 = arith.addi %iota3A, %parallel_loop3A_1048 : vector<16xi32>
          tpu.vector_store_idx %arg13[%parallel_loop3A_1049], %parallel_loop3A_1043 : memref<1088xf32, #tpu.memory_space<vmem>>[vector<16xi32>], vector<16xf32>,
        } {sc.loop_unroll_factor = 8 : i64, sc.parallel_access}
        %broadcast_in_dim3A_423 = arith.constant 0.000000e+00 : f32
        %broadcast_in_dim3A_424 = vector.broadcast %broadcast_in_dim3A_423 : f32 to vector<16xf32>
        %mul3A_425 = arith.constant 17 : i32
        %mul3A_426 = vector.broadcast %mul3A_425 : i32 to vector<16xi32>
        %mul3A_427 = arith.muli %iota3A, %mul3A_426 : vector<16xi32>
        %add3A_428 = arith.constant 0 : i32
        %add3A_429 = vector.broadcast %add3A_428 : i32 to vector<16xi32>
        %add3A_430 = arith.addi %mul3A_427, %add3A_429 : vector<16xi32>
        %gather3A_431 = tpu.vector_load_idx %arg13[%add3A_430] : memref<1088xf32, #tpu.memory_space<vmem>>[vector<16xi32>], vector<16xf32>,
        %add3A_432 = arith.addf %broadcast_in_dim3A_424, %gather3A_431 : vector<16xf32>
        %mul3A_433 = arith.constant 17 : i32
        %mul3A_434 = vector.broadcast %mul3A_433 : i32 to vector<16xi32>
        %mul3A_435 = arith.muli %iota3A, %mul3A_434 : vector<16xi32>
        %add3A_436 = arith.constant 1 : i32
        %add3A_437 = vector.broadcast %add3A_436 : i32 to vector<16xi32>
        %add3A_438 = arith.addi %mul3A_435, %add3A_437 : vector<16xi32>
        %gather3A_439 = tpu.vector_load_idx %arg13[%add3A_438] : memref<1088xf32, #tpu.memory_space<vmem>>[vector<16xi32>], vector<16xf32>,
        %add3A_440 = arith.addf %add3A_432, %gather3A_439 : vector<16xf32>
        %mul3A_441 = arith.constant 17 : i32
        %mul3A_442 = vector.broadcast %mul3A_441 : i32 to vector<16xi32>
        %mul3A_443 = arith.muli %iota3A, %mul3A_442 : vector<16xi32>
        %add3A_444 = arith.constant 2 : i32
        %add3A_445 = vector.broadcast %add3A_444 : i32 to vector<16xi32>
        %add3A_446 = arith.addi %mul3A_443, %add3A_445 : vector<16xi32>
        %gather3A_447 = tpu.vector_load_idx %arg13[%add3A_446] : memref<1088xf32, #tpu.memory_space<vmem>>[vector<16xi32>], vector<16xf32>,
        %add3A_448 = arith.addf %add3A_440, %gather3A_447 : vector<16xf32>
        %mul3A_449 = arith.constant 17 : i32
        %mul3A_450 = vector.broadcast %mul3A_449 : i32 to vector<16xi32>
        %mul3A_451 = arith.muli %iota3A, %mul3A_450 : vector<16xi32>
        %add3A_452 = arith.constant 3 : i32
        %add3A_453 = vector.broadcast %add3A_452 : i32 to vector<16xi32>
        %add3A_454 = arith.addi %mul3A_451, %add3A_453 : vector<16xi32>
        %gather3A_455 = tpu.vector_load_idx %arg13[%add3A_454] : memref<1088xf32, #tpu.memory_space<vmem>>[vector<16xi32>], vector<16xf32>,
        %add3A_456 = arith.addf %add3A_448, %gather3A_455 : vector<16xf32>
        %mul3A_457 = arith.constant 17 : i32
        %mul3A_458 = vector.broadcast %mul3A_457 : i32 to vector<16xi32>
        %mul3A_459 = arith.muli %iota3A, %mul3A_458 : vector<16xi32>
        %add3A_460 = arith.constant 4 : i32
        %add3A_461 = vector.broadcast %add3A_460 : i32 to vector<16xi32>
        %add3A_462 = arith.addi %mul3A_459, %add3A_461 : vector<16xi32>
        %gather3A_463 = tpu.vector_load_idx %arg13[%add3A_462] : memref<1088xf32, #tpu.memory_space<vmem>>[vector<16xi32>], vector<16xf32>,
        %add3A_464 = arith.addf %add3A_456, %gather3A_463 : vector<16xf32>
        %mul3A_465 = arith.constant 17 : i32
        %mul3A_466 = vector.broadcast %mul3A_465 : i32 to vector<16xi32>
        %mul3A_467 = arith.muli %iota3A, %mul3A_466 : vector<16xi32>
        %add3A_468 = arith.constant 5 : i32
        %add3A_469 = vector.broadcast %add3A_468 : i32 to vector<16xi32>
        %add3A_470 = arith.addi %mul3A_467, %add3A_469 : vector<16xi32>
        %gather3A_471 = tpu.vector_load_idx %arg13[%add3A_470] : memref<1088xf32, #tpu.memory_space<vmem>>[vector<16xi32>], vector<16xf32>,
        %add3A_472 = arith.addf %add3A_464, %gather3A_471 : vector<16xf32>
        %mul3A_473 = arith.constant 17 : i32
        %mul3A_474 = vector.broadcast %mul3A_473 : i32 to vector<16xi32>
        %mul3A_475 = arith.muli %iota3A, %mul3A_474 : vector<16xi32>
        %add3A_476 = arith.constant 6 : i32
        %add3A_477 = vector.broadcast %add3A_476 : i32 to vector<16xi32>
        %add3A_478 = arith.addi %mul3A_475, %add3A_477 : vector<16xi32>
        %gather3A_479 = tpu.vector_load_idx %arg13[%add3A_478] : memref<1088xf32, #tpu.memory_space<vmem>>[vector<16xi32>], vector<16xf32>,
        %add3A_480 = arith.addf %add3A_472, %gather3A_479 : vector<16xf32>
        %mul3A_481 = arith.constant 17 : i32
        %mul3A_482 = vector.broadcast %mul3A_481 : i32 to vector<16xi32>
        %mul3A_483 = arith.muli %iota3A, %mul3A_482 : vector<16xi32>
        %add3A_484 = arith.constant 7 : i32
        %add3A_485 = vector.broadcast %add3A_484 : i32 to vector<16xi32>
        %add3A_486 = arith.addi %mul3A_483, %add3A_485 : vector<16xi32>
        %gather3A_487 = tpu.vector_load_idx %arg13[%add3A_486] : memref<1088xf32, #tpu.memory_space<vmem>>[vector<16xi32>], vector<16xf32>,
        %add3A_488 = arith.addf %add3A_480, %gather3A_487 : vector<16xf32>
        %mul3A_489 = arith.constant 17 : i32
        %mul3A_490 = vector.broadcast %mul3A_489 : i32 to vector<16xi32>
        %mul3A_491 = arith.muli %iota3A, %mul3A_490 : vector<16xi32>
        %add3A_492 = arith.constant 8 : i32
        %add3A_493 = vector.broadcast %add3A_492 : i32 to vector<16xi32>
        %add3A_494 = arith.addi %mul3A_491, %add3A_493 : vector<16xi32>
        %gather3A_495 = tpu.vector_load_idx %arg13[%add3A_494] : memref<1088xf32, #tpu.memory_space<vmem>>[vector<16xi32>], vector<16xf32>,
        %add3A_496 = arith.addf %add3A_488, %gather3A_495 : vector<16xf32>
        %mul3A_497 = arith.constant 17 : i32
        %mul3A_498 = vector.broadcast %mul3A_497 : i32 to vector<16xi32>
        %mul3A_499 = arith.muli %iota3A, %mul3A_498 : vector<16xi32>
        %add3A_500 = arith.constant 9 : i32
        %add3A_501 = vector.broadcast %add3A_500 : i32 to vector<16xi32>
        %add3A_502 = arith.addi %mul3A_499, %add3A_501 : vector<16xi32>
        %gather3A_503 = tpu.vector_load_idx %arg13[%add3A_502] : memref<1088xf32, #tpu.memory_space<vmem>>[vector<16xi32>], vector<16xf32>,
        %add3A_504 = arith.addf %add3A_496, %gather3A_503 : vector<16xf32>
        %mul3A_505 = arith.constant 17 : i32
        %mul3A_506 = vector.broadcast %mul3A_505 : i32 to vector<16xi32>
        %mul3A_507 = arith.muli %iota3A, %mul3A_506 : vector<16xi32>
        %add3A_508 = arith.constant 10 : i32
        %add3A_509 = vector.broadcast %add3A_508 : i32 to vector<16xi32>
        %add3A_510 = arith.addi %mul3A_507, %add3A_509 : vector<16xi32>
        %gather3A_511 = tpu.vector_load_idx %arg13[%add3A_510] : memref<1088xf32, #tpu.memory_space<vmem>>[vector<16xi32>], vector<16xf32>,
        %add3A_512 = arith.addf %add3A_504, %gather3A_511 : vector<16xf32>
        %mul3A_513 = arith.constant 17 : i32
        %mul3A_514 = vector.broadcast %mul3A_513 : i32 to vector<16xi32>
        %mul3A_515 = arith.muli %iota3A, %mul3A_514 : vector<16xi32>
        %add3A_516 = arith.constant 11 : i32
        %add3A_517 = vector.broadcast %add3A_516 : i32 to vector<16xi32>
        %add3A_518 = arith.addi %mul3A_515, %add3A_517 : vector<16xi32>
        %gather3A_519 = tpu.vector_load_idx %arg13[%add3A_518] : memref<1088xf32, #tpu.memory_space<vmem>>[vector<16xi32>], vector<16xf32>,
        %add3A_520 = arith.addf %add3A_512, %gather3A_519 : vector<16xf32>
        %mul3A_521 = arith.constant 17 : i32
        %mul3A_522 = vector.broadcast %mul3A_521 : i32 to vector<16xi32>
        %mul3A_523 = arith.muli %iota3A, %mul3A_522 : vector<16xi32>
        %add3A_524 = arith.constant 12 : i32
        %add3A_525 = vector.broadcast %add3A_524 : i32 to vector<16xi32>
        %add3A_526 = arith.addi %mul3A_523, %add3A_525 : vector<16xi32>
        %gather3A_527 = tpu.vector_load_idx %arg13[%add3A_526] : memref<1088xf32, #tpu.memory_space<vmem>>[vector<16xi32>], vector<16xf32>,
        %add3A_528 = arith.addf %add3A_520, %gather3A_527 : vector<16xf32>
        %mul3A_529 = arith.constant 17 : i32
        %mul3A_530 = vector.broadcast %mul3A_529 : i32 to vector<16xi32>
        %mul3A_531 = arith.muli %iota3A, %mul3A_530 : vector<16xi32>
        %add3A_532 = arith.constant 13 : i32
        %add3A_533 = vector.broadcast %add3A_532 : i32 to vector<16xi32>
        %add3A_534 = arith.addi %mul3A_531, %add3A_533 : vector<16xi32>
        %gather3A_535 = tpu.vector_load_idx %arg13[%add3A_534] : memref<1088xf32, #tpu.memory_space<vmem>>[vector<16xi32>], vector<16xf32>,
        %add3A_536 = arith.addf %add3A_528, %gather3A_535 : vector<16xf32>
        %mul3A_537 = arith.constant 17 : i32
        %mul3A_538 = vector.broadcast %mul3A_537 : i32 to vector<16xi32>
        %mul3A_539 = arith.muli %iota3A, %mul3A_538 : vector<16xi32>
        %add3A_540 = arith.constant 14 : i32
        %add3A_541 = vector.broadcast %add3A_540 : i32 to vector<16xi32>
        %add3A_542 = arith.addi %mul3A_539, %add3A_541 : vector<16xi32>
        %gather3A_543 = tpu.vector_load_idx %arg13[%add3A_542] : memref<1088xf32, #tpu.memory_space<vmem>>[vector<16xi32>], vector<16xf32>,
        %add3A_544 = arith.addf %add3A_536, %gather3A_543 : vector<16xf32>
        %mul3A_545 = arith.constant 17 : i32
        %mul3A_546 = vector.broadcast %mul3A_545 : i32 to vector<16xi32>
        %mul3A_547 = arith.muli %iota3A, %mul3A_546 : vector<16xi32>
        %add3A_548 = arith.constant 15 : i32
        %add3A_549 = vector.broadcast %add3A_548 : i32 to vector<16xi32>
        %add3A_550 = arith.addi %mul3A_547, %add3A_549 : vector<16xi32>
        %gather3A_551 = tpu.vector_load_idx %arg13[%add3A_550] : memref<1088xf32, #tpu.memory_space<vmem>>[vector<16xi32>], vector<16xf32>,
        %add3A_552 = arith.addf %add3A_544, %gather3A_551 : vector<16xf32>
        %exp3A = math.exp %add3A_552 : vector<16xf32>
        %add3A_553 = arith.constant 0 : i32
        %add3A_554 = vector.broadcast %add3A_553 : i32 to vector<16xi32>
        %add3A_555 = arith.addi %shift_left3A_420, %add3A_554 : vector<16xi32>
        tpu.vector_store_idx %arg9[%add3A_414, %add3A_555], %exp3A : memref<80x128xf32, #tpu.memory_space<vmem>>[vector<16xi32>, vector<16xi32>], vector<16xf32>,
        %broadcast_in_dim3A_556 = arith.constant 0.000000e+00 : f32
        %broadcast_in_dim3A_557 = vector.broadcast %broadcast_in_dim3A_556 : f32 to vector<16xf32>
        %mul3A_558 = arith.constant 17 : i32
        %mul3A_559 = vector.broadcast %mul3A_558 : i32 to vector<16xi32>
        %mul3A_560 = arith.muli %iota3A, %mul3A_559 : vector<16xi32>
        %add3A_561 = arith.constant 272 : i32
        %add3A_562 = vector.broadcast %add3A_561 : i32 to vector<16xi32>
        %add3A_563 = arith.addi %mul3A_560, %add3A_562 : vector<16xi32>
        %gather3A_564 = tpu.vector_load_idx %arg13[%add3A_563] : memref<1088xf32, #tpu.memory_space<vmem>>[vector<16xi32>], vector<16xf32>,
        %add3A_565 = arith.addf %broadcast_in_dim3A_557, %gather3A_564 : vector<16xf32>
        %mul3A_566 = arith.constant 17 : i32
        %mul3A_567 = vector.broadcast %mul3A_566 : i32 to vector<16xi32>
        %mul3A_568 = arith.muli %iota3A, %mul3A_567 : vector<16xi32>
        %add3A_569 = arith.constant 273 : i32
        %add3A_570 = vector.broadcast %add3A_569 : i32 to vector<16xi32>
        %add3A_571 = arith.addi %mul3A_568, %add3A_570 : vector<16xi32>
        %gather3A_572 = tpu.vector_load_idx %arg13[%add3A_571] : memref<1088xf32, #tpu.memory_space<vmem>>[vector<16xi32>], vector<16xf32>,
        %add3A_573 = arith.addf %add3A_565, %gather3A_572 : vector<16xf32>
        %mul3A_574 = arith.constant 17 : i32
        %mul3A_575 = vector.broadcast %mul3A_574 : i32 to vector<16xi32>
        %mul3A_576 = arith.muli %iota3A, %mul3A_575 : vector<16xi32>
        %add3A_577 = arith.constant 274 : i32
        %add3A_578 = vector.broadcast %add3A_577 : i32 to vector<16xi32>
        %add3A_579 = arith.addi %mul3A_576, %add3A_578 : vector<16xi32>
        %gather3A_580 = tpu.vector_load_idx %arg13[%add3A_579] : memref<1088xf32, #tpu.memory_space<vmem>>[vector<16xi32>], vector<16xf32>,
        %add3A_581 = arith.addf %add3A_573, %gather3A_580 : vector<16xf32>
        %mul3A_582 = arith.constant 17 : i32
        %mul3A_583 = vector.broadcast %mul3A_582 : i32 to vector<16xi32>
        %mul3A_584 = arith.muli %iota3A, %mul3A_583 : vector<16xi32>
        %add3A_585 = arith.constant 275 : i32
        %add3A_586 = vector.broadcast %add3A_585 : i32 to vector<16xi32>
        %add3A_587 = arith.addi %mul3A_584, %add3A_586 : vector<16xi32>
        %gather3A_588 = tpu.vector_load_idx %arg13[%add3A_587] : memref<1088xf32, #tpu.memory_space<vmem>>[vector<16xi32>], vector<16xf32>,
        %add3A_589 = arith.addf %add3A_581, %gather3A_588 : vector<16xf32>
        %mul3A_590 = arith.constant 17 : i32
        %mul3A_591 = vector.broadcast %mul3A_590 : i32 to vector<16xi32>
        %mul3A_592 = arith.muli %iota3A, %mul3A_591 : vector<16xi32>
        %add3A_593 = arith.constant 276 : i32
        %add3A_594 = vector.broadcast %add3A_593 : i32 to vector<16xi32>
        %add3A_595 = arith.addi %mul3A_592, %add3A_594 : vector<16xi32>
        %gather3A_596 = tpu.vector_load_idx %arg13[%add3A_595] : memref<1088xf32, #tpu.memory_space<vmem>>[vector<16xi32>], vector<16xf32>,
        %add3A_597 = arith.addf %add3A_589, %gather3A_596 : vector<16xf32>
        %mul3A_598 = arith.constant 17 : i32
        %mul3A_599 = vector.broadcast %mul3A_598 : i32 to vector<16xi32>
        %mul3A_600 = arith.muli %iota3A, %mul3A_599 : vector<16xi32>
        %add3A_601 = arith.constant 277 : i32
        %add3A_602 = vector.broadcast %add3A_601 : i32 to vector<16xi32>
        %add3A_603 = arith.addi %mul3A_600, %add3A_602 : vector<16xi32>
        %gather3A_604 = tpu.vector_load_idx %arg13[%add3A_603] : memref<1088xf32, #tpu.memory_space<vmem>>[vector<16xi32>], vector<16xf32>,
        %add3A_605 = arith.addf %add3A_597, %gather3A_604 : vector<16xf32>
        %mul3A_606 = arith.constant 17 : i32
        %mul3A_607 = vector.broadcast %mul3A_606 : i32 to vector<16xi32>
        %mul3A_608 = arith.muli %iota3A, %mul3A_607 : vector<16xi32>
        %add3A_609 = arith.constant 278 : i32
        %add3A_610 = vector.broadcast %add3A_609 : i32 to vector<16xi32>
        %add3A_611 = arith.addi %mul3A_608, %add3A_610 : vector<16xi32>
        %gather3A_612 = tpu.vector_load_idx %arg13[%add3A_611] : memref<1088xf32, #tpu.memory_space<vmem>>[vector<16xi32>], vector<16xf32>,
        %add3A_613 = arith.addf %add3A_605, %gather3A_612 : vector<16xf32>
        %mul3A_614 = arith.constant 17 : i32
        %mul3A_615 = vector.broadcast %mul3A_614 : i32 to vector<16xi32>
        %mul3A_616 = arith.muli %iota3A, %mul3A_615 : vector<16xi32>
        %add3A_617 = arith.constant 279 : i32
        %add3A_618 = vector.broadcast %add3A_617 : i32 to vector<16xi32>
        %add3A_619 = arith.addi %mul3A_616, %add3A_618 : vector<16xi32>
        %gather3A_620 = tpu.vector_load_idx %arg13[%add3A_619] : memref<1088xf32, #tpu.memory_space<vmem>>[vector<16xi32>], vector<16xf32>,
        %add3A_621 = arith.addf %add3A_613, %gather3A_620 : vector<16xf32>
        %mul3A_622 = arith.constant 17 : i32
        %mul3A_623 = vector.broadcast %mul3A_622 : i32 to vector<16xi32>
        %mul3A_624 = arith.muli %iota3A, %mul3A_623 : vector<16xi32>
        %add3A_625 = arith.constant 280 : i32
        %add3A_626 = vector.broadcast %add3A_625 : i32 to vector<16xi32>
        %add3A_627 = arith.addi %mul3A_624, %add3A_626 : vector<16xi32>
        %gather3A_628 = tpu.vector_load_idx %arg13[%add3A_627] : memref<1088xf32, #tpu.memory_space<vmem>>[vector<16xi32>], vector<16xf32>,
        %add3A_629 = arith.addf %add3A_621, %gather3A_628 : vector<16xf32>
        %mul3A_630 = arith.constant 17 : i32
        %mul3A_631 = vector.broadcast %mul3A_630 : i32 to vector<16xi32>
        %mul3A_632 = arith.muli %iota3A, %mul3A_631 : vector<16xi32>
        %add3A_633 = arith.constant 281 : i32
        %add3A_634 = vector.broadcast %add3A_633 : i32 to vector<16xi32>
        %add3A_635 = arith.addi %mul3A_632, %add3A_634 : vector<16xi32>
        %gather3A_636 = tpu.vector_load_idx %arg13[%add3A_635] : memref<1088xf32, #tpu.memory_space<vmem>>[vector<16xi32>], vector<16xf32>,
        %add3A_637 = arith.addf %add3A_629, %gather3A_636 : vector<16xf32>
        %mul3A_638 = arith.constant 17 : i32
        %mul3A_639 = vector.broadcast %mul3A_638 : i32 to vector<16xi32>
        %mul3A_640 = arith.muli %iota3A, %mul3A_639 : vector<16xi32>
        %add3A_641 = arith.constant 282 : i32
        %add3A_642 = vector.broadcast %add3A_641 : i32 to vector<16xi32>
        %add3A_643 = arith.addi %mul3A_640, %add3A_642 : vector<16xi32>
        %gather3A_644 = tpu.vector_load_idx %arg13[%add3A_643] : memref<1088xf32, #tpu.memory_space<vmem>>[vector<16xi32>], vector<16xf32>,
        %add3A_645 = arith.addf %add3A_637, %gather3A_644 : vector<16xf32>
        %mul3A_646 = arith.constant 17 : i32
        %mul3A_647 = vector.broadcast %mul3A_646 : i32 to vector<16xi32>
        %mul3A_648 = arith.muli %iota3A, %mul3A_647 : vector<16xi32>
        %add3A_649 = arith.constant 283 : i32
        %add3A_650 = vector.broadcast %add3A_649 : i32 to vector<16xi32>
        %add3A_651 = arith.addi %mul3A_648, %add3A_650 : vector<16xi32>
        %gather3A_652 = tpu.vector_load_idx %arg13[%add3A_651] : memref<1088xf32, #tpu.memory_space<vmem>>[vector<16xi32>], vector<16xf32>,
        %add3A_653 = arith.addf %add3A_645, %gather3A_652 : vector<16xf32>
        %mul3A_654 = arith.constant 17 : i32
        %mul3A_655 = vector.broadcast %mul3A_654 : i32 to vector<16xi32>
        %mul3A_656 = arith.muli %iota3A, %mul3A_655 : vector<16xi32>
        %add3A_657 = arith.constant 284 : i32
        %add3A_658 = vector.broadcast %add3A_657 : i32 to vector<16xi32>
        %add3A_659 = arith.addi %mul3A_656, %add3A_658 : vector<16xi32>
        %gather3A_660 = tpu.vector_load_idx %arg13[%add3A_659] : memref<1088xf32, #tpu.memory_space<vmem>>[vector<16xi32>], vector<16xf32>,
        %add3A_661 = arith.addf %add3A_653, %gather3A_660 : vector<16xf32>
        %mul3A_662 = arith.constant 17 : i32
        %mul3A_663 = vector.broadcast %mul3A_662 : i32 to vector<16xi32>
        %mul3A_664 = arith.muli %iota3A, %mul3A_663 : vector<16xi32>
        %add3A_665 = arith.constant 285 : i32
        %add3A_666 = vector.broadcast %add3A_665 : i32 to vector<16xi32>
        %add3A_667 = arith.addi %mul3A_664, %add3A_666 : vector<16xi32>
        %gather3A_668 = tpu.vector_load_idx %arg13[%add3A_667] : memref<1088xf32, #tpu.memory_space<vmem>>[vector<16xi32>], vector<16xf32>,
        %add3A_669 = arith.addf %add3A_661, %gather3A_668 : vector<16xf32>
        %mul3A_670 = arith.constant 17 : i32
        %mul3A_671 = vector.broadcast %mul3A_670 : i32 to vector<16xi32>
        %mul3A_672 = arith.muli %iota3A, %mul3A_671 : vector<16xi32>
        %add3A_673 = arith.constant 286 : i32
        %add3A_674 = vector.broadcast %add3A_673 : i32 to vector<16xi32>
        %add3A_675 = arith.addi %mul3A_672, %add3A_674 : vector<16xi32>
        %gather3A_676 = tpu.vector_load_idx %arg13[%add3A_675] : memref<1088xf32, #tpu.memory_space<vmem>>[vector<16xi32>], vector<16xf32>,
        %add3A_677 = arith.addf %add3A_669, %gather3A_676 : vector<16xf32>
        %mul3A_678 = arith.constant 17 : i32
        %mul3A_679 = vector.broadcast %mul3A_678 : i32 to vector<16xi32>
        %mul3A_680 = arith.muli %iota3A, %mul3A_679 : vector<16xi32>
        %add3A_681 = arith.constant 287 : i32
        %add3A_682 = vector.broadcast %add3A_681 : i32 to vector<16xi32>
        %add3A_683 = arith.addi %mul3A_680, %add3A_682 : vector<16xi32>
        %gather3A_684 = tpu.vector_load_idx %arg13[%add3A_683] : memref<1088xf32, #tpu.memory_space<vmem>>[vector<16xi32>], vector<16xf32>,
        %add3A_685 = arith.addf %add3A_677, %gather3A_684 : vector<16xf32>
        %exp3A_686 = math.exp %add3A_685 : vector<16xf32>
        %add3A_687 = arith.constant 1 : i32
        %add3A_688 = vector.broadcast %add3A_687 : i32 to vector<16xi32>
        %add3A_689 = arith.addi %shift_left3A_420, %add3A_688 : vector<16xi32>
        tpu.vector_store_idx %arg9[%add3A_414, %add3A_689], %exp3A_686 : memref<80x128xf32, #tpu.memory_space<vmem>>[vector<16xi32>, vector<16xi32>], vector<16xf32>,
        %broadcast_in_dim3A_690 = arith.constant 0.000000e+00 : f32
        %broadcast_in_dim3A_691 = vector.broadcast %broadcast_in_dim3A_690 : f32 to vector<16xf32>
        %mul3A_692 = arith.constant 17 : i32
        %mul3A_693 = vector.broadcast %mul3A_692 : i32 to vector<16xi32>
        %mul3A_694 = arith.muli %iota3A, %mul3A_693 : vector<16xi32>
        %add3A_695 = arith.constant 544 : i32
        %add3A_696 = vector.broadcast %add3A_695 : i32 to vector<16xi32>
        %add3A_697 = arith.addi %mul3A_694, %add3A_696 : vector<16xi32>
        %gather3A_698 = tpu.vector_load_idx %arg13[%add3A_697] : memref<1088xf32, #tpu.memory_space<vmem>>[vector<16xi32>], vector<16xf32>,
        %add3A_699 = arith.addf %broadcast_in_dim3A_691, %gather3A_698 : vector<16xf32>
        %mul3A_700 = arith.constant 17 : i32
        %mul3A_701 = vector.broadcast %mul3A_700 : i32 to vector<16xi32>
        %mul3A_702 = arith.muli %iota3A, %mul3A_701 : vector<16xi32>
        %add3A_703 = arith.constant 545 : i32
        %add3A_704 = vector.broadcast %add3A_703 : i32 to vector<16xi32>
        %add3A_705 = arith.addi %mul3A_702, %add3A_704 : vector<16xi32>
        %gather3A_706 = tpu.vector_load_idx %arg13[%add3A_705] : memref<1088xf32, #tpu.memory_space<vmem>>[vector<16xi32>], vector<16xf32>,
        %add3A_707 = arith.addf %add3A_699, %gather3A_706 : vector<16xf32>
        %mul3A_708 = arith.constant 17 : i32
        %mul3A_709 = vector.broadcast %mul3A_708 : i32 to vector<16xi32>
        %mul3A_710 = arith.muli %iota3A, %mul3A_709 : vector<16xi32>
        %add3A_711 = arith.constant 546 : i32
        %add3A_712 = vector.broadcast %add3A_711 : i32 to vector<16xi32>
        %add3A_713 = arith.addi %mul3A_710, %add3A_712 : vector<16xi32>
        %gather3A_714 = tpu.vector_load_idx %arg13[%add3A_713] : memref<1088xf32, #tpu.memory_space<vmem>>[vector<16xi32>], vector<16xf32>,
        %add3A_715 = arith.addf %add3A_707, %gather3A_714 : vector<16xf32>
        %mul3A_716 = arith.constant 17 : i32
        %mul3A_717 = vector.broadcast %mul3A_716 : i32 to vector<16xi32>
        %mul3A_718 = arith.muli %iota3A, %mul3A_717 : vector<16xi32>
        %add3A_719 = arith.constant 547 : i32
        %add3A_720 = vector.broadcast %add3A_719 : i32 to vector<16xi32>
        %add3A_721 = arith.addi %mul3A_718, %add3A_720 : vector<16xi32>
        %gather3A_722 = tpu.vector_load_idx %arg13[%add3A_721] : memref<1088xf32, #tpu.memory_space<vmem>>[vector<16xi32>], vector<16xf32>,
        %add3A_723 = arith.addf %add3A_715, %gather3A_722 : vector<16xf32>
        %mul3A_724 = arith.constant 17 : i32
        %mul3A_725 = vector.broadcast %mul3A_724 : i32 to vector<16xi32>
        %mul3A_726 = arith.muli %iota3A, %mul3A_725 : vector<16xi32>
        %add3A_727 = arith.constant 548 : i32
        %add3A_728 = vector.broadcast %add3A_727 : i32 to vector<16xi32>
        %add3A_729 = arith.addi %mul3A_726, %add3A_728 : vector<16xi32>
        %gather3A_730 = tpu.vector_load_idx %arg13[%add3A_729] : memref<1088xf32, #tpu.memory_space<vmem>>[vector<16xi32>], vector<16xf32>,
        %add3A_731 = arith.addf %add3A_723, %gather3A_730 : vector<16xf32>
        %mul3A_732 = arith.constant 17 : i32
        %mul3A_733 = vector.broadcast %mul3A_732 : i32 to vector<16xi32>
        %mul3A_734 = arith.muli %iota3A, %mul3A_733 : vector<16xi32>
        %add3A_735 = arith.constant 549 : i32
        %add3A_736 = vector.broadcast %add3A_735 : i32 to vector<16xi32>
        %add3A_737 = arith.addi %mul3A_734, %add3A_736 : vector<16xi32>
        %gather3A_738 = tpu.vector_load_idx %arg13[%add3A_737] : memref<1088xf32, #tpu.memory_space<vmem>>[vector<16xi32>], vector<16xf32>,
        %add3A_739 = arith.addf %add3A_731, %gather3A_738 : vector<16xf32>
        %mul3A_740 = arith.constant 17 : i32
        %mul3A_741 = vector.broadcast %mul3A_740 : i32 to vector<16xi32>
        %mul3A_742 = arith.muli %iota3A, %mul3A_741 : vector<16xi32>
        %add3A_743 = arith.constant 550 : i32
        %add3A_744 = vector.broadcast %add3A_743 : i32 to vector<16xi32>
        %add3A_745 = arith.addi %mul3A_742, %add3A_744 : vector<16xi32>
        %gather3A_746 = tpu.vector_load_idx %arg13[%add3A_745] : memref<1088xf32, #tpu.memory_space<vmem>>[vector<16xi32>], vector<16xf32>,
        %add3A_747 = arith.addf %add3A_739, %gather3A_746 : vector<16xf32>
        %mul3A_748 = arith.constant 17 : i32
        %mul3A_749 = vector.broadcast %mul3A_748 : i32 to vector<16xi32>
        %mul3A_750 = arith.muli %iota3A, %mul3A_749 : vector<16xi32>
        %add3A_751 = arith.constant 551 : i32
        %add3A_752 = vector.broadcast %add3A_751 : i32 to vector<16xi32>
        %add3A_753 = arith.addi %mul3A_750, %add3A_752 : vector<16xi32>
        %gather3A_754 = tpu.vector_load_idx %arg13[%add3A_753] : memref<1088xf32, #tpu.memory_space<vmem>>[vector<16xi32>], vector<16xf32>,
        %add3A_755 = arith.addf %add3A_747, %gather3A_754 : vector<16xf32>
        %mul3A_756 = arith.constant 17 : i32
        %mul3A_757 = vector.broadcast %mul3A_756 : i32 to vector<16xi32>
        %mul3A_758 = arith.muli %iota3A, %mul3A_757 : vector<16xi32>
        %add3A_759 = arith.constant 552 : i32
        %add3A_760 = vector.broadcast %add3A_759 : i32 to vector<16xi32>
        %add3A_761 = arith.addi %mul3A_758, %add3A_760 : vector<16xi32>
        %gather3A_762 = tpu.vector_load_idx %arg13[%add3A_761] : memref<1088xf32, #tpu.memory_space<vmem>>[vector<16xi32>], vector<16xf32>,
        %add3A_763 = arith.addf %add3A_755, %gather3A_762 : vector<16xf32>
        %mul3A_764 = arith.constant 17 : i32
        %mul3A_765 = vector.broadcast %mul3A_764 : i32 to vector<16xi32>
        %mul3A_766 = arith.muli %iota3A, %mul3A_765 : vector<16xi32>
        %add3A_767 = arith.constant 553 : i32
        %add3A_768 = vector.broadcast %add3A_767 : i32 to vector<16xi32>
        %add3A_769 = arith.addi %mul3A_766, %add3A_768 : vector<16xi32>
        %gather3A_770 = tpu.vector_load_idx %arg13[%add3A_769] : memref<1088xf32, #tpu.memory_space<vmem>>[vector<16xi32>], vector<16xf32>,
        %add3A_771 = arith.addf %add3A_763, %gather3A_770 : vector<16xf32>
        %mul3A_772 = arith.constant 17 : i32
        %mul3A_773 = vector.broadcast %mul3A_772 : i32 to vector<16xi32>
        %mul3A_774 = arith.muli %iota3A, %mul3A_773 : vector<16xi32>
        %add3A_775 = arith.constant 554 : i32
        %add3A_776 = vector.broadcast %add3A_775 : i32 to vector<16xi32>
        %add3A_777 = arith.addi %mul3A_774, %add3A_776 : vector<16xi32>
        %gather3A_778 = tpu.vector_load_idx %arg13[%add3A_777] : memref<1088xf32, #tpu.memory_space<vmem>>[vector<16xi32>], vector<16xf32>,
        %add3A_779 = arith.addf %add3A_771, %gather3A_778 : vector<16xf32>
        %mul3A_780 = arith.constant 17 : i32
        %mul3A_781 = vector.broadcast %mul3A_780 : i32 to vector<16xi32>
        %mul3A_782 = arith.muli %iota3A, %mul3A_781 : vector<16xi32>
        %add3A_783 = arith.constant 555 : i32
        %add3A_784 = vector.broadcast %add3A_783 : i32 to vector<16xi32>
        %add3A_785 = arith.addi %mul3A_782, %add3A_784 : vector<16xi32>
        %gather3A_786 = tpu.vector_load_idx %arg13[%add3A_785] : memref<1088xf32, #tpu.memory_space<vmem>>[vector<16xi32>], vector<16xf32>,
        %add3A_787 = arith.addf %add3A_779, %gather3A_786 : vector<16xf32>
        %mul3A_788 = arith.constant 17 : i32
        %mul3A_789 = vector.broadcast %mul3A_788 : i32 to vector<16xi32>
        %mul3A_790 = arith.muli %iota3A, %mul3A_789 : vector<16xi32>
        %add3A_791 = arith.constant 556 : i32
        %add3A_792 = vector.broadcast %add3A_791 : i32 to vector<16xi32>
        %add3A_793 = arith.addi %mul3A_790, %add3A_792 : vector<16xi32>
        %gather3A_794 = tpu.vector_load_idx %arg13[%add3A_793] : memref<1088xf32, #tpu.memory_space<vmem>>[vector<16xi32>], vector<16xf32>,
        %add3A_795 = arith.addf %add3A_787, %gather3A_794 : vector<16xf32>
        %mul3A_796 = arith.constant 17 : i32
        %mul3A_797 = vector.broadcast %mul3A_796 : i32 to vector<16xi32>
        %mul3A_798 = arith.muli %iota3A, %mul3A_797 : vector<16xi32>
        %add3A_799 = arith.constant 557 : i32
        %add3A_800 = vector.broadcast %add3A_799 : i32 to vector<16xi32>
        %add3A_801 = arith.addi %mul3A_798, %add3A_800 : vector<16xi32>
        %gather3A_802 = tpu.vector_load_idx %arg13[%add3A_801] : memref<1088xf32, #tpu.memory_space<vmem>>[vector<16xi32>], vector<16xf32>,
        %add3A_803 = arith.addf %add3A_795, %gather3A_802 : vector<16xf32>
        %mul3A_804 = arith.constant 17 : i32
        %mul3A_805 = vector.broadcast %mul3A_804 : i32 to vector<16xi32>
        %mul3A_806 = arith.muli %iota3A, %mul3A_805 : vector<16xi32>
        %add3A_807 = arith.constant 558 : i32
        %add3A_808 = vector.broadcast %add3A_807 : i32 to vector<16xi32>
        %add3A_809 = arith.addi %mul3A_806, %add3A_808 : vector<16xi32>
        %gather3A_810 = tpu.vector_load_idx %arg13[%add3A_809] : memref<1088xf32, #tpu.memory_space<vmem>>[vector<16xi32>], vector<16xf32>,
        %add3A_811 = arith.addf %add3A_803, %gather3A_810 : vector<16xf32>
        %mul3A_812 = arith.constant 17 : i32
        %mul3A_813 = vector.broadcast %mul3A_812 : i32 to vector<16xi32>
        %mul3A_814 = arith.muli %iota3A, %mul3A_813 : vector<16xi32>
        %add3A_815 = arith.constant 559 : i32
        %add3A_816 = vector.broadcast %add3A_815 : i32 to vector<16xi32>
        %add3A_817 = arith.addi %mul3A_814, %add3A_816 : vector<16xi32>
        %gather3A_818 = tpu.vector_load_idx %arg13[%add3A_817] : memref<1088xf32, #tpu.memory_space<vmem>>[vector<16xi32>], vector<16xf32>,
        %add3A_819 = arith.addf %add3A_811, %gather3A_818 : vector<16xf32>
        %exp3A_820 = math.exp %add3A_819 : vector<16xf32>
        %add3A_821 = arith.constant 2 : i32
        %add3A_822 = vector.broadcast %add3A_821 : i32 to vector<16xi32>
        %add3A_823 = arith.addi %shift_left3A_420, %add3A_822 : vector<16xi32>
        tpu.vector_store_idx %arg9[%add3A_414, %add3A_823], %exp3A_820 : memref<80x128xf32, #tpu.memory_space<vmem>>[vector<16xi32>, vector<16xi32>], vector<16xf32>,
        %broadcast_in_dim3A_824 = arith.constant 0.000000e+00 : f32
        %broadcast_in_dim3A_825 = vector.broadcast %broadcast_in_dim3A_824 : f32 to vector<16xf32>
        %mul3A_826 = arith.constant 17 : i32
        %mul3A_827 = vector.broadcast %mul3A_826 : i32 to vector<16xi32>
        %mul3A_828 = arith.muli %iota3A, %mul3A_827 : vector<16xi32>
        %add3A_829 = arith.constant 816 : i32
        %add3A_830 = vector.broadcast %add3A_829 : i32 to vector<16xi32>
        %add3A_831 = arith.addi %mul3A_828, %add3A_830 : vector<16xi32>
        %gather3A_832 = tpu.vector_load_idx %arg13[%add3A_831] : memref<1088xf32, #tpu.memory_space<vmem>>[vector<16xi32>], vector<16xf32>,
        %add3A_833 = arith.addf %broadcast_in_dim3A_825, %gather3A_832 : vector<16xf32>
        %mul3A_834 = arith.constant 17 : i32
        %mul3A_835 = vector.broadcast %mul3A_834 : i32 to vector<16xi32>
        %mul3A_836 = arith.muli %iota3A, %mul3A_835 : vector<16xi32>
        %add3A_837 = arith.constant 817 : i32
        %add3A_838 = vector.broadcast %add3A_837 : i32 to vector<16xi32>
        %add3A_839 = arith.addi %mul3A_836, %add3A_838 : vector<16xi32>
        %gather3A_840 = tpu.vector_load_idx %arg13[%add3A_839] : memref<1088xf32, #tpu.memory_space<vmem>>[vector<16xi32>], vector<16xf32>,
        %add3A_841 = arith.addf %add3A_833, %gather3A_840 : vector<16xf32>
        %mul3A_842 = arith.constant 17 : i32
        %mul3A_843 = vector.broadcast %mul3A_842 : i32 to vector<16xi32>
        %mul3A_844 = arith.muli %iota3A, %mul3A_843 : vector<16xi32>
        %add3A_845 = arith.constant 818 : i32
        %add3A_846 = vector.broadcast %add3A_845 : i32 to vector<16xi32>
        %add3A_847 = arith.addi %mul3A_844, %add3A_846 : vector<16xi32>
        %gather3A_848 = tpu.vector_load_idx %arg13[%add3A_847] : memref<1088xf32, #tpu.memory_space<vmem>>[vector<16xi32>], vector<16xf32>,
        %add3A_849 = arith.addf %add3A_841, %gather3A_848 : vector<16xf32>
        %mul3A_850 = arith.constant 17 : i32
        %mul3A_851 = vector.broadcast %mul3A_850 : i32 to vector<16xi32>
        %mul3A_852 = arith.muli %iota3A, %mul3A_851 : vector<16xi32>
        %add3A_853 = arith.constant 819 : i32
        %add3A_854 = vector.broadcast %add3A_853 : i32 to vector<16xi32>
        %add3A_855 = arith.addi %mul3A_852, %add3A_854 : vector<16xi32>
        %gather3A_856 = tpu.vector_load_idx %arg13[%add3A_855] : memref<1088xf32, #tpu.memory_space<vmem>>[vector<16xi32>], vector<16xf32>,
        %add3A_857 = arith.addf %add3A_849, %gather3A_856 : vector<16xf32>
        %mul3A_858 = arith.constant 17 : i32
        %mul3A_859 = vector.broadcast %mul3A_858 : i32 to vector<16xi32>
        %mul3A_860 = arith.muli %iota3A, %mul3A_859 : vector<16xi32>
        %add3A_861 = arith.constant 820 : i32
        %add3A_862 = vector.broadcast %add3A_861 : i32 to vector<16xi32>
        %add3A_863 = arith.addi %mul3A_860, %add3A_862 : vector<16xi32>
        %gather3A_864 = tpu.vector_load_idx %arg13[%add3A_863] : memref<1088xf32, #tpu.memory_space<vmem>>[vector<16xi32>], vector<16xf32>,
        %add3A_865 = arith.addf %add3A_857, %gather3A_864 : vector<16xf32>
        %mul3A_866 = arith.constant 17 : i32
        %mul3A_867 = vector.broadcast %mul3A_866 : i32 to vector<16xi32>
        %mul3A_868 = arith.muli %iota3A, %mul3A_867 : vector<16xi32>
        %add3A_869 = arith.constant 821 : i32
        %add3A_870 = vector.broadcast %add3A_869 : i32 to vector<16xi32>
        %add3A_871 = arith.addi %mul3A_868, %add3A_870 : vector<16xi32>
        %gather3A_872 = tpu.vector_load_idx %arg13[%add3A_871] : memref<1088xf32, #tpu.memory_space<vmem>>[vector<16xi32>], vector<16xf32>,
        %add3A_873 = arith.addf %add3A_865, %gather3A_872 : vector<16xf32>
        %mul3A_874 = arith.constant 17 : i32
        %mul3A_875 = vector.broadcast %mul3A_874 : i32 to vector<16xi32>
        %mul3A_876 = arith.muli %iota3A, %mul3A_875 : vector<16xi32>
        %add3A_877 = arith.constant 822 : i32
        %add3A_878 = vector.broadcast %add3A_877 : i32 to vector<16xi32>
        %add3A_879 = arith.addi %mul3A_876, %add3A_878 : vector<16xi32>
        %gather3A_880 = tpu.vector_load_idx %arg13[%add3A_879] : memref<1088xf32, #tpu.memory_space<vmem>>[vector<16xi32>], vector<16xf32>,
        %add3A_881 = arith.addf %add3A_873, %gather3A_880 : vector<16xf32>
        %mul3A_882 = arith.constant 17 : i32
        %mul3A_883 = vector.broadcast %mul3A_882 : i32 to vector<16xi32>
        %mul3A_884 = arith.muli %iota3A, %mul3A_883 : vector<16xi32>
        %add3A_885 = arith.constant 823 : i32
        %add3A_886 = vector.broadcast %add3A_885 : i32 to vector<16xi32>
        %add3A_887 = arith.addi %mul3A_884, %add3A_886 : vector<16xi32>
        %gather3A_888 = tpu.vector_load_idx %arg13[%add3A_887] : memref<1088xf32, #tpu.memory_space<vmem>>[vector<16xi32>], vector<16xf32>,
        %add3A_889 = arith.addf %add3A_881, %gather3A_888 : vector<16xf32>
        %mul3A_890 = arith.constant 17 : i32
        %mul3A_891 = vector.broadcast %mul3A_890 : i32 to vector<16xi32>
        %mul3A_892 = arith.muli %iota3A, %mul3A_891 : vector<16xi32>
        %add3A_893 = arith.constant 824 : i32
        %add3A_894 = vector.broadcast %add3A_893 : i32 to vector<16xi32>
        %add3A_895 = arith.addi %mul3A_892, %add3A_894 : vector<16xi32>
        %gather3A_896 = tpu.vector_load_idx %arg13[%add3A_895] : memref<1088xf32, #tpu.memory_space<vmem>>[vector<16xi32>], vector<16xf32>,
        %add3A_897 = arith.addf %add3A_889, %gather3A_896 : vector<16xf32>
        %mul3A_898 = arith.constant 17 : i32
        %mul3A_899 = vector.broadcast %mul3A_898 : i32 to vector<16xi32>
        %mul3A_900 = arith.muli %iota3A, %mul3A_899 : vector<16xi32>
        %add3A_901 = arith.constant 825 : i32
        %add3A_902 = vector.broadcast %add3A_901 : i32 to vector<16xi32>
        %add3A_903 = arith.addi %mul3A_900, %add3A_902 : vector<16xi32>
        %gather3A_904 = tpu.vector_load_idx %arg13[%add3A_903] : memref<1088xf32, #tpu.memory_space<vmem>>[vector<16xi32>], vector<16xf32>,
        %add3A_905 = arith.addf %add3A_897, %gather3A_904 : vector<16xf32>
        %mul3A_906 = arith.constant 17 : i32
        %mul3A_907 = vector.broadcast %mul3A_906 : i32 to vector<16xi32>
        %mul3A_908 = arith.muli %iota3A, %mul3A_907 : vector<16xi32>
        %add3A_909 = arith.constant 826 : i32
        %add3A_910 = vector.broadcast %add3A_909 : i32 to vector<16xi32>
        %add3A_911 = arith.addi %mul3A_908, %add3A_910 : vector<16xi32>
        %gather3A_912 = tpu.vector_load_idx %arg13[%add3A_911] : memref<1088xf32, #tpu.memory_space<vmem>>[vector<16xi32>], vector<16xf32>,
        %add3A_913 = arith.addf %add3A_905, %gather3A_912 : vector<16xf32>
        %mul3A_914 = arith.constant 17 : i32
        %mul3A_915 = vector.broadcast %mul3A_914 : i32 to vector<16xi32>
        %mul3A_916 = arith.muli %iota3A, %mul3A_915 : vector<16xi32>
        %add3A_917 = arith.constant 827 : i32
        %add3A_918 = vector.broadcast %add3A_917 : i32 to vector<16xi32>
        %add3A_919 = arith.addi %mul3A_916, %add3A_918 : vector<16xi32>
        %gather3A_920 = tpu.vector_load_idx %arg13[%add3A_919] : memref<1088xf32, #tpu.memory_space<vmem>>[vector<16xi32>], vector<16xf32>,
        %add3A_921 = arith.addf %add3A_913, %gather3A_920 : vector<16xf32>
        %mul3A_922 = arith.constant 17 : i32
        %mul3A_923 = vector.broadcast %mul3A_922 : i32 to vector<16xi32>
        %mul3A_924 = arith.muli %iota3A, %mul3A_923 : vector<16xi32>
        %add3A_925 = arith.constant 828 : i32
        %add3A_926 = vector.broadcast %add3A_925 : i32 to vector<16xi32>
        %add3A_927 = arith.addi %mul3A_924, %add3A_926 : vector<16xi32>
        %gather3A_928 = tpu.vector_load_idx %arg13[%add3A_927] : memref<1088xf32, #tpu.memory_space<vmem>>[vector<16xi32>], vector<16xf32>,
        %add3A_929 = arith.addf %add3A_921, %gather3A_928 : vector<16xf32>
        %mul3A_930 = arith.constant 17 : i32
        %mul3A_931 = vector.broadcast %mul3A_930 : i32 to vector<16xi32>
        %mul3A_932 = arith.muli %iota3A, %mul3A_931 : vector<16xi32>
        %add3A_933 = arith.constant 829 : i32
        %add3A_934 = vector.broadcast %add3A_933 : i32 to vector<16xi32>
        %add3A_935 = arith.addi %mul3A_932, %add3A_934 : vector<16xi32>
        %gather3A_936 = tpu.vector_load_idx %arg13[%add3A_935] : memref<1088xf32, #tpu.memory_space<vmem>>[vector<16xi32>], vector<16xf32>,
        %add3A_937 = arith.addf %add3A_929, %gather3A_936 : vector<16xf32>
        %mul3A_938 = arith.constant 17 : i32
        %mul3A_939 = vector.broadcast %mul3A_938 : i32 to vector<16xi32>
        %mul3A_940 = arith.muli %iota3A, %mul3A_939 : vector<16xi32>
        %add3A_941 = arith.constant 830 : i32
        %add3A_942 = vector.broadcast %add3A_941 : i32 to vector<16xi32>
        %add3A_943 = arith.addi %mul3A_940, %add3A_942 : vector<16xi32>
        %gather3A_944 = tpu.vector_load_idx %arg13[%add3A_943] : memref<1088xf32, #tpu.memory_space<vmem>>[vector<16xi32>], vector<16xf32>,
        %add3A_945 = arith.addf %add3A_937, %gather3A_944 : vector<16xf32>
        %mul3A_946 = arith.constant 17 : i32
        %mul3A_947 = vector.broadcast %mul3A_946 : i32 to vector<16xi32>
        %mul3A_948 = arith.muli %iota3A, %mul3A_947 : vector<16xi32>
        %add3A_949 = arith.constant 831 : i32
        %add3A_950 = vector.broadcast %add3A_949 : i32 to vector<16xi32>
        %add3A_951 = arith.addi %mul3A_948, %add3A_950 : vector<16xi32>
        %gather3A_952 = tpu.vector_load_idx %arg13[%add3A_951] : memref<1088xf32, #tpu.memory_space<vmem>>[vector<16xi32>], vector<16xf32>,
        %add3A_953 = arith.addf %add3A_945, %gather3A_952 : vector<16xf32>
        %exp3A_954 = math.exp %add3A_953 : vector<16xf32>
        %add3A_955 = arith.constant 3 : i32
        %add3A_956 = vector.broadcast %add3A_955 : i32 to vector<16xi32>
        %add3A_957 = arith.addi %shift_left3A_420, %add3A_956 : vector<16xi32>
        tpu.vector_store_idx %arg9[%add3A_414, %add3A_957], %exp3A_954 : memref<80x128xf32, #tpu.memory_space<vmem>>[vector<16xi32>, vector<16xi32>], vector<16xf32>,
        %parallel_loop3A_958 = arith.constant 0 : i32
        %parallel_loop3A_959 = arith.constant 16 : i32
        %parallel_loop3A_960 = arith.constant 1 : i32
        scf.for %parallel_loop3A_962 = %parallel_loop3A_958 to %parallel_loop3A_959 step %parallel_loop3A_960  : i32 {
          %parallel_loop3A_963 = arith.constant 16 : i32
          %parallel_loop3A_964 = arith.muli %scan3A_409, %parallel_loop3A_963 : i32
          %parallel_loop3A_965 = arith.addi %parallel_loop3A_964, %parallel_loop3A_962 : i32
          %parallel_loop3A_966 = vector.broadcast %parallel_loop3A_962 : i32 to vector<16xi32>
          %parallel_loop3A_967 = arith.constant 0 : i32
          %parallel_loop3A_968 = vector.broadcast %parallel_loop3A_967 : i32 to vector<16xi32>
          %parallel_loop3A_969 = arith.cmpi slt, %parallel_loop3A_966, %parallel_loop3A_968 : vector<16xi32>
          %parallel_loop3A_970 = arith.constant 16 : i32
          %parallel_loop3A_971 = vector.broadcast %parallel_loop3A_970 : i32 to vector<16xi32>
          %parallel_loop3A_972 = arith.addi %parallel_loop3A_966, %parallel_loop3A_971 : vector<16xi32>
          %parallel_loop3A_973 = arith.select %parallel_loop3A_969, %parallel_loop3A_972, %parallel_loop3A_966 : vector<16xi1>, vector<16xi32>
          %parallel_loop3A_974 = vector.shape_cast %parallel_loop3A_973 : vector<16xi32> to vector<16x1xi32>
          %parallel_loop3A_975 = vector.shape_cast %parallel_loop3A_974 : vector<16x1xi32> to vector<16xi32>
          %parallel_loop3A_976 = tpu.dynamic_gather %exp3A[%parallel_loop3A_975] in [0] : vector<16xf32>, vector<16xi32> -> vector<16xf32>
          %parallel_loop3A_977 = arith.index_cast %parallel_loop3A_965 : i32 to index
          %parallel_loop3A_978 = arith.constant 128 : index
          %parallel_loop3A_979 = tpu.vector_load %arg7[%parallel_loop3A_977, %parallel_loop3A_978] {strides = array<i32>} : memref<80x256xf32, #tpu.memory_space<vmem>>, vector<16xf32>,
          %parallel_loop3A_980 = arith.mulf %parallel_loop3A_979, %parallel_loop3A_976 : vector<16xf32>
          %parallel_loop3A_981 = arith.index_cast %parallel_loop3A_965 : i32 to index
          %parallel_loop3A_982 = arith.constant 0 : index
          %parallel_loop3A_983 = tpu.vector_load %arg8[%parallel_loop3A_981, %parallel_loop3A_982] {strides = array<i32>} : memref<80x128xf32, #tpu.memory_space<vmem>>, vector<16xf32>,
          tpu.vector_store %arg8[%parallel_loop3A_981, %parallel_loop3A_982], %parallel_loop3A_980 {strides = array<i32>} : memref<80x128xf32, #tpu.memory_space<vmem>>, vector<16xf32>,
          %parallel_loop3A_984 = arith.index_cast %parallel_loop3A_965 : i32 to index
          %parallel_loop3A_985 = arith.constant 144 : index
          %parallel_loop3A_986 = tpu.vector_load %arg7[%parallel_loop3A_984, %parallel_loop3A_985] {strides = array<i32>} : memref<80x256xf32, #tpu.memory_space<vmem>>, vector<16xf32>,
          %parallel_loop3A_987 = arith.mulf %parallel_loop3A_986, %parallel_loop3A_976 : vector<16xf32>
          %parallel_loop3A_988 = arith.index_cast %parallel_loop3A_965 : i32 to index
          %parallel_loop3A_989 = arith.constant 16 : index
          %parallel_loop3A_990 = tpu.vector_load %arg8[%parallel_loop3A_988, %parallel_loop3A_989] {strides = array<i32>} : memref<80x128xf32, #tpu.memory_space<vmem>>, vector<16xf32>,
          tpu.vector_store %arg8[%parallel_loop3A_988, %parallel_loop3A_989], %parallel_loop3A_987 {strides = array<i32>} : memref<80x128xf32, #tpu.memory_space<vmem>>, vector<16xf32>,
          %parallel_loop3A_991 = arith.constant 0 : i32
          %parallel_loop3A_992 = vector.broadcast %parallel_loop3A_991 : i32 to vector<16xi32>
          %parallel_loop3A_993 = arith.cmpi slt, %parallel_loop3A_966, %parallel_loop3A_992 : vector<16xi32>
          %parallel_loop3A_994 = arith.constant 16 : i32
          %parallel_loop3A_995 = vector.broadcast %parallel_loop3A_994 : i32 to vector<16xi32>
          %parallel_loop3A_996 = arith.addi %parallel_loop3A_966, %parallel_loop3A_995 : vector<16xi32>
          %parallel_loop3A_997 = arith.select %parallel_loop3A_993, %parallel_loop3A_996, %parallel_loop3A_966 : vector<16xi1>, vector<16xi32>
          %parallel_loop3A_998 = vector.shape_cast %parallel_loop3A_997 : vector<16xi32> to vector<16x1xi32>
          %parallel_loop3A_999 = vector.shape_cast %parallel_loop3A_998 : vector<16x1xi32> to vector<16xi32>
          %parallel_loop3A_1000 = tpu.dynamic_gather %exp3A_686[%parallel_loop3A_999] in [0] : vector<16xf32>, vector<16xi32> -> vector<16xf32>
          %parallel_loop3A_1001 = arith.index_cast %parallel_loop3A_965 : i32 to index
          %parallel_loop3A_1002 = arith.constant 160 : index
          %parallel_loop3A_1003 = tpu.vector_load %arg7[%parallel_loop3A_1001, %parallel_loop3A_1002] {strides = array<i32>} : memref<80x256xf32, #tpu.memory_space<vmem>>, vector<16xf32>,
          %parallel_loop3A_1004 = arith.mulf %parallel_loop3A_1003, %parallel_loop3A_1000 : vector<16xf32>
          %parallel_loop3A_1005 = arith.index_cast %parallel_loop3A_965 : i32 to index
          %parallel_loop3A_1006 = arith.constant 32 : index
          %parallel_loop3A_1007 = tpu.vector_load %arg8[%parallel_loop3A_1005, %parallel_loop3A_1006] {strides = array<i32>} : memref<80x128xf32, #tpu.memory_space<vmem>>, vector<16xf32>,
          tpu.vector_store %arg8[%parallel_loop3A_1005, %parallel_loop3A_1006], %parallel_loop3A_1004 {strides = array<i32>} : memref<80x128xf32, #tpu.memory_space<vmem>>, vector<16xf32>,
          %parallel_loop3A_1008 = arith.index_cast %parallel_loop3A_965 : i32 to index
          %parallel_loop3A_1009 = arith.constant 176 : index
          %parallel_loop3A_1010 = tpu.vector_load %arg7[%parallel_loop3A_1008, %parallel_loop3A_1009] {strides = array<i32>} : memref<80x256xf32, #tpu.memory_space<vmem>>, vector<16xf32>,
          %parallel_loop3A_1011 = arith.mulf %parallel_loop3A_1010, %parallel_loop3A_1000 : vector<16xf32>
          %parallel_loop3A_1012 = arith.index_cast %parallel_loop3A_965 : i32 to index
          %parallel_loop3A_1013 = arith.constant 48 : index
          %parallel_loop3A_1014 = tpu.vector_load %arg8[%parallel_loop3A_1012, %parallel_loop3A_1013] {strides = array<i32>} : memref<80x128xf32, #tpu.memory_space<vmem>>, vector<16xf32>,
          tpu.vector_store %arg8[%parallel_loop3A_1012, %parallel_loop3A_1013], %parallel_loop3A_1011 {strides = array<i32>} : memref<80x128xf32, #tpu.memory_space<vmem>>, vector<16xf32>,
          %parallel_loop3A_1015 = arith.constant 0 : i32
          %parallel_loop3A_1016 = vector.broadcast %parallel_loop3A_1015 : i32 to vector<16xi32>
          %parallel_loop3A_1017 = arith.cmpi slt, %parallel_loop3A_966, %parallel_loop3A_1016 : vector<16xi32>
          %parallel_loop3A_1018 = arith.constant 16 : i32
          %parallel_loop3A_1019 = vector.broadcast %parallel_loop3A_1018 : i32 to vector<16xi32>
          %parallel_loop3A_1020 = arith.addi %parallel_loop3A_966, %parallel_loop3A_1019 : vector<16xi32>
          %parallel_loop3A_1021 = arith.select %parallel_loop3A_1017, %parallel_loop3A_1020, %parallel_loop3A_966 : vector<16xi1>, vector<16xi32>
          %parallel_loop3A_1022 = vector.shape_cast %parallel_loop3A_1021 : vector<16xi32> to vector<16x1xi32>
          %parallel_loop3A_1023 = vector.shape_cast %parallel_loop3A_1022 : vector<16x1xi32> to vector<16xi32>
          %parallel_loop3A_1024 = tpu.dynamic_gather %exp3A_820[%parallel_loop3A_1023] in [0] : vector<16xf32>, vector<16xi32> -> vector<16xf32>
          %parallel_loop3A_1025 = arith.index_cast %parallel_loop3A_965 : i32 to index
          %parallel_loop3A_1026 = arith.constant 192 : index
          %parallel_loop3A_1027 = tpu.vector_load %arg7[%parallel_loop3A_1025, %parallel_loop3A_1026] {strides = array<i32>} : memref<80x256xf32, #tpu.memory_space<vmem>>, vector<16xf32>,
          %parallel_loop3A_1028 = arith.mulf %parallel_loop3A_1027, %parallel_loop3A_1024 : vector<16xf32>
          %parallel_loop3A_1029 = arith.index_cast %parallel_loop3A_965 : i32 to index
          %parallel_loop3A_1030 = arith.constant 64 : index
          %parallel_loop3A_1031 = tpu.vector_load %arg8[%parallel_loop3A_1029, %parallel_loop3A_1030] {strides = array<i32>} : memref<80x128xf32, #tpu.memory_space<vmem>>, vector<16xf32>,
          tpu.vector_store %arg8[%parallel_loop3A_1029, %parallel_loop3A_1030], %parallel_loop3A_1028 {strides = array<i32>} : memref<80x128xf32, #tpu.memory_space<vmem>>, vector<16xf32>,
          %parallel_loop3A_1032 = arith.index_cast %parallel_loop3A_965 : i32 to index
          %parallel_loop3A_1033 = arith.constant 208 : index
          %parallel_loop3A_1034 = tpu.vector_load %arg7[%parallel_loop3A_1032, %parallel_loop3A_1033] {strides = array<i32>} : memref<80x256xf32, #tpu.memory_space<vmem>>, vector<16xf32>,
          %parallel_loop3A_1035 = arith.mulf %parallel_loop3A_1034, %parallel_loop3A_1024 : vector<16xf32>
          %parallel_loop3A_1036 = arith.index_cast %parallel_loop3A_965 : i32 to index
          %parallel_loop3A_1037 = arith.constant 80 : index
          %parallel_loop3A_1038 = tpu.vector_load %arg8[%parallel_loop3A_1036, %parallel_loop3A_1037] {strides = array<i32>} : memref<80x128xf32, #tpu.memory_space<vmem>>, vector<16xf32>,
          tpu.vector_store %arg8[%parallel_loop3A_1036, %parallel_loop3A_1037], %parallel_loop3A_1035 {strides = array<i32>} : memref<80x128xf32, #tpu.memory_space<vmem>>, vector<16xf32>,
          %parallel_loop3A_1039 = arith.constant 0 : i32
          %parallel_loop3A_1040 = vector.broadcast %parallel_loop3A_1039 : i32 to vector<16xi32>
          %parallel_loop3A_1041 = arith.cmpi slt, %parallel_loop3A_966, %parallel_loop3A_1040 : vector<16xi32>
          %parallel_loop3A_1042 = arith.constant 16 : i32
          %parallel_loop3A_1043 = vector.broadcast %parallel_loop3A_1042 : i32 to vector<16xi32>
          %parallel_loop3A_1044 = arith.addi %parallel_loop3A_966, %parallel_loop3A_1043 : vector<16xi32>
          %parallel_loop3A_1045 = arith.select %parallel_loop3A_1041, %parallel_loop3A_1044, %parallel_loop3A_966 : vector<16xi1>, vector<16xi32>
          %parallel_loop3A_1046 = vector.shape_cast %parallel_loop3A_1045 : vector<16xi32> to vector<16x1xi32>
          %parallel_loop3A_1047 = vector.shape_cast %parallel_loop3A_1046 : vector<16x1xi32> to vector<16xi32>
          %parallel_loop3A_1048 = tpu.dynamic_gather %exp3A_954[%parallel_loop3A_1047] in [0] : vector<16xf32>, vector<16xi32> -> vector<16xf32>
          %parallel_loop3A_1049 = arith.index_cast %parallel_loop3A_965 : i32 to index
          %parallel_loop3A_1050 = arith.constant 224 : index
          %parallel_loop3A_1051 = tpu.vector_load %arg7[%parallel_loop3A_1049, %parallel_loop3A_1050] {strides = array<i32>} : memref<80x256xf32, #tpu.memory_space<vmem>>, vector<16xf32>,
          %parallel_loop3A_1052 = arith.mulf %parallel_loop3A_1051, %parallel_loop3A_1048 : vector<16xf32>
          %parallel_loop3A_1053 = arith.index_cast %parallel_loop3A_965 : i32 to index
          %parallel_loop3A_1054 = arith.constant 96 : index
          %parallel_loop3A_1055 = tpu.vector_load %arg8[%parallel_loop3A_1053, %parallel_loop3A_1054] {strides = array<i32>} : memref<80x128xf32, #tpu.memory_space<vmem>>, vector<16xf32>,
          tpu.vector_store %arg8[%parallel_loop3A_1053, %parallel_loop3A_1054], %parallel_loop3A_1052 {strides = array<i32>} : memref<80x128xf32, #tpu.memory_space<vmem>>, vector<16xf32>,
          %parallel_loop3A_1056 = arith.index_cast %parallel_loop3A_965 : i32 to index
          %parallel_loop3A_1057 = arith.constant 240 : index
          %parallel_loop3A_1058 = tpu.vector_load %arg7[%parallel_loop3A_1056, %parallel_loop3A_1057] {strides = array<i32>} : memref<80x256xf32, #tpu.memory_space<vmem>>, vector<16xf32>,
          %parallel_loop3A_1059 = arith.mulf %parallel_loop3A_1058, %parallel_loop3A_1048 : vector<16xf32>
          %parallel_loop3A_1060 = arith.index_cast %parallel_loop3A_965 : i32 to index
          %parallel_loop3A_1061 = arith.constant 112 : index
          %parallel_loop3A_1062 = tpu.vector_load %arg8[%parallel_loop3A_1060, %parallel_loop3A_1061] {strides = array<i32>} : memref<80x128xf32, #tpu.memory_space<vmem>>, vector<16xf32>,
          tpu.vector_store %arg8[%parallel_loop3A_1060, %parallel_loop3A_1061], %parallel_loop3A_1059 {strides = array<i32>} : memref<80x128xf32, #tpu.memory_space<vmem>>, vector<16xf32>,
        } {sc.loop_unroll_factor = 8 : i64, sc.parallel_access}
        %scan3A_961 = arith.constant 0 : i32
        scf.yield %scan3A_961 : i32
      }
      %scan3A_388 = arith.constant 5 : i32
      %dma_start3A_389 = arith.constant 0 : i32
      %dma_start3A_390 = arith.constant 0 : i32
      %dma_start3A_391 = tpu.memref_slice %arg16[%dma_start3A_389, %dma_start3A_390] : memref<10240x128xf32, #tpu.memory_space<vmem_shared>> -> memref<10240x128xf32, #tpu.memory_space<vmem_shared>>
      tpu.enqueue_indirect_dma source(%arg8 : memref<80x128xf32, #tpu.memory_space<vmem>>) target(%dma_start3A_391 : memref<10240x128xf32, #tpu.memory_space<vmem_shared>>) offsets(%arg11 : memref<80xi32, #tpu.memory_space<vmem>>) semaphore(%arg18 : memref<!tpu.dma_semaphore, #tpu.memory_space<semaphore_mem>>) {add = true}
      %dma_start3A_392 = arith.constant 0 : i32
      %dma_start3A_393 = arith.constant 0 : i32
      %dma_start3A_394 = tpu.memref_slice %arg17[%dma_start3A_392, %dma_start3A_393] : memref<320x128xf32, #tpu.memory_space<vmem_shared>> -> memref<320x128xf32, #tpu.memory_space<vmem_shared>>
      tpu.enqueue_indirect_dma source(%arg9 : memref<80x128xf32, #tpu.memory_space<vmem>>) target(%dma_start3A_394 : memref<320x128xf32, #tpu.memory_space<vmem_shared>>) offsets(%arg12 : memref<80xi32, #tpu.memory_space<vmem>>) semaphore(%arg19 : memref<!tpu.dma_semaphore, #tpu.memory_space<semaphore_mem>>) {add = true}
      %dma_wait3A_395 = arith.constant 0 : i32
      %dma_wait3A_396 = arith.constant 0 : i32
      %dma_wait3A_397 = tpu.memref_slice %arg16[%dma_wait3A_395, %dma_wait3A_396] : memref<10240x128xf32, #tpu.memory_space<vmem_shared>> -> memref<10240x128xf32, #tpu.memory_space<vmem_shared>>
      tpu.wait_indirect_dma semaphore(%arg18 : memref<!tpu.dma_semaphore, #tpu.memory_space<semaphore_mem>>) src(%arg8 : memref<80x128xf32, #tpu.memory_space<vmem>>) dst(%dma_wait3A_397 : memref<10240x128xf32, #tpu.memory_space<vmem_shared>>)
      %dma_wait3A_398 = arith.constant 0 : i32
      %dma_wait3A_399 = arith.constant 0 : i32
      %dma_wait3A_400 = tpu.memref_slice %arg17[%dma_wait3A_398, %dma_wait3A_399] : memref<320x128xf32, #tpu.memory_space<vmem_shared>> -> memref<320x128xf32, #tpu.memory_space<vmem_shared>>
      tpu.wait_indirect_dma semaphore(%arg19 : memref<!tpu.dma_semaphore, #tpu.memory_space<semaphore_mem>>) src(%arg9 : memref<80x128xf32, #tpu.memory_space<vmem>>) dst(%dma_wait3A_400 : memref<320x128xf32, #tpu.memory_space<vmem_shared>>)
      %scan3A_401 = arith.constant 0 : i32
      %scan3A_402 = arith.constant 0 : i32
      %scan3A_403 = arith.constant 5 : i32
      %scan3A_404 = arith.addi %scan3A_402, %scan3A_403 : i32
      %scan3A_405 = arith.constant 1 : i32
      %scan3A_406 = scf.for %scan3A_409 = %scan3A_402 to %scan3A_404 step %scan3A_405 iter_args(%scan3A_410 = %scan3A_401) -> (i32)  : i32 {
        %iota3A_411 = tpu.iota {dimensions = array<i32: 0>} : vector<16xi32>
        %mul3A_412 = arith.constant 16 : i32
        %mul3A_413 = arith.muli %scan3A_409, %mul3A_412 : i32
        %add3A_414 = vector.broadcast %mul3A_413 : i32 to vector<16xi32>
        %add3A_415 = arith.addi %iota3A_411, %add3A_414 : vector<16xi32>
        %gather3A = tpu.vector_load_idx %arg11[%add3A_415] : memref<80xi32, #tpu.memory_space<vmem>>[vector<16xi32>], vector<16xi32>,
        %and3A = arith.constant 31 : i32
        %and3A_416 = vector.broadcast %and3A : i32 to vector<16xi32>
        %and3A_417 = arith.andi %gather3A, %and3A_416 : vector<16xi32>
        %shift_left3A = arith.constant 2 : i32
        %shift_left3A_418 = vector.broadcast %shift_left3A : i32 to vector<16xi32>
        %shift_left3A_419 = arith.shli %and3A_417, %shift_left3A_418 : vector<16xi32>
        %add3A_420 = arith.constant 0 : i32
        %add3A_421 = vector.broadcast %add3A_420 : i32 to vector<16xi32>
        %add3A_422 = arith.addi %shift_left3A_419, %add3A_421 : vector<16xi32>
        tpu.vector_store_idx %arg9[%add3A_415, %add3A_422], %broadcast_in_dim3A_1 : memref<80x128xf32, #tpu.memory_space<vmem>>[vector<16xi32>, vector<16xi32>], vector<16xf32>,
        %add3A_423 = arith.constant 1 : i32
        %add3A_424 = vector.broadcast %add3A_423 : i32 to vector<16xi32>
        %add3A_425 = arith.addi %shift_left3A_419, %add3A_424 : vector<16xi32>
        tpu.vector_store_idx %arg9[%add3A_415, %add3A_425], %broadcast_in_dim3A_1 : memref<80x128xf32, #tpu.memory_space<vmem>>[vector<16xi32>, vector<16xi32>], vector<16xf32>,
        %add3A_426 = arith.constant 2 : i32
        %add3A_427 = vector.broadcast %add3A_426 : i32 to vector<16xi32>
        %add3A_428 = arith.addi %shift_left3A_419, %add3A_427 : vector<16xi32>
        tpu.vector_store_idx %arg9[%add3A_415, %add3A_428], %broadcast_in_dim3A_1 : memref<80x128xf32, #tpu.memory_space<vmem>>[vector<16xi32>, vector<16xi32>], vector<16xf32>,
        %add3A_429 = arith.constant 3 : i32
        %add3A_430 = vector.broadcast %add3A_429 : i32 to vector<16xi32>
        %add3A_431 = arith.addi %shift_left3A_419, %add3A_430 : vector<16xi32>
        tpu.vector_store_idx %arg9[%add3A_415, %add3A_431], %broadcast_in_dim3A_1 : memref<80x128xf32, #tpu.memory_space<vmem>>[vector<16xi32>, vector<16xi32>], vector<16xf32>,
        %scan3A_432 = arith.constant 0 : i32
        scf.yield %scan3A_432 : i32
      }
      %scan3A_407 = arith.constant 5 : i32
      %scan3A_408 = arith.constant 0 : i32
      scf.yield %scan3A_408 : i32
    }
    %scan3A_190 = arith.constant 125 : i32
    %barrier3A_191 = arith.constant 0 : index
    tpu.barrier barrier_id(%barrier3A_191)
    %mul3A_192 = arith.constant 640 : i32
    %mul3A_193 = arith.muli %arg1, %mul3A_192 : i32
    %add3A_194 = arith.constant 0 : i32
    %add3A_195 = arith.addi %mul3A_193, %add3A_194 : i32
    "tpu.region"() ({
      %run_scoped3A = tpu.sem_alloc : memref<!tpu.dma_semaphore, #tpu.memory_space<semaphore_mem>>
      %dma_start3A = arith.constant 0 : i32
      %dma_start3A_357 = tpu.memref_slice %arg16[%add3A_195, %dma_start3A] : memref<10240x128xf32, #tpu.memory_space<vmem_shared>> -> memref<16x128xf32, #tpu.memory_space<vmem_shared>>
      %dma_start3A_358 = arith.constant 0 : i32
      %dma_start3A_359 = tpu.memref_slice %arg16[%add3A_195, %dma_start3A_358] : memref<10240x128xf32, #tpu.memory_space<vmem_shared>> -> memref<16x128xf32, #tpu.memory_space<vmem_shared>>
      tpu.enqueue_dma source(%dma_start3A_359 : memref<16x128xf32, #tpu.memory_space<vmem_shared>>) target(%arg14 : memref<16x128xf32, #tpu.memory_space<vmem>>) target_semaphore(%run_scoped3A : memref<!tpu.dma_semaphore, #tpu.memory_space<semaphore_mem>>)
      %dma_wait3A = arith.constant 0 : i32
      %dma_wait3A_360 = tpu.memref_slice %arg16[%add3A_195, %dma_wait3A] : memref<10240x128xf32, #tpu.memory_space<vmem_shared>> -> memref<16x128xf32, #tpu.memory_space<vmem_shared>>
      %dma_wait3A_361 = arith.constant 0 : i32
      %dma_wait3A_362 = tpu.memref_slice %arg16[%add3A_195, %dma_wait3A_361] : memref<10240x128xf32, #tpu.memory_space<vmem_shared>> -> memref<16x128xf32, #tpu.memory_space<vmem_shared>>
      tpu.wait_dma2 semaphore(%run_scoped3A : memref<!tpu.dma_semaphore, #tpu.memory_space<semaphore_mem>>) src(%dma_wait3A_362 : memref<16x128xf32, #tpu.memory_space<vmem_shared>>) dst(%arg14 : memref<16x128xf32, #tpu.memory_space<vmem>>)
      tpu.yield
    }) : () -> ()
    "tpu.region"() ({
      %run_scoped3A = tpu.sem_alloc : memref<!tpu.dma_semaphore, #tpu.memory_space<semaphore_mem>>
      %dma_start3A = arith.constant 0 : i32
      %dma_start3A_357 = tpu.memref_slice %arg6[%arg0, %add3A_195, %dma_start3A] : memref<2x10560x128xf32, #tpu.memory_space<hbm>> -> memref<1x16x128xf32, #tpu.memory_space<hbm>>
      %dma_start3A_358 = tpu.memref_squeeze %dma_start3A_357 : memref<1x16x128xf32, #tpu.memory_space<hbm>> -> memref<16x128xf32, #tpu.memory_space<hbm>>
      %dma_start3A_359 = arith.constant 0 : i32
      %dma_start3A_360 = tpu.memref_slice %arg6[%arg0, %add3A_195, %dma_start3A_359] : memref<2x10560x128xf32, #tpu.memory_space<hbm>> -> memref<1x16x128xf32, #tpu.memory_space<hbm>>
      %dma_start3A_361 = tpu.memref_squeeze %dma_start3A_360 : memref<1x16x128xf32, #tpu.memory_space<hbm>> -> memref<16x128xf32, #tpu.memory_space<hbm>>
      tpu.enqueue_dma source(%arg14 : memref<16x128xf32, #tpu.memory_space<vmem>>) target(%dma_start3A_361 : memref<16x128xf32, #tpu.memory_space<hbm>>) target_semaphore(%run_scoped3A : memref<!tpu.dma_semaphore, #tpu.memory_space<semaphore_mem>>)
      %dma_wait3A = arith.constant 0 : i32
      %dma_wait3A_362 = tpu.memref_slice %arg6[%arg0, %add3A_195, %dma_wait3A] : memref<2x10560x128xf32, #tpu.memory_space<hbm>> -> memref<1x16x128xf32, #tpu.memory_space<hbm>>
      %dma_wait3A_363 = tpu.memref_squeeze %dma_wait3A_362 : memref<1x16x128xf32, #tpu.memory_space<hbm>> -> memref<16x128xf32, #tpu.memory_space<hbm>>
      %dma_wait3A_364 = arith.constant 0 : i32
      %dma_wait3A_365 = tpu.memref_slice %arg6[%arg0, %add3A_195, %dma_wait3A_364] : memref<2x10560x128xf32, #tpu.memory_space<hbm>> -> memref<1x16x128xf32, #tpu.memory_space<hbm>>
      %dma_wait3A_366 = tpu.memref_squeeze %dma_wait3A_365 : memref<1x16x128xf32, #tpu.memory_space<hbm>> -> memref<16x128xf32, #tpu.memory_space<hbm>>
      tpu.wait_dma2 semaphore(%run_scoped3A : memref<!tpu.dma_semaphore, #tpu.memory_space<semaphore_mem>>) src(%arg14 : memref<16x128xf32, #tpu.memory_space<vmem>>) dst(%dma_wait3A_366 : memref<16x128xf32, #tpu.memory_space<hbm>>)
      tpu.yield
    }) : () -> ()
    %mul3A_196 = arith.constant 640 : i32
    %mul3A_197 = arith.muli %arg1, %mul3A_196 : i32
    %add3A_198 = arith.constant 16 : i32
    %add3A_199 = arith.addi %mul3A_197, %add3A_198 : i32
    "tpu.region"() ({
      %run_scoped3A = tpu.sem_alloc : memref<!tpu.dma_semaphore, #tpu.memory_space<semaphore_mem>>
      %dma_start3A = arith.constant 0 : i32
      %dma_start3A_357 = tpu.memref_slice %arg16[%add3A_199, %dma_start3A] : memref<10240x128xf32, #tpu.memory_space<vmem_shared>> -> memref<16x128xf32, #tpu.memory_space<vmem_shared>>
      %dma_start3A_358 = arith.constant 0 : i32
      %dma_start3A_359 = tpu.memref_slice %arg16[%add3A_199, %dma_start3A_358] : memref<10240x128xf32, #tpu.memory_space<vmem_shared>> -> memref<16x128xf32, #tpu.memory_space<vmem_shared>>
      tpu.enqueue_dma source(%dma_start3A_359 : memref<16x128xf32, #tpu.memory_space<vmem_shared>>) target(%arg14 : memref<16x128xf32, #tpu.memory_space<vmem>>) target_semaphore(%run_scoped3A : memref<!tpu.dma_semaphore, #tpu.memory_space<semaphore_mem>>)
      %dma_wait3A = arith.constant 0 : i32
      %dma_wait3A_360 = tpu.memref_slice %arg16[%add3A_199, %dma_wait3A] : memref<10240x128xf32, #tpu.memory_space<vmem_shared>> -> memref<16x128xf32, #tpu.memory_space<vmem_shared>>
      %dma_wait3A_361 = arith.constant 0 : i32
      %dma_wait3A_362 = tpu.memref_slice %arg16[%add3A_199, %dma_wait3A_361] : memref<10240x128xf32, #tpu.memory_space<vmem_shared>> -> memref<16x128xf32, #tpu.memory_space<vmem_shared>>
      tpu.wait_dma2 semaphore(%run_scoped3A : memref<!tpu.dma_semaphore, #tpu.memory_space<semaphore_mem>>) src(%dma_wait3A_362 : memref<16x128xf32, #tpu.memory_space<vmem_shared>>) dst(%arg14 : memref<16x128xf32, #tpu.memory_space<vmem>>)
      tpu.yield
    }) : () -> ()
    "tpu.region"() ({
      %run_scoped3A = tpu.sem_alloc : memref<!tpu.dma_semaphore, #tpu.memory_space<semaphore_mem>>
      %dma_start3A = arith.constant 0 : i32
      %dma_start3A_357 = tpu.memref_slice %arg6[%arg0, %add3A_199, %dma_start3A] : memref<2x10560x128xf32, #tpu.memory_space<hbm>> -> memref<1x16x128xf32, #tpu.memory_space<hbm>>
      %dma_start3A_358 = tpu.memref_squeeze %dma_start3A_357 : memref<1x16x128xf32, #tpu.memory_space<hbm>> -> memref<16x128xf32, #tpu.memory_space<hbm>>
      %dma_start3A_359 = arith.constant 0 : i32
      %dma_start3A_360 = tpu.memref_slice %arg6[%arg0, %add3A_199, %dma_start3A_359] : memref<2x10560x128xf32, #tpu.memory_space<hbm>> -> memref<1x16x128xf32, #tpu.memory_space<hbm>>
      %dma_start3A_361 = tpu.memref_squeeze %dma_start3A_360 : memref<1x16x128xf32, #tpu.memory_space<hbm>> -> memref<16x128xf32, #tpu.memory_space<hbm>>
      tpu.enqueue_dma source(%arg14 : memref<16x128xf32, #tpu.memory_space<vmem>>) target(%dma_start3A_361 : memref<16x128xf32, #tpu.memory_space<hbm>>) target_semaphore(%run_scoped3A : memref<!tpu.dma_semaphore, #tpu.memory_space<semaphore_mem>>)
      %dma_wait3A = arith.constant 0 : i32
      %dma_wait3A_362 = tpu.memref_slice %arg6[%arg0, %add3A_199, %dma_wait3A] : memref<2x10560x128xf32, #tpu.memory_space<hbm>> -> memref<1x16x128xf32, #tpu.memory_space<hbm>>
      %dma_wait3A_363 = tpu.memref_squeeze %dma_wait3A_362 : memref<1x16x128xf32, #tpu.memory_space<hbm>> -> memref<16x128xf32, #tpu.memory_space<hbm>>
      %dma_wait3A_364 = arith.constant 0 : i32
      %dma_wait3A_365 = tpu.memref_slice %arg6[%arg0, %add3A_199, %dma_wait3A_364] : memref<2x10560x128xf32, #tpu.memory_space<hbm>> -> memref<1x16x128xf32, #tpu.memory_space<hbm>>
      %dma_wait3A_366 = tpu.memref_squeeze %dma_wait3A_365 : memref<1x16x128xf32, #tpu.memory_space<hbm>> -> memref<16x128xf32, #tpu.memory_space<hbm>>
      tpu.wait_dma2 semaphore(%run_scoped3A : memref<!tpu.dma_semaphore, #tpu.memory_space<semaphore_mem>>) src(%arg14 : memref<16x128xf32, #tpu.memory_space<vmem>>) dst(%dma_wait3A_366 : memref<16x128xf32, #tpu.memory_space<hbm>>)
      tpu.yield
    }) : () -> ()
    %mul3A_200 = arith.constant 640 : i32
    %mul3A_201 = arith.muli %arg1, %mul3A_200 : i32
    %add3A_202 = arith.constant 32 : i32
    %add3A_203 = arith.addi %mul3A_201, %add3A_202 : i32
    "tpu.region"() ({
      %run_scoped3A = tpu.sem_alloc : memref<!tpu.dma_semaphore, #tpu.memory_space<semaphore_mem>>
      %dma_start3A = arith.constant 0 : i32
      %dma_start3A_357 = tpu.memref_slice %arg16[%add3A_203, %dma_start3A] : memref<10240x128xf32, #tpu.memory_space<vmem_shared>> -> memref<16x128xf32, #tpu.memory_space<vmem_shared>>
      %dma_start3A_358 = arith.constant 0 : i32
      %dma_start3A_359 = tpu.memref_slice %arg16[%add3A_203, %dma_start3A_358] : memref<10240x128xf32, #tpu.memory_space<vmem_shared>> -> memref<16x128xf32, #tpu.memory_space<vmem_shared>>
      tpu.enqueue_dma source(%dma_start3A_359 : memref<16x128xf32, #tpu.memory_space<vmem_shared>>) target(%arg14 : memref<16x128xf32, #tpu.memory_space<vmem>>) target_semaphore(%run_scoped3A : memref<!tpu.dma_semaphore, #tpu.memory_space<semaphore_mem>>)
      %dma_wait3A = arith.constant 0 : i32
      %dma_wait3A_360 = tpu.memref_slice %arg16[%add3A_203, %dma_wait3A] : memref<10240x128xf32, #tpu.memory_space<vmem_shared>> -> memref<16x128xf32, #tpu.memory_space<vmem_shared>>
      %dma_wait3A_361 = arith.constant 0 : i32
      %dma_wait3A_362 = tpu.memref_slice %arg16[%add3A_203, %dma_wait3A_361] : memref<10240x128xf32, #tpu.memory_space<vmem_shared>> -> memref<16x128xf32, #tpu.memory_space<vmem_shared>>
      tpu.wait_dma2 semaphore(%run_scoped3A : memref<!tpu.dma_semaphore, #tpu.memory_space<semaphore_mem>>) src(%dma_wait3A_362 : memref<16x128xf32, #tpu.memory_space<vmem_shared>>) dst(%arg14 : memref<16x128xf32, #tpu.memory_space<vmem>>)
      tpu.yield
    }) : () -> ()
    "tpu.region"() ({
      %run_scoped3A = tpu.sem_alloc : memref<!tpu.dma_semaphore, #tpu.memory_space<semaphore_mem>>
      %dma_start3A = arith.constant 0 : i32
      %dma_start3A_357 = tpu.memref_slice %arg6[%arg0, %add3A_203, %dma_start3A] : memref<2x10560x128xf32, #tpu.memory_space<hbm>> -> memref<1x16x128xf32, #tpu.memory_space<hbm>>
      %dma_start3A_358 = tpu.memref_squeeze %dma_start3A_357 : memref<1x16x128xf32, #tpu.memory_space<hbm>> -> memref<16x128xf32, #tpu.memory_space<hbm>>
      %dma_start3A_359 = arith.constant 0 : i32
      %dma_start3A_360 = tpu.memref_slice %arg6[%arg0, %add3A_203, %dma_start3A_359] : memref<2x10560x128xf32, #tpu.memory_space<hbm>> -> memref<1x16x128xf32, #tpu.memory_space<hbm>>
      %dma_start3A_361 = tpu.memref_squeeze %dma_start3A_360 : memref<1x16x128xf32, #tpu.memory_space<hbm>> -> memref<16x128xf32, #tpu.memory_space<hbm>>
      tpu.enqueue_dma source(%arg14 : memref<16x128xf32, #tpu.memory_space<vmem>>) target(%dma_start3A_361 : memref<16x128xf32, #tpu.memory_space<hbm>>) target_semaphore(%run_scoped3A : memref<!tpu.dma_semaphore, #tpu.memory_space<semaphore_mem>>)
      %dma_wait3A = arith.constant 0 : i32
      %dma_wait3A_362 = tpu.memref_slice %arg6[%arg0, %add3A_203, %dma_wait3A] : memref<2x10560x128xf32, #tpu.memory_space<hbm>> -> memref<1x16x128xf32, #tpu.memory_space<hbm>>
      %dma_wait3A_363 = tpu.memref_squeeze %dma_wait3A_362 : memref<1x16x128xf32, #tpu.memory_space<hbm>> -> memref<16x128xf32, #tpu.memory_space<hbm>>
      %dma_wait3A_364 = arith.constant 0 : i32
      %dma_wait3A_365 = tpu.memref_slice %arg6[%arg0, %add3A_203, %dma_wait3A_364] : memref<2x10560x128xf32, #tpu.memory_space<hbm>> -> memref<1x16x128xf32, #tpu.memory_space<hbm>>
      %dma_wait3A_366 = tpu.memref_squeeze %dma_wait3A_365 : memref<1x16x128xf32, #tpu.memory_space<hbm>> -> memref<16x128xf32, #tpu.memory_space<hbm>>
      tpu.wait_dma2 semaphore(%run_scoped3A : memref<!tpu.dma_semaphore, #tpu.memory_space<semaphore_mem>>) src(%arg14 : memref<16x128xf32, #tpu.memory_space<vmem>>) dst(%dma_wait3A_366 : memref<16x128xf32, #tpu.memory_space<hbm>>)
      tpu.yield
    }) : () -> ()
    %mul3A_204 = arith.constant 640 : i32
    %mul3A_205 = arith.muli %arg1, %mul3A_204 : i32
    %add3A_206 = arith.constant 48 : i32
    %add3A_207 = arith.addi %mul3A_205, %add3A_206 : i32
    "tpu.region"() ({
      %run_scoped3A = tpu.sem_alloc : memref<!tpu.dma_semaphore, #tpu.memory_space<semaphore_mem>>
      %dma_start3A = arith.constant 0 : i32
      %dma_start3A_357 = tpu.memref_slice %arg16[%add3A_207, %dma_start3A] : memref<10240x128xf32, #tpu.memory_space<vmem_shared>> -> memref<16x128xf32, #tpu.memory_space<vmem_shared>>
      %dma_start3A_358 = arith.constant 0 : i32
      %dma_start3A_359 = tpu.memref_slice %arg16[%add3A_207, %dma_start3A_358] : memref<10240x128xf32, #tpu.memory_space<vmem_shared>> -> memref<16x128xf32, #tpu.memory_space<vmem_shared>>
      tpu.enqueue_dma source(%dma_start3A_359 : memref<16x128xf32, #tpu.memory_space<vmem_shared>>) target(%arg14 : memref<16x128xf32, #tpu.memory_space<vmem>>) target_semaphore(%run_scoped3A : memref<!tpu.dma_semaphore, #tpu.memory_space<semaphore_mem>>)
      %dma_wait3A = arith.constant 0 : i32
      %dma_wait3A_360 = tpu.memref_slice %arg16[%add3A_207, %dma_wait3A] : memref<10240x128xf32, #tpu.memory_space<vmem_shared>> -> memref<16x128xf32, #tpu.memory_space<vmem_shared>>
      %dma_wait3A_361 = arith.constant 0 : i32
      %dma_wait3A_362 = tpu.memref_slice %arg16[%add3A_207, %dma_wait3A_361] : memref<10240x128xf32, #tpu.memory_space<vmem_shared>> -> memref<16x128xf32, #tpu.memory_space<vmem_shared>>
      tpu.wait_dma2 semaphore(%run_scoped3A : memref<!tpu.dma_semaphore, #tpu.memory_space<semaphore_mem>>) src(%dma_wait3A_362 : memref<16x128xf32, #tpu.memory_space<vmem_shared>>) dst(%arg14 : memref<16x128xf32, #tpu.memory_space<vmem>>)
      tpu.yield
    }) : () -> ()
    "tpu.region"() ({
      %run_scoped3A = tpu.sem_alloc : memref<!tpu.dma_semaphore, #tpu.memory_space<semaphore_mem>>
      %dma_start3A = arith.constant 0 : i32
      %dma_start3A_357 = tpu.memref_slice %arg6[%arg0, %add3A_207, %dma_start3A] : memref<2x10560x128xf32, #tpu.memory_space<hbm>> -> memref<1x16x128xf32, #tpu.memory_space<hbm>>
      %dma_start3A_358 = tpu.memref_squeeze %dma_start3A_357 : memref<1x16x128xf32, #tpu.memory_space<hbm>> -> memref<16x128xf32, #tpu.memory_space<hbm>>
      %dma_start3A_359 = arith.constant 0 : i32
      %dma_start3A_360 = tpu.memref_slice %arg6[%arg0, %add3A_207, %dma_start3A_359] : memref<2x10560x128xf32, #tpu.memory_space<hbm>> -> memref<1x16x128xf32, #tpu.memory_space<hbm>>
      %dma_start3A_361 = tpu.memref_squeeze %dma_start3A_360 : memref<1x16x128xf32, #tpu.memory_space<hbm>> -> memref<16x128xf32, #tpu.memory_space<hbm>>
      tpu.enqueue_dma source(%arg14 : memref<16x128xf32, #tpu.memory_space<vmem>>) target(%dma_start3A_361 : memref<16x128xf32, #tpu.memory_space<hbm>>) target_semaphore(%run_scoped3A : memref<!tpu.dma_semaphore, #tpu.memory_space<semaphore_mem>>)
      %dma_wait3A = arith.constant 0 : i32
      %dma_wait3A_362 = tpu.memref_slice %arg6[%arg0, %add3A_207, %dma_wait3A] : memref<2x10560x128xf32, #tpu.memory_space<hbm>> -> memref<1x16x128xf32, #tpu.memory_space<hbm>>
      %dma_wait3A_363 = tpu.memref_squeeze %dma_wait3A_362 : memref<1x16x128xf32, #tpu.memory_space<hbm>> -> memref<16x128xf32, #tpu.memory_space<hbm>>
      %dma_wait3A_364 = arith.constant 0 : i32
      %dma_wait3A_365 = tpu.memref_slice %arg6[%arg0, %add3A_207, %dma_wait3A_364] : memref<2x10560x128xf32, #tpu.memory_space<hbm>> -> memref<1x16x128xf32, #tpu.memory_space<hbm>>
      %dma_wait3A_366 = tpu.memref_squeeze %dma_wait3A_365 : memref<1x16x128xf32, #tpu.memory_space<hbm>> -> memref<16x128xf32, #tpu.memory_space<hbm>>
      tpu.wait_dma2 semaphore(%run_scoped3A : memref<!tpu.dma_semaphore, #tpu.memory_space<semaphore_mem>>) src(%arg14 : memref<16x128xf32, #tpu.memory_space<vmem>>) dst(%dma_wait3A_366 : memref<16x128xf32, #tpu.memory_space<hbm>>)
      tpu.yield
    }) : () -> ()
    %mul3A_208 = arith.constant 640 : i32
    %mul3A_209 = arith.muli %arg1, %mul3A_208 : i32
    %add3A_210 = arith.constant 64 : i32
    %add3A_211 = arith.addi %mul3A_209, %add3A_210 : i32
    "tpu.region"() ({
      %run_scoped3A = tpu.sem_alloc : memref<!tpu.dma_semaphore, #tpu.memory_space<semaphore_mem>>
      %dma_start3A = arith.constant 0 : i32
      %dma_start3A_357 = tpu.memref_slice %arg16[%add3A_211, %dma_start3A] : memref<10240x128xf32, #tpu.memory_space<vmem_shared>> -> memref<16x128xf32, #tpu.memory_space<vmem_shared>>
      %dma_start3A_358 = arith.constant 0 : i32
      %dma_start3A_359 = tpu.memref_slice %arg16[%add3A_211, %dma_start3A_358] : memref<10240x128xf32, #tpu.memory_space<vmem_shared>> -> memref<16x128xf32, #tpu.memory_space<vmem_shared>>
      tpu.enqueue_dma source(%dma_start3A_359 : memref<16x128xf32, #tpu.memory_space<vmem_shared>>) target(%arg14 : memref<16x128xf32, #tpu.memory_space<vmem>>) target_semaphore(%run_scoped3A : memref<!tpu.dma_semaphore, #tpu.memory_space<semaphore_mem>>)
      %dma_wait3A = arith.constant 0 : i32
      %dma_wait3A_360 = tpu.memref_slice %arg16[%add3A_211, %dma_wait3A] : memref<10240x128xf32, #tpu.memory_space<vmem_shared>> -> memref<16x128xf32, #tpu.memory_space<vmem_shared>>
      %dma_wait3A_361 = arith.constant 0 : i32
      %dma_wait3A_362 = tpu.memref_slice %arg16[%add3A_211, %dma_wait3A_361] : memref<10240x128xf32, #tpu.memory_space<vmem_shared>> -> memref<16x128xf32, #tpu.memory_space<vmem_shared>>
      tpu.wait_dma2 semaphore(%run_scoped3A : memref<!tpu.dma_semaphore, #tpu.memory_space<semaphore_mem>>) src(%dma_wait3A_362 : memref<16x128xf32, #tpu.memory_space<vmem_shared>>) dst(%arg14 : memref<16x128xf32, #tpu.memory_space<vmem>>)
      tpu.yield
    }) : () -> ()
    "tpu.region"() ({
      %run_scoped3A = tpu.sem_alloc : memref<!tpu.dma_semaphore, #tpu.memory_space<semaphore_mem>>
      %dma_start3A = arith.constant 0 : i32
      %dma_start3A_357 = tpu.memref_slice %arg6[%arg0, %add3A_211, %dma_start3A] : memref<2x10560x128xf32, #tpu.memory_space<hbm>> -> memref<1x16x128xf32, #tpu.memory_space<hbm>>
      %dma_start3A_358 = tpu.memref_squeeze %dma_start3A_357 : memref<1x16x128xf32, #tpu.memory_space<hbm>> -> memref<16x128xf32, #tpu.memory_space<hbm>>
      %dma_start3A_359 = arith.constant 0 : i32
      %dma_start3A_360 = tpu.memref_slice %arg6[%arg0, %add3A_211, %dma_start3A_359] : memref<2x10560x128xf32, #tpu.memory_space<hbm>> -> memref<1x16x128xf32, #tpu.memory_space<hbm>>
      %dma_start3A_361 = tpu.memref_squeeze %dma_start3A_360 : memref<1x16x128xf32, #tpu.memory_space<hbm>> -> memref<16x128xf32, #tpu.memory_space<hbm>>
      tpu.enqueue_dma source(%arg14 : memref<16x128xf32, #tpu.memory_space<vmem>>) target(%dma_start3A_361 : memref<16x128xf32, #tpu.memory_space<hbm>>) target_semaphore(%run_scoped3A : memref<!tpu.dma_semaphore, #tpu.memory_space<semaphore_mem>>)
      %dma_wait3A = arith.constant 0 : i32
      %dma_wait3A_362 = tpu.memref_slice %arg6[%arg0, %add3A_211, %dma_wait3A] : memref<2x10560x128xf32, #tpu.memory_space<hbm>> -> memref<1x16x128xf32, #tpu.memory_space<hbm>>
      %dma_wait3A_363 = tpu.memref_squeeze %dma_wait3A_362 : memref<1x16x128xf32, #tpu.memory_space<hbm>> -> memref<16x128xf32, #tpu.memory_space<hbm>>
      %dma_wait3A_364 = arith.constant 0 : i32
      %dma_wait3A_365 = tpu.memref_slice %arg6[%arg0, %add3A_211, %dma_wait3A_364] : memref<2x10560x128xf32, #tpu.memory_space<hbm>> -> memref<1x16x128xf32, #tpu.memory_space<hbm>>
      %dma_wait3A_366 = tpu.memref_squeeze %dma_wait3A_365 : memref<1x16x128xf32, #tpu.memory_space<hbm>> -> memref<16x128xf32, #tpu.memory_space<hbm>>
      tpu.wait_dma2 semaphore(%run_scoped3A : memref<!tpu.dma_semaphore, #tpu.memory_space<semaphore_mem>>) src(%arg14 : memref<16x128xf32, #tpu.memory_space<vmem>>) dst(%dma_wait3A_366 : memref<16x128xf32, #tpu.memory_space<hbm>>)
      tpu.yield
    }) : () -> ()
    %mul3A_212 = arith.constant 640 : i32
    %mul3A_213 = arith.muli %arg1, %mul3A_212 : i32
    %add3A_214 = arith.constant 80 : i32
    %add3A_215 = arith.addi %mul3A_213, %add3A_214 : i32
    "tpu.region"() ({
      %run_scoped3A = tpu.sem_alloc : memref<!tpu.dma_semaphore, #tpu.memory_space<semaphore_mem>>
      %dma_start3A = arith.constant 0 : i32
      %dma_start3A_357 = tpu.memref_slice %arg16[%add3A_215, %dma_start3A] : memref<10240x128xf32, #tpu.memory_space<vmem_shared>> -> memref<16x128xf32, #tpu.memory_space<vmem_shared>>
      %dma_start3A_358 = arith.constant 0 : i32
      %dma_start3A_359 = tpu.memref_slice %arg16[%add3A_215, %dma_start3A_358] : memref<10240x128xf32, #tpu.memory_space<vmem_shared>> -> memref<16x128xf32, #tpu.memory_space<vmem_shared>>
      tpu.enqueue_dma source(%dma_start3A_359 : memref<16x128xf32, #tpu.memory_space<vmem_shared>>) target(%arg14 : memref<16x128xf32, #tpu.memory_space<vmem>>) target_semaphore(%run_scoped3A : memref<!tpu.dma_semaphore, #tpu.memory_space<semaphore_mem>>)
      %dma_wait3A = arith.constant 0 : i32
      %dma_wait3A_360 = tpu.memref_slice %arg16[%add3A_215, %dma_wait3A] : memref<10240x128xf32, #tpu.memory_space<vmem_shared>> -> memref<16x128xf32, #tpu.memory_space<vmem_shared>>
      %dma_wait3A_361 = arith.constant 0 : i32
      %dma_wait3A_362 = tpu.memref_slice %arg16[%add3A_215, %dma_wait3A_361] : memref<10240x128xf32, #tpu.memory_space<vmem_shared>> -> memref<16x128xf32, #tpu.memory_space<vmem_shared>>
      tpu.wait_dma2 semaphore(%run_scoped3A : memref<!tpu.dma_semaphore, #tpu.memory_space<semaphore_mem>>) src(%dma_wait3A_362 : memref<16x128xf32, #tpu.memory_space<vmem_shared>>) dst(%arg14 : memref<16x128xf32, #tpu.memory_space<vmem>>)
      tpu.yield
    }) : () -> ()
    "tpu.region"() ({
      %run_scoped3A = tpu.sem_alloc : memref<!tpu.dma_semaphore, #tpu.memory_space<semaphore_mem>>
      %dma_start3A = arith.constant 0 : i32
      %dma_start3A_357 = tpu.memref_slice %arg6[%arg0, %add3A_215, %dma_start3A] : memref<2x10560x128xf32, #tpu.memory_space<hbm>> -> memref<1x16x128xf32, #tpu.memory_space<hbm>>
      %dma_start3A_358 = tpu.memref_squeeze %dma_start3A_357 : memref<1x16x128xf32, #tpu.memory_space<hbm>> -> memref<16x128xf32, #tpu.memory_space<hbm>>
      %dma_start3A_359 = arith.constant 0 : i32
      %dma_start3A_360 = tpu.memref_slice %arg6[%arg0, %add3A_215, %dma_start3A_359] : memref<2x10560x128xf32, #tpu.memory_space<hbm>> -> memref<1x16x128xf32, #tpu.memory_space<hbm>>
      %dma_start3A_361 = tpu.memref_squeeze %dma_start3A_360 : memref<1x16x128xf32, #tpu.memory_space<hbm>> -> memref<16x128xf32, #tpu.memory_space<hbm>>
      tpu.enqueue_dma source(%arg14 : memref<16x128xf32, #tpu.memory_space<vmem>>) target(%dma_start3A_361 : memref<16x128xf32, #tpu.memory_space<hbm>>) target_semaphore(%run_scoped3A : memref<!tpu.dma_semaphore, #tpu.memory_space<semaphore_mem>>)
      %dma_wait3A = arith.constant 0 : i32
      %dma_wait3A_362 = tpu.memref_slice %arg6[%arg0, %add3A_215, %dma_wait3A] : memref<2x10560x128xf32, #tpu.memory_space<hbm>> -> memref<1x16x128xf32, #tpu.memory_space<hbm>>
      %dma_wait3A_363 = tpu.memref_squeeze %dma_wait3A_362 : memref<1x16x128xf32, #tpu.memory_space<hbm>> -> memref<16x128xf32, #tpu.memory_space<hbm>>
      %dma_wait3A_364 = arith.constant 0 : i32
      %dma_wait3A_365 = tpu.memref_slice %arg6[%arg0, %add3A_215, %dma_wait3A_364] : memref<2x10560x128xf32, #tpu.memory_space<hbm>> -> memref<1x16x128xf32, #tpu.memory_space<hbm>>
      %dma_wait3A_366 = tpu.memref_squeeze %dma_wait3A_365 : memref<1x16x128xf32, #tpu.memory_space<hbm>> -> memref<16x128xf32, #tpu.memory_space<hbm>>
      tpu.wait_dma2 semaphore(%run_scoped3A : memref<!tpu.dma_semaphore, #tpu.memory_space<semaphore_mem>>) src(%arg14 : memref<16x128xf32, #tpu.memory_space<vmem>>) dst(%dma_wait3A_366 : memref<16x128xf32, #tpu.memory_space<hbm>>)
      tpu.yield
    }) : () -> ()
    %mul3A_216 = arith.constant 640 : i32
    %mul3A_217 = arith.muli %arg1, %mul3A_216 : i32
    %add3A_218 = arith.constant 96 : i32
    %add3A_219 = arith.addi %mul3A_217, %add3A_218 : i32
    "tpu.region"() ({
      %run_scoped3A = tpu.sem_alloc : memref<!tpu.dma_semaphore, #tpu.memory_space<semaphore_mem>>
      %dma_start3A = arith.constant 0 : i32
      %dma_start3A_357 = tpu.memref_slice %arg16[%add3A_219, %dma_start3A] : memref<10240x128xf32, #tpu.memory_space<vmem_shared>> -> memref<16x128xf32, #tpu.memory_space<vmem_shared>>
      %dma_start3A_358 = arith.constant 0 : i32
      %dma_start3A_359 = tpu.memref_slice %arg16[%add3A_219, %dma_start3A_358] : memref<10240x128xf32, #tpu.memory_space<vmem_shared>> -> memref<16x128xf32, #tpu.memory_space<vmem_shared>>
      tpu.enqueue_dma source(%dma_start3A_359 : memref<16x128xf32, #tpu.memory_space<vmem_shared>>) target(%arg14 : memref<16x128xf32, #tpu.memory_space<vmem>>) target_semaphore(%run_scoped3A : memref<!tpu.dma_semaphore, #tpu.memory_space<semaphore_mem>>)
      %dma_wait3A = arith.constant 0 : i32
      %dma_wait3A_360 = tpu.memref_slice %arg16[%add3A_219, %dma_wait3A] : memref<10240x128xf32, #tpu.memory_space<vmem_shared>> -> memref<16x128xf32, #tpu.memory_space<vmem_shared>>
      %dma_wait3A_361 = arith.constant 0 : i32
      %dma_wait3A_362 = tpu.memref_slice %arg16[%add3A_219, %dma_wait3A_361] : memref<10240x128xf32, #tpu.memory_space<vmem_shared>> -> memref<16x128xf32, #tpu.memory_space<vmem_shared>>
      tpu.wait_dma2 semaphore(%run_scoped3A : memref<!tpu.dma_semaphore, #tpu.memory_space<semaphore_mem>>) src(%dma_wait3A_362 : memref<16x128xf32, #tpu.memory_space<vmem_shared>>) dst(%arg14 : memref<16x128xf32, #tpu.memory_space<vmem>>)
      tpu.yield
    }) : () -> ()
    "tpu.region"() ({
      %run_scoped3A = tpu.sem_alloc : memref<!tpu.dma_semaphore, #tpu.memory_space<semaphore_mem>>
      %dma_start3A = arith.constant 0 : i32
      %dma_start3A_357 = tpu.memref_slice %arg6[%arg0, %add3A_219, %dma_start3A] : memref<2x10560x128xf32, #tpu.memory_space<hbm>> -> memref<1x16x128xf32, #tpu.memory_space<hbm>>
      %dma_start3A_358 = tpu.memref_squeeze %dma_start3A_357 : memref<1x16x128xf32, #tpu.memory_space<hbm>> -> memref<16x128xf32, #tpu.memory_space<hbm>>
      %dma_start3A_359 = arith.constant 0 : i32
      %dma_start3A_360 = tpu.memref_slice %arg6[%arg0, %add3A_219, %dma_start3A_359] : memref<2x10560x128xf32, #tpu.memory_space<hbm>> -> memref<1x16x128xf32, #tpu.memory_space<hbm>>
      %dma_start3A_361 = tpu.memref_squeeze %dma_start3A_360 : memref<1x16x128xf32, #tpu.memory_space<hbm>> -> memref<16x128xf32, #tpu.memory_space<hbm>>
      tpu.enqueue_dma source(%arg14 : memref<16x128xf32, #tpu.memory_space<vmem>>) target(%dma_start3A_361 : memref<16x128xf32, #tpu.memory_space<hbm>>) target_semaphore(%run_scoped3A : memref<!tpu.dma_semaphore, #tpu.memory_space<semaphore_mem>>)
      %dma_wait3A = arith.constant 0 : i32
      %dma_wait3A_362 = tpu.memref_slice %arg6[%arg0, %add3A_219, %dma_wait3A] : memref<2x10560x128xf32, #tpu.memory_space<hbm>> -> memref<1x16x128xf32, #tpu.memory_space<hbm>>
      %dma_wait3A_363 = tpu.memref_squeeze %dma_wait3A_362 : memref<1x16x128xf32, #tpu.memory_space<hbm>> -> memref<16x128xf32, #tpu.memory_space<hbm>>
      %dma_wait3A_364 = arith.constant 0 : i32
      %dma_wait3A_365 = tpu.memref_slice %arg6[%arg0, %add3A_219, %dma_wait3A_364] : memref<2x10560x128xf32, #tpu.memory_space<hbm>> -> memref<1x16x128xf32, #tpu.memory_space<hbm>>
      %dma_wait3A_366 = tpu.memref_squeeze %dma_wait3A_365 : memref<1x16x128xf32, #tpu.memory_space<hbm>> -> memref<16x128xf32, #tpu.memory_space<hbm>>
      tpu.wait_dma2 semaphore(%run_scoped3A : memref<!tpu.dma_semaphore, #tpu.memory_space<semaphore_mem>>) src(%arg14 : memref<16x128xf32, #tpu.memory_space<vmem>>) dst(%dma_wait3A_366 : memref<16x128xf32, #tpu.memory_space<hbm>>)
      tpu.yield
    }) : () -> ()
    %mul3A_220 = arith.constant 640 : i32
    %mul3A_221 = arith.muli %arg1, %mul3A_220 : i32
    %add3A_222 = arith.constant 112 : i32
    %add3A_223 = arith.addi %mul3A_221, %add3A_222 : i32
    "tpu.region"() ({
      %run_scoped3A = tpu.sem_alloc : memref<!tpu.dma_semaphore, #tpu.memory_space<semaphore_mem>>
      %dma_start3A = arith.constant 0 : i32
      %dma_start3A_357 = tpu.memref_slice %arg16[%add3A_223, %dma_start3A] : memref<10240x128xf32, #tpu.memory_space<vmem_shared>> -> memref<16x128xf32, #tpu.memory_space<vmem_shared>>
      %dma_start3A_358 = arith.constant 0 : i32
      %dma_start3A_359 = tpu.memref_slice %arg16[%add3A_223, %dma_start3A_358] : memref<10240x128xf32, #tpu.memory_space<vmem_shared>> -> memref<16x128xf32, #tpu.memory_space<vmem_shared>>
      tpu.enqueue_dma source(%dma_start3A_359 : memref<16x128xf32, #tpu.memory_space<vmem_shared>>) target(%arg14 : memref<16x128xf32, #tpu.memory_space<vmem>>) target_semaphore(%run_scoped3A : memref<!tpu.dma_semaphore, #tpu.memory_space<semaphore_mem>>)
      %dma_wait3A = arith.constant 0 : i32
      %dma_wait3A_360 = tpu.memref_slice %arg16[%add3A_223, %dma_wait3A] : memref<10240x128xf32, #tpu.memory_space<vmem_shared>> -> memref<16x128xf32, #tpu.memory_space<vmem_shared>>
      %dma_wait3A_361 = arith.constant 0 : i32
      %dma_wait3A_362 = tpu.memref_slice %arg16[%add3A_223, %dma_wait3A_361] : memref<10240x128xf32, #tpu.memory_space<vmem_shared>> -> memref<16x128xf32, #tpu.memory_space<vmem_shared>>
      tpu.wait_dma2 semaphore(%run_scoped3A : memref<!tpu.dma_semaphore, #tpu.memory_space<semaphore_mem>>) src(%dma_wait3A_362 : memref<16x128xf32, #tpu.memory_space<vmem_shared>>) dst(%arg14 : memref<16x128xf32, #tpu.memory_space<vmem>>)
      tpu.yield
    }) : () -> ()
    "tpu.region"() ({
      %run_scoped3A = tpu.sem_alloc : memref<!tpu.dma_semaphore, #tpu.memory_space<semaphore_mem>>
      %dma_start3A = arith.constant 0 : i32
      %dma_start3A_357 = tpu.memref_slice %arg6[%arg0, %add3A_223, %dma_start3A] : memref<2x10560x128xf32, #tpu.memory_space<hbm>> -> memref<1x16x128xf32, #tpu.memory_space<hbm>>
      %dma_start3A_358 = tpu.memref_squeeze %dma_start3A_357 : memref<1x16x128xf32, #tpu.memory_space<hbm>> -> memref<16x128xf32, #tpu.memory_space<hbm>>
      %dma_start3A_359 = arith.constant 0 : i32
      %dma_start3A_360 = tpu.memref_slice %arg6[%arg0, %add3A_223, %dma_start3A_359] : memref<2x10560x128xf32, #tpu.memory_space<hbm>> -> memref<1x16x128xf32, #tpu.memory_space<hbm>>
      %dma_start3A_361 = tpu.memref_squeeze %dma_start3A_360 : memref<1x16x128xf32, #tpu.memory_space<hbm>> -> memref<16x128xf32, #tpu.memory_space<hbm>>
      tpu.enqueue_dma source(%arg14 : memref<16x128xf32, #tpu.memory_space<vmem>>) target(%dma_start3A_361 : memref<16x128xf32, #tpu.memory_space<hbm>>) target_semaphore(%run_scoped3A : memref<!tpu.dma_semaphore, #tpu.memory_space<semaphore_mem>>)
      %dma_wait3A = arith.constant 0 : i32
      %dma_wait3A_362 = tpu.memref_slice %arg6[%arg0, %add3A_223, %dma_wait3A] : memref<2x10560x128xf32, #tpu.memory_space<hbm>> -> memref<1x16x128xf32, #tpu.memory_space<hbm>>
      %dma_wait3A_363 = tpu.memref_squeeze %dma_wait3A_362 : memref<1x16x128xf32, #tpu.memory_space<hbm>> -> memref<16x128xf32, #tpu.memory_space<hbm>>
      %dma_wait3A_364 = arith.constant 0 : i32
      %dma_wait3A_365 = tpu.memref_slice %arg6[%arg0, %add3A_223, %dma_wait3A_364] : memref<2x10560x128xf32, #tpu.memory_space<hbm>> -> memref<1x16x128xf32, #tpu.memory_space<hbm>>
      %dma_wait3A_366 = tpu.memref_squeeze %dma_wait3A_365 : memref<1x16x128xf32, #tpu.memory_space<hbm>> -> memref<16x128xf32, #tpu.memory_space<hbm>>
      tpu.wait_dma2 semaphore(%run_scoped3A : memref<!tpu.dma_semaphore, #tpu.memory_space<semaphore_mem>>) src(%arg14 : memref<16x128xf32, #tpu.memory_space<vmem>>) dst(%dma_wait3A_366 : memref<16x128xf32, #tpu.memory_space<hbm>>)
      tpu.yield
    }) : () -> ()
    %mul3A_224 = arith.constant 640 : i32
    %mul3A_225 = arith.muli %arg1, %mul3A_224 : i32
    %add3A_226 = arith.constant 128 : i32
    %add3A_227 = arith.addi %mul3A_225, %add3A_226 : i32
    "tpu.region"() ({
      %run_scoped3A = tpu.sem_alloc : memref<!tpu.dma_semaphore, #tpu.memory_space<semaphore_mem>>
      %dma_start3A = arith.constant 0 : i32
      %dma_start3A_357 = tpu.memref_slice %arg16[%add3A_227, %dma_start3A] : memref<10240x128xf32, #tpu.memory_space<vmem_shared>> -> memref<16x128xf32, #tpu.memory_space<vmem_shared>>
      %dma_start3A_358 = arith.constant 0 : i32
      %dma_start3A_359 = tpu.memref_slice %arg16[%add3A_227, %dma_start3A_358] : memref<10240x128xf32, #tpu.memory_space<vmem_shared>> -> memref<16x128xf32, #tpu.memory_space<vmem_shared>>
      tpu.enqueue_dma source(%dma_start3A_359 : memref<16x128xf32, #tpu.memory_space<vmem_shared>>) target(%arg14 : memref<16x128xf32, #tpu.memory_space<vmem>>) target_semaphore(%run_scoped3A : memref<!tpu.dma_semaphore, #tpu.memory_space<semaphore_mem>>)
      %dma_wait3A = arith.constant 0 : i32
      %dma_wait3A_360 = tpu.memref_slice %arg16[%add3A_227, %dma_wait3A] : memref<10240x128xf32, #tpu.memory_space<vmem_shared>> -> memref<16x128xf32, #tpu.memory_space<vmem_shared>>
      %dma_wait3A_361 = arith.constant 0 : i32
      %dma_wait3A_362 = tpu.memref_slice %arg16[%add3A_227, %dma_wait3A_361] : memref<10240x128xf32, #tpu.memory_space<vmem_shared>> -> memref<16x128xf32, #tpu.memory_space<vmem_shared>>
      tpu.wait_dma2 semaphore(%run_scoped3A : memref<!tpu.dma_semaphore, #tpu.memory_space<semaphore_mem>>) src(%dma_wait3A_362 : memref<16x128xf32, #tpu.memory_space<vmem_shared>>) dst(%arg14 : memref<16x128xf32, #tpu.memory_space<vmem>>)
      tpu.yield
    }) : () -> ()
    "tpu.region"() ({
      %run_scoped3A = tpu.sem_alloc : memref<!tpu.dma_semaphore, #tpu.memory_space<semaphore_mem>>
      %dma_start3A = arith.constant 0 : i32
      %dma_start3A_357 = tpu.memref_slice %arg6[%arg0, %add3A_227, %dma_start3A] : memref<2x10560x128xf32, #tpu.memory_space<hbm>> -> memref<1x16x128xf32, #tpu.memory_space<hbm>>
      %dma_start3A_358 = tpu.memref_squeeze %dma_start3A_357 : memref<1x16x128xf32, #tpu.memory_space<hbm>> -> memref<16x128xf32, #tpu.memory_space<hbm>>
      %dma_start3A_359 = arith.constant 0 : i32
      %dma_start3A_360 = tpu.memref_slice %arg6[%arg0, %add3A_227, %dma_start3A_359] : memref<2x10560x128xf32, #tpu.memory_space<hbm>> -> memref<1x16x128xf32, #tpu.memory_space<hbm>>
      %dma_start3A_361 = tpu.memref_squeeze %dma_start3A_360 : memref<1x16x128xf32, #tpu.memory_space<hbm>> -> memref<16x128xf32, #tpu.memory_space<hbm>>
      tpu.enqueue_dma source(%arg14 : memref<16x128xf32, #tpu.memory_space<vmem>>) target(%dma_start3A_361 : memref<16x128xf32, #tpu.memory_space<hbm>>) target_semaphore(%run_scoped3A : memref<!tpu.dma_semaphore, #tpu.memory_space<semaphore_mem>>)
      %dma_wait3A = arith.constant 0 : i32
      %dma_wait3A_362 = tpu.memref_slice %arg6[%arg0, %add3A_227, %dma_wait3A] : memref<2x10560x128xf32, #tpu.memory_space<hbm>> -> memref<1x16x128xf32, #tpu.memory_space<hbm>>
      %dma_wait3A_363 = tpu.memref_squeeze %dma_wait3A_362 : memref<1x16x128xf32, #tpu.memory_space<hbm>> -> memref<16x128xf32, #tpu.memory_space<hbm>>
      %dma_wait3A_364 = arith.constant 0 : i32
      %dma_wait3A_365 = tpu.memref_slice %arg6[%arg0, %add3A_227, %dma_wait3A_364] : memref<2x10560x128xf32, #tpu.memory_space<hbm>> -> memref<1x16x128xf32, #tpu.memory_space<hbm>>
      %dma_wait3A_366 = tpu.memref_squeeze %dma_wait3A_365 : memref<1x16x128xf32, #tpu.memory_space<hbm>> -> memref<16x128xf32, #tpu.memory_space<hbm>>
      tpu.wait_dma2 semaphore(%run_scoped3A : memref<!tpu.dma_semaphore, #tpu.memory_space<semaphore_mem>>) src(%arg14 : memref<16x128xf32, #tpu.memory_space<vmem>>) dst(%dma_wait3A_366 : memref<16x128xf32, #tpu.memory_space<hbm>>)
      tpu.yield
    }) : () -> ()
    %mul3A_228 = arith.constant 640 : i32
    %mul3A_229 = arith.muli %arg1, %mul3A_228 : i32
    %add3A_230 = arith.constant 144 : i32
    %add3A_231 = arith.addi %mul3A_229, %add3A_230 : i32
    "tpu.region"() ({
      %run_scoped3A = tpu.sem_alloc : memref<!tpu.dma_semaphore, #tpu.memory_space<semaphore_mem>>
      %dma_start3A = arith.constant 0 : i32
      %dma_start3A_357 = tpu.memref_slice %arg16[%add3A_231, %dma_start3A] : memref<10240x128xf32, #tpu.memory_space<vmem_shared>> -> memref<16x128xf32, #tpu.memory_space<vmem_shared>>
      %dma_start3A_358 = arith.constant 0 : i32
      %dma_start3A_359 = tpu.memref_slice %arg16[%add3A_231, %dma_start3A_358] : memref<10240x128xf32, #tpu.memory_space<vmem_shared>> -> memref<16x128xf32, #tpu.memory_space<vmem_shared>>
      tpu.enqueue_dma source(%dma_start3A_359 : memref<16x128xf32, #tpu.memory_space<vmem_shared>>) target(%arg14 : memref<16x128xf32, #tpu.memory_space<vmem>>) target_semaphore(%run_scoped3A : memref<!tpu.dma_semaphore, #tpu.memory_space<semaphore_mem>>)
      %dma_wait3A = arith.constant 0 : i32
      %dma_wait3A_360 = tpu.memref_slice %arg16[%add3A_231, %dma_wait3A] : memref<10240x128xf32, #tpu.memory_space<vmem_shared>> -> memref<16x128xf32, #tpu.memory_space<vmem_shared>>
      %dma_wait3A_361 = arith.constant 0 : i32
      %dma_wait3A_362 = tpu.memref_slice %arg16[%add3A_231, %dma_wait3A_361] : memref<10240x128xf32, #tpu.memory_space<vmem_shared>> -> memref<16x128xf32, #tpu.memory_space<vmem_shared>>
      tpu.wait_dma2 semaphore(%run_scoped3A : memref<!tpu.dma_semaphore, #tpu.memory_space<semaphore_mem>>) src(%dma_wait3A_362 : memref<16x128xf32, #tpu.memory_space<vmem_shared>>) dst(%arg14 : memref<16x128xf32, #tpu.memory_space<vmem>>)
      tpu.yield
    }) : () -> ()
    "tpu.region"() ({
      %run_scoped3A = tpu.sem_alloc : memref<!tpu.dma_semaphore, #tpu.memory_space<semaphore_mem>>
      %dma_start3A = arith.constant 0 : i32
      %dma_start3A_357 = tpu.memref_slice %arg6[%arg0, %add3A_231, %dma_start3A] : memref<2x10560x128xf32, #tpu.memory_space<hbm>> -> memref<1x16x128xf32, #tpu.memory_space<hbm>>
      %dma_start3A_358 = tpu.memref_squeeze %dma_start3A_357 : memref<1x16x128xf32, #tpu.memory_space<hbm>> -> memref<16x128xf32, #tpu.memory_space<hbm>>
      %dma_start3A_359 = arith.constant 0 : i32
      %dma_start3A_360 = tpu.memref_slice %arg6[%arg0, %add3A_231, %dma_start3A_359] : memref<2x10560x128xf32, #tpu.memory_space<hbm>> -> memref<1x16x128xf32, #tpu.memory_space<hbm>>
      %dma_start3A_361 = tpu.memref_squeeze %dma_start3A_360 : memref<1x16x128xf32, #tpu.memory_space<hbm>> -> memref<16x128xf32, #tpu.memory_space<hbm>>
      tpu.enqueue_dma source(%arg14 : memref<16x128xf32, #tpu.memory_space<vmem>>) target(%dma_start3A_361 : memref<16x128xf32, #tpu.memory_space<hbm>>) target_semaphore(%run_scoped3A : memref<!tpu.dma_semaphore, #tpu.memory_space<semaphore_mem>>)
      %dma_wait3A = arith.constant 0 : i32
      %dma_wait3A_362 = tpu.memref_slice %arg6[%arg0, %add3A_231, %dma_wait3A] : memref<2x10560x128xf32, #tpu.memory_space<hbm>> -> memref<1x16x128xf32, #tpu.memory_space<hbm>>
      %dma_wait3A_363 = tpu.memref_squeeze %dma_wait3A_362 : memref<1x16x128xf32, #tpu.memory_space<hbm>> -> memref<16x128xf32, #tpu.memory_space<hbm>>
      %dma_wait3A_364 = arith.constant 0 : i32
      %dma_wait3A_365 = tpu.memref_slice %arg6[%arg0, %add3A_231, %dma_wait3A_364] : memref<2x10560x128xf32, #tpu.memory_space<hbm>> -> memref<1x16x128xf32, #tpu.memory_space<hbm>>
      %dma_wait3A_366 = tpu.memref_squeeze %dma_wait3A_365 : memref<1x16x128xf32, #tpu.memory_space<hbm>> -> memref<16x128xf32, #tpu.memory_space<hbm>>
      tpu.wait_dma2 semaphore(%run_scoped3A : memref<!tpu.dma_semaphore, #tpu.memory_space<semaphore_mem>>) src(%arg14 : memref<16x128xf32, #tpu.memory_space<vmem>>) dst(%dma_wait3A_366 : memref<16x128xf32, #tpu.memory_space<hbm>>)
      tpu.yield
    }) : () -> ()
    %mul3A_232 = arith.constant 640 : i32
    %mul3A_233 = arith.muli %arg1, %mul3A_232 : i32
    %add3A_234 = arith.constant 160 : i32
    %add3A_235 = arith.addi %mul3A_233, %add3A_234 : i32
    "tpu.region"() ({
      %run_scoped3A = tpu.sem_alloc : memref<!tpu.dma_semaphore, #tpu.memory_space<semaphore_mem>>
      %dma_start3A = arith.constant 0 : i32
      %dma_start3A_357 = tpu.memref_slice %arg16[%add3A_235, %dma_start3A] : memref<10240x128xf32, #tpu.memory_space<vmem_shared>> -> memref<16x128xf32, #tpu.memory_space<vmem_shared>>
      %dma_start3A_358 = arith.constant 0 : i32
      %dma_start3A_359 = tpu.memref_slice %arg16[%add3A_235, %dma_start3A_358] : memref<10240x128xf32, #tpu.memory_space<vmem_shared>> -> memref<16x128xf32, #tpu.memory_space<vmem_shared>>
      tpu.enqueue_dma source(%dma_start3A_359 : memref<16x128xf32, #tpu.memory_space<vmem_shared>>) target(%arg14 : memref<16x128xf32, #tpu.memory_space<vmem>>) target_semaphore(%run_scoped3A : memref<!tpu.dma_semaphore, #tpu.memory_space<semaphore_mem>>)
      %dma_wait3A = arith.constant 0 : i32
      %dma_wait3A_360 = tpu.memref_slice %arg16[%add3A_235, %dma_wait3A] : memref<10240x128xf32, #tpu.memory_space<vmem_shared>> -> memref<16x128xf32, #tpu.memory_space<vmem_shared>>
      %dma_wait3A_361 = arith.constant 0 : i32
      %dma_wait3A_362 = tpu.memref_slice %arg16[%add3A_235, %dma_wait3A_361] : memref<10240x128xf32, #tpu.memory_space<vmem_shared>> -> memref<16x128xf32, #tpu.memory_space<vmem_shared>>
      tpu.wait_dma2 semaphore(%run_scoped3A : memref<!tpu.dma_semaphore, #tpu.memory_space<semaphore_mem>>) src(%dma_wait3A_362 : memref<16x128xf32, #tpu.memory_space<vmem_shared>>) dst(%arg14 : memref<16x128xf32, #tpu.memory_space<vmem>>)
      tpu.yield
    }) : () -> ()
    "tpu.region"() ({
      %run_scoped3A = tpu.sem_alloc : memref<!tpu.dma_semaphore, #tpu.memory_space<semaphore_mem>>
      %dma_start3A = arith.constant 0 : i32
      %dma_start3A_357 = tpu.memref_slice %arg6[%arg0, %add3A_235, %dma_start3A] : memref<2x10560x128xf32, #tpu.memory_space<hbm>> -> memref<1x16x128xf32, #tpu.memory_space<hbm>>
      %dma_start3A_358 = tpu.memref_squeeze %dma_start3A_357 : memref<1x16x128xf32, #tpu.memory_space<hbm>> -> memref<16x128xf32, #tpu.memory_space<hbm>>
      %dma_start3A_359 = arith.constant 0 : i32
      %dma_start3A_360 = tpu.memref_slice %arg6[%arg0, %add3A_235, %dma_start3A_359] : memref<2x10560x128xf32, #tpu.memory_space<hbm>> -> memref<1x16x128xf32, #tpu.memory_space<hbm>>
      %dma_start3A_361 = tpu.memref_squeeze %dma_start3A_360 : memref<1x16x128xf32, #tpu.memory_space<hbm>> -> memref<16x128xf32, #tpu.memory_space<hbm>>
      tpu.enqueue_dma source(%arg14 : memref<16x128xf32, #tpu.memory_space<vmem>>) target(%dma_start3A_361 : memref<16x128xf32, #tpu.memory_space<hbm>>) target_semaphore(%run_scoped3A : memref<!tpu.dma_semaphore, #tpu.memory_space<semaphore_mem>>)
      %dma_wait3A = arith.constant 0 : i32
      %dma_wait3A_362 = tpu.memref_slice %arg6[%arg0, %add3A_235, %dma_wait3A] : memref<2x10560x128xf32, #tpu.memory_space<hbm>> -> memref<1x16x128xf32, #tpu.memory_space<hbm>>
      %dma_wait3A_363 = tpu.memref_squeeze %dma_wait3A_362 : memref<1x16x128xf32, #tpu.memory_space<hbm>> -> memref<16x128xf32, #tpu.memory_space<hbm>>
      %dma_wait3A_364 = arith.constant 0 : i32
      %dma_wait3A_365 = tpu.memref_slice %arg6[%arg0, %add3A_235, %dma_wait3A_364] : memref<2x10560x128xf32, #tpu.memory_space<hbm>> -> memref<1x16x128xf32, #tpu.memory_space<hbm>>
      %dma_wait3A_366 = tpu.memref_squeeze %dma_wait3A_365 : memref<1x16x128xf32, #tpu.memory_space<hbm>> -> memref<16x128xf32, #tpu.memory_space<hbm>>
      tpu.wait_dma2 semaphore(%run_scoped3A : memref<!tpu.dma_semaphore, #tpu.memory_space<semaphore_mem>>) src(%arg14 : memref<16x128xf32, #tpu.memory_space<vmem>>) dst(%dma_wait3A_366 : memref<16x128xf32, #tpu.memory_space<hbm>>)
      tpu.yield
    }) : () -> ()
    %mul3A_236 = arith.constant 640 : i32
    %mul3A_237 = arith.muli %arg1, %mul3A_236 : i32
    %add3A_238 = arith.constant 176 : i32
    %add3A_239 = arith.addi %mul3A_237, %add3A_238 : i32
    "tpu.region"() ({
      %run_scoped3A = tpu.sem_alloc : memref<!tpu.dma_semaphore, #tpu.memory_space<semaphore_mem>>
      %dma_start3A = arith.constant 0 : i32
      %dma_start3A_357 = tpu.memref_slice %arg16[%add3A_239, %dma_start3A] : memref<10240x128xf32, #tpu.memory_space<vmem_shared>> -> memref<16x128xf32, #tpu.memory_space<vmem_shared>>
      %dma_start3A_358 = arith.constant 0 : i32
      %dma_start3A_359 = tpu.memref_slice %arg16[%add3A_239, %dma_start3A_358] : memref<10240x128xf32, #tpu.memory_space<vmem_shared>> -> memref<16x128xf32, #tpu.memory_space<vmem_shared>>
      tpu.enqueue_dma source(%dma_start3A_359 : memref<16x128xf32, #tpu.memory_space<vmem_shared>>) target(%arg14 : memref<16x128xf32, #tpu.memory_space<vmem>>) target_semaphore(%run_scoped3A : memref<!tpu.dma_semaphore, #tpu.memory_space<semaphore_mem>>)
      %dma_wait3A = arith.constant 0 : i32
      %dma_wait3A_360 = tpu.memref_slice %arg16[%add3A_239, %dma_wait3A] : memref<10240x128xf32, #tpu.memory_space<vmem_shared>> -> memref<16x128xf32, #tpu.memory_space<vmem_shared>>
      %dma_wait3A_361 = arith.constant 0 : i32
      %dma_wait3A_362 = tpu.memref_slice %arg16[%add3A_239, %dma_wait3A_361] : memref<10240x128xf32, #tpu.memory_space<vmem_shared>> -> memref<16x128xf32, #tpu.memory_space<vmem_shared>>
      tpu.wait_dma2 semaphore(%run_scoped3A : memref<!tpu.dma_semaphore, #tpu.memory_space<semaphore_mem>>) src(%dma_wait3A_362 : memref<16x128xf32, #tpu.memory_space<vmem_shared>>) dst(%arg14 : memref<16x128xf32, #tpu.memory_space<vmem>>)
      tpu.yield
    }) : () -> ()
    "tpu.region"() ({
      %run_scoped3A = tpu.sem_alloc : memref<!tpu.dma_semaphore, #tpu.memory_space<semaphore_mem>>
      %dma_start3A = arith.constant 0 : i32
      %dma_start3A_357 = tpu.memref_slice %arg6[%arg0, %add3A_239, %dma_start3A] : memref<2x10560x128xf32, #tpu.memory_space<hbm>> -> memref<1x16x128xf32, #tpu.memory_space<hbm>>
      %dma_start3A_358 = tpu.memref_squeeze %dma_start3A_357 : memref<1x16x128xf32, #tpu.memory_space<hbm>> -> memref<16x128xf32, #tpu.memory_space<hbm>>
      %dma_start3A_359 = arith.constant 0 : i32
      %dma_start3A_360 = tpu.memref_slice %arg6[%arg0, %add3A_239, %dma_start3A_359] : memref<2x10560x128xf32, #tpu.memory_space<hbm>> -> memref<1x16x128xf32, #tpu.memory_space<hbm>>
      %dma_start3A_361 = tpu.memref_squeeze %dma_start3A_360 : memref<1x16x128xf32, #tpu.memory_space<hbm>> -> memref<16x128xf32, #tpu.memory_space<hbm>>
      tpu.enqueue_dma source(%arg14 : memref<16x128xf32, #tpu.memory_space<vmem>>) target(%dma_start3A_361 : memref<16x128xf32, #tpu.memory_space<hbm>>) target_semaphore(%run_scoped3A : memref<!tpu.dma_semaphore, #tpu.memory_space<semaphore_mem>>)
      %dma_wait3A = arith.constant 0 : i32
      %dma_wait3A_362 = tpu.memref_slice %arg6[%arg0, %add3A_239, %dma_wait3A] : memref<2x10560x128xf32, #tpu.memory_space<hbm>> -> memref<1x16x128xf32, #tpu.memory_space<hbm>>
      %dma_wait3A_363 = tpu.memref_squeeze %dma_wait3A_362 : memref<1x16x128xf32, #tpu.memory_space<hbm>> -> memref<16x128xf32, #tpu.memory_space<hbm>>
      %dma_wait3A_364 = arith.constant 0 : i32
      %dma_wait3A_365 = tpu.memref_slice %arg6[%arg0, %add3A_239, %dma_wait3A_364] : memref<2x10560x128xf32, #tpu.memory_space<hbm>> -> memref<1x16x128xf32, #tpu.memory_space<hbm>>
      %dma_wait3A_366 = tpu.memref_squeeze %dma_wait3A_365 : memref<1x16x128xf32, #tpu.memory_space<hbm>> -> memref<16x128xf32, #tpu.memory_space<hbm>>
      tpu.wait_dma2 semaphore(%run_scoped3A : memref<!tpu.dma_semaphore, #tpu.memory_space<semaphore_mem>>) src(%arg14 : memref<16x128xf32, #tpu.memory_space<vmem>>) dst(%dma_wait3A_366 : memref<16x128xf32, #tpu.memory_space<hbm>>)
      tpu.yield
    }) : () -> ()
    %mul3A_240 = arith.constant 640 : i32
    %mul3A_241 = arith.muli %arg1, %mul3A_240 : i32
    %add3A_242 = arith.constant 192 : i32
    %add3A_243 = arith.addi %mul3A_241, %add3A_242 : i32
    "tpu.region"() ({
      %run_scoped3A = tpu.sem_alloc : memref<!tpu.dma_semaphore, #tpu.memory_space<semaphore_mem>>
      %dma_start3A = arith.constant 0 : i32
      %dma_start3A_357 = tpu.memref_slice %arg16[%add3A_243, %dma_start3A] : memref<10240x128xf32, #tpu.memory_space<vmem_shared>> -> memref<16x128xf32, #tpu.memory_space<vmem_shared>>
      %dma_start3A_358 = arith.constant 0 : i32
      %dma_start3A_359 = tpu.memref_slice %arg16[%add3A_243, %dma_start3A_358] : memref<10240x128xf32, #tpu.memory_space<vmem_shared>> -> memref<16x128xf32, #tpu.memory_space<vmem_shared>>
      tpu.enqueue_dma source(%dma_start3A_359 : memref<16x128xf32, #tpu.memory_space<vmem_shared>>) target(%arg14 : memref<16x128xf32, #tpu.memory_space<vmem>>) target_semaphore(%run_scoped3A : memref<!tpu.dma_semaphore, #tpu.memory_space<semaphore_mem>>)
      %dma_wait3A = arith.constant 0 : i32
      %dma_wait3A_360 = tpu.memref_slice %arg16[%add3A_243, %dma_wait3A] : memref<10240x128xf32, #tpu.memory_space<vmem_shared>> -> memref<16x128xf32, #tpu.memory_space<vmem_shared>>
      %dma_wait3A_361 = arith.constant 0 : i32
      %dma_wait3A_362 = tpu.memref_slice %arg16[%add3A_243, %dma_wait3A_361] : memref<10240x128xf32, #tpu.memory_space<vmem_shared>> -> memref<16x128xf32, #tpu.memory_space<vmem_shared>>
      tpu.wait_dma2 semaphore(%run_scoped3A : memref<!tpu.dma_semaphore, #tpu.memory_space<semaphore_mem>>) src(%dma_wait3A_362 : memref<16x128xf32, #tpu.memory_space<vmem_shared>>) dst(%arg14 : memref<16x128xf32, #tpu.memory_space<vmem>>)
      tpu.yield
    }) : () -> ()
    "tpu.region"() ({
      %run_scoped3A = tpu.sem_alloc : memref<!tpu.dma_semaphore, #tpu.memory_space<semaphore_mem>>
      %dma_start3A = arith.constant 0 : i32
      %dma_start3A_357 = tpu.memref_slice %arg6[%arg0, %add3A_243, %dma_start3A] : memref<2x10560x128xf32, #tpu.memory_space<hbm>> -> memref<1x16x128xf32, #tpu.memory_space<hbm>>
      %dma_start3A_358 = tpu.memref_squeeze %dma_start3A_357 : memref<1x16x128xf32, #tpu.memory_space<hbm>> -> memref<16x128xf32, #tpu.memory_space<hbm>>
      %dma_start3A_359 = arith.constant 0 : i32
      %dma_start3A_360 = tpu.memref_slice %arg6[%arg0, %add3A_243, %dma_start3A_359] : memref<2x10560x128xf32, #tpu.memory_space<hbm>> -> memref<1x16x128xf32, #tpu.memory_space<hbm>>
      %dma_start3A_361 = tpu.memref_squeeze %dma_start3A_360 : memref<1x16x128xf32, #tpu.memory_space<hbm>> -> memref<16x128xf32, #tpu.memory_space<hbm>>
      tpu.enqueue_dma source(%arg14 : memref<16x128xf32, #tpu.memory_space<vmem>>) target(%dma_start3A_361 : memref<16x128xf32, #tpu.memory_space<hbm>>) target_semaphore(%run_scoped3A : memref<!tpu.dma_semaphore, #tpu.memory_space<semaphore_mem>>)
      %dma_wait3A = arith.constant 0 : i32
      %dma_wait3A_362 = tpu.memref_slice %arg6[%arg0, %add3A_243, %dma_wait3A] : memref<2x10560x128xf32, #tpu.memory_space<hbm>> -> memref<1x16x128xf32, #tpu.memory_space<hbm>>
      %dma_wait3A_363 = tpu.memref_squeeze %dma_wait3A_362 : memref<1x16x128xf32, #tpu.memory_space<hbm>> -> memref<16x128xf32, #tpu.memory_space<hbm>>
      %dma_wait3A_364 = arith.constant 0 : i32
      %dma_wait3A_365 = tpu.memref_slice %arg6[%arg0, %add3A_243, %dma_wait3A_364] : memref<2x10560x128xf32, #tpu.memory_space<hbm>> -> memref<1x16x128xf32, #tpu.memory_space<hbm>>
      %dma_wait3A_366 = tpu.memref_squeeze %dma_wait3A_365 : memref<1x16x128xf32, #tpu.memory_space<hbm>> -> memref<16x128xf32, #tpu.memory_space<hbm>>
      tpu.wait_dma2 semaphore(%run_scoped3A : memref<!tpu.dma_semaphore, #tpu.memory_space<semaphore_mem>>) src(%arg14 : memref<16x128xf32, #tpu.memory_space<vmem>>) dst(%dma_wait3A_366 : memref<16x128xf32, #tpu.memory_space<hbm>>)
      tpu.yield
    }) : () -> ()
    %mul3A_244 = arith.constant 640 : i32
    %mul3A_245 = arith.muli %arg1, %mul3A_244 : i32
    %add3A_246 = arith.constant 208 : i32
    %add3A_247 = arith.addi %mul3A_245, %add3A_246 : i32
    "tpu.region"() ({
      %run_scoped3A = tpu.sem_alloc : memref<!tpu.dma_semaphore, #tpu.memory_space<semaphore_mem>>
      %dma_start3A = arith.constant 0 : i32
      %dma_start3A_357 = tpu.memref_slice %arg16[%add3A_247, %dma_start3A] : memref<10240x128xf32, #tpu.memory_space<vmem_shared>> -> memref<16x128xf32, #tpu.memory_space<vmem_shared>>
      %dma_start3A_358 = arith.constant 0 : i32
      %dma_start3A_359 = tpu.memref_slice %arg16[%add3A_247, %dma_start3A_358] : memref<10240x128xf32, #tpu.memory_space<vmem_shared>> -> memref<16x128xf32, #tpu.memory_space<vmem_shared>>
      tpu.enqueue_dma source(%dma_start3A_359 : memref<16x128xf32, #tpu.memory_space<vmem_shared>>) target(%arg14 : memref<16x128xf32, #tpu.memory_space<vmem>>) target_semaphore(%run_scoped3A : memref<!tpu.dma_semaphore, #tpu.memory_space<semaphore_mem>>)
      %dma_wait3A = arith.constant 0 : i32
      %dma_wait3A_360 = tpu.memref_slice %arg16[%add3A_247, %dma_wait3A] : memref<10240x128xf32, #tpu.memory_space<vmem_shared>> -> memref<16x128xf32, #tpu.memory_space<vmem_shared>>
      %dma_wait3A_361 = arith.constant 0 : i32
      %dma_wait3A_362 = tpu.memref_slice %arg16[%add3A_247, %dma_wait3A_361] : memref<10240x128xf32, #tpu.memory_space<vmem_shared>> -> memref<16x128xf32, #tpu.memory_space<vmem_shared>>
      tpu.wait_dma2 semaphore(%run_scoped3A : memref<!tpu.dma_semaphore, #tpu.memory_space<semaphore_mem>>) src(%dma_wait3A_362 : memref<16x128xf32, #tpu.memory_space<vmem_shared>>) dst(%arg14 : memref<16x128xf32, #tpu.memory_space<vmem>>)
      tpu.yield
    }) : () -> ()
    "tpu.region"() ({
      %run_scoped3A = tpu.sem_alloc : memref<!tpu.dma_semaphore, #tpu.memory_space<semaphore_mem>>
      %dma_start3A = arith.constant 0 : i32
      %dma_start3A_357 = tpu.memref_slice %arg6[%arg0, %add3A_247, %dma_start3A] : memref<2x10560x128xf32, #tpu.memory_space<hbm>> -> memref<1x16x128xf32, #tpu.memory_space<hbm>>
      %dma_start3A_358 = tpu.memref_squeeze %dma_start3A_357 : memref<1x16x128xf32, #tpu.memory_space<hbm>> -> memref<16x128xf32, #tpu.memory_space<hbm>>
      %dma_start3A_359 = arith.constant 0 : i32
      %dma_start3A_360 = tpu.memref_slice %arg6[%arg0, %add3A_247, %dma_start3A_359] : memref<2x10560x128xf32, #tpu.memory_space<hbm>> -> memref<1x16x128xf32, #tpu.memory_space<hbm>>
      %dma_start3A_361 = tpu.memref_squeeze %dma_start3A_360 : memref<1x16x128xf32, #tpu.memory_space<hbm>> -> memref<16x128xf32, #tpu.memory_space<hbm>>
      tpu.enqueue_dma source(%arg14 : memref<16x128xf32, #tpu.memory_space<vmem>>) target(%dma_start3A_361 : memref<16x128xf32, #tpu.memory_space<hbm>>) target_semaphore(%run_scoped3A : memref<!tpu.dma_semaphore, #tpu.memory_space<semaphore_mem>>)
      %dma_wait3A = arith.constant 0 : i32
      %dma_wait3A_362 = tpu.memref_slice %arg6[%arg0, %add3A_247, %dma_wait3A] : memref<2x10560x128xf32, #tpu.memory_space<hbm>> -> memref<1x16x128xf32, #tpu.memory_space<hbm>>
      %dma_wait3A_363 = tpu.memref_squeeze %dma_wait3A_362 : memref<1x16x128xf32, #tpu.memory_space<hbm>> -> memref<16x128xf32, #tpu.memory_space<hbm>>
      %dma_wait3A_364 = arith.constant 0 : i32
      %dma_wait3A_365 = tpu.memref_slice %arg6[%arg0, %add3A_247, %dma_wait3A_364] : memref<2x10560x128xf32, #tpu.memory_space<hbm>> -> memref<1x16x128xf32, #tpu.memory_space<hbm>>
      %dma_wait3A_366 = tpu.memref_squeeze %dma_wait3A_365 : memref<1x16x128xf32, #tpu.memory_space<hbm>> -> memref<16x128xf32, #tpu.memory_space<hbm>>
      tpu.wait_dma2 semaphore(%run_scoped3A : memref<!tpu.dma_semaphore, #tpu.memory_space<semaphore_mem>>) src(%arg14 : memref<16x128xf32, #tpu.memory_space<vmem>>) dst(%dma_wait3A_366 : memref<16x128xf32, #tpu.memory_space<hbm>>)
      tpu.yield
    }) : () -> ()
    %mul3A_248 = arith.constant 640 : i32
    %mul3A_249 = arith.muli %arg1, %mul3A_248 : i32
    %add3A_250 = arith.constant 224 : i32
    %add3A_251 = arith.addi %mul3A_249, %add3A_250 : i32
    "tpu.region"() ({
      %run_scoped3A = tpu.sem_alloc : memref<!tpu.dma_semaphore, #tpu.memory_space<semaphore_mem>>
      %dma_start3A = arith.constant 0 : i32
      %dma_start3A_357 = tpu.memref_slice %arg16[%add3A_251, %dma_start3A] : memref<10240x128xf32, #tpu.memory_space<vmem_shared>> -> memref<16x128xf32, #tpu.memory_space<vmem_shared>>
      %dma_start3A_358 = arith.constant 0 : i32
      %dma_start3A_359 = tpu.memref_slice %arg16[%add3A_251, %dma_start3A_358] : memref<10240x128xf32, #tpu.memory_space<vmem_shared>> -> memref<16x128xf32, #tpu.memory_space<vmem_shared>>
      tpu.enqueue_dma source(%dma_start3A_359 : memref<16x128xf32, #tpu.memory_space<vmem_shared>>) target(%arg14 : memref<16x128xf32, #tpu.memory_space<vmem>>) target_semaphore(%run_scoped3A : memref<!tpu.dma_semaphore, #tpu.memory_space<semaphore_mem>>)
      %dma_wait3A = arith.constant 0 : i32
      %dma_wait3A_360 = tpu.memref_slice %arg16[%add3A_251, %dma_wait3A] : memref<10240x128xf32, #tpu.memory_space<vmem_shared>> -> memref<16x128xf32, #tpu.memory_space<vmem_shared>>
      %dma_wait3A_361 = arith.constant 0 : i32
      %dma_wait3A_362 = tpu.memref_slice %arg16[%add3A_251, %dma_wait3A_361] : memref<10240x128xf32, #tpu.memory_space<vmem_shared>> -> memref<16x128xf32, #tpu.memory_space<vmem_shared>>
      tpu.wait_dma2 semaphore(%run_scoped3A : memref<!tpu.dma_semaphore, #tpu.memory_space<semaphore_mem>>) src(%dma_wait3A_362 : memref<16x128xf32, #tpu.memory_space<vmem_shared>>) dst(%arg14 : memref<16x128xf32, #tpu.memory_space<vmem>>)
      tpu.yield
    }) : () -> ()
    "tpu.region"() ({
      %run_scoped3A = tpu.sem_alloc : memref<!tpu.dma_semaphore, #tpu.memory_space<semaphore_mem>>
      %dma_start3A = arith.constant 0 : i32
      %dma_start3A_357 = tpu.memref_slice %arg6[%arg0, %add3A_251, %dma_start3A] : memref<2x10560x128xf32, #tpu.memory_space<hbm>> -> memref<1x16x128xf32, #tpu.memory_space<hbm>>
      %dma_start3A_358 = tpu.memref_squeeze %dma_start3A_357 : memref<1x16x128xf32, #tpu.memory_space<hbm>> -> memref<16x128xf32, #tpu.memory_space<hbm>>
      %dma_start3A_359 = arith.constant 0 : i32
      %dma_start3A_360 = tpu.memref_slice %arg6[%arg0, %add3A_251, %dma_start3A_359] : memref<2x10560x128xf32, #tpu.memory_space<hbm>> -> memref<1x16x128xf32, #tpu.memory_space<hbm>>
      %dma_start3A_361 = tpu.memref_squeeze %dma_start3A_360 : memref<1x16x128xf32, #tpu.memory_space<hbm>> -> memref<16x128xf32, #tpu.memory_space<hbm>>
      tpu.enqueue_dma source(%arg14 : memref<16x128xf32, #tpu.memory_space<vmem>>) target(%dma_start3A_361 : memref<16x128xf32, #tpu.memory_space<hbm>>) target_semaphore(%run_scoped3A : memref<!tpu.dma_semaphore, #tpu.memory_space<semaphore_mem>>)
      %dma_wait3A = arith.constant 0 : i32
      %dma_wait3A_362 = tpu.memref_slice %arg6[%arg0, %add3A_251, %dma_wait3A] : memref<2x10560x128xf32, #tpu.memory_space<hbm>> -> memref<1x16x128xf32, #tpu.memory_space<hbm>>
      %dma_wait3A_363 = tpu.memref_squeeze %dma_wait3A_362 : memref<1x16x128xf32, #tpu.memory_space<hbm>> -> memref<16x128xf32, #tpu.memory_space<hbm>>
      %dma_wait3A_364 = arith.constant 0 : i32
      %dma_wait3A_365 = tpu.memref_slice %arg6[%arg0, %add3A_251, %dma_wait3A_364] : memref<2x10560x128xf32, #tpu.memory_space<hbm>> -> memref<1x16x128xf32, #tpu.memory_space<hbm>>
      %dma_wait3A_366 = tpu.memref_squeeze %dma_wait3A_365 : memref<1x16x128xf32, #tpu.memory_space<hbm>> -> memref<16x128xf32, #tpu.memory_space<hbm>>
      tpu.wait_dma2 semaphore(%run_scoped3A : memref<!tpu.dma_semaphore, #tpu.memory_space<semaphore_mem>>) src(%arg14 : memref<16x128xf32, #tpu.memory_space<vmem>>) dst(%dma_wait3A_366 : memref<16x128xf32, #tpu.memory_space<hbm>>)
      tpu.yield
    }) : () -> ()
    %mul3A_252 = arith.constant 640 : i32
    %mul3A_253 = arith.muli %arg1, %mul3A_252 : i32
    %add3A_254 = arith.constant 240 : i32
    %add3A_255 = arith.addi %mul3A_253, %add3A_254 : i32
    "tpu.region"() ({
      %run_scoped3A = tpu.sem_alloc : memref<!tpu.dma_semaphore, #tpu.memory_space<semaphore_mem>>
      %dma_start3A = arith.constant 0 : i32
      %dma_start3A_357 = tpu.memref_slice %arg16[%add3A_255, %dma_start3A] : memref<10240x128xf32, #tpu.memory_space<vmem_shared>> -> memref<16x128xf32, #tpu.memory_space<vmem_shared>>
      %dma_start3A_358 = arith.constant 0 : i32
      %dma_start3A_359 = tpu.memref_slice %arg16[%add3A_255, %dma_start3A_358] : memref<10240x128xf32, #tpu.memory_space<vmem_shared>> -> memref<16x128xf32, #tpu.memory_space<vmem_shared>>
      tpu.enqueue_dma source(%dma_start3A_359 : memref<16x128xf32, #tpu.memory_space<vmem_shared>>) target(%arg14 : memref<16x128xf32, #tpu.memory_space<vmem>>) target_semaphore(%run_scoped3A : memref<!tpu.dma_semaphore, #tpu.memory_space<semaphore_mem>>)
      %dma_wait3A = arith.constant 0 : i32
      %dma_wait3A_360 = tpu.memref_slice %arg16[%add3A_255, %dma_wait3A] : memref<10240x128xf32, #tpu.memory_space<vmem_shared>> -> memref<16x128xf32, #tpu.memory_space<vmem_shared>>
      %dma_wait3A_361 = arith.constant 0 : i32
      %dma_wait3A_362 = tpu.memref_slice %arg16[%add3A_255, %dma_wait3A_361] : memref<10240x128xf32, #tpu.memory_space<vmem_shared>> -> memref<16x128xf32, #tpu.memory_space<vmem_shared>>
      tpu.wait_dma2 semaphore(%run_scoped3A : memref<!tpu.dma_semaphore, #tpu.memory_space<semaphore_mem>>) src(%dma_wait3A_362 : memref<16x128xf32, #tpu.memory_space<vmem_shared>>) dst(%arg14 : memref<16x128xf32, #tpu.memory_space<vmem>>)
      tpu.yield
    }) : () -> ()
    "tpu.region"() ({
      %run_scoped3A = tpu.sem_alloc : memref<!tpu.dma_semaphore, #tpu.memory_space<semaphore_mem>>
      %dma_start3A = arith.constant 0 : i32
      %dma_start3A_357 = tpu.memref_slice %arg6[%arg0, %add3A_255, %dma_start3A] : memref<2x10560x128xf32, #tpu.memory_space<hbm>> -> memref<1x16x128xf32, #tpu.memory_space<hbm>>
      %dma_start3A_358 = tpu.memref_squeeze %dma_start3A_357 : memref<1x16x128xf32, #tpu.memory_space<hbm>> -> memref<16x128xf32, #tpu.memory_space<hbm>>
      %dma_start3A_359 = arith.constant 0 : i32
      %dma_start3A_360 = tpu.memref_slice %arg6[%arg0, %add3A_255, %dma_start3A_359] : memref<2x10560x128xf32, #tpu.memory_space<hbm>> -> memref<1x16x128xf32, #tpu.memory_space<hbm>>
      %dma_start3A_361 = tpu.memref_squeeze %dma_start3A_360 : memref<1x16x128xf32, #tpu.memory_space<hbm>> -> memref<16x128xf32, #tpu.memory_space<hbm>>
      tpu.enqueue_dma source(%arg14 : memref<16x128xf32, #tpu.memory_space<vmem>>) target(%dma_start3A_361 : memref<16x128xf32, #tpu.memory_space<hbm>>) target_semaphore(%run_scoped3A : memref<!tpu.dma_semaphore, #tpu.memory_space<semaphore_mem>>)
      %dma_wait3A = arith.constant 0 : i32
      %dma_wait3A_362 = tpu.memref_slice %arg6[%arg0, %add3A_255, %dma_wait3A] : memref<2x10560x128xf32, #tpu.memory_space<hbm>> -> memref<1x16x128xf32, #tpu.memory_space<hbm>>
      %dma_wait3A_363 = tpu.memref_squeeze %dma_wait3A_362 : memref<1x16x128xf32, #tpu.memory_space<hbm>> -> memref<16x128xf32, #tpu.memory_space<hbm>>
      %dma_wait3A_364 = arith.constant 0 : i32
      %dma_wait3A_365 = tpu.memref_slice %arg6[%arg0, %add3A_255, %dma_wait3A_364] : memref<2x10560x128xf32, #tpu.memory_space<hbm>> -> memref<1x16x128xf32, #tpu.memory_space<hbm>>
      %dma_wait3A_366 = tpu.memref_squeeze %dma_wait3A_365 : memref<1x16x128xf32, #tpu.memory_space<hbm>> -> memref<16x128xf32, #tpu.memory_space<hbm>>
      tpu.wait_dma2 semaphore(%run_scoped3A : memref<!tpu.dma_semaphore, #tpu.memory_space<semaphore_mem>>) src(%arg14 : memref<16x128xf32, #tpu.memory_space<vmem>>) dst(%dma_wait3A_366 : memref<16x128xf32, #tpu.memory_space<hbm>>)
      tpu.yield
    }) : () -> ()
    %mul3A_256 = arith.constant 640 : i32
    %mul3A_257 = arith.muli %arg1, %mul3A_256 : i32
    %add3A_258 = arith.constant 256 : i32
    %add3A_259 = arith.addi %mul3A_257, %add3A_258 : i32
    "tpu.region"() ({
      %run_scoped3A = tpu.sem_alloc : memref<!tpu.dma_semaphore, #tpu.memory_space<semaphore_mem>>
      %dma_start3A = arith.constant 0 : i32
      %dma_start3A_357 = tpu.memref_slice %arg16[%add3A_259, %dma_start3A] : memref<10240x128xf32, #tpu.memory_space<vmem_shared>> -> memref<16x128xf32, #tpu.memory_space<vmem_shared>>
      %dma_start3A_358 = arith.constant 0 : i32
      %dma_start3A_359 = tpu.memref_slice %arg16[%add3A_259, %dma_start3A_358] : memref<10240x128xf32, #tpu.memory_space<vmem_shared>> -> memref<16x128xf32, #tpu.memory_space<vmem_shared>>
      tpu.enqueue_dma source(%dma_start3A_359 : memref<16x128xf32, #tpu.memory_space<vmem_shared>>) target(%arg14 : memref<16x128xf32, #tpu.memory_space<vmem>>) target_semaphore(%run_scoped3A : memref<!tpu.dma_semaphore, #tpu.memory_space<semaphore_mem>>)
      %dma_wait3A = arith.constant 0 : i32
      %dma_wait3A_360 = tpu.memref_slice %arg16[%add3A_259, %dma_wait3A] : memref<10240x128xf32, #tpu.memory_space<vmem_shared>> -> memref<16x128xf32, #tpu.memory_space<vmem_shared>>
      %dma_wait3A_361 = arith.constant 0 : i32
      %dma_wait3A_362 = tpu.memref_slice %arg16[%add3A_259, %dma_wait3A_361] : memref<10240x128xf32, #tpu.memory_space<vmem_shared>> -> memref<16x128xf32, #tpu.memory_space<vmem_shared>>
      tpu.wait_dma2 semaphore(%run_scoped3A : memref<!tpu.dma_semaphore, #tpu.memory_space<semaphore_mem>>) src(%dma_wait3A_362 : memref<16x128xf32, #tpu.memory_space<vmem_shared>>) dst(%arg14 : memref<16x128xf32, #tpu.memory_space<vmem>>)
      tpu.yield
    }) : () -> ()
    "tpu.region"() ({
      %run_scoped3A = tpu.sem_alloc : memref<!tpu.dma_semaphore, #tpu.memory_space<semaphore_mem>>
      %dma_start3A = arith.constant 0 : i32
      %dma_start3A_357 = tpu.memref_slice %arg6[%arg0, %add3A_259, %dma_start3A] : memref<2x10560x128xf32, #tpu.memory_space<hbm>> -> memref<1x16x128xf32, #tpu.memory_space<hbm>>
      %dma_start3A_358 = tpu.memref_squeeze %dma_start3A_357 : memref<1x16x128xf32, #tpu.memory_space<hbm>> -> memref<16x128xf32, #tpu.memory_space<hbm>>
      %dma_start3A_359 = arith.constant 0 : i32
      %dma_start3A_360 = tpu.memref_slice %arg6[%arg0, %add3A_259, %dma_start3A_359] : memref<2x10560x128xf32, #tpu.memory_space<hbm>> -> memref<1x16x128xf32, #tpu.memory_space<hbm>>
      %dma_start3A_361 = tpu.memref_squeeze %dma_start3A_360 : memref<1x16x128xf32, #tpu.memory_space<hbm>> -> memref<16x128xf32, #tpu.memory_space<hbm>>
      tpu.enqueue_dma source(%arg14 : memref<16x128xf32, #tpu.memory_space<vmem>>) target(%dma_start3A_361 : memref<16x128xf32, #tpu.memory_space<hbm>>) target_semaphore(%run_scoped3A : memref<!tpu.dma_semaphore, #tpu.memory_space<semaphore_mem>>)
      %dma_wait3A = arith.constant 0 : i32
      %dma_wait3A_362 = tpu.memref_slice %arg6[%arg0, %add3A_259, %dma_wait3A] : memref<2x10560x128xf32, #tpu.memory_space<hbm>> -> memref<1x16x128xf32, #tpu.memory_space<hbm>>
      %dma_wait3A_363 = tpu.memref_squeeze %dma_wait3A_362 : memref<1x16x128xf32, #tpu.memory_space<hbm>> -> memref<16x128xf32, #tpu.memory_space<hbm>>
      %dma_wait3A_364 = arith.constant 0 : i32
      %dma_wait3A_365 = tpu.memref_slice %arg6[%arg0, %add3A_259, %dma_wait3A_364] : memref<2x10560x128xf32, #tpu.memory_space<hbm>> -> memref<1x16x128xf32, #tpu.memory_space<hbm>>
      %dma_wait3A_366 = tpu.memref_squeeze %dma_wait3A_365 : memref<1x16x128xf32, #tpu.memory_space<hbm>> -> memref<16x128xf32, #tpu.memory_space<hbm>>
      tpu.wait_dma2 semaphore(%run_scoped3A : memref<!tpu.dma_semaphore, #tpu.memory_space<semaphore_mem>>) src(%arg14 : memref<16x128xf32, #tpu.memory_space<vmem>>) dst(%dma_wait3A_366 : memref<16x128xf32, #tpu.memory_space<hbm>>)
      tpu.yield
    }) : () -> ()
    %mul3A_260 = arith.constant 640 : i32
    %mul3A_261 = arith.muli %arg1, %mul3A_260 : i32
    %add3A_262 = arith.constant 272 : i32
    %add3A_263 = arith.addi %mul3A_261, %add3A_262 : i32
    "tpu.region"() ({
      %run_scoped3A = tpu.sem_alloc : memref<!tpu.dma_semaphore, #tpu.memory_space<semaphore_mem>>
      %dma_start3A = arith.constant 0 : i32
      %dma_start3A_357 = tpu.memref_slice %arg16[%add3A_263, %dma_start3A] : memref<10240x128xf32, #tpu.memory_space<vmem_shared>> -> memref<16x128xf32, #tpu.memory_space<vmem_shared>>
      %dma_start3A_358 = arith.constant 0 : i32
      %dma_start3A_359 = tpu.memref_slice %arg16[%add3A_263, %dma_start3A_358] : memref<10240x128xf32, #tpu.memory_space<vmem_shared>> -> memref<16x128xf32, #tpu.memory_space<vmem_shared>>
      tpu.enqueue_dma source(%dma_start3A_359 : memref<16x128xf32, #tpu.memory_space<vmem_shared>>) target(%arg14 : memref<16x128xf32, #tpu.memory_space<vmem>>) target_semaphore(%run_scoped3A : memref<!tpu.dma_semaphore, #tpu.memory_space<semaphore_mem>>)
      %dma_wait3A = arith.constant 0 : i32
      %dma_wait3A_360 = tpu.memref_slice %arg16[%add3A_263, %dma_wait3A] : memref<10240x128xf32, #tpu.memory_space<vmem_shared>> -> memref<16x128xf32, #tpu.memory_space<vmem_shared>>
      %dma_wait3A_361 = arith.constant 0 : i32
      %dma_wait3A_362 = tpu.memref_slice %arg16[%add3A_263, %dma_wait3A_361] : memref<10240x128xf32, #tpu.memory_space<vmem_shared>> -> memref<16x128xf32, #tpu.memory_space<vmem_shared>>
      tpu.wait_dma2 semaphore(%run_scoped3A : memref<!tpu.dma_semaphore, #tpu.memory_space<semaphore_mem>>) src(%dma_wait3A_362 : memref<16x128xf32, #tpu.memory_space<vmem_shared>>) dst(%arg14 : memref<16x128xf32, #tpu.memory_space<vmem>>)
      tpu.yield
    }) : () -> ()
    "tpu.region"() ({
      %run_scoped3A = tpu.sem_alloc : memref<!tpu.dma_semaphore, #tpu.memory_space<semaphore_mem>>
      %dma_start3A = arith.constant 0 : i32
      %dma_start3A_357 = tpu.memref_slice %arg6[%arg0, %add3A_263, %dma_start3A] : memref<2x10560x128xf32, #tpu.memory_space<hbm>> -> memref<1x16x128xf32, #tpu.memory_space<hbm>>
      %dma_start3A_358 = tpu.memref_squeeze %dma_start3A_357 : memref<1x16x128xf32, #tpu.memory_space<hbm>> -> memref<16x128xf32, #tpu.memory_space<hbm>>
      %dma_start3A_359 = arith.constant 0 : i32
      %dma_start3A_360 = tpu.memref_slice %arg6[%arg0, %add3A_263, %dma_start3A_359] : memref<2x10560x128xf32, #tpu.memory_space<hbm>> -> memref<1x16x128xf32, #tpu.memory_space<hbm>>
      %dma_start3A_361 = tpu.memref_squeeze %dma_start3A_360 : memref<1x16x128xf32, #tpu.memory_space<hbm>> -> memref<16x128xf32, #tpu.memory_space<hbm>>
      tpu.enqueue_dma source(%arg14 : memref<16x128xf32, #tpu.memory_space<vmem>>) target(%dma_start3A_361 : memref<16x128xf32, #tpu.memory_space<hbm>>) target_semaphore(%run_scoped3A : memref<!tpu.dma_semaphore, #tpu.memory_space<semaphore_mem>>)
      %dma_wait3A = arith.constant 0 : i32
      %dma_wait3A_362 = tpu.memref_slice %arg6[%arg0, %add3A_263, %dma_wait3A] : memref<2x10560x128xf32, #tpu.memory_space<hbm>> -> memref<1x16x128xf32, #tpu.memory_space<hbm>>
      %dma_wait3A_363 = tpu.memref_squeeze %dma_wait3A_362 : memref<1x16x128xf32, #tpu.memory_space<hbm>> -> memref<16x128xf32, #tpu.memory_space<hbm>>
      %dma_wait3A_364 = arith.constant 0 : i32
      %dma_wait3A_365 = tpu.memref_slice %arg6[%arg0, %add3A_263, %dma_wait3A_364] : memref<2x10560x128xf32, #tpu.memory_space<hbm>> -> memref<1x16x128xf32, #tpu.memory_space<hbm>>
      %dma_wait3A_366 = tpu.memref_squeeze %dma_wait3A_365 : memref<1x16x128xf32, #tpu.memory_space<hbm>> -> memref<16x128xf32, #tpu.memory_space<hbm>>
      tpu.wait_dma2 semaphore(%run_scoped3A : memref<!tpu.dma_semaphore, #tpu.memory_space<semaphore_mem>>) src(%arg14 : memref<16x128xf32, #tpu.memory_space<vmem>>) dst(%dma_wait3A_366 : memref<16x128xf32, #tpu.memory_space<hbm>>)
      tpu.yield
    }) : () -> ()
    %mul3A_264 = arith.constant 640 : i32
    %mul3A_265 = arith.muli %arg1, %mul3A_264 : i32
    %add3A_266 = arith.constant 288 : i32
    %add3A_267 = arith.addi %mul3A_265, %add3A_266 : i32
    "tpu.region"() ({
      %run_scoped3A = tpu.sem_alloc : memref<!tpu.dma_semaphore, #tpu.memory_space<semaphore_mem>>
      %dma_start3A = arith.constant 0 : i32
      %dma_start3A_357 = tpu.memref_slice %arg16[%add3A_267, %dma_start3A] : memref<10240x128xf32, #tpu.memory_space<vmem_shared>> -> memref<16x128xf32, #tpu.memory_space<vmem_shared>>
      %dma_start3A_358 = arith.constant 0 : i32
      %dma_start3A_359 = tpu.memref_slice %arg16[%add3A_267, %dma_start3A_358] : memref<10240x128xf32, #tpu.memory_space<vmem_shared>> -> memref<16x128xf32, #tpu.memory_space<vmem_shared>>
      tpu.enqueue_dma source(%dma_start3A_359 : memref<16x128xf32, #tpu.memory_space<vmem_shared>>) target(%arg14 : memref<16x128xf32, #tpu.memory_space<vmem>>) target_semaphore(%run_scoped3A : memref<!tpu.dma_semaphore, #tpu.memory_space<semaphore_mem>>)
      %dma_wait3A = arith.constant 0 : i32
      %dma_wait3A_360 = tpu.memref_slice %arg16[%add3A_267, %dma_wait3A] : memref<10240x128xf32, #tpu.memory_space<vmem_shared>> -> memref<16x128xf32, #tpu.memory_space<vmem_shared>>
      %dma_wait3A_361 = arith.constant 0 : i32
      %dma_wait3A_362 = tpu.memref_slice %arg16[%add3A_267, %dma_wait3A_361] : memref<10240x128xf32, #tpu.memory_space<vmem_shared>> -> memref<16x128xf32, #tpu.memory_space<vmem_shared>>
      tpu.wait_dma2 semaphore(%run_scoped3A : memref<!tpu.dma_semaphore, #tpu.memory_space<semaphore_mem>>) src(%dma_wait3A_362 : memref<16x128xf32, #tpu.memory_space<vmem_shared>>) dst(%arg14 : memref<16x128xf32, #tpu.memory_space<vmem>>)
      tpu.yield
    }) : () -> ()
    "tpu.region"() ({
      %run_scoped3A = tpu.sem_alloc : memref<!tpu.dma_semaphore, #tpu.memory_space<semaphore_mem>>
      %dma_start3A = arith.constant 0 : i32
      %dma_start3A_357 = tpu.memref_slice %arg6[%arg0, %add3A_267, %dma_start3A] : memref<2x10560x128xf32, #tpu.memory_space<hbm>> -> memref<1x16x128xf32, #tpu.memory_space<hbm>>
      %dma_start3A_358 = tpu.memref_squeeze %dma_start3A_357 : memref<1x16x128xf32, #tpu.memory_space<hbm>> -> memref<16x128xf32, #tpu.memory_space<hbm>>
      %dma_start3A_359 = arith.constant 0 : i32
      %dma_start3A_360 = tpu.memref_slice %arg6[%arg0, %add3A_267, %dma_start3A_359] : memref<2x10560x128xf32, #tpu.memory_space<hbm>> -> memref<1x16x128xf32, #tpu.memory_space<hbm>>
      %dma_start3A_361 = tpu.memref_squeeze %dma_start3A_360 : memref<1x16x128xf32, #tpu.memory_space<hbm>> -> memref<16x128xf32, #tpu.memory_space<hbm>>
      tpu.enqueue_dma source(%arg14 : memref<16x128xf32, #tpu.memory_space<vmem>>) target(%dma_start3A_361 : memref<16x128xf32, #tpu.memory_space<hbm>>) target_semaphore(%run_scoped3A : memref<!tpu.dma_semaphore, #tpu.memory_space<semaphore_mem>>)
      %dma_wait3A = arith.constant 0 : i32
      %dma_wait3A_362 = tpu.memref_slice %arg6[%arg0, %add3A_267, %dma_wait3A] : memref<2x10560x128xf32, #tpu.memory_space<hbm>> -> memref<1x16x128xf32, #tpu.memory_space<hbm>>
      %dma_wait3A_363 = tpu.memref_squeeze %dma_wait3A_362 : memref<1x16x128xf32, #tpu.memory_space<hbm>> -> memref<16x128xf32, #tpu.memory_space<hbm>>
      %dma_wait3A_364 = arith.constant 0 : i32
      %dma_wait3A_365 = tpu.memref_slice %arg6[%arg0, %add3A_267, %dma_wait3A_364] : memref<2x10560x128xf32, #tpu.memory_space<hbm>> -> memref<1x16x128xf32, #tpu.memory_space<hbm>>
      %dma_wait3A_366 = tpu.memref_squeeze %dma_wait3A_365 : memref<1x16x128xf32, #tpu.memory_space<hbm>> -> memref<16x128xf32, #tpu.memory_space<hbm>>
      tpu.wait_dma2 semaphore(%run_scoped3A : memref<!tpu.dma_semaphore, #tpu.memory_space<semaphore_mem>>) src(%arg14 : memref<16x128xf32, #tpu.memory_space<vmem>>) dst(%dma_wait3A_366 : memref<16x128xf32, #tpu.memory_space<hbm>>)
      tpu.yield
    }) : () -> ()
    %mul3A_268 = arith.constant 640 : i32
    %mul3A_269 = arith.muli %arg1, %mul3A_268 : i32
    %add3A_270 = arith.constant 304 : i32
    %add3A_271 = arith.addi %mul3A_269, %add3A_270 : i32
    "tpu.region"() ({
      %run_scoped3A = tpu.sem_alloc : memref<!tpu.dma_semaphore, #tpu.memory_space<semaphore_mem>>
      %dma_start3A = arith.constant 0 : i32
      %dma_start3A_357 = tpu.memref_slice %arg16[%add3A_271, %dma_start3A] : memref<10240x128xf32, #tpu.memory_space<vmem_shared>> -> memref<16x128xf32, #tpu.memory_space<vmem_shared>>
      %dma_start3A_358 = arith.constant 0 : i32
      %dma_start3A_359 = tpu.memref_slice %arg16[%add3A_271, %dma_start3A_358] : memref<10240x128xf32, #tpu.memory_space<vmem_shared>> -> memref<16x128xf32, #tpu.memory_space<vmem_shared>>
      tpu.enqueue_dma source(%dma_start3A_359 : memref<16x128xf32, #tpu.memory_space<vmem_shared>>) target(%arg14 : memref<16x128xf32, #tpu.memory_space<vmem>>) target_semaphore(%run_scoped3A : memref<!tpu.dma_semaphore, #tpu.memory_space<semaphore_mem>>)
      %dma_wait3A = arith.constant 0 : i32
      %dma_wait3A_360 = tpu.memref_slice %arg16[%add3A_271, %dma_wait3A] : memref<10240x128xf32, #tpu.memory_space<vmem_shared>> -> memref<16x128xf32, #tpu.memory_space<vmem_shared>>
      %dma_wait3A_361 = arith.constant 0 : i32
      %dma_wait3A_362 = tpu.memref_slice %arg16[%add3A_271, %dma_wait3A_361] : memref<10240x128xf32, #tpu.memory_space<vmem_shared>> -> memref<16x128xf32, #tpu.memory_space<vmem_shared>>
      tpu.wait_dma2 semaphore(%run_scoped3A : memref<!tpu.dma_semaphore, #tpu.memory_space<semaphore_mem>>) src(%dma_wait3A_362 : memref<16x128xf32, #tpu.memory_space<vmem_shared>>) dst(%arg14 : memref<16x128xf32, #tpu.memory_space<vmem>>)
      tpu.yield
    }) : () -> ()
    "tpu.region"() ({
      %run_scoped3A = tpu.sem_alloc : memref<!tpu.dma_semaphore, #tpu.memory_space<semaphore_mem>>
      %dma_start3A = arith.constant 0 : i32
      %dma_start3A_357 = tpu.memref_slice %arg6[%arg0, %add3A_271, %dma_start3A] : memref<2x10560x128xf32, #tpu.memory_space<hbm>> -> memref<1x16x128xf32, #tpu.memory_space<hbm>>
      %dma_start3A_358 = tpu.memref_squeeze %dma_start3A_357 : memref<1x16x128xf32, #tpu.memory_space<hbm>> -> memref<16x128xf32, #tpu.memory_space<hbm>>
      %dma_start3A_359 = arith.constant 0 : i32
      %dma_start3A_360 = tpu.memref_slice %arg6[%arg0, %add3A_271, %dma_start3A_359] : memref<2x10560x128xf32, #tpu.memory_space<hbm>> -> memref<1x16x128xf32, #tpu.memory_space<hbm>>
      %dma_start3A_361 = tpu.memref_squeeze %dma_start3A_360 : memref<1x16x128xf32, #tpu.memory_space<hbm>> -> memref<16x128xf32, #tpu.memory_space<hbm>>
      tpu.enqueue_dma source(%arg14 : memref<16x128xf32, #tpu.memory_space<vmem>>) target(%dma_start3A_361 : memref<16x128xf32, #tpu.memory_space<hbm>>) target_semaphore(%run_scoped3A : memref<!tpu.dma_semaphore, #tpu.memory_space<semaphore_mem>>)
      %dma_wait3A = arith.constant 0 : i32
      %dma_wait3A_362 = tpu.memref_slice %arg6[%arg0, %add3A_271, %dma_wait3A] : memref<2x10560x128xf32, #tpu.memory_space<hbm>> -> memref<1x16x128xf32, #tpu.memory_space<hbm>>
      %dma_wait3A_363 = tpu.memref_squeeze %dma_wait3A_362 : memref<1x16x128xf32, #tpu.memory_space<hbm>> -> memref<16x128xf32, #tpu.memory_space<hbm>>
      %dma_wait3A_364 = arith.constant 0 : i32
      %dma_wait3A_365 = tpu.memref_slice %arg6[%arg0, %add3A_271, %dma_wait3A_364] : memref<2x10560x128xf32, #tpu.memory_space<hbm>> -> memref<1x16x128xf32, #tpu.memory_space<hbm>>
      %dma_wait3A_366 = tpu.memref_squeeze %dma_wait3A_365 : memref<1x16x128xf32, #tpu.memory_space<hbm>> -> memref<16x128xf32, #tpu.memory_space<hbm>>
      tpu.wait_dma2 semaphore(%run_scoped3A : memref<!tpu.dma_semaphore, #tpu.memory_space<semaphore_mem>>) src(%arg14 : memref<16x128xf32, #tpu.memory_space<vmem>>) dst(%dma_wait3A_366 : memref<16x128xf32, #tpu.memory_space<hbm>>)
      tpu.yield
    }) : () -> ()
    %mul3A_272 = arith.constant 640 : i32
    %mul3A_273 = arith.muli %arg1, %mul3A_272 : i32
    %add3A_274 = arith.constant 320 : i32
    %add3A_275 = arith.addi %mul3A_273, %add3A_274 : i32
    "tpu.region"() ({
      %run_scoped3A = tpu.sem_alloc : memref<!tpu.dma_semaphore, #tpu.memory_space<semaphore_mem>>
      %dma_start3A = arith.constant 0 : i32
      %dma_start3A_357 = tpu.memref_slice %arg16[%add3A_275, %dma_start3A] : memref<10240x128xf32, #tpu.memory_space<vmem_shared>> -> memref<16x128xf32, #tpu.memory_space<vmem_shared>>
      %dma_start3A_358 = arith.constant 0 : i32
      %dma_start3A_359 = tpu.memref_slice %arg16[%add3A_275, %dma_start3A_358] : memref<10240x128xf32, #tpu.memory_space<vmem_shared>> -> memref<16x128xf32, #tpu.memory_space<vmem_shared>>
      tpu.enqueue_dma source(%dma_start3A_359 : memref<16x128xf32, #tpu.memory_space<vmem_shared>>) target(%arg14 : memref<16x128xf32, #tpu.memory_space<vmem>>) target_semaphore(%run_scoped3A : memref<!tpu.dma_semaphore, #tpu.memory_space<semaphore_mem>>)
      %dma_wait3A = arith.constant 0 : i32
      %dma_wait3A_360 = tpu.memref_slice %arg16[%add3A_275, %dma_wait3A] : memref<10240x128xf32, #tpu.memory_space<vmem_shared>> -> memref<16x128xf32, #tpu.memory_space<vmem_shared>>
      %dma_wait3A_361 = arith.constant 0 : i32
      %dma_wait3A_362 = tpu.memref_slice %arg16[%add3A_275, %dma_wait3A_361] : memref<10240x128xf32, #tpu.memory_space<vmem_shared>> -> memref<16x128xf32, #tpu.memory_space<vmem_shared>>
      tpu.wait_dma2 semaphore(%run_scoped3A : memref<!tpu.dma_semaphore, #tpu.memory_space<semaphore_mem>>) src(%dma_wait3A_362 : memref<16x128xf32, #tpu.memory_space<vmem_shared>>) dst(%arg14 : memref<16x128xf32, #tpu.memory_space<vmem>>)
      tpu.yield
    }) : () -> ()
    "tpu.region"() ({
      %run_scoped3A = tpu.sem_alloc : memref<!tpu.dma_semaphore, #tpu.memory_space<semaphore_mem>>
      %dma_start3A = arith.constant 0 : i32
      %dma_start3A_357 = tpu.memref_slice %arg6[%arg0, %add3A_275, %dma_start3A] : memref<2x10560x128xf32, #tpu.memory_space<hbm>> -> memref<1x16x128xf32, #tpu.memory_space<hbm>>
      %dma_start3A_358 = tpu.memref_squeeze %dma_start3A_357 : memref<1x16x128xf32, #tpu.memory_space<hbm>> -> memref<16x128xf32, #tpu.memory_space<hbm>>
      %dma_start3A_359 = arith.constant 0 : i32
      %dma_start3A_360 = tpu.memref_slice %arg6[%arg0, %add3A_275, %dma_start3A_359] : memref<2x10560x128xf32, #tpu.memory_space<hbm>> -> memref<1x16x128xf32, #tpu.memory_space<hbm>>
      %dma_start3A_361 = tpu.memref_squeeze %dma_start3A_360 : memref<1x16x128xf32, #tpu.memory_space<hbm>> -> memref<16x128xf32, #tpu.memory_space<hbm>>
      tpu.enqueue_dma source(%arg14 : memref<16x128xf32, #tpu.memory_space<vmem>>) target(%dma_start3A_361 : memref<16x128xf32, #tpu.memory_space<hbm>>) target_semaphore(%run_scoped3A : memref<!tpu.dma_semaphore, #tpu.memory_space<semaphore_mem>>)
      %dma_wait3A = arith.constant 0 : i32
      %dma_wait3A_362 = tpu.memref_slice %arg6[%arg0, %add3A_275, %dma_wait3A] : memref<2x10560x128xf32, #tpu.memory_space<hbm>> -> memref<1x16x128xf32, #tpu.memory_space<hbm>>
      %dma_wait3A_363 = tpu.memref_squeeze %dma_wait3A_362 : memref<1x16x128xf32, #tpu.memory_space<hbm>> -> memref<16x128xf32, #tpu.memory_space<hbm>>
      %dma_wait3A_364 = arith.constant 0 : i32
      %dma_wait3A_365 = tpu.memref_slice %arg6[%arg0, %add3A_275, %dma_wait3A_364] : memref<2x10560x128xf32, #tpu.memory_space<hbm>> -> memref<1x16x128xf32, #tpu.memory_space<hbm>>
      %dma_wait3A_366 = tpu.memref_squeeze %dma_wait3A_365 : memref<1x16x128xf32, #tpu.memory_space<hbm>> -> memref<16x128xf32, #tpu.memory_space<hbm>>
      tpu.wait_dma2 semaphore(%run_scoped3A : memref<!tpu.dma_semaphore, #tpu.memory_space<semaphore_mem>>) src(%arg14 : memref<16x128xf32, #tpu.memory_space<vmem>>) dst(%dma_wait3A_366 : memref<16x128xf32, #tpu.memory_space<hbm>>)
      tpu.yield
    }) : () -> ()
    %mul3A_276 = arith.constant 640 : i32
    %mul3A_277 = arith.muli %arg1, %mul3A_276 : i32
    %add3A_278 = arith.constant 336 : i32
    %add3A_279 = arith.addi %mul3A_277, %add3A_278 : i32
    "tpu.region"() ({
      %run_scoped3A = tpu.sem_alloc : memref<!tpu.dma_semaphore, #tpu.memory_space<semaphore_mem>>
      %dma_start3A = arith.constant 0 : i32
      %dma_start3A_357 = tpu.memref_slice %arg16[%add3A_279, %dma_start3A] : memref<10240x128xf32, #tpu.memory_space<vmem_shared>> -> memref<16x128xf32, #tpu.memory_space<vmem_shared>>
      %dma_start3A_358 = arith.constant 0 : i32
      %dma_start3A_359 = tpu.memref_slice %arg16[%add3A_279, %dma_start3A_358] : memref<10240x128xf32, #tpu.memory_space<vmem_shared>> -> memref<16x128xf32, #tpu.memory_space<vmem_shared>>
      tpu.enqueue_dma source(%dma_start3A_359 : memref<16x128xf32, #tpu.memory_space<vmem_shared>>) target(%arg14 : memref<16x128xf32, #tpu.memory_space<vmem>>) target_semaphore(%run_scoped3A : memref<!tpu.dma_semaphore, #tpu.memory_space<semaphore_mem>>)
      %dma_wait3A = arith.constant 0 : i32
      %dma_wait3A_360 = tpu.memref_slice %arg16[%add3A_279, %dma_wait3A] : memref<10240x128xf32, #tpu.memory_space<vmem_shared>> -> memref<16x128xf32, #tpu.memory_space<vmem_shared>>
      %dma_wait3A_361 = arith.constant 0 : i32
      %dma_wait3A_362 = tpu.memref_slice %arg16[%add3A_279, %dma_wait3A_361] : memref<10240x128xf32, #tpu.memory_space<vmem_shared>> -> memref<16x128xf32, #tpu.memory_space<vmem_shared>>
      tpu.wait_dma2 semaphore(%run_scoped3A : memref<!tpu.dma_semaphore, #tpu.memory_space<semaphore_mem>>) src(%dma_wait3A_362 : memref<16x128xf32, #tpu.memory_space<vmem_shared>>) dst(%arg14 : memref<16x128xf32, #tpu.memory_space<vmem>>)
      tpu.yield
    }) : () -> ()
    "tpu.region"() ({
      %run_scoped3A = tpu.sem_alloc : memref<!tpu.dma_semaphore, #tpu.memory_space<semaphore_mem>>
      %dma_start3A = arith.constant 0 : i32
      %dma_start3A_357 = tpu.memref_slice %arg6[%arg0, %add3A_279, %dma_start3A] : memref<2x10560x128xf32, #tpu.memory_space<hbm>> -> memref<1x16x128xf32, #tpu.memory_space<hbm>>
      %dma_start3A_358 = tpu.memref_squeeze %dma_start3A_357 : memref<1x16x128xf32, #tpu.memory_space<hbm>> -> memref<16x128xf32, #tpu.memory_space<hbm>>
      %dma_start3A_359 = arith.constant 0 : i32
      %dma_start3A_360 = tpu.memref_slice %arg6[%arg0, %add3A_279, %dma_start3A_359] : memref<2x10560x128xf32, #tpu.memory_space<hbm>> -> memref<1x16x128xf32, #tpu.memory_space<hbm>>
      %dma_start3A_361 = tpu.memref_squeeze %dma_start3A_360 : memref<1x16x128xf32, #tpu.memory_space<hbm>> -> memref<16x128xf32, #tpu.memory_space<hbm>>
      tpu.enqueue_dma source(%arg14 : memref<16x128xf32, #tpu.memory_space<vmem>>) target(%dma_start3A_361 : memref<16x128xf32, #tpu.memory_space<hbm>>) target_semaphore(%run_scoped3A : memref<!tpu.dma_semaphore, #tpu.memory_space<semaphore_mem>>)
      %dma_wait3A = arith.constant 0 : i32
      %dma_wait3A_362 = tpu.memref_slice %arg6[%arg0, %add3A_279, %dma_wait3A] : memref<2x10560x128xf32, #tpu.memory_space<hbm>> -> memref<1x16x128xf32, #tpu.memory_space<hbm>>
      %dma_wait3A_363 = tpu.memref_squeeze %dma_wait3A_362 : memref<1x16x128xf32, #tpu.memory_space<hbm>> -> memref<16x128xf32, #tpu.memory_space<hbm>>
      %dma_wait3A_364 = arith.constant 0 : i32
      %dma_wait3A_365 = tpu.memref_slice %arg6[%arg0, %add3A_279, %dma_wait3A_364] : memref<2x10560x128xf32, #tpu.memory_space<hbm>> -> memref<1x16x128xf32, #tpu.memory_space<hbm>>
      %dma_wait3A_366 = tpu.memref_squeeze %dma_wait3A_365 : memref<1x16x128xf32, #tpu.memory_space<hbm>> -> memref<16x128xf32, #tpu.memory_space<hbm>>
      tpu.wait_dma2 semaphore(%run_scoped3A : memref<!tpu.dma_semaphore, #tpu.memory_space<semaphore_mem>>) src(%arg14 : memref<16x128xf32, #tpu.memory_space<vmem>>) dst(%dma_wait3A_366 : memref<16x128xf32, #tpu.memory_space<hbm>>)
      tpu.yield
    }) : () -> ()
    %mul3A_280 = arith.constant 640 : i32
    %mul3A_281 = arith.muli %arg1, %mul3A_280 : i32
    %add3A_282 = arith.constant 352 : i32
    %add3A_283 = arith.addi %mul3A_281, %add3A_282 : i32
    "tpu.region"() ({
      %run_scoped3A = tpu.sem_alloc : memref<!tpu.dma_semaphore, #tpu.memory_space<semaphore_mem>>
      %dma_start3A = arith.constant 0 : i32
      %dma_start3A_357 = tpu.memref_slice %arg16[%add3A_283, %dma_start3A] : memref<10240x128xf32, #tpu.memory_space<vmem_shared>> -> memref<16x128xf32, #tpu.memory_space<vmem_shared>>
      %dma_start3A_358 = arith.constant 0 : i32
      %dma_start3A_359 = tpu.memref_slice %arg16[%add3A_283, %dma_start3A_358] : memref<10240x128xf32, #tpu.memory_space<vmem_shared>> -> memref<16x128xf32, #tpu.memory_space<vmem_shared>>
      tpu.enqueue_dma source(%dma_start3A_359 : memref<16x128xf32, #tpu.memory_space<vmem_shared>>) target(%arg14 : memref<16x128xf32, #tpu.memory_space<vmem>>) target_semaphore(%run_scoped3A : memref<!tpu.dma_semaphore, #tpu.memory_space<semaphore_mem>>)
      %dma_wait3A = arith.constant 0 : i32
      %dma_wait3A_360 = tpu.memref_slice %arg16[%add3A_283, %dma_wait3A] : memref<10240x128xf32, #tpu.memory_space<vmem_shared>> -> memref<16x128xf32, #tpu.memory_space<vmem_shared>>
      %dma_wait3A_361 = arith.constant 0 : i32
      %dma_wait3A_362 = tpu.memref_slice %arg16[%add3A_283, %dma_wait3A_361] : memref<10240x128xf32, #tpu.memory_space<vmem_shared>> -> memref<16x128xf32, #tpu.memory_space<vmem_shared>>
      tpu.wait_dma2 semaphore(%run_scoped3A : memref<!tpu.dma_semaphore, #tpu.memory_space<semaphore_mem>>) src(%dma_wait3A_362 : memref<16x128xf32, #tpu.memory_space<vmem_shared>>) dst(%arg14 : memref<16x128xf32, #tpu.memory_space<vmem>>)
      tpu.yield
    }) : () -> ()
    "tpu.region"() ({
      %run_scoped3A = tpu.sem_alloc : memref<!tpu.dma_semaphore, #tpu.memory_space<semaphore_mem>>
      %dma_start3A = arith.constant 0 : i32
      %dma_start3A_357 = tpu.memref_slice %arg6[%arg0, %add3A_283, %dma_start3A] : memref<2x10560x128xf32, #tpu.memory_space<hbm>> -> memref<1x16x128xf32, #tpu.memory_space<hbm>>
      %dma_start3A_358 = tpu.memref_squeeze %dma_start3A_357 : memref<1x16x128xf32, #tpu.memory_space<hbm>> -> memref<16x128xf32, #tpu.memory_space<hbm>>
      %dma_start3A_359 = arith.constant 0 : i32
      %dma_start3A_360 = tpu.memref_slice %arg6[%arg0, %add3A_283, %dma_start3A_359] : memref<2x10560x128xf32, #tpu.memory_space<hbm>> -> memref<1x16x128xf32, #tpu.memory_space<hbm>>
      %dma_start3A_361 = tpu.memref_squeeze %dma_start3A_360 : memref<1x16x128xf32, #tpu.memory_space<hbm>> -> memref<16x128xf32, #tpu.memory_space<hbm>>
      tpu.enqueue_dma source(%arg14 : memref<16x128xf32, #tpu.memory_space<vmem>>) target(%dma_start3A_361 : memref<16x128xf32, #tpu.memory_space<hbm>>) target_semaphore(%run_scoped3A : memref<!tpu.dma_semaphore, #tpu.memory_space<semaphore_mem>>)
      %dma_wait3A = arith.constant 0 : i32
      %dma_wait3A_362 = tpu.memref_slice %arg6[%arg0, %add3A_283, %dma_wait3A] : memref<2x10560x128xf32, #tpu.memory_space<hbm>> -> memref<1x16x128xf32, #tpu.memory_space<hbm>>
      %dma_wait3A_363 = tpu.memref_squeeze %dma_wait3A_362 : memref<1x16x128xf32, #tpu.memory_space<hbm>> -> memref<16x128xf32, #tpu.memory_space<hbm>>
      %dma_wait3A_364 = arith.constant 0 : i32
      %dma_wait3A_365 = tpu.memref_slice %arg6[%arg0, %add3A_283, %dma_wait3A_364] : memref<2x10560x128xf32, #tpu.memory_space<hbm>> -> memref<1x16x128xf32, #tpu.memory_space<hbm>>
      %dma_wait3A_366 = tpu.memref_squeeze %dma_wait3A_365 : memref<1x16x128xf32, #tpu.memory_space<hbm>> -> memref<16x128xf32, #tpu.memory_space<hbm>>
      tpu.wait_dma2 semaphore(%run_scoped3A : memref<!tpu.dma_semaphore, #tpu.memory_space<semaphore_mem>>) src(%arg14 : memref<16x128xf32, #tpu.memory_space<vmem>>) dst(%dma_wait3A_366 : memref<16x128xf32, #tpu.memory_space<hbm>>)
      tpu.yield
    }) : () -> ()
    %mul3A_284 = arith.constant 640 : i32
    %mul3A_285 = arith.muli %arg1, %mul3A_284 : i32
    %add3A_286 = arith.constant 368 : i32
    %add3A_287 = arith.addi %mul3A_285, %add3A_286 : i32
    "tpu.region"() ({
      %run_scoped3A = tpu.sem_alloc : memref<!tpu.dma_semaphore, #tpu.memory_space<semaphore_mem>>
      %dma_start3A = arith.constant 0 : i32
      %dma_start3A_357 = tpu.memref_slice %arg16[%add3A_287, %dma_start3A] : memref<10240x128xf32, #tpu.memory_space<vmem_shared>> -> memref<16x128xf32, #tpu.memory_space<vmem_shared>>
      %dma_start3A_358 = arith.constant 0 : i32
      %dma_start3A_359 = tpu.memref_slice %arg16[%add3A_287, %dma_start3A_358] : memref<10240x128xf32, #tpu.memory_space<vmem_shared>> -> memref<16x128xf32, #tpu.memory_space<vmem_shared>>
      tpu.enqueue_dma source(%dma_start3A_359 : memref<16x128xf32, #tpu.memory_space<vmem_shared>>) target(%arg14 : memref<16x128xf32, #tpu.memory_space<vmem>>) target_semaphore(%run_scoped3A : memref<!tpu.dma_semaphore, #tpu.memory_space<semaphore_mem>>)
      %dma_wait3A = arith.constant 0 : i32
      %dma_wait3A_360 = tpu.memref_slice %arg16[%add3A_287, %dma_wait3A] : memref<10240x128xf32, #tpu.memory_space<vmem_shared>> -> memref<16x128xf32, #tpu.memory_space<vmem_shared>>
      %dma_wait3A_361 = arith.constant 0 : i32
      %dma_wait3A_362 = tpu.memref_slice %arg16[%add3A_287, %dma_wait3A_361] : memref<10240x128xf32, #tpu.memory_space<vmem_shared>> -> memref<16x128xf32, #tpu.memory_space<vmem_shared>>
      tpu.wait_dma2 semaphore(%run_scoped3A : memref<!tpu.dma_semaphore, #tpu.memory_space<semaphore_mem>>) src(%dma_wait3A_362 : memref<16x128xf32, #tpu.memory_space<vmem_shared>>) dst(%arg14 : memref<16x128xf32, #tpu.memory_space<vmem>>)
      tpu.yield
    }) : () -> ()
    "tpu.region"() ({
      %run_scoped3A = tpu.sem_alloc : memref<!tpu.dma_semaphore, #tpu.memory_space<semaphore_mem>>
      %dma_start3A = arith.constant 0 : i32
      %dma_start3A_357 = tpu.memref_slice %arg6[%arg0, %add3A_287, %dma_start3A] : memref<2x10560x128xf32, #tpu.memory_space<hbm>> -> memref<1x16x128xf32, #tpu.memory_space<hbm>>
      %dma_start3A_358 = tpu.memref_squeeze %dma_start3A_357 : memref<1x16x128xf32, #tpu.memory_space<hbm>> -> memref<16x128xf32, #tpu.memory_space<hbm>>
      %dma_start3A_359 = arith.constant 0 : i32
      %dma_start3A_360 = tpu.memref_slice %arg6[%arg0, %add3A_287, %dma_start3A_359] : memref<2x10560x128xf32, #tpu.memory_space<hbm>> -> memref<1x16x128xf32, #tpu.memory_space<hbm>>
      %dma_start3A_361 = tpu.memref_squeeze %dma_start3A_360 : memref<1x16x128xf32, #tpu.memory_space<hbm>> -> memref<16x128xf32, #tpu.memory_space<hbm>>
      tpu.enqueue_dma source(%arg14 : memref<16x128xf32, #tpu.memory_space<vmem>>) target(%dma_start3A_361 : memref<16x128xf32, #tpu.memory_space<hbm>>) target_semaphore(%run_scoped3A : memref<!tpu.dma_semaphore, #tpu.memory_space<semaphore_mem>>)
      %dma_wait3A = arith.constant 0 : i32
      %dma_wait3A_362 = tpu.memref_slice %arg6[%arg0, %add3A_287, %dma_wait3A] : memref<2x10560x128xf32, #tpu.memory_space<hbm>> -> memref<1x16x128xf32, #tpu.memory_space<hbm>>
      %dma_wait3A_363 = tpu.memref_squeeze %dma_wait3A_362 : memref<1x16x128xf32, #tpu.memory_space<hbm>> -> memref<16x128xf32, #tpu.memory_space<hbm>>
      %dma_wait3A_364 = arith.constant 0 : i32
      %dma_wait3A_365 = tpu.memref_slice %arg6[%arg0, %add3A_287, %dma_wait3A_364] : memref<2x10560x128xf32, #tpu.memory_space<hbm>> -> memref<1x16x128xf32, #tpu.memory_space<hbm>>
      %dma_wait3A_366 = tpu.memref_squeeze %dma_wait3A_365 : memref<1x16x128xf32, #tpu.memory_space<hbm>> -> memref<16x128xf32, #tpu.memory_space<hbm>>
      tpu.wait_dma2 semaphore(%run_scoped3A : memref<!tpu.dma_semaphore, #tpu.memory_space<semaphore_mem>>) src(%arg14 : memref<16x128xf32, #tpu.memory_space<vmem>>) dst(%dma_wait3A_366 : memref<16x128xf32, #tpu.memory_space<hbm>>)
      tpu.yield
    }) : () -> ()
    %mul3A_288 = arith.constant 640 : i32
    %mul3A_289 = arith.muli %arg1, %mul3A_288 : i32
    %add3A_290 = arith.constant 384 : i32
    %add3A_291 = arith.addi %mul3A_289, %add3A_290 : i32
    "tpu.region"() ({
      %run_scoped3A = tpu.sem_alloc : memref<!tpu.dma_semaphore, #tpu.memory_space<semaphore_mem>>
      %dma_start3A = arith.constant 0 : i32
      %dma_start3A_357 = tpu.memref_slice %arg16[%add3A_291, %dma_start3A] : memref<10240x128xf32, #tpu.memory_space<vmem_shared>> -> memref<16x128xf32, #tpu.memory_space<vmem_shared>>
      %dma_start3A_358 = arith.constant 0 : i32
      %dma_start3A_359 = tpu.memref_slice %arg16[%add3A_291, %dma_start3A_358] : memref<10240x128xf32, #tpu.memory_space<vmem_shared>> -> memref<16x128xf32, #tpu.memory_space<vmem_shared>>
      tpu.enqueue_dma source(%dma_start3A_359 : memref<16x128xf32, #tpu.memory_space<vmem_shared>>) target(%arg14 : memref<16x128xf32, #tpu.memory_space<vmem>>) target_semaphore(%run_scoped3A : memref<!tpu.dma_semaphore, #tpu.memory_space<semaphore_mem>>)
      %dma_wait3A = arith.constant 0 : i32
      %dma_wait3A_360 = tpu.memref_slice %arg16[%add3A_291, %dma_wait3A] : memref<10240x128xf32, #tpu.memory_space<vmem_shared>> -> memref<16x128xf32, #tpu.memory_space<vmem_shared>>
      %dma_wait3A_361 = arith.constant 0 : i32
      %dma_wait3A_362 = tpu.memref_slice %arg16[%add3A_291, %dma_wait3A_361] : memref<10240x128xf32, #tpu.memory_space<vmem_shared>> -> memref<16x128xf32, #tpu.memory_space<vmem_shared>>
      tpu.wait_dma2 semaphore(%run_scoped3A : memref<!tpu.dma_semaphore, #tpu.memory_space<semaphore_mem>>) src(%dma_wait3A_362 : memref<16x128xf32, #tpu.memory_space<vmem_shared>>) dst(%arg14 : memref<16x128xf32, #tpu.memory_space<vmem>>)
      tpu.yield
    }) : () -> ()
    "tpu.region"() ({
      %run_scoped3A = tpu.sem_alloc : memref<!tpu.dma_semaphore, #tpu.memory_space<semaphore_mem>>
      %dma_start3A = arith.constant 0 : i32
      %dma_start3A_357 = tpu.memref_slice %arg6[%arg0, %add3A_291, %dma_start3A] : memref<2x10560x128xf32, #tpu.memory_space<hbm>> -> memref<1x16x128xf32, #tpu.memory_space<hbm>>
      %dma_start3A_358 = tpu.memref_squeeze %dma_start3A_357 : memref<1x16x128xf32, #tpu.memory_space<hbm>> -> memref<16x128xf32, #tpu.memory_space<hbm>>
      %dma_start3A_359 = arith.constant 0 : i32
      %dma_start3A_360 = tpu.memref_slice %arg6[%arg0, %add3A_291, %dma_start3A_359] : memref<2x10560x128xf32, #tpu.memory_space<hbm>> -> memref<1x16x128xf32, #tpu.memory_space<hbm>>
      %dma_start3A_361 = tpu.memref_squeeze %dma_start3A_360 : memref<1x16x128xf32, #tpu.memory_space<hbm>> -> memref<16x128xf32, #tpu.memory_space<hbm>>
      tpu.enqueue_dma source(%arg14 : memref<16x128xf32, #tpu.memory_space<vmem>>) target(%dma_start3A_361 : memref<16x128xf32, #tpu.memory_space<hbm>>) target_semaphore(%run_scoped3A : memref<!tpu.dma_semaphore, #tpu.memory_space<semaphore_mem>>)
      %dma_wait3A = arith.constant 0 : i32
      %dma_wait3A_362 = tpu.memref_slice %arg6[%arg0, %add3A_291, %dma_wait3A] : memref<2x10560x128xf32, #tpu.memory_space<hbm>> -> memref<1x16x128xf32, #tpu.memory_space<hbm>>
      %dma_wait3A_363 = tpu.memref_squeeze %dma_wait3A_362 : memref<1x16x128xf32, #tpu.memory_space<hbm>> -> memref<16x128xf32, #tpu.memory_space<hbm>>
      %dma_wait3A_364 = arith.constant 0 : i32
      %dma_wait3A_365 = tpu.memref_slice %arg6[%arg0, %add3A_291, %dma_wait3A_364] : memref<2x10560x128xf32, #tpu.memory_space<hbm>> -> memref<1x16x128xf32, #tpu.memory_space<hbm>>
      %dma_wait3A_366 = tpu.memref_squeeze %dma_wait3A_365 : memref<1x16x128xf32, #tpu.memory_space<hbm>> -> memref<16x128xf32, #tpu.memory_space<hbm>>
      tpu.wait_dma2 semaphore(%run_scoped3A : memref<!tpu.dma_semaphore, #tpu.memory_space<semaphore_mem>>) src(%arg14 : memref<16x128xf32, #tpu.memory_space<vmem>>) dst(%dma_wait3A_366 : memref<16x128xf32, #tpu.memory_space<hbm>>)
      tpu.yield
    }) : () -> ()
    %mul3A_292 = arith.constant 640 : i32
    %mul3A_293 = arith.muli %arg1, %mul3A_292 : i32
    %add3A_294 = arith.constant 400 : i32
    %add3A_295 = arith.addi %mul3A_293, %add3A_294 : i32
    "tpu.region"() ({
      %run_scoped3A = tpu.sem_alloc : memref<!tpu.dma_semaphore, #tpu.memory_space<semaphore_mem>>
      %dma_start3A = arith.constant 0 : i32
      %dma_start3A_357 = tpu.memref_slice %arg16[%add3A_295, %dma_start3A] : memref<10240x128xf32, #tpu.memory_space<vmem_shared>> -> memref<16x128xf32, #tpu.memory_space<vmem_shared>>
      %dma_start3A_358 = arith.constant 0 : i32
      %dma_start3A_359 = tpu.memref_slice %arg16[%add3A_295, %dma_start3A_358] : memref<10240x128xf32, #tpu.memory_space<vmem_shared>> -> memref<16x128xf32, #tpu.memory_space<vmem_shared>>
      tpu.enqueue_dma source(%dma_start3A_359 : memref<16x128xf32, #tpu.memory_space<vmem_shared>>) target(%arg14 : memref<16x128xf32, #tpu.memory_space<vmem>>) target_semaphore(%run_scoped3A : memref<!tpu.dma_semaphore, #tpu.memory_space<semaphore_mem>>)
      %dma_wait3A = arith.constant 0 : i32
      %dma_wait3A_360 = tpu.memref_slice %arg16[%add3A_295, %dma_wait3A] : memref<10240x128xf32, #tpu.memory_space<vmem_shared>> -> memref<16x128xf32, #tpu.memory_space<vmem_shared>>
      %dma_wait3A_361 = arith.constant 0 : i32
      %dma_wait3A_362 = tpu.memref_slice %arg16[%add3A_295, %dma_wait3A_361] : memref<10240x128xf32, #tpu.memory_space<vmem_shared>> -> memref<16x128xf32, #tpu.memory_space<vmem_shared>>
      tpu.wait_dma2 semaphore(%run_scoped3A : memref<!tpu.dma_semaphore, #tpu.memory_space<semaphore_mem>>) src(%dma_wait3A_362 : memref<16x128xf32, #tpu.memory_space<vmem_shared>>) dst(%arg14 : memref<16x128xf32, #tpu.memory_space<vmem>>)
      tpu.yield
    }) : () -> ()
    "tpu.region"() ({
      %run_scoped3A = tpu.sem_alloc : memref<!tpu.dma_semaphore, #tpu.memory_space<semaphore_mem>>
      %dma_start3A = arith.constant 0 : i32
      %dma_start3A_357 = tpu.memref_slice %arg6[%arg0, %add3A_295, %dma_start3A] : memref<2x10560x128xf32, #tpu.memory_space<hbm>> -> memref<1x16x128xf32, #tpu.memory_space<hbm>>
      %dma_start3A_358 = tpu.memref_squeeze %dma_start3A_357 : memref<1x16x128xf32, #tpu.memory_space<hbm>> -> memref<16x128xf32, #tpu.memory_space<hbm>>
      %dma_start3A_359 = arith.constant 0 : i32
      %dma_start3A_360 = tpu.memref_slice %arg6[%arg0, %add3A_295, %dma_start3A_359] : memref<2x10560x128xf32, #tpu.memory_space<hbm>> -> memref<1x16x128xf32, #tpu.memory_space<hbm>>
      %dma_start3A_361 = tpu.memref_squeeze %dma_start3A_360 : memref<1x16x128xf32, #tpu.memory_space<hbm>> -> memref<16x128xf32, #tpu.memory_space<hbm>>
      tpu.enqueue_dma source(%arg14 : memref<16x128xf32, #tpu.memory_space<vmem>>) target(%dma_start3A_361 : memref<16x128xf32, #tpu.memory_space<hbm>>) target_semaphore(%run_scoped3A : memref<!tpu.dma_semaphore, #tpu.memory_space<semaphore_mem>>)
      %dma_wait3A = arith.constant 0 : i32
      %dma_wait3A_362 = tpu.memref_slice %arg6[%arg0, %add3A_295, %dma_wait3A] : memref<2x10560x128xf32, #tpu.memory_space<hbm>> -> memref<1x16x128xf32, #tpu.memory_space<hbm>>
      %dma_wait3A_363 = tpu.memref_squeeze %dma_wait3A_362 : memref<1x16x128xf32, #tpu.memory_space<hbm>> -> memref<16x128xf32, #tpu.memory_space<hbm>>
      %dma_wait3A_364 = arith.constant 0 : i32
      %dma_wait3A_365 = tpu.memref_slice %arg6[%arg0, %add3A_295, %dma_wait3A_364] : memref<2x10560x128xf32, #tpu.memory_space<hbm>> -> memref<1x16x128xf32, #tpu.memory_space<hbm>>
      %dma_wait3A_366 = tpu.memref_squeeze %dma_wait3A_365 : memref<1x16x128xf32, #tpu.memory_space<hbm>> -> memref<16x128xf32, #tpu.memory_space<hbm>>
      tpu.wait_dma2 semaphore(%run_scoped3A : memref<!tpu.dma_semaphore, #tpu.memory_space<semaphore_mem>>) src(%arg14 : memref<16x128xf32, #tpu.memory_space<vmem>>) dst(%dma_wait3A_366 : memref<16x128xf32, #tpu.memory_space<hbm>>)
      tpu.yield
    }) : () -> ()
    %mul3A_296 = arith.constant 640 : i32
    %mul3A_297 = arith.muli %arg1, %mul3A_296 : i32
    %add3A_298 = arith.constant 416 : i32
    %add3A_299 = arith.addi %mul3A_297, %add3A_298 : i32
    "tpu.region"() ({
      %run_scoped3A = tpu.sem_alloc : memref<!tpu.dma_semaphore, #tpu.memory_space<semaphore_mem>>
      %dma_start3A = arith.constant 0 : i32
      %dma_start3A_357 = tpu.memref_slice %arg16[%add3A_299, %dma_start3A] : memref<10240x128xf32, #tpu.memory_space<vmem_shared>> -> memref<16x128xf32, #tpu.memory_space<vmem_shared>>
      %dma_start3A_358 = arith.constant 0 : i32
      %dma_start3A_359 = tpu.memref_slice %arg16[%add3A_299, %dma_start3A_358] : memref<10240x128xf32, #tpu.memory_space<vmem_shared>> -> memref<16x128xf32, #tpu.memory_space<vmem_shared>>
      tpu.enqueue_dma source(%dma_start3A_359 : memref<16x128xf32, #tpu.memory_space<vmem_shared>>) target(%arg14 : memref<16x128xf32, #tpu.memory_space<vmem>>) target_semaphore(%run_scoped3A : memref<!tpu.dma_semaphore, #tpu.memory_space<semaphore_mem>>)
      %dma_wait3A = arith.constant 0 : i32
      %dma_wait3A_360 = tpu.memref_slice %arg16[%add3A_299, %dma_wait3A] : memref<10240x128xf32, #tpu.memory_space<vmem_shared>> -> memref<16x128xf32, #tpu.memory_space<vmem_shared>>
      %dma_wait3A_361 = arith.constant 0 : i32
      %dma_wait3A_362 = tpu.memref_slice %arg16[%add3A_299, %dma_wait3A_361] : memref<10240x128xf32, #tpu.memory_space<vmem_shared>> -> memref<16x128xf32, #tpu.memory_space<vmem_shared>>
      tpu.wait_dma2 semaphore(%run_scoped3A : memref<!tpu.dma_semaphore, #tpu.memory_space<semaphore_mem>>) src(%dma_wait3A_362 : memref<16x128xf32, #tpu.memory_space<vmem_shared>>) dst(%arg14 : memref<16x128xf32, #tpu.memory_space<vmem>>)
      tpu.yield
    }) : () -> ()
    "tpu.region"() ({
      %run_scoped3A = tpu.sem_alloc : memref<!tpu.dma_semaphore, #tpu.memory_space<semaphore_mem>>
      %dma_start3A = arith.constant 0 : i32
      %dma_start3A_357 = tpu.memref_slice %arg6[%arg0, %add3A_299, %dma_start3A] : memref<2x10560x128xf32, #tpu.memory_space<hbm>> -> memref<1x16x128xf32, #tpu.memory_space<hbm>>
      %dma_start3A_358 = tpu.memref_squeeze %dma_start3A_357 : memref<1x16x128xf32, #tpu.memory_space<hbm>> -> memref<16x128xf32, #tpu.memory_space<hbm>>
      %dma_start3A_359 = arith.constant 0 : i32
      %dma_start3A_360 = tpu.memref_slice %arg6[%arg0, %add3A_299, %dma_start3A_359] : memref<2x10560x128xf32, #tpu.memory_space<hbm>> -> memref<1x16x128xf32, #tpu.memory_space<hbm>>
      %dma_start3A_361 = tpu.memref_squeeze %dma_start3A_360 : memref<1x16x128xf32, #tpu.memory_space<hbm>> -> memref<16x128xf32, #tpu.memory_space<hbm>>
      tpu.enqueue_dma source(%arg14 : memref<16x128xf32, #tpu.memory_space<vmem>>) target(%dma_start3A_361 : memref<16x128xf32, #tpu.memory_space<hbm>>) target_semaphore(%run_scoped3A : memref<!tpu.dma_semaphore, #tpu.memory_space<semaphore_mem>>)
      %dma_wait3A = arith.constant 0 : i32
      %dma_wait3A_362 = tpu.memref_slice %arg6[%arg0, %add3A_299, %dma_wait3A] : memref<2x10560x128xf32, #tpu.memory_space<hbm>> -> memref<1x16x128xf32, #tpu.memory_space<hbm>>
      %dma_wait3A_363 = tpu.memref_squeeze %dma_wait3A_362 : memref<1x16x128xf32, #tpu.memory_space<hbm>> -> memref<16x128xf32, #tpu.memory_space<hbm>>
      %dma_wait3A_364 = arith.constant 0 : i32
      %dma_wait3A_365 = tpu.memref_slice %arg6[%arg0, %add3A_299, %dma_wait3A_364] : memref<2x10560x128xf32, #tpu.memory_space<hbm>> -> memref<1x16x128xf32, #tpu.memory_space<hbm>>
      %dma_wait3A_366 = tpu.memref_squeeze %dma_wait3A_365 : memref<1x16x128xf32, #tpu.memory_space<hbm>> -> memref<16x128xf32, #tpu.memory_space<hbm>>
      tpu.wait_dma2 semaphore(%run_scoped3A : memref<!tpu.dma_semaphore, #tpu.memory_space<semaphore_mem>>) src(%arg14 : memref<16x128xf32, #tpu.memory_space<vmem>>) dst(%dma_wait3A_366 : memref<16x128xf32, #tpu.memory_space<hbm>>)
      tpu.yield
    }) : () -> ()
    %mul3A_300 = arith.constant 640 : i32
    %mul3A_301 = arith.muli %arg1, %mul3A_300 : i32
    %add3A_302 = arith.constant 432 : i32
    %add3A_303 = arith.addi %mul3A_301, %add3A_302 : i32
    "tpu.region"() ({
      %run_scoped3A = tpu.sem_alloc : memref<!tpu.dma_semaphore, #tpu.memory_space<semaphore_mem>>
      %dma_start3A = arith.constant 0 : i32
      %dma_start3A_357 = tpu.memref_slice %arg16[%add3A_303, %dma_start3A] : memref<10240x128xf32, #tpu.memory_space<vmem_shared>> -> memref<16x128xf32, #tpu.memory_space<vmem_shared>>
      %dma_start3A_358 = arith.constant 0 : i32
      %dma_start3A_359 = tpu.memref_slice %arg16[%add3A_303, %dma_start3A_358] : memref<10240x128xf32, #tpu.memory_space<vmem_shared>> -> memref<16x128xf32, #tpu.memory_space<vmem_shared>>
      tpu.enqueue_dma source(%dma_start3A_359 : memref<16x128xf32, #tpu.memory_space<vmem_shared>>) target(%arg14 : memref<16x128xf32, #tpu.memory_space<vmem>>) target_semaphore(%run_scoped3A : memref<!tpu.dma_semaphore, #tpu.memory_space<semaphore_mem>>)
      %dma_wait3A = arith.constant 0 : i32
      %dma_wait3A_360 = tpu.memref_slice %arg16[%add3A_303, %dma_wait3A] : memref<10240x128xf32, #tpu.memory_space<vmem_shared>> -> memref<16x128xf32, #tpu.memory_space<vmem_shared>>
      %dma_wait3A_361 = arith.constant 0 : i32
      %dma_wait3A_362 = tpu.memref_slice %arg16[%add3A_303, %dma_wait3A_361] : memref<10240x128xf32, #tpu.memory_space<vmem_shared>> -> memref<16x128xf32, #tpu.memory_space<vmem_shared>>
      tpu.wait_dma2 semaphore(%run_scoped3A : memref<!tpu.dma_semaphore, #tpu.memory_space<semaphore_mem>>) src(%dma_wait3A_362 : memref<16x128xf32, #tpu.memory_space<vmem_shared>>) dst(%arg14 : memref<16x128xf32, #tpu.memory_space<vmem>>)
      tpu.yield
    }) : () -> ()
    "tpu.region"() ({
      %run_scoped3A = tpu.sem_alloc : memref<!tpu.dma_semaphore, #tpu.memory_space<semaphore_mem>>
      %dma_start3A = arith.constant 0 : i32
      %dma_start3A_357 = tpu.memref_slice %arg6[%arg0, %add3A_303, %dma_start3A] : memref<2x10560x128xf32, #tpu.memory_space<hbm>> -> memref<1x16x128xf32, #tpu.memory_space<hbm>>
      %dma_start3A_358 = tpu.memref_squeeze %dma_start3A_357 : memref<1x16x128xf32, #tpu.memory_space<hbm>> -> memref<16x128xf32, #tpu.memory_space<hbm>>
      %dma_start3A_359 = arith.constant 0 : i32
      %dma_start3A_360 = tpu.memref_slice %arg6[%arg0, %add3A_303, %dma_start3A_359] : memref<2x10560x128xf32, #tpu.memory_space<hbm>> -> memref<1x16x128xf32, #tpu.memory_space<hbm>>
      %dma_start3A_361 = tpu.memref_squeeze %dma_start3A_360 : memref<1x16x128xf32, #tpu.memory_space<hbm>> -> memref<16x128xf32, #tpu.memory_space<hbm>>
      tpu.enqueue_dma source(%arg14 : memref<16x128xf32, #tpu.memory_space<vmem>>) target(%dma_start3A_361 : memref<16x128xf32, #tpu.memory_space<hbm>>) target_semaphore(%run_scoped3A : memref<!tpu.dma_semaphore, #tpu.memory_space<semaphore_mem>>)
      %dma_wait3A = arith.constant 0 : i32
      %dma_wait3A_362 = tpu.memref_slice %arg6[%arg0, %add3A_303, %dma_wait3A] : memref<2x10560x128xf32, #tpu.memory_space<hbm>> -> memref<1x16x128xf32, #tpu.memory_space<hbm>>
      %dma_wait3A_363 = tpu.memref_squeeze %dma_wait3A_362 : memref<1x16x128xf32, #tpu.memory_space<hbm>> -> memref<16x128xf32, #tpu.memory_space<hbm>>
      %dma_wait3A_364 = arith.constant 0 : i32
      %dma_wait3A_365 = tpu.memref_slice %arg6[%arg0, %add3A_303, %dma_wait3A_364] : memref<2x10560x128xf32, #tpu.memory_space<hbm>> -> memref<1x16x128xf32, #tpu.memory_space<hbm>>
      %dma_wait3A_366 = tpu.memref_squeeze %dma_wait3A_365 : memref<1x16x128xf32, #tpu.memory_space<hbm>> -> memref<16x128xf32, #tpu.memory_space<hbm>>
      tpu.wait_dma2 semaphore(%run_scoped3A : memref<!tpu.dma_semaphore, #tpu.memory_space<semaphore_mem>>) src(%arg14 : memref<16x128xf32, #tpu.memory_space<vmem>>) dst(%dma_wait3A_366 : memref<16x128xf32, #tpu.memory_space<hbm>>)
      tpu.yield
    }) : () -> ()
    %mul3A_304 = arith.constant 640 : i32
    %mul3A_305 = arith.muli %arg1, %mul3A_304 : i32
    %add3A_306 = arith.constant 448 : i32
    %add3A_307 = arith.addi %mul3A_305, %add3A_306 : i32
    "tpu.region"() ({
      %run_scoped3A = tpu.sem_alloc : memref<!tpu.dma_semaphore, #tpu.memory_space<semaphore_mem>>
      %dma_start3A = arith.constant 0 : i32
      %dma_start3A_357 = tpu.memref_slice %arg16[%add3A_307, %dma_start3A] : memref<10240x128xf32, #tpu.memory_space<vmem_shared>> -> memref<16x128xf32, #tpu.memory_space<vmem_shared>>
      %dma_start3A_358 = arith.constant 0 : i32
      %dma_start3A_359 = tpu.memref_slice %arg16[%add3A_307, %dma_start3A_358] : memref<10240x128xf32, #tpu.memory_space<vmem_shared>> -> memref<16x128xf32, #tpu.memory_space<vmem_shared>>
      tpu.enqueue_dma source(%dma_start3A_359 : memref<16x128xf32, #tpu.memory_space<vmem_shared>>) target(%arg14 : memref<16x128xf32, #tpu.memory_space<vmem>>) target_semaphore(%run_scoped3A : memref<!tpu.dma_semaphore, #tpu.memory_space<semaphore_mem>>)
      %dma_wait3A = arith.constant 0 : i32
      %dma_wait3A_360 = tpu.memref_slice %arg16[%add3A_307, %dma_wait3A] : memref<10240x128xf32, #tpu.memory_space<vmem_shared>> -> memref<16x128xf32, #tpu.memory_space<vmem_shared>>
      %dma_wait3A_361 = arith.constant 0 : i32
      %dma_wait3A_362 = tpu.memref_slice %arg16[%add3A_307, %dma_wait3A_361] : memref<10240x128xf32, #tpu.memory_space<vmem_shared>> -> memref<16x128xf32, #tpu.memory_space<vmem_shared>>
      tpu.wait_dma2 semaphore(%run_scoped3A : memref<!tpu.dma_semaphore, #tpu.memory_space<semaphore_mem>>) src(%dma_wait3A_362 : memref<16x128xf32, #tpu.memory_space<vmem_shared>>) dst(%arg14 : memref<16x128xf32, #tpu.memory_space<vmem>>)
      tpu.yield
    }) : () -> ()
    "tpu.region"() ({
      %run_scoped3A = tpu.sem_alloc : memref<!tpu.dma_semaphore, #tpu.memory_space<semaphore_mem>>
      %dma_start3A = arith.constant 0 : i32
      %dma_start3A_357 = tpu.memref_slice %arg6[%arg0, %add3A_307, %dma_start3A] : memref<2x10560x128xf32, #tpu.memory_space<hbm>> -> memref<1x16x128xf32, #tpu.memory_space<hbm>>
      %dma_start3A_358 = tpu.memref_squeeze %dma_start3A_357 : memref<1x16x128xf32, #tpu.memory_space<hbm>> -> memref<16x128xf32, #tpu.memory_space<hbm>>
      %dma_start3A_359 = arith.constant 0 : i32
      %dma_start3A_360 = tpu.memref_slice %arg6[%arg0, %add3A_307, %dma_start3A_359] : memref<2x10560x128xf32, #tpu.memory_space<hbm>> -> memref<1x16x128xf32, #tpu.memory_space<hbm>>
      %dma_start3A_361 = tpu.memref_squeeze %dma_start3A_360 : memref<1x16x128xf32, #tpu.memory_space<hbm>> -> memref<16x128xf32, #tpu.memory_space<hbm>>
      tpu.enqueue_dma source(%arg14 : memref<16x128xf32, #tpu.memory_space<vmem>>) target(%dma_start3A_361 : memref<16x128xf32, #tpu.memory_space<hbm>>) target_semaphore(%run_scoped3A : memref<!tpu.dma_semaphore, #tpu.memory_space<semaphore_mem>>)
      %dma_wait3A = arith.constant 0 : i32
      %dma_wait3A_362 = tpu.memref_slice %arg6[%arg0, %add3A_307, %dma_wait3A] : memref<2x10560x128xf32, #tpu.memory_space<hbm>> -> memref<1x16x128xf32, #tpu.memory_space<hbm>>
      %dma_wait3A_363 = tpu.memref_squeeze %dma_wait3A_362 : memref<1x16x128xf32, #tpu.memory_space<hbm>> -> memref<16x128xf32, #tpu.memory_space<hbm>>
      %dma_wait3A_364 = arith.constant 0 : i32
      %dma_wait3A_365 = tpu.memref_slice %arg6[%arg0, %add3A_307, %dma_wait3A_364] : memref<2x10560x128xf32, #tpu.memory_space<hbm>> -> memref<1x16x128xf32, #tpu.memory_space<hbm>>
      %dma_wait3A_366 = tpu.memref_squeeze %dma_wait3A_365 : memref<1x16x128xf32, #tpu.memory_space<hbm>> -> memref<16x128xf32, #tpu.memory_space<hbm>>
      tpu.wait_dma2 semaphore(%run_scoped3A : memref<!tpu.dma_semaphore, #tpu.memory_space<semaphore_mem>>) src(%arg14 : memref<16x128xf32, #tpu.memory_space<vmem>>) dst(%dma_wait3A_366 : memref<16x128xf32, #tpu.memory_space<hbm>>)
      tpu.yield
    }) : () -> ()
    %mul3A_308 = arith.constant 640 : i32
    %mul3A_309 = arith.muli %arg1, %mul3A_308 : i32
    %add3A_310 = arith.constant 464 : i32
    %add3A_311 = arith.addi %mul3A_309, %add3A_310 : i32
    "tpu.region"() ({
      %run_scoped3A = tpu.sem_alloc : memref<!tpu.dma_semaphore, #tpu.memory_space<semaphore_mem>>
      %dma_start3A = arith.constant 0 : i32
      %dma_start3A_357 = tpu.memref_slice %arg16[%add3A_311, %dma_start3A] : memref<10240x128xf32, #tpu.memory_space<vmem_shared>> -> memref<16x128xf32, #tpu.memory_space<vmem_shared>>
      %dma_start3A_358 = arith.constant 0 : i32
      %dma_start3A_359 = tpu.memref_slice %arg16[%add3A_311, %dma_start3A_358] : memref<10240x128xf32, #tpu.memory_space<vmem_shared>> -> memref<16x128xf32, #tpu.memory_space<vmem_shared>>
      tpu.enqueue_dma source(%dma_start3A_359 : memref<16x128xf32, #tpu.memory_space<vmem_shared>>) target(%arg14 : memref<16x128xf32, #tpu.memory_space<vmem>>) target_semaphore(%run_scoped3A : memref<!tpu.dma_semaphore, #tpu.memory_space<semaphore_mem>>)
      %dma_wait3A = arith.constant 0 : i32
      %dma_wait3A_360 = tpu.memref_slice %arg16[%add3A_311, %dma_wait3A] : memref<10240x128xf32, #tpu.memory_space<vmem_shared>> -> memref<16x128xf32, #tpu.memory_space<vmem_shared>>
      %dma_wait3A_361 = arith.constant 0 : i32
      %dma_wait3A_362 = tpu.memref_slice %arg16[%add3A_311, %dma_wait3A_361] : memref<10240x128xf32, #tpu.memory_space<vmem_shared>> -> memref<16x128xf32, #tpu.memory_space<vmem_shared>>
      tpu.wait_dma2 semaphore(%run_scoped3A : memref<!tpu.dma_semaphore, #tpu.memory_space<semaphore_mem>>) src(%dma_wait3A_362 : memref<16x128xf32, #tpu.memory_space<vmem_shared>>) dst(%arg14 : memref<16x128xf32, #tpu.memory_space<vmem>>)
      tpu.yield
    }) : () -> ()
    "tpu.region"() ({
      %run_scoped3A = tpu.sem_alloc : memref<!tpu.dma_semaphore, #tpu.memory_space<semaphore_mem>>
      %dma_start3A = arith.constant 0 : i32
      %dma_start3A_357 = tpu.memref_slice %arg6[%arg0, %add3A_311, %dma_start3A] : memref<2x10560x128xf32, #tpu.memory_space<hbm>> -> memref<1x16x128xf32, #tpu.memory_space<hbm>>
      %dma_start3A_358 = tpu.memref_squeeze %dma_start3A_357 : memref<1x16x128xf32, #tpu.memory_space<hbm>> -> memref<16x128xf32, #tpu.memory_space<hbm>>
      %dma_start3A_359 = arith.constant 0 : i32
      %dma_start3A_360 = tpu.memref_slice %arg6[%arg0, %add3A_311, %dma_start3A_359] : memref<2x10560x128xf32, #tpu.memory_space<hbm>> -> memref<1x16x128xf32, #tpu.memory_space<hbm>>
      %dma_start3A_361 = tpu.memref_squeeze %dma_start3A_360 : memref<1x16x128xf32, #tpu.memory_space<hbm>> -> memref<16x128xf32, #tpu.memory_space<hbm>>
      tpu.enqueue_dma source(%arg14 : memref<16x128xf32, #tpu.memory_space<vmem>>) target(%dma_start3A_361 : memref<16x128xf32, #tpu.memory_space<hbm>>) target_semaphore(%run_scoped3A : memref<!tpu.dma_semaphore, #tpu.memory_space<semaphore_mem>>)
      %dma_wait3A = arith.constant 0 : i32
      %dma_wait3A_362 = tpu.memref_slice %arg6[%arg0, %add3A_311, %dma_wait3A] : memref<2x10560x128xf32, #tpu.memory_space<hbm>> -> memref<1x16x128xf32, #tpu.memory_space<hbm>>
      %dma_wait3A_363 = tpu.memref_squeeze %dma_wait3A_362 : memref<1x16x128xf32, #tpu.memory_space<hbm>> -> memref<16x128xf32, #tpu.memory_space<hbm>>
      %dma_wait3A_364 = arith.constant 0 : i32
      %dma_wait3A_365 = tpu.memref_slice %arg6[%arg0, %add3A_311, %dma_wait3A_364] : memref<2x10560x128xf32, #tpu.memory_space<hbm>> -> memref<1x16x128xf32, #tpu.memory_space<hbm>>
      %dma_wait3A_366 = tpu.memref_squeeze %dma_wait3A_365 : memref<1x16x128xf32, #tpu.memory_space<hbm>> -> memref<16x128xf32, #tpu.memory_space<hbm>>
      tpu.wait_dma2 semaphore(%run_scoped3A : memref<!tpu.dma_semaphore, #tpu.memory_space<semaphore_mem>>) src(%arg14 : memref<16x128xf32, #tpu.memory_space<vmem>>) dst(%dma_wait3A_366 : memref<16x128xf32, #tpu.memory_space<hbm>>)
      tpu.yield
    }) : () -> ()
    %mul3A_312 = arith.constant 640 : i32
    %mul3A_313 = arith.muli %arg1, %mul3A_312 : i32
    %add3A_314 = arith.constant 480 : i32
    %add3A_315 = arith.addi %mul3A_313, %add3A_314 : i32
    "tpu.region"() ({
      %run_scoped3A = tpu.sem_alloc : memref<!tpu.dma_semaphore, #tpu.memory_space<semaphore_mem>>
      %dma_start3A = arith.constant 0 : i32
      %dma_start3A_357 = tpu.memref_slice %arg16[%add3A_315, %dma_start3A] : memref<10240x128xf32, #tpu.memory_space<vmem_shared>> -> memref<16x128xf32, #tpu.memory_space<vmem_shared>>
      %dma_start3A_358 = arith.constant 0 : i32
      %dma_start3A_359 = tpu.memref_slice %arg16[%add3A_315, %dma_start3A_358] : memref<10240x128xf32, #tpu.memory_space<vmem_shared>> -> memref<16x128xf32, #tpu.memory_space<vmem_shared>>
      tpu.enqueue_dma source(%dma_start3A_359 : memref<16x128xf32, #tpu.memory_space<vmem_shared>>) target(%arg14 : memref<16x128xf32, #tpu.memory_space<vmem>>) target_semaphore(%run_scoped3A : memref<!tpu.dma_semaphore, #tpu.memory_space<semaphore_mem>>)
      %dma_wait3A = arith.constant 0 : i32
      %dma_wait3A_360 = tpu.memref_slice %arg16[%add3A_315, %dma_wait3A] : memref<10240x128xf32, #tpu.memory_space<vmem_shared>> -> memref<16x128xf32, #tpu.memory_space<vmem_shared>>
      %dma_wait3A_361 = arith.constant 0 : i32
      %dma_wait3A_362 = tpu.memref_slice %arg16[%add3A_315, %dma_wait3A_361] : memref<10240x128xf32, #tpu.memory_space<vmem_shared>> -> memref<16x128xf32, #tpu.memory_space<vmem_shared>>
      tpu.wait_dma2 semaphore(%run_scoped3A : memref<!tpu.dma_semaphore, #tpu.memory_space<semaphore_mem>>) src(%dma_wait3A_362 : memref<16x128xf32, #tpu.memory_space<vmem_shared>>) dst(%arg14 : memref<16x128xf32, #tpu.memory_space<vmem>>)
      tpu.yield
    }) : () -> ()
    "tpu.region"() ({
      %run_scoped3A = tpu.sem_alloc : memref<!tpu.dma_semaphore, #tpu.memory_space<semaphore_mem>>
      %dma_start3A = arith.constant 0 : i32
      %dma_start3A_357 = tpu.memref_slice %arg6[%arg0, %add3A_315, %dma_start3A] : memref<2x10560x128xf32, #tpu.memory_space<hbm>> -> memref<1x16x128xf32, #tpu.memory_space<hbm>>
      %dma_start3A_358 = tpu.memref_squeeze %dma_start3A_357 : memref<1x16x128xf32, #tpu.memory_space<hbm>> -> memref<16x128xf32, #tpu.memory_space<hbm>>
      %dma_start3A_359 = arith.constant 0 : i32
      %dma_start3A_360 = tpu.memref_slice %arg6[%arg0, %add3A_315, %dma_start3A_359] : memref<2x10560x128xf32, #tpu.memory_space<hbm>> -> memref<1x16x128xf32, #tpu.memory_space<hbm>>
      %dma_start3A_361 = tpu.memref_squeeze %dma_start3A_360 : memref<1x16x128xf32, #tpu.memory_space<hbm>> -> memref<16x128xf32, #tpu.memory_space<hbm>>
      tpu.enqueue_dma source(%arg14 : memref<16x128xf32, #tpu.memory_space<vmem>>) target(%dma_start3A_361 : memref<16x128xf32, #tpu.memory_space<hbm>>) target_semaphore(%run_scoped3A : memref<!tpu.dma_semaphore, #tpu.memory_space<semaphore_mem>>)
      %dma_wait3A = arith.constant 0 : i32
      %dma_wait3A_362 = tpu.memref_slice %arg6[%arg0, %add3A_315, %dma_wait3A] : memref<2x10560x128xf32, #tpu.memory_space<hbm>> -> memref<1x16x128xf32, #tpu.memory_space<hbm>>
      %dma_wait3A_363 = tpu.memref_squeeze %dma_wait3A_362 : memref<1x16x128xf32, #tpu.memory_space<hbm>> -> memref<16x128xf32, #tpu.memory_space<hbm>>
      %dma_wait3A_364 = arith.constant 0 : i32
      %dma_wait3A_365 = tpu.memref_slice %arg6[%arg0, %add3A_315, %dma_wait3A_364] : memref<2x10560x128xf32, #tpu.memory_space<hbm>> -> memref<1x16x128xf32, #tpu.memory_space<hbm>>
      %dma_wait3A_366 = tpu.memref_squeeze %dma_wait3A_365 : memref<1x16x128xf32, #tpu.memory_space<hbm>> -> memref<16x128xf32, #tpu.memory_space<hbm>>
      tpu.wait_dma2 semaphore(%run_scoped3A : memref<!tpu.dma_semaphore, #tpu.memory_space<semaphore_mem>>) src(%arg14 : memref<16x128xf32, #tpu.memory_space<vmem>>) dst(%dma_wait3A_366 : memref<16x128xf32, #tpu.memory_space<hbm>>)
      tpu.yield
    }) : () -> ()
    %mul3A_316 = arith.constant 640 : i32
    %mul3A_317 = arith.muli %arg1, %mul3A_316 : i32
    %add3A_318 = arith.constant 496 : i32
    %add3A_319 = arith.addi %mul3A_317, %add3A_318 : i32
    "tpu.region"() ({
      %run_scoped3A = tpu.sem_alloc : memref<!tpu.dma_semaphore, #tpu.memory_space<semaphore_mem>>
      %dma_start3A = arith.constant 0 : i32
      %dma_start3A_357 = tpu.memref_slice %arg16[%add3A_319, %dma_start3A] : memref<10240x128xf32, #tpu.memory_space<vmem_shared>> -> memref<16x128xf32, #tpu.memory_space<vmem_shared>>
      %dma_start3A_358 = arith.constant 0 : i32
      %dma_start3A_359 = tpu.memref_slice %arg16[%add3A_319, %dma_start3A_358] : memref<10240x128xf32, #tpu.memory_space<vmem_shared>> -> memref<16x128xf32, #tpu.memory_space<vmem_shared>>
      tpu.enqueue_dma source(%dma_start3A_359 : memref<16x128xf32, #tpu.memory_space<vmem_shared>>) target(%arg14 : memref<16x128xf32, #tpu.memory_space<vmem>>) target_semaphore(%run_scoped3A : memref<!tpu.dma_semaphore, #tpu.memory_space<semaphore_mem>>)
      %dma_wait3A = arith.constant 0 : i32
      %dma_wait3A_360 = tpu.memref_slice %arg16[%add3A_319, %dma_wait3A] : memref<10240x128xf32, #tpu.memory_space<vmem_shared>> -> memref<16x128xf32, #tpu.memory_space<vmem_shared>>
      %dma_wait3A_361 = arith.constant 0 : i32
      %dma_wait3A_362 = tpu.memref_slice %arg16[%add3A_319, %dma_wait3A_361] : memref<10240x128xf32, #tpu.memory_space<vmem_shared>> -> memref<16x128xf32, #tpu.memory_space<vmem_shared>>
      tpu.wait_dma2 semaphore(%run_scoped3A : memref<!tpu.dma_semaphore, #tpu.memory_space<semaphore_mem>>) src(%dma_wait3A_362 : memref<16x128xf32, #tpu.memory_space<vmem_shared>>) dst(%arg14 : memref<16x128xf32, #tpu.memory_space<vmem>>)
      tpu.yield
    }) : () -> ()
    "tpu.region"() ({
      %run_scoped3A = tpu.sem_alloc : memref<!tpu.dma_semaphore, #tpu.memory_space<semaphore_mem>>
      %dma_start3A = arith.constant 0 : i32
      %dma_start3A_357 = tpu.memref_slice %arg6[%arg0, %add3A_319, %dma_start3A] : memref<2x10560x128xf32, #tpu.memory_space<hbm>> -> memref<1x16x128xf32, #tpu.memory_space<hbm>>
      %dma_start3A_358 = tpu.memref_squeeze %dma_start3A_357 : memref<1x16x128xf32, #tpu.memory_space<hbm>> -> memref<16x128xf32, #tpu.memory_space<hbm>>
      %dma_start3A_359 = arith.constant 0 : i32
      %dma_start3A_360 = tpu.memref_slice %arg6[%arg0, %add3A_319, %dma_start3A_359] : memref<2x10560x128xf32, #tpu.memory_space<hbm>> -> memref<1x16x128xf32, #tpu.memory_space<hbm>>
      %dma_start3A_361 = tpu.memref_squeeze %dma_start3A_360 : memref<1x16x128xf32, #tpu.memory_space<hbm>> -> memref<16x128xf32, #tpu.memory_space<hbm>>
      tpu.enqueue_dma source(%arg14 : memref<16x128xf32, #tpu.memory_space<vmem>>) target(%dma_start3A_361 : memref<16x128xf32, #tpu.memory_space<hbm>>) target_semaphore(%run_scoped3A : memref<!tpu.dma_semaphore, #tpu.memory_space<semaphore_mem>>)
      %dma_wait3A = arith.constant 0 : i32
      %dma_wait3A_362 = tpu.memref_slice %arg6[%arg0, %add3A_319, %dma_wait3A] : memref<2x10560x128xf32, #tpu.memory_space<hbm>> -> memref<1x16x128xf32, #tpu.memory_space<hbm>>
      %dma_wait3A_363 = tpu.memref_squeeze %dma_wait3A_362 : memref<1x16x128xf32, #tpu.memory_space<hbm>> -> memref<16x128xf32, #tpu.memory_space<hbm>>
      %dma_wait3A_364 = arith.constant 0 : i32
      %dma_wait3A_365 = tpu.memref_slice %arg6[%arg0, %add3A_319, %dma_wait3A_364] : memref<2x10560x128xf32, #tpu.memory_space<hbm>> -> memref<1x16x128xf32, #tpu.memory_space<hbm>>
      %dma_wait3A_366 = tpu.memref_squeeze %dma_wait3A_365 : memref<1x16x128xf32, #tpu.memory_space<hbm>> -> memref<16x128xf32, #tpu.memory_space<hbm>>
      tpu.wait_dma2 semaphore(%run_scoped3A : memref<!tpu.dma_semaphore, #tpu.memory_space<semaphore_mem>>) src(%arg14 : memref<16x128xf32, #tpu.memory_space<vmem>>) dst(%dma_wait3A_366 : memref<16x128xf32, #tpu.memory_space<hbm>>)
      tpu.yield
    }) : () -> ()
    %mul3A_320 = arith.constant 640 : i32
    %mul3A_321 = arith.muli %arg1, %mul3A_320 : i32
    %add3A_322 = arith.constant 512 : i32
    %add3A_323 = arith.addi %mul3A_321, %add3A_322 : i32
    "tpu.region"() ({
      %run_scoped3A = tpu.sem_alloc : memref<!tpu.dma_semaphore, #tpu.memory_space<semaphore_mem>>
      %dma_start3A = arith.constant 0 : i32
      %dma_start3A_357 = tpu.memref_slice %arg16[%add3A_323, %dma_start3A] : memref<10240x128xf32, #tpu.memory_space<vmem_shared>> -> memref<16x128xf32, #tpu.memory_space<vmem_shared>>
      %dma_start3A_358 = arith.constant 0 : i32
      %dma_start3A_359 = tpu.memref_slice %arg16[%add3A_323, %dma_start3A_358] : memref<10240x128xf32, #tpu.memory_space<vmem_shared>> -> memref<16x128xf32, #tpu.memory_space<vmem_shared>>
      tpu.enqueue_dma source(%dma_start3A_359 : memref<16x128xf32, #tpu.memory_space<vmem_shared>>) target(%arg14 : memref<16x128xf32, #tpu.memory_space<vmem>>) target_semaphore(%run_scoped3A : memref<!tpu.dma_semaphore, #tpu.memory_space<semaphore_mem>>)
      %dma_wait3A = arith.constant 0 : i32
      %dma_wait3A_360 = tpu.memref_slice %arg16[%add3A_323, %dma_wait3A] : memref<10240x128xf32, #tpu.memory_space<vmem_shared>> -> memref<16x128xf32, #tpu.memory_space<vmem_shared>>
      %dma_wait3A_361 = arith.constant 0 : i32
      %dma_wait3A_362 = tpu.memref_slice %arg16[%add3A_323, %dma_wait3A_361] : memref<10240x128xf32, #tpu.memory_space<vmem_shared>> -> memref<16x128xf32, #tpu.memory_space<vmem_shared>>
      tpu.wait_dma2 semaphore(%run_scoped3A : memref<!tpu.dma_semaphore, #tpu.memory_space<semaphore_mem>>) src(%dma_wait3A_362 : memref<16x128xf32, #tpu.memory_space<vmem_shared>>) dst(%arg14 : memref<16x128xf32, #tpu.memory_space<vmem>>)
      tpu.yield
    }) : () -> ()
    "tpu.region"() ({
      %run_scoped3A = tpu.sem_alloc : memref<!tpu.dma_semaphore, #tpu.memory_space<semaphore_mem>>
      %dma_start3A = arith.constant 0 : i32
      %dma_start3A_357 = tpu.memref_slice %arg6[%arg0, %add3A_323, %dma_start3A] : memref<2x10560x128xf32, #tpu.memory_space<hbm>> -> memref<1x16x128xf32, #tpu.memory_space<hbm>>
      %dma_start3A_358 = tpu.memref_squeeze %dma_start3A_357 : memref<1x16x128xf32, #tpu.memory_space<hbm>> -> memref<16x128xf32, #tpu.memory_space<hbm>>
      %dma_start3A_359 = arith.constant 0 : i32
      %dma_start3A_360 = tpu.memref_slice %arg6[%arg0, %add3A_323, %dma_start3A_359] : memref<2x10560x128xf32, #tpu.memory_space<hbm>> -> memref<1x16x128xf32, #tpu.memory_space<hbm>>
      %dma_start3A_361 = tpu.memref_squeeze %dma_start3A_360 : memref<1x16x128xf32, #tpu.memory_space<hbm>> -> memref<16x128xf32, #tpu.memory_space<hbm>>
      tpu.enqueue_dma source(%arg14 : memref<16x128xf32, #tpu.memory_space<vmem>>) target(%dma_start3A_361 : memref<16x128xf32, #tpu.memory_space<hbm>>) target_semaphore(%run_scoped3A : memref<!tpu.dma_semaphore, #tpu.memory_space<semaphore_mem>>)
      %dma_wait3A = arith.constant 0 : i32
      %dma_wait3A_362 = tpu.memref_slice %arg6[%arg0, %add3A_323, %dma_wait3A] : memref<2x10560x128xf32, #tpu.memory_space<hbm>> -> memref<1x16x128xf32, #tpu.memory_space<hbm>>
      %dma_wait3A_363 = tpu.memref_squeeze %dma_wait3A_362 : memref<1x16x128xf32, #tpu.memory_space<hbm>> -> memref<16x128xf32, #tpu.memory_space<hbm>>
      %dma_wait3A_364 = arith.constant 0 : i32
      %dma_wait3A_365 = tpu.memref_slice %arg6[%arg0, %add3A_323, %dma_wait3A_364] : memref<2x10560x128xf32, #tpu.memory_space<hbm>> -> memref<1x16x128xf32, #tpu.memory_space<hbm>>
      %dma_wait3A_366 = tpu.memref_squeeze %dma_wait3A_365 : memref<1x16x128xf32, #tpu.memory_space<hbm>> -> memref<16x128xf32, #tpu.memory_space<hbm>>
      tpu.wait_dma2 semaphore(%run_scoped3A : memref<!tpu.dma_semaphore, #tpu.memory_space<semaphore_mem>>) src(%arg14 : memref<16x128xf32, #tpu.memory_space<vmem>>) dst(%dma_wait3A_366 : memref<16x128xf32, #tpu.memory_space<hbm>>)
      tpu.yield
    }) : () -> ()
    %mul3A_324 = arith.constant 640 : i32
    %mul3A_325 = arith.muli %arg1, %mul3A_324 : i32
    %add3A_326 = arith.constant 528 : i32
    %add3A_327 = arith.addi %mul3A_325, %add3A_326 : i32
    "tpu.region"() ({
      %run_scoped3A = tpu.sem_alloc : memref<!tpu.dma_semaphore, #tpu.memory_space<semaphore_mem>>
      %dma_start3A = arith.constant 0 : i32
      %dma_start3A_357 = tpu.memref_slice %arg16[%add3A_327, %dma_start3A] : memref<10240x128xf32, #tpu.memory_space<vmem_shared>> -> memref<16x128xf32, #tpu.memory_space<vmem_shared>>
      %dma_start3A_358 = arith.constant 0 : i32
      %dma_start3A_359 = tpu.memref_slice %arg16[%add3A_327, %dma_start3A_358] : memref<10240x128xf32, #tpu.memory_space<vmem_shared>> -> memref<16x128xf32, #tpu.memory_space<vmem_shared>>
      tpu.enqueue_dma source(%dma_start3A_359 : memref<16x128xf32, #tpu.memory_space<vmem_shared>>) target(%arg14 : memref<16x128xf32, #tpu.memory_space<vmem>>) target_semaphore(%run_scoped3A : memref<!tpu.dma_semaphore, #tpu.memory_space<semaphore_mem>>)
      %dma_wait3A = arith.constant 0 : i32
      %dma_wait3A_360 = tpu.memref_slice %arg16[%add3A_327, %dma_wait3A] : memref<10240x128xf32, #tpu.memory_space<vmem_shared>> -> memref<16x128xf32, #tpu.memory_space<vmem_shared>>
      %dma_wait3A_361 = arith.constant 0 : i32
      %dma_wait3A_362 = tpu.memref_slice %arg16[%add3A_327, %dma_wait3A_361] : memref<10240x128xf32, #tpu.memory_space<vmem_shared>> -> memref<16x128xf32, #tpu.memory_space<vmem_shared>>
      tpu.wait_dma2 semaphore(%run_scoped3A : memref<!tpu.dma_semaphore, #tpu.memory_space<semaphore_mem>>) src(%dma_wait3A_362 : memref<16x128xf32, #tpu.memory_space<vmem_shared>>) dst(%arg14 : memref<16x128xf32, #tpu.memory_space<vmem>>)
      tpu.yield
    }) : () -> ()
    "tpu.region"() ({
      %run_scoped3A = tpu.sem_alloc : memref<!tpu.dma_semaphore, #tpu.memory_space<semaphore_mem>>
      %dma_start3A = arith.constant 0 : i32
      %dma_start3A_357 = tpu.memref_slice %arg6[%arg0, %add3A_327, %dma_start3A] : memref<2x10560x128xf32, #tpu.memory_space<hbm>> -> memref<1x16x128xf32, #tpu.memory_space<hbm>>
      %dma_start3A_358 = tpu.memref_squeeze %dma_start3A_357 : memref<1x16x128xf32, #tpu.memory_space<hbm>> -> memref<16x128xf32, #tpu.memory_space<hbm>>
      %dma_start3A_359 = arith.constant 0 : i32
      %dma_start3A_360 = tpu.memref_slice %arg6[%arg0, %add3A_327, %dma_start3A_359] : memref<2x10560x128xf32, #tpu.memory_space<hbm>> -> memref<1x16x128xf32, #tpu.memory_space<hbm>>
      %dma_start3A_361 = tpu.memref_squeeze %dma_start3A_360 : memref<1x16x128xf32, #tpu.memory_space<hbm>> -> memref<16x128xf32, #tpu.memory_space<hbm>>
      tpu.enqueue_dma source(%arg14 : memref<16x128xf32, #tpu.memory_space<vmem>>) target(%dma_start3A_361 : memref<16x128xf32, #tpu.memory_space<hbm>>) target_semaphore(%run_scoped3A : memref<!tpu.dma_semaphore, #tpu.memory_space<semaphore_mem>>)
      %dma_wait3A = arith.constant 0 : i32
      %dma_wait3A_362 = tpu.memref_slice %arg6[%arg0, %add3A_327, %dma_wait3A] : memref<2x10560x128xf32, #tpu.memory_space<hbm>> -> memref<1x16x128xf32, #tpu.memory_space<hbm>>
      %dma_wait3A_363 = tpu.memref_squeeze %dma_wait3A_362 : memref<1x16x128xf32, #tpu.memory_space<hbm>> -> memref<16x128xf32, #tpu.memory_space<hbm>>
      %dma_wait3A_364 = arith.constant 0 : i32
      %dma_wait3A_365 = tpu.memref_slice %arg6[%arg0, %add3A_327, %dma_wait3A_364] : memref<2x10560x128xf32, #tpu.memory_space<hbm>> -> memref<1x16x128xf32, #tpu.memory_space<hbm>>
      %dma_wait3A_366 = tpu.memref_squeeze %dma_wait3A_365 : memref<1x16x128xf32, #tpu.memory_space<hbm>> -> memref<16x128xf32, #tpu.memory_space<hbm>>
      tpu.wait_dma2 semaphore(%run_scoped3A : memref<!tpu.dma_semaphore, #tpu.memory_space<semaphore_mem>>) src(%arg14 : memref<16x128xf32, #tpu.memory_space<vmem>>) dst(%dma_wait3A_366 : memref<16x128xf32, #tpu.memory_space<hbm>>)
      tpu.yield
    }) : () -> ()
    %mul3A_328 = arith.constant 640 : i32
    %mul3A_329 = arith.muli %arg1, %mul3A_328 : i32
    %add3A_330 = arith.constant 544 : i32
    %add3A_331 = arith.addi %mul3A_329, %add3A_330 : i32
    "tpu.region"() ({
      %run_scoped3A = tpu.sem_alloc : memref<!tpu.dma_semaphore, #tpu.memory_space<semaphore_mem>>
      %dma_start3A = arith.constant 0 : i32
      %dma_start3A_357 = tpu.memref_slice %arg16[%add3A_331, %dma_start3A] : memref<10240x128xf32, #tpu.memory_space<vmem_shared>> -> memref<16x128xf32, #tpu.memory_space<vmem_shared>>
      %dma_start3A_358 = arith.constant 0 : i32
      %dma_start3A_359 = tpu.memref_slice %arg16[%add3A_331, %dma_start3A_358] : memref<10240x128xf32, #tpu.memory_space<vmem_shared>> -> memref<16x128xf32, #tpu.memory_space<vmem_shared>>
      tpu.enqueue_dma source(%dma_start3A_359 : memref<16x128xf32, #tpu.memory_space<vmem_shared>>) target(%arg14 : memref<16x128xf32, #tpu.memory_space<vmem>>) target_semaphore(%run_scoped3A : memref<!tpu.dma_semaphore, #tpu.memory_space<semaphore_mem>>)
      %dma_wait3A = arith.constant 0 : i32
      %dma_wait3A_360 = tpu.memref_slice %arg16[%add3A_331, %dma_wait3A] : memref<10240x128xf32, #tpu.memory_space<vmem_shared>> -> memref<16x128xf32, #tpu.memory_space<vmem_shared>>
      %dma_wait3A_361 = arith.constant 0 : i32
      %dma_wait3A_362 = tpu.memref_slice %arg16[%add3A_331, %dma_wait3A_361] : memref<10240x128xf32, #tpu.memory_space<vmem_shared>> -> memref<16x128xf32, #tpu.memory_space<vmem_shared>>
      tpu.wait_dma2 semaphore(%run_scoped3A : memref<!tpu.dma_semaphore, #tpu.memory_space<semaphore_mem>>) src(%dma_wait3A_362 : memref<16x128xf32, #tpu.memory_space<vmem_shared>>) dst(%arg14 : memref<16x128xf32, #tpu.memory_space<vmem>>)
      tpu.yield
    }) : () -> ()
    "tpu.region"() ({
      %run_scoped3A = tpu.sem_alloc : memref<!tpu.dma_semaphore, #tpu.memory_space<semaphore_mem>>
      %dma_start3A = arith.constant 0 : i32
      %dma_start3A_357 = tpu.memref_slice %arg6[%arg0, %add3A_331, %dma_start3A] : memref<2x10560x128xf32, #tpu.memory_space<hbm>> -> memref<1x16x128xf32, #tpu.memory_space<hbm>>
      %dma_start3A_358 = tpu.memref_squeeze %dma_start3A_357 : memref<1x16x128xf32, #tpu.memory_space<hbm>> -> memref<16x128xf32, #tpu.memory_space<hbm>>
      %dma_start3A_359 = arith.constant 0 : i32
      %dma_start3A_360 = tpu.memref_slice %arg6[%arg0, %add3A_331, %dma_start3A_359] : memref<2x10560x128xf32, #tpu.memory_space<hbm>> -> memref<1x16x128xf32, #tpu.memory_space<hbm>>
      %dma_start3A_361 = tpu.memref_squeeze %dma_start3A_360 : memref<1x16x128xf32, #tpu.memory_space<hbm>> -> memref<16x128xf32, #tpu.memory_space<hbm>>
      tpu.enqueue_dma source(%arg14 : memref<16x128xf32, #tpu.memory_space<vmem>>) target(%dma_start3A_361 : memref<16x128xf32, #tpu.memory_space<hbm>>) target_semaphore(%run_scoped3A : memref<!tpu.dma_semaphore, #tpu.memory_space<semaphore_mem>>)
      %dma_wait3A = arith.constant 0 : i32
      %dma_wait3A_362 = tpu.memref_slice %arg6[%arg0, %add3A_331, %dma_wait3A] : memref<2x10560x128xf32, #tpu.memory_space<hbm>> -> memref<1x16x128xf32, #tpu.memory_space<hbm>>
      %dma_wait3A_363 = tpu.memref_squeeze %dma_wait3A_362 : memref<1x16x128xf32, #tpu.memory_space<hbm>> -> memref<16x128xf32, #tpu.memory_space<hbm>>
      %dma_wait3A_364 = arith.constant 0 : i32
      %dma_wait3A_365 = tpu.memref_slice %arg6[%arg0, %add3A_331, %dma_wait3A_364] : memref<2x10560x128xf32, #tpu.memory_space<hbm>> -> memref<1x16x128xf32, #tpu.memory_space<hbm>>
      %dma_wait3A_366 = tpu.memref_squeeze %dma_wait3A_365 : memref<1x16x128xf32, #tpu.memory_space<hbm>> -> memref<16x128xf32, #tpu.memory_space<hbm>>
      tpu.wait_dma2 semaphore(%run_scoped3A : memref<!tpu.dma_semaphore, #tpu.memory_space<semaphore_mem>>) src(%arg14 : memref<16x128xf32, #tpu.memory_space<vmem>>) dst(%dma_wait3A_366 : memref<16x128xf32, #tpu.memory_space<hbm>>)
      tpu.yield
    }) : () -> ()
    %mul3A_332 = arith.constant 640 : i32
    %mul3A_333 = arith.muli %arg1, %mul3A_332 : i32
    %add3A_334 = arith.constant 560 : i32
    %add3A_335 = arith.addi %mul3A_333, %add3A_334 : i32
    "tpu.region"() ({
      %run_scoped3A = tpu.sem_alloc : memref<!tpu.dma_semaphore, #tpu.memory_space<semaphore_mem>>
      %dma_start3A = arith.constant 0 : i32
      %dma_start3A_357 = tpu.memref_slice %arg16[%add3A_335, %dma_start3A] : memref<10240x128xf32, #tpu.memory_space<vmem_shared>> -> memref<16x128xf32, #tpu.memory_space<vmem_shared>>
      %dma_start3A_358 = arith.constant 0 : i32
      %dma_start3A_359 = tpu.memref_slice %arg16[%add3A_335, %dma_start3A_358] : memref<10240x128xf32, #tpu.memory_space<vmem_shared>> -> memref<16x128xf32, #tpu.memory_space<vmem_shared>>
      tpu.enqueue_dma source(%dma_start3A_359 : memref<16x128xf32, #tpu.memory_space<vmem_shared>>) target(%arg14 : memref<16x128xf32, #tpu.memory_space<vmem>>) target_semaphore(%run_scoped3A : memref<!tpu.dma_semaphore, #tpu.memory_space<semaphore_mem>>)
      %dma_wait3A = arith.constant 0 : i32
      %dma_wait3A_360 = tpu.memref_slice %arg16[%add3A_335, %dma_wait3A] : memref<10240x128xf32, #tpu.memory_space<vmem_shared>> -> memref<16x128xf32, #tpu.memory_space<vmem_shared>>
      %dma_wait3A_361 = arith.constant 0 : i32
      %dma_wait3A_362 = tpu.memref_slice %arg16[%add3A_335, %dma_wait3A_361] : memref<10240x128xf32, #tpu.memory_space<vmem_shared>> -> memref<16x128xf32, #tpu.memory_space<vmem_shared>>
      tpu.wait_dma2 semaphore(%run_scoped3A : memref<!tpu.dma_semaphore, #tpu.memory_space<semaphore_mem>>) src(%dma_wait3A_362 : memref<16x128xf32, #tpu.memory_space<vmem_shared>>) dst(%arg14 : memref<16x128xf32, #tpu.memory_space<vmem>>)
      tpu.yield
    }) : () -> ()
    "tpu.region"() ({
      %run_scoped3A = tpu.sem_alloc : memref<!tpu.dma_semaphore, #tpu.memory_space<semaphore_mem>>
      %dma_start3A = arith.constant 0 : i32
      %dma_start3A_357 = tpu.memref_slice %arg6[%arg0, %add3A_335, %dma_start3A] : memref<2x10560x128xf32, #tpu.memory_space<hbm>> -> memref<1x16x128xf32, #tpu.memory_space<hbm>>
      %dma_start3A_358 = tpu.memref_squeeze %dma_start3A_357 : memref<1x16x128xf32, #tpu.memory_space<hbm>> -> memref<16x128xf32, #tpu.memory_space<hbm>>
      %dma_start3A_359 = arith.constant 0 : i32
      %dma_start3A_360 = tpu.memref_slice %arg6[%arg0, %add3A_335, %dma_start3A_359] : memref<2x10560x128xf32, #tpu.memory_space<hbm>> -> memref<1x16x128xf32, #tpu.memory_space<hbm>>
      %dma_start3A_361 = tpu.memref_squeeze %dma_start3A_360 : memref<1x16x128xf32, #tpu.memory_space<hbm>> -> memref<16x128xf32, #tpu.memory_space<hbm>>
      tpu.enqueue_dma source(%arg14 : memref<16x128xf32, #tpu.memory_space<vmem>>) target(%dma_start3A_361 : memref<16x128xf32, #tpu.memory_space<hbm>>) target_semaphore(%run_scoped3A : memref<!tpu.dma_semaphore, #tpu.memory_space<semaphore_mem>>)
      %dma_wait3A = arith.constant 0 : i32
      %dma_wait3A_362 = tpu.memref_slice %arg6[%arg0, %add3A_335, %dma_wait3A] : memref<2x10560x128xf32, #tpu.memory_space<hbm>> -> memref<1x16x128xf32, #tpu.memory_space<hbm>>
      %dma_wait3A_363 = tpu.memref_squeeze %dma_wait3A_362 : memref<1x16x128xf32, #tpu.memory_space<hbm>> -> memref<16x128xf32, #tpu.memory_space<hbm>>
      %dma_wait3A_364 = arith.constant 0 : i32
      %dma_wait3A_365 = tpu.memref_slice %arg6[%arg0, %add3A_335, %dma_wait3A_364] : memref<2x10560x128xf32, #tpu.memory_space<hbm>> -> memref<1x16x128xf32, #tpu.memory_space<hbm>>
      %dma_wait3A_366 = tpu.memref_squeeze %dma_wait3A_365 : memref<1x16x128xf32, #tpu.memory_space<hbm>> -> memref<16x128xf32, #tpu.memory_space<hbm>>
      tpu.wait_dma2 semaphore(%run_scoped3A : memref<!tpu.dma_semaphore, #tpu.memory_space<semaphore_mem>>) src(%arg14 : memref<16x128xf32, #tpu.memory_space<vmem>>) dst(%dma_wait3A_366 : memref<16x128xf32, #tpu.memory_space<hbm>>)
      tpu.yield
    }) : () -> ()
    %mul3A_336 = arith.constant 640 : i32
    %mul3A_337 = arith.muli %arg1, %mul3A_336 : i32
    %add3A_338 = arith.constant 576 : i32
    %add3A_339 = arith.addi %mul3A_337, %add3A_338 : i32
    "tpu.region"() ({
      %run_scoped3A = tpu.sem_alloc : memref<!tpu.dma_semaphore, #tpu.memory_space<semaphore_mem>>
      %dma_start3A = arith.constant 0 : i32
      %dma_start3A_357 = tpu.memref_slice %arg16[%add3A_339, %dma_start3A] : memref<10240x128xf32, #tpu.memory_space<vmem_shared>> -> memref<16x128xf32, #tpu.memory_space<vmem_shared>>
      %dma_start3A_358 = arith.constant 0 : i32
      %dma_start3A_359 = tpu.memref_slice %arg16[%add3A_339, %dma_start3A_358] : memref<10240x128xf32, #tpu.memory_space<vmem_shared>> -> memref<16x128xf32, #tpu.memory_space<vmem_shared>>
      tpu.enqueue_dma source(%dma_start3A_359 : memref<16x128xf32, #tpu.memory_space<vmem_shared>>) target(%arg14 : memref<16x128xf32, #tpu.memory_space<vmem>>) target_semaphore(%run_scoped3A : memref<!tpu.dma_semaphore, #tpu.memory_space<semaphore_mem>>)
      %dma_wait3A = arith.constant 0 : i32
      %dma_wait3A_360 = tpu.memref_slice %arg16[%add3A_339, %dma_wait3A] : memref<10240x128xf32, #tpu.memory_space<vmem_shared>> -> memref<16x128xf32, #tpu.memory_space<vmem_shared>>
      %dma_wait3A_361 = arith.constant 0 : i32
      %dma_wait3A_362 = tpu.memref_slice %arg16[%add3A_339, %dma_wait3A_361] : memref<10240x128xf32, #tpu.memory_space<vmem_shared>> -> memref<16x128xf32, #tpu.memory_space<vmem_shared>>
      tpu.wait_dma2 semaphore(%run_scoped3A : memref<!tpu.dma_semaphore, #tpu.memory_space<semaphore_mem>>) src(%dma_wait3A_362 : memref<16x128xf32, #tpu.memory_space<vmem_shared>>) dst(%arg14 : memref<16x128xf32, #tpu.memory_space<vmem>>)
      tpu.yield
    }) : () -> ()
    "tpu.region"() ({
      %run_scoped3A = tpu.sem_alloc : memref<!tpu.dma_semaphore, #tpu.memory_space<semaphore_mem>>
      %dma_start3A = arith.constant 0 : i32
      %dma_start3A_357 = tpu.memref_slice %arg6[%arg0, %add3A_339, %dma_start3A] : memref<2x10560x128xf32, #tpu.memory_space<hbm>> -> memref<1x16x128xf32, #tpu.memory_space<hbm>>
      %dma_start3A_358 = tpu.memref_squeeze %dma_start3A_357 : memref<1x16x128xf32, #tpu.memory_space<hbm>> -> memref<16x128xf32, #tpu.memory_space<hbm>>
      %dma_start3A_359 = arith.constant 0 : i32
      %dma_start3A_360 = tpu.memref_slice %arg6[%arg0, %add3A_339, %dma_start3A_359] : memref<2x10560x128xf32, #tpu.memory_space<hbm>> -> memref<1x16x128xf32, #tpu.memory_space<hbm>>
      %dma_start3A_361 = tpu.memref_squeeze %dma_start3A_360 : memref<1x16x128xf32, #tpu.memory_space<hbm>> -> memref<16x128xf32, #tpu.memory_space<hbm>>
      tpu.enqueue_dma source(%arg14 : memref<16x128xf32, #tpu.memory_space<vmem>>) target(%dma_start3A_361 : memref<16x128xf32, #tpu.memory_space<hbm>>) target_semaphore(%run_scoped3A : memref<!tpu.dma_semaphore, #tpu.memory_space<semaphore_mem>>)
      %dma_wait3A = arith.constant 0 : i32
      %dma_wait3A_362 = tpu.memref_slice %arg6[%arg0, %add3A_339, %dma_wait3A] : memref<2x10560x128xf32, #tpu.memory_space<hbm>> -> memref<1x16x128xf32, #tpu.memory_space<hbm>>
      %dma_wait3A_363 = tpu.memref_squeeze %dma_wait3A_362 : memref<1x16x128xf32, #tpu.memory_space<hbm>> -> memref<16x128xf32, #tpu.memory_space<hbm>>
      %dma_wait3A_364 = arith.constant 0 : i32
      %dma_wait3A_365 = tpu.memref_slice %arg6[%arg0, %add3A_339, %dma_wait3A_364] : memref<2x10560x128xf32, #tpu.memory_space<hbm>> -> memref<1x16x128xf32, #tpu.memory_space<hbm>>
      %dma_wait3A_366 = tpu.memref_squeeze %dma_wait3A_365 : memref<1x16x128xf32, #tpu.memory_space<hbm>> -> memref<16x128xf32, #tpu.memory_space<hbm>>
      tpu.wait_dma2 semaphore(%run_scoped3A : memref<!tpu.dma_semaphore, #tpu.memory_space<semaphore_mem>>) src(%arg14 : memref<16x128xf32, #tpu.memory_space<vmem>>) dst(%dma_wait3A_366 : memref<16x128xf32, #tpu.memory_space<hbm>>)
      tpu.yield
    }) : () -> ()
    %mul3A_340 = arith.constant 640 : i32
    %mul3A_341 = arith.muli %arg1, %mul3A_340 : i32
    %add3A_342 = arith.constant 592 : i32
    %add3A_343 = arith.addi %mul3A_341, %add3A_342 : i32
    "tpu.region"() ({
      %run_scoped3A = tpu.sem_alloc : memref<!tpu.dma_semaphore, #tpu.memory_space<semaphore_mem>>
      %dma_start3A = arith.constant 0 : i32
      %dma_start3A_357 = tpu.memref_slice %arg16[%add3A_343, %dma_start3A] : memref<10240x128xf32, #tpu.memory_space<vmem_shared>> -> memref<16x128xf32, #tpu.memory_space<vmem_shared>>
      %dma_start3A_358 = arith.constant 0 : i32
      %dma_start3A_359 = tpu.memref_slice %arg16[%add3A_343, %dma_start3A_358] : memref<10240x128xf32, #tpu.memory_space<vmem_shared>> -> memref<16x128xf32, #tpu.memory_space<vmem_shared>>
      tpu.enqueue_dma source(%dma_start3A_359 : memref<16x128xf32, #tpu.memory_space<vmem_shared>>) target(%arg14 : memref<16x128xf32, #tpu.memory_space<vmem>>) target_semaphore(%run_scoped3A : memref<!tpu.dma_semaphore, #tpu.memory_space<semaphore_mem>>)
      %dma_wait3A = arith.constant 0 : i32
      %dma_wait3A_360 = tpu.memref_slice %arg16[%add3A_343, %dma_wait3A] : memref<10240x128xf32, #tpu.memory_space<vmem_shared>> -> memref<16x128xf32, #tpu.memory_space<vmem_shared>>
      %dma_wait3A_361 = arith.constant 0 : i32
      %dma_wait3A_362 = tpu.memref_slice %arg16[%add3A_343, %dma_wait3A_361] : memref<10240x128xf32, #tpu.memory_space<vmem_shared>> -> memref<16x128xf32, #tpu.memory_space<vmem_shared>>
      tpu.wait_dma2 semaphore(%run_scoped3A : memref<!tpu.dma_semaphore, #tpu.memory_space<semaphore_mem>>) src(%dma_wait3A_362 : memref<16x128xf32, #tpu.memory_space<vmem_shared>>) dst(%arg14 : memref<16x128xf32, #tpu.memory_space<vmem>>)
      tpu.yield
    }) : () -> ()
    "tpu.region"() ({
      %run_scoped3A = tpu.sem_alloc : memref<!tpu.dma_semaphore, #tpu.memory_space<semaphore_mem>>
      %dma_start3A = arith.constant 0 : i32
      %dma_start3A_357 = tpu.memref_slice %arg6[%arg0, %add3A_343, %dma_start3A] : memref<2x10560x128xf32, #tpu.memory_space<hbm>> -> memref<1x16x128xf32, #tpu.memory_space<hbm>>
      %dma_start3A_358 = tpu.memref_squeeze %dma_start3A_357 : memref<1x16x128xf32, #tpu.memory_space<hbm>> -> memref<16x128xf32, #tpu.memory_space<hbm>>
      %dma_start3A_359 = arith.constant 0 : i32
      %dma_start3A_360 = tpu.memref_slice %arg6[%arg0, %add3A_343, %dma_start3A_359] : memref<2x10560x128xf32, #tpu.memory_space<hbm>> -> memref<1x16x128xf32, #tpu.memory_space<hbm>>
      %dma_start3A_361 = tpu.memref_squeeze %dma_start3A_360 : memref<1x16x128xf32, #tpu.memory_space<hbm>> -> memref<16x128xf32, #tpu.memory_space<hbm>>
      tpu.enqueue_dma source(%arg14 : memref<16x128xf32, #tpu.memory_space<vmem>>) target(%dma_start3A_361 : memref<16x128xf32, #tpu.memory_space<hbm>>) target_semaphore(%run_scoped3A : memref<!tpu.dma_semaphore, #tpu.memory_space<semaphore_mem>>)
      %dma_wait3A = arith.constant 0 : i32
      %dma_wait3A_362 = tpu.memref_slice %arg6[%arg0, %add3A_343, %dma_wait3A] : memref<2x10560x128xf32, #tpu.memory_space<hbm>> -> memref<1x16x128xf32, #tpu.memory_space<hbm>>
      %dma_wait3A_363 = tpu.memref_squeeze %dma_wait3A_362 : memref<1x16x128xf32, #tpu.memory_space<hbm>> -> memref<16x128xf32, #tpu.memory_space<hbm>>
      %dma_wait3A_364 = arith.constant 0 : i32
      %dma_wait3A_365 = tpu.memref_slice %arg6[%arg0, %add3A_343, %dma_wait3A_364] : memref<2x10560x128xf32, #tpu.memory_space<hbm>> -> memref<1x16x128xf32, #tpu.memory_space<hbm>>
      %dma_wait3A_366 = tpu.memref_squeeze %dma_wait3A_365 : memref<1x16x128xf32, #tpu.memory_space<hbm>> -> memref<16x128xf32, #tpu.memory_space<hbm>>
      tpu.wait_dma2 semaphore(%run_scoped3A : memref<!tpu.dma_semaphore, #tpu.memory_space<semaphore_mem>>) src(%arg14 : memref<16x128xf32, #tpu.memory_space<vmem>>) dst(%dma_wait3A_366 : memref<16x128xf32, #tpu.memory_space<hbm>>)
      tpu.yield
    }) : () -> ()
    %mul3A_344 = arith.constant 640 : i32
    %mul3A_345 = arith.muli %arg1, %mul3A_344 : i32
    %add3A_346 = arith.constant 608 : i32
    %add3A_347 = arith.addi %mul3A_345, %add3A_346 : i32
    "tpu.region"() ({
      %run_scoped3A = tpu.sem_alloc : memref<!tpu.dma_semaphore, #tpu.memory_space<semaphore_mem>>
      %dma_start3A = arith.constant 0 : i32
      %dma_start3A_357 = tpu.memref_slice %arg16[%add3A_347, %dma_start3A] : memref<10240x128xf32, #tpu.memory_space<vmem_shared>> -> memref<16x128xf32, #tpu.memory_space<vmem_shared>>
      %dma_start3A_358 = arith.constant 0 : i32
      %dma_start3A_359 = tpu.memref_slice %arg16[%add3A_347, %dma_start3A_358] : memref<10240x128xf32, #tpu.memory_space<vmem_shared>> -> memref<16x128xf32, #tpu.memory_space<vmem_shared>>
      tpu.enqueue_dma source(%dma_start3A_359 : memref<16x128xf32, #tpu.memory_space<vmem_shared>>) target(%arg14 : memref<16x128xf32, #tpu.memory_space<vmem>>) target_semaphore(%run_scoped3A : memref<!tpu.dma_semaphore, #tpu.memory_space<semaphore_mem>>)
      %dma_wait3A = arith.constant 0 : i32
      %dma_wait3A_360 = tpu.memref_slice %arg16[%add3A_347, %dma_wait3A] : memref<10240x128xf32, #tpu.memory_space<vmem_shared>> -> memref<16x128xf32, #tpu.memory_space<vmem_shared>>
      %dma_wait3A_361 = arith.constant 0 : i32
      %dma_wait3A_362 = tpu.memref_slice %arg16[%add3A_347, %dma_wait3A_361] : memref<10240x128xf32, #tpu.memory_space<vmem_shared>> -> memref<16x128xf32, #tpu.memory_space<vmem_shared>>
      tpu.wait_dma2 semaphore(%run_scoped3A : memref<!tpu.dma_semaphore, #tpu.memory_space<semaphore_mem>>) src(%dma_wait3A_362 : memref<16x128xf32, #tpu.memory_space<vmem_shared>>) dst(%arg14 : memref<16x128xf32, #tpu.memory_space<vmem>>)
      tpu.yield
    }) : () -> ()
    "tpu.region"() ({
      %run_scoped3A = tpu.sem_alloc : memref<!tpu.dma_semaphore, #tpu.memory_space<semaphore_mem>>
      %dma_start3A = arith.constant 0 : i32
      %dma_start3A_357 = tpu.memref_slice %arg6[%arg0, %add3A_347, %dma_start3A] : memref<2x10560x128xf32, #tpu.memory_space<hbm>> -> memref<1x16x128xf32, #tpu.memory_space<hbm>>
      %dma_start3A_358 = tpu.memref_squeeze %dma_start3A_357 : memref<1x16x128xf32, #tpu.memory_space<hbm>> -> memref<16x128xf32, #tpu.memory_space<hbm>>
      %dma_start3A_359 = arith.constant 0 : i32
      %dma_start3A_360 = tpu.memref_slice %arg6[%arg0, %add3A_347, %dma_start3A_359] : memref<2x10560x128xf32, #tpu.memory_space<hbm>> -> memref<1x16x128xf32, #tpu.memory_space<hbm>>
      %dma_start3A_361 = tpu.memref_squeeze %dma_start3A_360 : memref<1x16x128xf32, #tpu.memory_space<hbm>> -> memref<16x128xf32, #tpu.memory_space<hbm>>
      tpu.enqueue_dma source(%arg14 : memref<16x128xf32, #tpu.memory_space<vmem>>) target(%dma_start3A_361 : memref<16x128xf32, #tpu.memory_space<hbm>>) target_semaphore(%run_scoped3A : memref<!tpu.dma_semaphore, #tpu.memory_space<semaphore_mem>>)
      %dma_wait3A = arith.constant 0 : i32
      %dma_wait3A_362 = tpu.memref_slice %arg6[%arg0, %add3A_347, %dma_wait3A] : memref<2x10560x128xf32, #tpu.memory_space<hbm>> -> memref<1x16x128xf32, #tpu.memory_space<hbm>>
      %dma_wait3A_363 = tpu.memref_squeeze %dma_wait3A_362 : memref<1x16x128xf32, #tpu.memory_space<hbm>> -> memref<16x128xf32, #tpu.memory_space<hbm>>
      %dma_wait3A_364 = arith.constant 0 : i32
      %dma_wait3A_365 = tpu.memref_slice %arg6[%arg0, %add3A_347, %dma_wait3A_364] : memref<2x10560x128xf32, #tpu.memory_space<hbm>> -> memref<1x16x128xf32, #tpu.memory_space<hbm>>
      %dma_wait3A_366 = tpu.memref_squeeze %dma_wait3A_365 : memref<1x16x128xf32, #tpu.memory_space<hbm>> -> memref<16x128xf32, #tpu.memory_space<hbm>>
      tpu.wait_dma2 semaphore(%run_scoped3A : memref<!tpu.dma_semaphore, #tpu.memory_space<semaphore_mem>>) src(%arg14 : memref<16x128xf32, #tpu.memory_space<vmem>>) dst(%dma_wait3A_366 : memref<16x128xf32, #tpu.memory_space<hbm>>)
      tpu.yield
    }) : () -> ()
    %mul3A_348 = arith.constant 640 : i32
    %mul3A_349 = arith.muli %arg1, %mul3A_348 : i32
    %add3A_350 = arith.constant 624 : i32
    %add3A_351 = arith.addi %mul3A_349, %add3A_350 : i32
    "tpu.region"() ({
      %run_scoped3A = tpu.sem_alloc : memref<!tpu.dma_semaphore, #tpu.memory_space<semaphore_mem>>
      %dma_start3A = arith.constant 0 : i32
      %dma_start3A_357 = tpu.memref_slice %arg16[%add3A_351, %dma_start3A] : memref<10240x128xf32, #tpu.memory_space<vmem_shared>> -> memref<16x128xf32, #tpu.memory_space<vmem_shared>>
      %dma_start3A_358 = arith.constant 0 : i32
      %dma_start3A_359 = tpu.memref_slice %arg16[%add3A_351, %dma_start3A_358] : memref<10240x128xf32, #tpu.memory_space<vmem_shared>> -> memref<16x128xf32, #tpu.memory_space<vmem_shared>>
      tpu.enqueue_dma source(%dma_start3A_359 : memref<16x128xf32, #tpu.memory_space<vmem_shared>>) target(%arg14 : memref<16x128xf32, #tpu.memory_space<vmem>>) target_semaphore(%run_scoped3A : memref<!tpu.dma_semaphore, #tpu.memory_space<semaphore_mem>>)
      %dma_wait3A = arith.constant 0 : i32
      %dma_wait3A_360 = tpu.memref_slice %arg16[%add3A_351, %dma_wait3A] : memref<10240x128xf32, #tpu.memory_space<vmem_shared>> -> memref<16x128xf32, #tpu.memory_space<vmem_shared>>
      %dma_wait3A_361 = arith.constant 0 : i32
      %dma_wait3A_362 = tpu.memref_slice %arg16[%add3A_351, %dma_wait3A_361] : memref<10240x128xf32, #tpu.memory_space<vmem_shared>> -> memref<16x128xf32, #tpu.memory_space<vmem_shared>>
      tpu.wait_dma2 semaphore(%run_scoped3A : memref<!tpu.dma_semaphore, #tpu.memory_space<semaphore_mem>>) src(%dma_wait3A_362 : memref<16x128xf32, #tpu.memory_space<vmem_shared>>) dst(%arg14 : memref<16x128xf32, #tpu.memory_space<vmem>>)
      tpu.yield
    }) : () -> ()
    "tpu.region"() ({
      %run_scoped3A = tpu.sem_alloc : memref<!tpu.dma_semaphore, #tpu.memory_space<semaphore_mem>>
      %dma_start3A = arith.constant 0 : i32
      %dma_start3A_357 = tpu.memref_slice %arg6[%arg0, %add3A_351, %dma_start3A] : memref<2x10560x128xf32, #tpu.memory_space<hbm>> -> memref<1x16x128xf32, #tpu.memory_space<hbm>>
      %dma_start3A_358 = tpu.memref_squeeze %dma_start3A_357 : memref<1x16x128xf32, #tpu.memory_space<hbm>> -> memref<16x128xf32, #tpu.memory_space<hbm>>
      %dma_start3A_359 = arith.constant 0 : i32
      %dma_start3A_360 = tpu.memref_slice %arg6[%arg0, %add3A_351, %dma_start3A_359] : memref<2x10560x128xf32, #tpu.memory_space<hbm>> -> memref<1x16x128xf32, #tpu.memory_space<hbm>>
      %dma_start3A_361 = tpu.memref_squeeze %dma_start3A_360 : memref<1x16x128xf32, #tpu.memory_space<hbm>> -> memref<16x128xf32, #tpu.memory_space<hbm>>
      tpu.enqueue_dma source(%arg14 : memref<16x128xf32, #tpu.memory_space<vmem>>) target(%dma_start3A_361 : memref<16x128xf32, #tpu.memory_space<hbm>>) target_semaphore(%run_scoped3A : memref<!tpu.dma_semaphore, #tpu.memory_space<semaphore_mem>>)
      %dma_wait3A = arith.constant 0 : i32
      %dma_wait3A_362 = tpu.memref_slice %arg6[%arg0, %add3A_351, %dma_wait3A] : memref<2x10560x128xf32, #tpu.memory_space<hbm>> -> memref<1x16x128xf32, #tpu.memory_space<hbm>>
      %dma_wait3A_363 = tpu.memref_squeeze %dma_wait3A_362 : memref<1x16x128xf32, #tpu.memory_space<hbm>> -> memref<16x128xf32, #tpu.memory_space<hbm>>
      %dma_wait3A_364 = arith.constant 0 : i32
      %dma_wait3A_365 = tpu.memref_slice %arg6[%arg0, %add3A_351, %dma_wait3A_364] : memref<2x10560x128xf32, #tpu.memory_space<hbm>> -> memref<1x16x128xf32, #tpu.memory_space<hbm>>
      %dma_wait3A_366 = tpu.memref_squeeze %dma_wait3A_365 : memref<1x16x128xf32, #tpu.memory_space<hbm>> -> memref<16x128xf32, #tpu.memory_space<hbm>>
      tpu.wait_dma2 semaphore(%run_scoped3A : memref<!tpu.dma_semaphore, #tpu.memory_space<semaphore_mem>>) src(%arg14 : memref<16x128xf32, #tpu.memory_space<vmem>>) dst(%dma_wait3A_366 : memref<16x128xf32, #tpu.memory_space<hbm>>)
      tpu.yield
    }) : () -> ()
    %lt3A_352 = arith.constant 8 : i32
    %lt3A_353 = arith.cmpi slt, %arg1, %lt3A_352 : i32
    %convert_element_type3A_354 = arith.extui %lt3A_353 : i1 to i32
    %cond3A_355 = arith.constant 0 : i32
    %cond3A_356 = arith.cmpi ne, %convert_element_type3A_354, %cond3A_355 : i32
    scf.if %cond3A_356 {
      %mul3A_357 = arith.constant 40 : i32
      %mul3A_358 = arith.muli %arg1, %mul3A_357 : i32
      %add3A_359 = arith.constant 0 : i32
      %add3A_360 = arith.addi %mul3A_358, %add3A_359 : i32
      "tpu.region"() ({
        %run_scoped3A = tpu.sem_alloc : memref<!tpu.dma_semaphore, #tpu.memory_space<semaphore_mem>>
        %dma_start3A = arith.constant 0 : i32
        %dma_start3A_387 = tpu.memref_slice %arg17[%add3A_360, %dma_start3A] : memref<320x128xf32, #tpu.memory_space<vmem_shared>> -> memref<8x128xf32, #tpu.memory_space<vmem_shared>>
        %dma_start3A_388 = arith.constant 0 : i32
        %dma_start3A_389 = tpu.memref_slice %arg17[%add3A_360, %dma_start3A_388] : memref<320x128xf32, #tpu.memory_space<vmem_shared>> -> memref<8x128xf32, #tpu.memory_space<vmem_shared>>
        tpu.enqueue_dma source(%dma_start3A_389 : memref<8x128xf32, #tpu.memory_space<vmem_shared>>) target(%arg15 : memref<8x128xf32, #tpu.memory_space<vmem>>) target_semaphore(%run_scoped3A : memref<!tpu.dma_semaphore, #tpu.memory_space<semaphore_mem>>)
        %dma_wait3A = arith.constant 0 : i32
        %dma_wait3A_390 = tpu.memref_slice %arg17[%add3A_360, %dma_wait3A] : memref<320x128xf32, #tpu.memory_space<vmem_shared>> -> memref<8x128xf32, #tpu.memory_space<vmem_shared>>
        %dma_wait3A_391 = arith.constant 0 : i32
        %dma_wait3A_392 = tpu.memref_slice %arg17[%add3A_360, %dma_wait3A_391] : memref<320x128xf32, #tpu.memory_space<vmem_shared>> -> memref<8x128xf32, #tpu.memory_space<vmem_shared>>
        tpu.wait_dma2 semaphore(%run_scoped3A : memref<!tpu.dma_semaphore, #tpu.memory_space<semaphore_mem>>) src(%dma_wait3A_392 : memref<8x128xf32, #tpu.memory_space<vmem_shared>>) dst(%arg15 : memref<8x128xf32, #tpu.memory_space<vmem>>)
        tpu.yield
      }) : () -> ()
      %add3A_361 = arith.constant 10240 : i32
      %add3A_362 = arith.addi %add3A_361, %add3A_360 : i32
      "tpu.region"() ({
        %run_scoped3A = tpu.sem_alloc : memref<!tpu.dma_semaphore, #tpu.memory_space<semaphore_mem>>
        %dma_start3A = arith.constant 0 : i32
        %dma_start3A_387 = tpu.memref_slice %arg6[%arg0, %add3A_362, %dma_start3A] : memref<2x10560x128xf32, #tpu.memory_space<hbm>> -> memref<1x8x128xf32, #tpu.memory_space<hbm>>
        %dma_start3A_388 = tpu.memref_squeeze %dma_start3A_387 : memref<1x8x128xf32, #tpu.memory_space<hbm>> -> memref<8x128xf32, #tpu.memory_space<hbm>>
        %dma_start3A_389 = arith.constant 0 : i32
        %dma_start3A_390 = tpu.memref_slice %arg6[%arg0, %add3A_362, %dma_start3A_389] : memref<2x10560x128xf32, #tpu.memory_space<hbm>> -> memref<1x8x128xf32, #tpu.memory_space<hbm>>
        %dma_start3A_391 = tpu.memref_squeeze %dma_start3A_390 : memref<1x8x128xf32, #tpu.memory_space<hbm>> -> memref<8x128xf32, #tpu.memory_space<hbm>>
        tpu.enqueue_dma source(%arg15 : memref<8x128xf32, #tpu.memory_space<vmem>>) target(%dma_start3A_391 : memref<8x128xf32, #tpu.memory_space<hbm>>) target_semaphore(%run_scoped3A : memref<!tpu.dma_semaphore, #tpu.memory_space<semaphore_mem>>)
        %dma_wait3A = arith.constant 0 : i32
        %dma_wait3A_392 = tpu.memref_slice %arg6[%arg0, %add3A_362, %dma_wait3A] : memref<2x10560x128xf32, #tpu.memory_space<hbm>> -> memref<1x8x128xf32, #tpu.memory_space<hbm>>
        %dma_wait3A_393 = tpu.memref_squeeze %dma_wait3A_392 : memref<1x8x128xf32, #tpu.memory_space<hbm>> -> memref<8x128xf32, #tpu.memory_space<hbm>>
        %dma_wait3A_394 = arith.constant 0 : i32
        %dma_wait3A_395 = tpu.memref_slice %arg6[%arg0, %add3A_362, %dma_wait3A_394] : memref<2x10560x128xf32, #tpu.memory_space<hbm>> -> memref<1x8x128xf32, #tpu.memory_space<hbm>>
        %dma_wait3A_396 = tpu.memref_squeeze %dma_wait3A_395 : memref<1x8x128xf32, #tpu.memory_space<hbm>> -> memref<8x128xf32, #tpu.memory_space<hbm>>
        tpu.wait_dma2 semaphore(%run_scoped3A : memref<!tpu.dma_semaphore, #tpu.memory_space<semaphore_mem>>) src(%arg15 : memref<8x128xf32, #tpu.memory_space<vmem>>) dst(%dma_wait3A_396 : memref<8x128xf32, #tpu.memory_space<hbm>>)
        tpu.yield
      }) : () -> ()
      %mul3A_363 = arith.constant 40 : i32
      %mul3A_364 = arith.muli %arg1, %mul3A_363 : i32
      %add3A_365 = arith.constant 8 : i32
      %add3A_366 = arith.addi %mul3A_364, %add3A_365 : i32
      "tpu.region"() ({
        %run_scoped3A = tpu.sem_alloc : memref<!tpu.dma_semaphore, #tpu.memory_space<semaphore_mem>>
        %dma_start3A = arith.constant 0 : i32
        %dma_start3A_387 = tpu.memref_slice %arg17[%add3A_366, %dma_start3A] : memref<320x128xf32, #tpu.memory_space<vmem_shared>> -> memref<8x128xf32, #tpu.memory_space<vmem_shared>>
        %dma_start3A_388 = arith.constant 0 : i32
        %dma_start3A_389 = tpu.memref_slice %arg17[%add3A_366, %dma_start3A_388] : memref<320x128xf32, #tpu.memory_space<vmem_shared>> -> memref<8x128xf32, #tpu.memory_space<vmem_shared>>
        tpu.enqueue_dma source(%dma_start3A_389 : memref<8x128xf32, #tpu.memory_space<vmem_shared>>) target(%arg15 : memref<8x128xf32, #tpu.memory_space<vmem>>) target_semaphore(%run_scoped3A : memref<!tpu.dma_semaphore, #tpu.memory_space<semaphore_mem>>)
        %dma_wait3A = arith.constant 0 : i32
        %dma_wait3A_390 = tpu.memref_slice %arg17[%add3A_366, %dma_wait3A] : memref<320x128xf32, #tpu.memory_space<vmem_shared>> -> memref<8x128xf32, #tpu.memory_space<vmem_shared>>
        %dma_wait3A_391 = arith.constant 0 : i32
        %dma_wait3A_392 = tpu.memref_slice %arg17[%add3A_366, %dma_wait3A_391] : memref<320x128xf32, #tpu.memory_space<vmem_shared>> -> memref<8x128xf32, #tpu.memory_space<vmem_shared>>
        tpu.wait_dma2 semaphore(%run_scoped3A : memref<!tpu.dma_semaphore, #tpu.memory_space<semaphore_mem>>) src(%dma_wait3A_392 : memref<8x128xf32, #tpu.memory_space<vmem_shared>>) dst(%arg15 : memref<8x128xf32, #tpu.memory_space<vmem>>)
        tpu.yield
      }) : () -> ()
      %add3A_367 = arith.constant 10240 : i32
      %add3A_368 = arith.addi %add3A_367, %add3A_366 : i32
      "tpu.region"() ({
        %run_scoped3A = tpu.sem_alloc : memref<!tpu.dma_semaphore, #tpu.memory_space<semaphore_mem>>
        %dma_start3A = arith.constant 0 : i32
        %dma_start3A_387 = tpu.memref_slice %arg6[%arg0, %add3A_368, %dma_start3A] : memref<2x10560x128xf32, #tpu.memory_space<hbm>> -> memref<1x8x128xf32, #tpu.memory_space<hbm>>
        %dma_start3A_388 = tpu.memref_squeeze %dma_start3A_387 : memref<1x8x128xf32, #tpu.memory_space<hbm>> -> memref<8x128xf32, #tpu.memory_space<hbm>>
        %dma_start3A_389 = arith.constant 0 : i32
        %dma_start3A_390 = tpu.memref_slice %arg6[%arg0, %add3A_368, %dma_start3A_389] : memref<2x10560x128xf32, #tpu.memory_space<hbm>> -> memref<1x8x128xf32, #tpu.memory_space<hbm>>
        %dma_start3A_391 = tpu.memref_squeeze %dma_start3A_390 : memref<1x8x128xf32, #tpu.memory_space<hbm>> -> memref<8x128xf32, #tpu.memory_space<hbm>>
        tpu.enqueue_dma source(%arg15 : memref<8x128xf32, #tpu.memory_space<vmem>>) target(%dma_start3A_391 : memref<8x128xf32, #tpu.memory_space<hbm>>) target_semaphore(%run_scoped3A : memref<!tpu.dma_semaphore, #tpu.memory_space<semaphore_mem>>)
        %dma_wait3A = arith.constant 0 : i32
        %dma_wait3A_392 = tpu.memref_slice %arg6[%arg0, %add3A_368, %dma_wait3A] : memref<2x10560x128xf32, #tpu.memory_space<hbm>> -> memref<1x8x128xf32, #tpu.memory_space<hbm>>
        %dma_wait3A_393 = tpu.memref_squeeze %dma_wait3A_392 : memref<1x8x128xf32, #tpu.memory_space<hbm>> -> memref<8x128xf32, #tpu.memory_space<hbm>>
        %dma_wait3A_394 = arith.constant 0 : i32
        %dma_wait3A_395 = tpu.memref_slice %arg6[%arg0, %add3A_368, %dma_wait3A_394] : memref<2x10560x128xf32, #tpu.memory_space<hbm>> -> memref<1x8x128xf32, #tpu.memory_space<hbm>>
        %dma_wait3A_396 = tpu.memref_squeeze %dma_wait3A_395 : memref<1x8x128xf32, #tpu.memory_space<hbm>> -> memref<8x128xf32, #tpu.memory_space<hbm>>
        tpu.wait_dma2 semaphore(%run_scoped3A : memref<!tpu.dma_semaphore, #tpu.memory_space<semaphore_mem>>) src(%arg15 : memref<8x128xf32, #tpu.memory_space<vmem>>) dst(%dma_wait3A_396 : memref<8x128xf32, #tpu.memory_space<hbm>>)
        tpu.yield
      }) : () -> ()
      %mul3A_369 = arith.constant 40 : i32
      %mul3A_370 = arith.muli %arg1, %mul3A_369 : i32
      %add3A_371 = arith.constant 16 : i32
      %add3A_372 = arith.addi %mul3A_370, %add3A_371 : i32
      "tpu.region"() ({
        %run_scoped3A = tpu.sem_alloc : memref<!tpu.dma_semaphore, #tpu.memory_space<semaphore_mem>>
        %dma_start3A = arith.constant 0 : i32
        %dma_start3A_387 = tpu.memref_slice %arg17[%add3A_372, %dma_start3A] : memref<320x128xf32, #tpu.memory_space<vmem_shared>> -> memref<8x128xf32, #tpu.memory_space<vmem_shared>>
        %dma_start3A_388 = arith.constant 0 : i32
        %dma_start3A_389 = tpu.memref_slice %arg17[%add3A_372, %dma_start3A_388] : memref<320x128xf32, #tpu.memory_space<vmem_shared>> -> memref<8x128xf32, #tpu.memory_space<vmem_shared>>
        tpu.enqueue_dma source(%dma_start3A_389 : memref<8x128xf32, #tpu.memory_space<vmem_shared>>) target(%arg15 : memref<8x128xf32, #tpu.memory_space<vmem>>) target_semaphore(%run_scoped3A : memref<!tpu.dma_semaphore, #tpu.memory_space<semaphore_mem>>)
        %dma_wait3A = arith.constant 0 : i32
        %dma_wait3A_390 = tpu.memref_slice %arg17[%add3A_372, %dma_wait3A] : memref<320x128xf32, #tpu.memory_space<vmem_shared>> -> memref<8x128xf32, #tpu.memory_space<vmem_shared>>
        %dma_wait3A_391 = arith.constant 0 : i32
        %dma_wait3A_392 = tpu.memref_slice %arg17[%add3A_372, %dma_wait3A_391] : memref<320x128xf32, #tpu.memory_space<vmem_shared>> -> memref<8x128xf32, #tpu.memory_space<vmem_shared>>
        tpu.wait_dma2 semaphore(%run_scoped3A : memref<!tpu.dma_semaphore, #tpu.memory_space<semaphore_mem>>) src(%dma_wait3A_392 : memref<8x128xf32, #tpu.memory_space<vmem_shared>>) dst(%arg15 : memref<8x128xf32, #tpu.memory_space<vmem>>)
        tpu.yield
      }) : () -> ()
      %add3A_373 = arith.constant 10240 : i32
      %add3A_374 = arith.addi %add3A_373, %add3A_372 : i32
      "tpu.region"() ({
        %run_scoped3A = tpu.sem_alloc : memref<!tpu.dma_semaphore, #tpu.memory_space<semaphore_mem>>
        %dma_start3A = arith.constant 0 : i32
        %dma_start3A_387 = tpu.memref_slice %arg6[%arg0, %add3A_374, %dma_start3A] : memref<2x10560x128xf32, #tpu.memory_space<hbm>> -> memref<1x8x128xf32, #tpu.memory_space<hbm>>
        %dma_start3A_388 = tpu.memref_squeeze %dma_start3A_387 : memref<1x8x128xf32, #tpu.memory_space<hbm>> -> memref<8x128xf32, #tpu.memory_space<hbm>>
        %dma_start3A_389 = arith.constant 0 : i32
        %dma_start3A_390 = tpu.memref_slice %arg6[%arg0, %add3A_374, %dma_start3A_389] : memref<2x10560x128xf32, #tpu.memory_space<hbm>> -> memref<1x8x128xf32, #tpu.memory_space<hbm>>
        %dma_start3A_391 = tpu.memref_squeeze %dma_start3A_390 : memref<1x8x128xf32, #tpu.memory_space<hbm>> -> memref<8x128xf32, #tpu.memory_space<hbm>>
        tpu.enqueue_dma source(%arg15 : memref<8x128xf32, #tpu.memory_space<vmem>>) target(%dma_start3A_391 : memref<8x128xf32, #tpu.memory_space<hbm>>) target_semaphore(%run_scoped3A : memref<!tpu.dma_semaphore, #tpu.memory_space<semaphore_mem>>)
        %dma_wait3A = arith.constant 0 : i32
        %dma_wait3A_392 = tpu.memref_slice %arg6[%arg0, %add3A_374, %dma_wait3A] : memref<2x10560x128xf32, #tpu.memory_space<hbm>> -> memref<1x8x128xf32, #tpu.memory_space<hbm>>
        %dma_wait3A_393 = tpu.memref_squeeze %dma_wait3A_392 : memref<1x8x128xf32, #tpu.memory_space<hbm>> -> memref<8x128xf32, #tpu.memory_space<hbm>>
        %dma_wait3A_394 = arith.constant 0 : i32
        %dma_wait3A_395 = tpu.memref_slice %arg6[%arg0, %add3A_374, %dma_wait3A_394] : memref<2x10560x128xf32, #tpu.memory_space<hbm>> -> memref<1x8x128xf32, #tpu.memory_space<hbm>>
        %dma_wait3A_396 = tpu.memref_squeeze %dma_wait3A_395 : memref<1x8x128xf32, #tpu.memory_space<hbm>> -> memref<8x128xf32, #tpu.memory_space<hbm>>
        tpu.wait_dma2 semaphore(%run_scoped3A : memref<!tpu.dma_semaphore, #tpu.memory_space<semaphore_mem>>) src(%arg15 : memref<8x128xf32, #tpu.memory_space<vmem>>) dst(%dma_wait3A_396 : memref<8x128xf32, #tpu.memory_space<hbm>>)
        tpu.yield
      }) : () -> ()
      %mul3A_375 = arith.constant 40 : i32
      %mul3A_376 = arith.muli %arg1, %mul3A_375 : i32
      %add3A_377 = arith.constant 24 : i32
      %add3A_378 = arith.addi %mul3A_376, %add3A_377 : i32
      "tpu.region"() ({
        %run_scoped3A = tpu.sem_alloc : memref<!tpu.dma_semaphore, #tpu.memory_space<semaphore_mem>>
        %dma_start3A = arith.constant 0 : i32
        %dma_start3A_387 = tpu.memref_slice %arg17[%add3A_378, %dma_start3A] : memref<320x128xf32, #tpu.memory_space<vmem_shared>> -> memref<8x128xf32, #tpu.memory_space<vmem_shared>>
        %dma_start3A_388 = arith.constant 0 : i32
        %dma_start3A_389 = tpu.memref_slice %arg17[%add3A_378, %dma_start3A_388] : memref<320x128xf32, #tpu.memory_space<vmem_shared>> -> memref<8x128xf32, #tpu.memory_space<vmem_shared>>
        tpu.enqueue_dma source(%dma_start3A_389 : memref<8x128xf32, #tpu.memory_space<vmem_shared>>) target(%arg15 : memref<8x128xf32, #tpu.memory_space<vmem>>) target_semaphore(%run_scoped3A : memref<!tpu.dma_semaphore, #tpu.memory_space<semaphore_mem>>)
        %dma_wait3A = arith.constant 0 : i32
        %dma_wait3A_390 = tpu.memref_slice %arg17[%add3A_378, %dma_wait3A] : memref<320x128xf32, #tpu.memory_space<vmem_shared>> -> memref<8x128xf32, #tpu.memory_space<vmem_shared>>
        %dma_wait3A_391 = arith.constant 0 : i32
        %dma_wait3A_392 = tpu.memref_slice %arg17[%add3A_378, %dma_wait3A_391] : memref<320x128xf32, #tpu.memory_space<vmem_shared>> -> memref<8x128xf32, #tpu.memory_space<vmem_shared>>
        tpu.wait_dma2 semaphore(%run_scoped3A : memref<!tpu.dma_semaphore, #tpu.memory_space<semaphore_mem>>) src(%dma_wait3A_392 : memref<8x128xf32, #tpu.memory_space<vmem_shared>>) dst(%arg15 : memref<8x128xf32, #tpu.memory_space<vmem>>)
        tpu.yield
      }) : () -> ()
      %add3A_379 = arith.constant 10240 : i32
      %add3A_380 = arith.addi %add3A_379, %add3A_378 : i32
      "tpu.region"() ({
        %run_scoped3A = tpu.sem_alloc : memref<!tpu.dma_semaphore, #tpu.memory_space<semaphore_mem>>
        %dma_start3A = arith.constant 0 : i32
        %dma_start3A_387 = tpu.memref_slice %arg6[%arg0, %add3A_380, %dma_start3A] : memref<2x10560x128xf32, #tpu.memory_space<hbm>> -> memref<1x8x128xf32, #tpu.memory_space<hbm>>
        %dma_start3A_388 = tpu.memref_squeeze %dma_start3A_387 : memref<1x8x128xf32, #tpu.memory_space<hbm>> -> memref<8x128xf32, #tpu.memory_space<hbm>>
        %dma_start3A_389 = arith.constant 0 : i32
        %dma_start3A_390 = tpu.memref_slice %arg6[%arg0, %add3A_380, %dma_start3A_389] : memref<2x10560x128xf32, #tpu.memory_space<hbm>> -> memref<1x8x128xf32, #tpu.memory_space<hbm>>
        %dma_start3A_391 = tpu.memref_squeeze %dma_start3A_390 : memref<1x8x128xf32, #tpu.memory_space<hbm>> -> memref<8x128xf32, #tpu.memory_space<hbm>>
        tpu.enqueue_dma source(%arg15 : memref<8x128xf32, #tpu.memory_space<vmem>>) target(%dma_start3A_391 : memref<8x128xf32, #tpu.memory_space<hbm>>) target_semaphore(%run_scoped3A : memref<!tpu.dma_semaphore, #tpu.memory_space<semaphore_mem>>)
        %dma_wait3A = arith.constant 0 : i32
        %dma_wait3A_392 = tpu.memref_slice %arg6[%arg0, %add3A_380, %dma_wait3A] : memref<2x10560x128xf32, #tpu.memory_space<hbm>> -> memref<1x8x128xf32, #tpu.memory_space<hbm>>
        %dma_wait3A_393 = tpu.memref_squeeze %dma_wait3A_392 : memref<1x8x128xf32, #tpu.memory_space<hbm>> -> memref<8x128xf32, #tpu.memory_space<hbm>>
        %dma_wait3A_394 = arith.constant 0 : i32
        %dma_wait3A_395 = tpu.memref_slice %arg6[%arg0, %add3A_380, %dma_wait3A_394] : memref<2x10560x128xf32, #tpu.memory_space<hbm>> -> memref<1x8x128xf32, #tpu.memory_space<hbm>>
        %dma_wait3A_396 = tpu.memref_squeeze %dma_wait3A_395 : memref<1x8x128xf32, #tpu.memory_space<hbm>> -> memref<8x128xf32, #tpu.memory_space<hbm>>
        tpu.wait_dma2 semaphore(%run_scoped3A : memref<!tpu.dma_semaphore, #tpu.memory_space<semaphore_mem>>) src(%arg15 : memref<8x128xf32, #tpu.memory_space<vmem>>) dst(%dma_wait3A_396 : memref<8x128xf32, #tpu.memory_space<hbm>>)
        tpu.yield
      }) : () -> ()
      %mul3A_381 = arith.constant 40 : i32
      %mul3A_382 = arith.muli %arg1, %mul3A_381 : i32
      %add3A_383 = arith.constant 32 : i32
      %add3A_384 = arith.addi %mul3A_382, %add3A_383 : i32
      "tpu.region"() ({
        %run_scoped3A = tpu.sem_alloc : memref<!tpu.dma_semaphore, #tpu.memory_space<semaphore_mem>>
        %dma_start3A = arith.constant 0 : i32
        %dma_start3A_387 = tpu.memref_slice %arg17[%add3A_384, %dma_start3A] : memref<320x128xf32, #tpu.memory_space<vmem_shared>> -> memref<8x128xf32, #tpu.memory_space<vmem_shared>>
        %dma_start3A_388 = arith.constant 0 : i32
        %dma_start3A_389 = tpu.memref_slice %arg17[%add3A_384, %dma_start3A_388] : memref<320x128xf32, #tpu.memory_space<vmem_shared>> -> memref<8x128xf32, #tpu.memory_space<vmem_shared>>
        tpu.enqueue_dma source(%dma_start3A_389 : memref<8x128xf32, #tpu.memory_space<vmem_shared>>) target(%arg15 : memref<8x128xf32, #tpu.memory_space<vmem>>) target_semaphore(%run_scoped3A : memref<!tpu.dma_semaphore, #tpu.memory_space<semaphore_mem>>)
        %dma_wait3A = arith.constant 0 : i32
        %dma_wait3A_390 = tpu.memref_slice %arg17[%add3A_384, %dma_wait3A] : memref<320x128xf32, #tpu.memory_space<vmem_shared>> -> memref<8x128xf32, #tpu.memory_space<vmem_shared>>
        %dma_wait3A_391 = arith.constant 0 : i32
        %dma_wait3A_392 = tpu.memref_slice %arg17[%add3A_384, %dma_wait3A_391] : memref<320x128xf32, #tpu.memory_space<vmem_shared>> -> memref<8x128xf32, #tpu.memory_space<vmem_shared>>
        tpu.wait_dma2 semaphore(%run_scoped3A : memref<!tpu.dma_semaphore, #tpu.memory_space<semaphore_mem>>) src(%dma_wait3A_392 : memref<8x128xf32, #tpu.memory_space<vmem_shared>>) dst(%arg15 : memref<8x128xf32, #tpu.memory_space<vmem>>)
        tpu.yield
      }) : () -> ()
      %add3A_385 = arith.constant 10240 : i32
      %add3A_386 = arith.addi %add3A_385, %add3A_384 : i32
      "tpu.region"() ({
        %run_scoped3A = tpu.sem_alloc : memref<!tpu.dma_semaphore, #tpu.memory_space<semaphore_mem>>
        %dma_start3A = arith.constant 0 : i32
        %dma_start3A_387 = tpu.memref_slice %arg6[%arg0, %add3A_386, %dma_start3A] : memref<2x10560x128xf32, #tpu.memory_space<hbm>> -> memref<1x8x128xf32, #tpu.memory_space<hbm>>
        %dma_start3A_388 = tpu.memref_squeeze %dma_start3A_387 : memref<1x8x128xf32, #tpu.memory_space<hbm>> -> memref<8x128xf32, #tpu.memory_space<hbm>>
        %dma_start3A_389 = arith.constant 0 : i32
        %dma_start3A_390 = tpu.memref_slice %arg6[%arg0, %add3A_386, %dma_start3A_389] : memref<2x10560x128xf32, #tpu.memory_space<hbm>> -> memref<1x8x128xf32, #tpu.memory_space<hbm>>
        %dma_start3A_391 = tpu.memref_squeeze %dma_start3A_390 : memref<1x8x128xf32, #tpu.memory_space<hbm>> -> memref<8x128xf32, #tpu.memory_space<hbm>>
        tpu.enqueue_dma source(%arg15 : memref<8x128xf32, #tpu.memory_space<vmem>>) target(%dma_start3A_391 : memref<8x128xf32, #tpu.memory_space<hbm>>) target_semaphore(%run_scoped3A : memref<!tpu.dma_semaphore, #tpu.memory_space<semaphore_mem>>)
        %dma_wait3A = arith.constant 0 : i32
        %dma_wait3A_392 = tpu.memref_slice %arg6[%arg0, %add3A_386, %dma_wait3A] : memref<2x10560x128xf32, #tpu.memory_space<hbm>> -> memref<1x8x128xf32, #tpu.memory_space<hbm>>
        %dma_wait3A_393 = tpu.memref_squeeze %dma_wait3A_392 : memref<1x8x128xf32, #tpu.memory_space<hbm>> -> memref<8x128xf32, #tpu.memory_space<hbm>>
        %dma_wait3A_394 = arith.constant 0 : i32
        %dma_wait3A_395 = tpu.memref_slice %arg6[%arg0, %add3A_386, %dma_wait3A_394] : memref<2x10560x128xf32, #tpu.memory_space<hbm>> -> memref<1x8x128xf32, #tpu.memory_space<hbm>>
        %dma_wait3A_396 = tpu.memref_squeeze %dma_wait3A_395 : memref<1x8x128xf32, #tpu.memory_space<hbm>> -> memref<8x128xf32, #tpu.memory_space<hbm>>
        tpu.wait_dma2 semaphore(%run_scoped3A : memref<!tpu.dma_semaphore, #tpu.memory_space<semaphore_mem>>) src(%arg15 : memref<8x128xf32, #tpu.memory_space<vmem>>) dst(%dma_wait3A_396 : memref<8x128xf32, #tpu.memory_space<hbm>>)
        tpu.yield
      }) : () -> ()
    } else {
    }
    return
  }
}

module attributes {stable_mosaic.version = 14 : i64} {
  func.func @_proj_body(%arg0: i32, %arg1: memref<1000x128xf32, #tpu.memory_space<vmem>>, %arg2: memref<128x384xf32, #tpu.memory_space<vmem>>, %arg3: memref<1x384xf32, #tpu.memory_space<vmem>>, %arg4: memref<1000x128xf32, #tpu.memory_space<vmem>>, %arg5: memref<1000x256xf32, #tpu.memory_space<vmem>>) attributes {dimension_semantics = [#tpu.dimension_semantics<arbitrary>], iteration_bounds = array<i64: 10>, scalar_prefetch = 0 : i64, scratch_operands = 0 : i64, tpu.core_type = #tpu.core_type<tc>, window_params = [{transform_indices = @transform_0, window_bounds = array<i64: 1000, 128>}, {pipeline_mode = #tpu.pipeline_mode<synchronous>, transform_indices = @transform_1, window_bounds = array<i64: 128, 384>}, {pipeline_mode = #tpu.pipeline_mode<synchronous>, transform_indices = @transform_2, window_bounds = array<i64: 1, 384>}, {transform_indices = @transform_3, window_bounds = array<i64: 1000, 128>}, {transform_indices = @transform_4, window_bounds = array<i64: 1000, 256>}]} {
    %get3A = arith.constant 0 : index
    %get3A_0 = arith.constant 0 : index
    %get3A_1 = vector.load %arg1[%get3A, %get3A_0] : memref<1000x128xf32, #tpu.memory_space<vmem>>, vector<1000x128xf32>
    %get3A_2 = arith.constant 0 : index
    %get3A_3 = arith.constant 0 : index
    %get3A_4 = vector.load %arg2[%get3A_2, %get3A_3] : memref<128x384xf32, #tpu.memory_space<vmem>>, vector<128x384xf32>
    %dot_general3A = arith.constant dense<0.000000e+00> : vector<1000x384xf32>
    %dot_general3A_5 = tpu.matmul %get3A_1, %get3A_4, %dot_general3A {dimension_numbers = #tpu.dot_dimension_numbers<[1], [0], [0], [1], [0, 0, 1, 1], [], []>, transpose_lhs_hint = false} : vector<1000x128xf32>, vector<128x384xf32>, vector<1000x384xf32> -> vector<1000x384xf32>
    %get3A_6 = arith.constant 0 : index
    %get3A_7 = arith.constant 0 : index
    %get3A_8 = vector.load %arg3[%get3A_6, %get3A_7] : memref<1x384xf32, #tpu.memory_space<vmem>>, vector<1x384xf32>
    %add3A = vector.broadcast %get3A_8 : vector<1x384xf32> to vector<1000x384xf32>
    %add3A_9 = arith.addf %dot_general3A_5, %add3A : vector<1000x384xf32>
    %slice3A = vector.extract_strided_slice %add3A_9 {offsets = [0, 0], sizes = [1000, 128], strides = [1, 1]} : vector<1000x384xf32> to vector<1000x128xf32>
    %swap3A = arith.constant 0 : index
    %swap3A_10 = arith.constant 0 : index
    %swap3A_11 = vector.load %arg4[%swap3A, %swap3A_10] : memref<1000x128xf32, #tpu.memory_space<vmem>>, vector<1000x128xf32>
    tpu.vector_store %arg4[%swap3A, %swap3A_10], %slice3A {strides = array<i32>} : memref<1000x128xf32, #tpu.memory_space<vmem>>, vector<1000x128xf32>,
    %slice3A_12 = vector.extract_strided_slice %add3A_9 {offsets = [0, 128], sizes = [1000, 256], strides = [1, 1]} : vector<1000x384xf32> to vector<1000x256xf32>
    %swap3A_13 = arith.constant 0 : index
    %swap3A_14 = arith.constant 0 : index
    %swap3A_15 = vector.load %arg5[%swap3A_13, %swap3A_14] : memref<1000x256xf32, #tpu.memory_space<vmem>>, vector<1000x256xf32>
    tpu.vector_store %arg5[%swap3A_13, %swap3A_14], %slice3A_12 {strides = array<i32>} : memref<1000x256xf32, #tpu.memory_space<vmem>>, vector<1000x256xf32>,
    return
  }
  func.func @transform_0(%arg0: i32) -> (i32, i32) {
    %c0_i32 = arith.constant 0 : i32
    %c0_i32_0 = arith.constant 0 : i32
    return %arg0, %c0_i32 : i32, i32
  }
  func.func @transform_1(%arg0: i32) -> (i32, i32) {
    %c0_i32 = arith.constant 0 : i32
    %c0_i32_0 = arith.constant 0 : i32
    %c0_i32_1 = arith.constant 0 : i32
    return %c0_i32, %c0_i32_0 : i32, i32
  }
  func.func @transform_2(%arg0: i32) -> (i32, i32) {
    %c0_i32 = arith.constant 0 : i32
    %c0_i32_0 = arith.constant 0 : i32
    %c0_i32_1 = arith.constant 0 : i32
    return %c0_i32, %c0_i32_0 : i32, i32
  }
  func.func @transform_3(%arg0: i32) -> (i32, i32) {
    %c0_i32 = arith.constant 0 : i32
    %c0_i32_0 = arith.constant 0 : i32
    return %arg0, %c0_i32 : i32, i32
  }
  func.func @transform_4(%arg0: i32) -> (i32, i32) {
    %c0_i32 = arith.constant 0 : i32
    %c0_i32_0 = arith.constant 0 : i32
    return %arg0, %c0_i32 : i32, i32
  }
}

module attributes {stable_mosaic.version = 14 : i64} {
  func.func @_out_body(%arg0: i32, %arg1: memref<2x1000x128xf32, #tpu.memory_space<vmem>>, %arg2: memref<2x1000x4xf32, #tpu.memory_space<vmem>>, %arg3: memref<4x128xf32, #tpu.memory_space<vmem>>, %arg4: memref<128x128xf32, #tpu.memory_space<vmem>>, %arg5: memref<1x128xf32, #tpu.memory_space<vmem>>, %arg6: memref<1000x128xf32, #tpu.memory_space<vmem>>) attributes {dimension_semantics = [#tpu.dimension_semantics<arbitrary>], iteration_bounds = array<i64: 10>, scalar_prefetch = 0 : i64, scratch_operands = 0 : i64, tpu.core_type = #tpu.core_type<tc>, window_params = [{transform_indices = @transform_0, window_bounds = array<i64: 2, 1000, 128>}, {transform_indices = @transform_1, window_bounds = array<i64: 2, 1000, 4>}, {pipeline_mode = #tpu.pipeline_mode<synchronous>, transform_indices = @transform_2, window_bounds = array<i64: 4, 128>}, {pipeline_mode = #tpu.pipeline_mode<synchronous>, transform_indices = @transform_3, window_bounds = array<i64: 128, 128>}, {pipeline_mode = #tpu.pipeline_mode<synchronous>, transform_indices = @transform_4, window_bounds = array<i64: 1, 128>}, {transform_indices = @transform_5, window_bounds = array<i64: 1000, 128>}]} {
    %get3A = arith.constant 0 : index
    %get3A_0 = arith.constant 0 : index
    %get3A_1 = arith.constant 0 : index
    %get3A_2 = vector.load %arg1[%get3A, %get3A_0, %get3A_1] : memref<2x1000x128xf32, #tpu.memory_space<vmem>>, vector<1x1000x128xf32>
    %get3A_3 = vector.shape_cast %get3A_2 : vector<1x1000x128xf32> to vector<1000x128xf32>
    %get3A_4 = arith.constant 1 : index
    %get3A_5 = arith.constant 0 : index
    %get3A_6 = arith.constant 0 : index
    %get3A_7 = vector.load %arg1[%get3A_4, %get3A_5, %get3A_6] : memref<2x1000x128xf32, #tpu.memory_space<vmem>>, vector<1x1000x128xf32>
    %get3A_8 = vector.shape_cast %get3A_7 : vector<1x1000x128xf32> to vector<1000x128xf32>
    %add3A = arith.addf %get3A_3, %get3A_8 : vector<1000x128xf32>
    %get3A_9 = arith.constant 0 : index
    %get3A_10 = arith.constant 0 : index
    %get3A_11 = arith.constant 0 : index
    %get3A_12 = vector.load %arg2[%get3A_9, %get3A_10, %get3A_11] : memref<2x1000x4xf32, #tpu.memory_space<vmem>>, vector<1x1000x4xf32>
    %get3A_13 = vector.shape_cast %get3A_12 : vector<1x1000x4xf32> to vector<1000x4xf32>
    %get3A_14 = arith.constant 1 : index
    %get3A_15 = arith.constant 0 : index
    %get3A_16 = arith.constant 0 : index
    %get3A_17 = vector.load %arg2[%get3A_14, %get3A_15, %get3A_16] : memref<2x1000x4xf32, #tpu.memory_space<vmem>>, vector<1x1000x4xf32>
    %get3A_18 = vector.shape_cast %get3A_17 : vector<1x1000x4xf32> to vector<1000x4xf32>
    %add3A_19 = arith.addf %get3A_13, %get3A_18 : vector<1000x4xf32>
    %get3A_20 = arith.constant 0 : index
    %get3A_21 = arith.constant 0 : index
    %get3A_22 = vector.load %arg3[%get3A_20, %get3A_21] : memref<4x128xf32, #tpu.memory_space<vmem>>, vector<4x128xf32>
    %dot_general3A = arith.constant dense<0.000000e+00> : vector<1000x128xf32>
    %dot_general3A_23 = tpu.matmul %add3A_19, %get3A_22, %dot_general3A {dimension_numbers = #tpu.dot_dimension_numbers<[1], [0], [0], [1], [0, 0, 1, 1], [], []>, transpose_lhs_hint = false} : vector<1000x4xf32>, vector<4x128xf32>, vector<1000x128xf32> -> vector<1000x128xf32>
    %gt3A = arith.constant 0.000000e+00 : f32
    %gt3A_24 = vector.broadcast %gt3A : f32 to vector<1000x128xf32>
    %gt3A_25 = arith.cmpf ogt, %dot_general3A_23, %gt3A_24 : vector<1000x128xf32>
    %jit3A = arith.constant 0.000000e+00 : f32
    %broadcast_in_dim3A = vector.broadcast %jit3A : f32 to vector<1000x128xf32>
    %select_n3A = arith.select %gt3A_25, %add3A, %broadcast_in_dim3A : vector<1000x128xi1>, vector<1000x128xf32>
    %jit3A_26 = arith.constant 1.000000e+00 : f32
    %broadcast_in_dim3A_27 = vector.broadcast %jit3A_26 : f32 to vector<1000x128xf32>
    %select_n3A_28 = arith.select %gt3A_25, %dot_general3A_23, %broadcast_in_dim3A_27 : vector<1000x128xi1>, vector<1000x128xf32>
    %div3A = arith.divf %select_n3A, %select_n3A_28 : vector<1000x128xf32>
    %get3A_29 = arith.constant 0 : index
    %get3A_30 = arith.constant 0 : index
    %get3A_31 = vector.load %arg4[%get3A_29, %get3A_30] : memref<128x128xf32, #tpu.memory_space<vmem>>, vector<128x128xf32>
    %dot_general3A_32 = arith.constant dense<0.000000e+00> : vector<1000x128xf32>
    %dot_general3A_33 = tpu.matmul %div3A, %get3A_31, %dot_general3A_32 {dimension_numbers = #tpu.dot_dimension_numbers<[1], [0], [0], [1], [0, 0, 1, 1], [], []>, transpose_lhs_hint = false} : vector<1000x128xf32>, vector<128x128xf32>, vector<1000x128xf32> -> vector<1000x128xf32>
    %get3A_34 = arith.constant 0 : index
    %get3A_35 = arith.constant 0 : index
    %get3A_36 = vector.load %arg5[%get3A_34, %get3A_35] : memref<1x128xf32, #tpu.memory_space<vmem>>, vector<1x128xf32>
    %add3A_37 = vector.broadcast %get3A_36 : vector<1x128xf32> to vector<1000x128xf32>
    %add3A_38 = arith.addf %dot_general3A_33, %add3A_37 : vector<1000x128xf32>
    %swap3A = arith.constant 0 : index
    %swap3A_39 = arith.constant 0 : index
    %swap3A_40 = vector.load %arg6[%swap3A, %swap3A_39] : memref<1000x128xf32, #tpu.memory_space<vmem>>, vector<1000x128xf32>
    tpu.vector_store %arg6[%swap3A, %swap3A_39], %add3A_38 {strides = array<i32>} : memref<1000x128xf32, #tpu.memory_space<vmem>>, vector<1000x128xf32>,
    return
  }
  func.func @transform_0(%arg0: i32) -> (i32, i32, i32) {
    %c0_i32 = arith.constant 0 : i32
    %c0_i32_0 = arith.constant 0 : i32
    %c0_i32_1 = arith.constant 0 : i32
    return %c0_i32, %arg0, %c0_i32_0 : i32, i32, i32
  }
  func.func @transform_1(%arg0: i32) -> (i32, i32, i32) {
    %c0_i32 = arith.constant 0 : i32
    %c0_i32_0 = arith.constant 0 : i32
    %c0_i32_1 = arith.constant 0 : i32
    return %c0_i32, %arg0, %c0_i32_0 : i32, i32, i32
  }
  func.func @transform_2(%arg0: i32) -> (i32, i32) {
    %c0_i32 = arith.constant 0 : i32
    %c0_i32_0 = arith.constant 0 : i32
    %c0_i32_1 = arith.constant 0 : i32
    return %c0_i32, %c0_i32_0 : i32, i32
  }
  func.func @transform_3(%arg0: i32) -> (i32, i32) {
    %c0_i32 = arith.constant 0 : i32
    %c0_i32_0 = arith.constant 0 : i32
    %c0_i32_1 = arith.constant 0 : i32
    return %c0_i32, %c0_i32_0 : i32, i32
  }
  func.func @transform_4(%arg0: i32) -> (i32, i32) {
    %c0_i32 = arith.constant 0 : i32
    %c0_i32_0 = arith.constant 0 : i32
    %c0_i32_1 = arith.constant 0 : i32
    return %c0_i32, %c0_i32_0 : i32, i32
  }
  func.func @transform_5(%arg0: i32) -> (i32, i32) {
    %c0_i32 = arith.constant 0 : i32
    %c0_i32_0 = arith.constant 0 : i32
    return %arg0, %c0_i32 : i32, i32
  }
}

</mosaic_0001>

<sc_bundles>
// kernel: kernel.5.cloned.1.call-start
scs
__scs_entry_jumppad:
0x0: {  	(pc) =	sbr.rel $0x88, $3  }
0x1: {  	(tag) =	ssettag $0x0;
	lr =	simm.s32 $0x1  }
0x2: {  	[smem:$0x3F9B] =	sst lr;
	_ =	strace $0xD0000000  }
0x3: {  	_ = 	snop  }
0x4: {  	_ = 	snop  }
0x5: {  	_ = 	snop  }
0x6: {  	_ = 	snop  }
0x7: {  	_ = 	snop  }
__scs_overlays_trampoline_lowered:
0x8: {  	[smem:$0x3FAA] =	sst s0  }
0x9: {  	[smem:$0x3FAB] =	sst s1  }
0xa: {  	[smem:$0x3FAC] =	sst s2  }
0xb: {  	[smem:$0x3FAD] =	sst s3  }
0xc: {  	[smem:$0x3FAE] =	sst s4  }
0xd: {  	[smem:$0x3FAF] =	sst s5  }
0xe: {  	[smem:$0x3FB0] =	sst s6  }
0xf: {  	[smem:$0x3FB1] =	sst s7  }
0x10: {  	[smem:$0x3FB2] =	sst s8  }
0x11: {  	[smem:$0x3FB3] =	sst s9;
	s0 =	simm.s32 @!p0 $0x0  }
0x12: {  	s1 =	sld [smem:$0x3F99];
	s0 =	simm.s32 @p0 $0x1  }
0x13: {  	[smem:$0x3FB4] =	sst s0;
	s0 =	simm.s32 @!p1 $0x0  }
0x14: {  	s2 =	sld [smem:$0x3F98];
	s0 =	simm.s32 @p1 $0x1  }
0x15: {  	[smem:$0x3FB5] =	sst s0;
	s0 =	simm.s32 @!p2 $0x0  }
0x16: {  	s3 =	sld [smem:$0x3FDB];
	s0 =	simm.s32 @p2 $0x1  }
0x17: {  	s4 =	simm.s32 $0x1BF5;
	[smem:$0x3FB7] =	sst s0  }
0x18: {  	s0 =	sld [smem:$0x3F9A];
	_ =	swait.ge [sflag:s4], $0x0  }
0x19: {  	s7 =	sld [smem:$0x3F9B]  }
0x1a: {  	s8 =	sadd.s32 $0xFFFFE003, lr  }
0x1b: {  	s9 =	sadd.s32 $0xFFFFFEF7, lr;
	s5 =	simm.s32 $0xFFFFFFFF;
	p2 =	slt.u32 s8, $0xFFFFF086  }
0x1c: {  	p1 =	slt.u32 s9, $0xF7A;
	s5 =	simm.s32 @!p2 $0x0  }
0x1d: {  	s5 =	simm.s32 @p1 $0x1;
	p0 =	seq.s32 s7, s2  }
0x1e: {  	s7 =	smul.u32 @!p0 $0xF7A, s2;
	p2 =	seq.s32 @!p0 s5, $0x0  }
0x1f: {  	s9 =	smul.u32 $0xF7A, s1;
	s8 =	simm.s32 @!p0 $0x1BF5;
	p2 =	por !p2, p0  }
0x20: {  	[sflag:s8] =	ssyncset.s32 @!p0 $0xFFFFF086;
	s6 =	sadd.s32 @!p0 s3, s7;
	s7 =	simm.s32 @!p0 $0x108  }
0x21: {  	s3 =	sadd.s32 s3, s9;
	s6 =	sadd.s32 @!p0 $0x88, s6;
	s7 =	simm.s32 @p2 $0x1082  }
0x22: {  	[simem:s7], [sflag:s8] =	dma.local @!p0 [hbm:s6], $0xF7A  }
0x23: {  	s9 =	sor.u32 $0xD0000000, s2;
	s6 =	simm.s32 $0x108;
	_ =	swait.ge @!p0 [sflag:s8], $0x0  }
0x24: {  	s3 =	sadd.s32 $0x88, s3;
	s6 =	simm.s32 @!p1 $0x1082;
	[sflag:s4] =	ssyncset.s32 $0xFFFFF086  }
0x25: {  	[simem:s6], [sflag:s4] =	dma.local [hbm:s3], $0xF7A  }
0x26: {  	[smem:$0x3F9B] =	sst s1;
	(tag) =	ssettag s2;
	_ =	strace s9  }
0x27: {  	s1 =	sld [smem:$0x3FAB]  }
0x28: {  	s2 =	sld [smem:$0x3FAC]  }
0x29: {  	s4 =	sld [smem:$0x3FAE]  }
0x2a: {  	p0 =	seq.s32 s5, $0x0;
	s5 =	sld [smem:$0x3FAF]  }
0x2b: {  	s6 =	sld [smem:$0x3FB0]  }
0x2c: {  	s7 =	sld [smem:$0x3FB1]  }
0x2d: {  	s3 =	simm.s32 $0x108;
	s8 =	sld [smem:$0x3FB2]  }
0x2e: {  	s3 =	simm.s32 @!p0 $0x1082;
	s9 =	sld [smem:$0x3FB3]  }
0x2f: {  	lr =	sadd.s32 s0, s3;
	s0 =	sld [smem:$0x3FAA]  }
0x30: {  	s3 =	sld [smem:$0x3FAD]  }
0x31: {  	[smem:$0x3FB6] =	sst s10  }
0x32: {  	s10 =	sld [smem:$0x3FB4];
	_ =	sdelay $0x3  }
0x33: {  	p0 =	seq.s32 s10, $0x1;
	s10 =	sld [smem:$0x3FB6];
	_ =	sdelay $0x3  }
0x34: {  	[smem:$0x3FB6] =	sst s10  }
0x35: {  	s10 =	sld [smem:$0x3FB5];
	_ =	sdelay $0x3  }
0x36: {  	p1 =	seq.s32 s10, $0x1;
	s10 =	sld [smem:$0x3FB6];
	_ =	sdelay $0x3  }
0x37: {  	[smem:$0x3FB6] =	sst s10  }
0x38: {  	s10 =	sld [smem:$0x3FB7]  }
0x39: {  	_ = 	snop;
	(pc) =	sbr.ind lr, $3  }
0x3a: {  	_ = 	snop  }
0x3b: {  	_ = 	snop  }
0x3c: {  	p2 =	seq.s32 s10, $0x1;
	s10 =	sld [smem:$0x3FB6]  }
0x3d: {  	_ =	shalt  }
0x3e: {  	_ =	shalt  }
0x3f: {  	_ =	shalt  }
0x40: {  	_ =	shalt  }
0x41: {  	_ =	shalt  }
0x42: {  	_ =	shalt  }
0x43: {  	_ =	shalt  }
0x44: {  	_ =	shalt  }
0x45: {  	_ =	shalt  }
0x46: {  	_ =	shalt  }
0x47: {  	_ =	shalt  }
0x48: {  	_ =	shalt  }
0x49: {  	_ =	shalt  }
0x4a: {  	_ =	shalt  }
0x4b: {  	_ =	shalt  }
0x4c: {  	_ =	shalt  }
0x4d: {  	_ =	shalt  }
0x4e: {  	_ =	shalt  }
0x4f: {  	_ =	shalt  }
0x50: {  	_ =	shalt  }
0x51: {  	_ =	shalt  }
0x52: {  	_ =	shalt  }
0x53: {  	_ =	shalt  }
0x54: {  	_ =	shalt  }
0x55: {  	_ =	shalt  }
0x56: {  	_ =	shalt  }
0x57: {  	_ =	shalt  }
0x58: {  	_ =	shalt  }
0x59: {  	_ =	shalt  }
0x5a: {  	_ =	shalt  }
0x5b: {  	_ =	shalt  }
0x5c: {  	_ =	shalt  }
0x5d: {  	_ =	shalt  }
0x5e: {  	_ =	shalt  }
0x5f: {  	_ =	shalt  }
0x60: {  	_ =	shalt  }
0x61: {  	_ =	shalt  }
0x62: {  	_ =	shalt  }
0x63: {  	_ =	shalt  }
0x64: {  	_ =	shalt  }
0x65: {  	_ =	shalt  }
0x66: {  	_ =	shalt  }
0x67: {  	_ =	shalt  }
0x68: {  	_ =	shalt  }
0x69: {  	_ =	shalt  }
0x6a: {  	_ =	shalt  }
0x6b: {  	_ =	shalt  }
0x6c: {  	_ =	shalt  }
0x6d: {  	_ =	shalt  }
0x6e: {  	_ =	shalt  }
0x6f: {  	_ =	shalt  }
0x70: {  	_ =	shalt  }
0x71: {  	_ =	shalt  }
0x72: {  	_ =	shalt  }
0x73: {  	_ =	shalt  }
0x74: {  	_ =	shalt  }
0x75: {  	_ =	shalt  }
0x76: {  	_ =	shalt  }
0x77: {  	_ =	shalt  }
0x78: {  	_ =	shalt  }
0x79: {  	_ =	shalt  }
0x7a: {  	_ =	shalt  }
0x7b: {  	_ =	shalt  }
0x7c: {  	_ =	shalt  }
0x7d: {  	_ =	shalt  }
0x7e: {  	_ =	shalt  }
0x7f: {  	_ =	shalt  }
0x80: {  	_ =	shalt  }
0x81: {  	_ =	shalt  }
0x82: {  	_ =	shalt  }
0x83: {  	_ =	shalt  }
0x84: {  	_ =	shalt  }
0x85: {  	_ =	shalt  }
0x86: {  	_ =	shalt  }
0x87: {  	_ =	shalt  }
.Lfunc_end0:
.L_simem_size_0:
called_computation_lowered:
.L_overlay_start_0:
0x88: {  	s2 =	sld [smem:$0x3FD9]  }
0x89: {  	s3 =	sld [smem:$0x3FFE];
	_ =	sdelay $0x1  }
0x8a: {  	s1 =	srdreg.scid  }
0x8b: {  	s0 =	sand.u32 $0x1, s1  }
0x8c: {  	s17 =	sshll.u32 s0, $0xA;
	s2 =	sadd.s32 s3, s2  }
0x8d: {  	s2 =	sadd.s32 s2, s17  }
0x8e: {  	[smem:$0x3FC2] =	sst s2  }
0x8f: {  	_ = 	snop  }
0x90: {  	s2 =	sld [smem:$0x3FD0];
	(tm) =	ssettm $0x1  }
0x91: {  	s18 =	sld [smem:$0x3FFB];
	_ =	sdelay $0x3  }
0x92: {  	_ =	strace s18  }
0x93: {  	s3 =	sld [smem:$0x3FFC];
	_ =	sdelay $0x3  }
0x94: {  	_ =	strace s3  }
0x95: {  	s3 =	sld [smem:$0x3FFD];
	_ =	sdelay $0x3  }
0x96: {  	_ =	strace s3  }
0x97: {  	_ =	strace $0x8FFFFFFF  }
0x98: {  	s19 =	sld [smem:$0x3FDB];
	_ =	sdelay $0x1  }
0x99: {  	s4 =	simm.s32 $_scs_section_size  }
0x9a: {  	s5 =	simm.s32 $_size__tile_overlayer_lowered;
	s6 =	simm.s32 $_tile_overlayer_lowered  }
0x9b: {  	s22 =	simm.s32 $0x1BFF;
	s21 =	sshll.u32 s6, $0x1;
	s3 =	sadd.s32 s4, s19  }
0x9c: {  	s7 =	simm.s32 $0x0;
	s20 =	sshll.u32 s5, $0x1;
	s5 =	sadd.s32 s21, s3  }
0x9d: {  	[timem:s7], [sflag:s22] =	dma.local [hbm:s5], s20  }
0x9e: {  	_ =	swait.ge [sflag:s22], s20  }
0x9f: {  	s4 =	ssub.s32 $0x0, s20;
	[sflag:s22] =	ssyncset.done $0x0  }
0xa0: {  	[sflag:s22] =	ssyncadd.s32 s4;
	_ =	sdelay $0x1  }
0xa1: {  	s23 =	simm.s32 $0x1B8B  }
0xa2: {  	_ =	swait.ge [sflag:s23], $0x1  }
0xa3: {  	[sflag:s23] =	ssyncset.done $0x0  }
0xa4: {  	s25 =	simm.s32 $0x1B8E;
	s24 =	sld [smem:$0x3FFE];
	[sflag:s23] =	ssyncadd.s32 $0xFFFFFFFF  }
0xa5: {  	s26 =	simm.s32 $execute0_lowered;
	[smem:$0x3FD2] =	sst s25  }
0xa6: {  	s5 =	sshll.u32 s26, $0x1;
	_ =	strace $0x80000046;
	[dreg:$0x1] =	wrdreg $0xFFFFFFFF  }
0xa7: {  	s28 =	simm.s32 $_size_execute0_lowered;
	s3 =	sadd.s32 s3, s5;
	[dreg:$0x0] =	wrdreg $0x0  }
0xa8: {  	s5 =	sshll.u32 s28, $0x1;
	[dreg:$0x2] =	wrdreg s3  }
0xa9: {  	[dreg:$0x3] =	wrdreg s5  }
0xaa: {  	[dreg:$0x4] =	wrdreg $0xC0  }
0xab: {  	_ =	task [dreg:s7], $0x5FFFF  }
0xac: {  	[dreg:$0x1] =	wrdreg $0xFFFFFFFF  }
0xad: {  	[dreg:$0x0] =	wrdreg $0x60  }
0xae: {  	[dreg:$0x2] =	wrdreg s24  }
0xaf: {  	[dreg:$0x3] =	wrdreg s2  }
0xb0: {  	[dreg:$0x4] =	wrdreg $0xB2000  }
0xb1: {  	[dreg:$0x5] =	wrdreg $0x1F2000  }
0xb2: {  	[dreg:$0x6] =	wrdreg $0x9  }
0xb3: {  	_ =	task.clear_ibuf [dreg:s7], $0x7FFFF;
	_ =	strace $0x90000046  }
0xb4: {  	s29 =	simm.s32 $0x9;
	_ =	strace $0x80000048  }
0xb5: {  	_ =	swait.ge [sflag:s29], $0x1  }
0xb6: {  	[sflag:s29] =	ssyncadd.s32 $0xFFFFFFFF  }
0xb7: {  	_ =	strace $0x90000048  }
0xb8: {  	_ =	sfence  }
0xb9: {  	s30 =	sld [smem:$0x0];
	_ =	sdelay $0x2  }
0xba: {  	s31 =	sshll.u32 s1, $0xD;
	s1 =	sshrl.u32 s1, $0x2  }
0xbb: {  	s3 =	sand.u32 $0x4000, s31;
	s1 =	sadd.s32 s1, s30  }
0xbc: {  	s0 =	sor.u32 s3, s0;
	s1 =	sshll.u32 s1, $0x11  }
0xbd: {  	s0 =	sor.u32 s1, s0  }
0xbe: {  	s0 =	sadd.s32 $0x8F2B, s0  }
0xbf: {  	[sflag:s0] =	ssyncadd.remote.s32 $0x1  }
0xc0: {  	_ =	sfence.sel $0xFFFF  }
0xc1: {  	[dreg:$0x0] =	wrdreg $0xFFFFFFFF;
	(pc) =	sbr.abs _section_cstart, $3  }
0xc2: {  	[dreg:$0x1] =	wrdreg $0xFFFFFFFF  }
0xc3: {  	_ =	task.clear_ibuf [dreg:s7], $0x2FFFF;
	_ =	strace $0x9FFFFFFF  }
0xc4: {  	(tm) =	ssettm $0x7FFFFFFF  }
0xc5: {  	_ =	shalt  }
tec
execute0_lowered:
.L_overlay_start_1:
0x0: {  	(tag) =	ssettag $0x1  }
0x1: {  	s2 =	stileid.u32  }
0x2: {  	s0 =	srdreg.scid;
	s3 =	simm.s32 $0x0;
	s2 =	smul.u32 $0x14000, s2  }
0x3: {  	s4 =	sand.u32 $0x1, s0;
	[smem:$0x7FF] =	sst s3  }
0x4: {  	[smem:$0x7A9] =	sst s4;
	s3 =	sor.u32 $0x800, s2  }
0x5: {  	s5 =	sor.u32 $0x1000, s2;
	[smem:$0x7AC] =	sst s3  }
0x6: {  	s6 =	sor.u32 $0x1800, s2;
	[smem:$0x7AD] =	sst s5  }
0x7: {  	s7 =	sor.u32 $0x2000, s2;
	[smem:$0x7AE] =	sst s6  }
0x8: {  	s8 =	sor.u32 $0x2800, s2;
	[smem:$0x7AF] =	sst s7  }
0x9: {  	s9 =	sor.u32 $0x3000, s2;
	[smem:$0x7B0] =	sst s8  }
0xa: {  	s10 =	sor.u32 $0x3800, s2;
	[smem:$0x7B1] =	sst s9  }
0xb: {  	s11 =	sadd.s32 $0x4000, s2;
	[smem:$0x7B2] =	sst s10  }
0xc: {  	s23 =	sadd.s32 $0x5800, s2;
	[smem:$0x7B3] =	sst s11  }
0xd: {  	s13 =	sadd.s32 $0x6000, s2;
	[smem:$0x795] =	sst s23  }
0xe: {  	s24 =	sadd.s32 $0x6800, s2;
	[smem:$0x7B4] =	sst s13  }
0xf: {  	s31 =	sadd.s32 $0x7000, s2;
	[smem:$0x796] =	sst s24  }
0x10: {  	s25 =	sadd.s32 $0x7800, s2;
	[smem:$0x7B5] =	sst s31  }
0x11: {  	s26 =	sadd.s32 $0x8000, s2;
	[smem:$0x797] =	sst s25  }
0x12: {  	s14 =	sadd.s32 $0x8800, s2;
	[smem:$0x798] =	sst s26  }
0x13: {  	s15 =	sadd.s32 $0x9000, s2;
	[smem:$0x7B6] =	sst s14  }
0x14: {  	s16 =	sadd.s32 $0x9800, s2;
	[smem:$0x7B7] =	sst s15  }
0x15: {  	s17 =	sadd.s32 $0xA000, s2;
	[smem:$0x7B8] =	sst s16  }
0x16: {  	s19 =	sadd.s32 $0xA800, s2;
	[smem:$0x7BA] =	sst s17  }
0x17: {  	s18 =	sadd.s32 $0xB800, s2;
	[smem:$0x7BB] =	sst s19  }
0x18: {  	s21 =	sadd.s32 $0xC000, s2;
	[smem:$0x7BC] =	sst s18  }
0x19: {  	s22 =	sadd.s32 $0xD000, s2;
	[smem:$0x7BE] =	sst s21  }
0x1a: {  	s0 =	ssub.s32 $0x2, s4;
	s28 =	sadd.s32 $0xF000, s2;
	[smem:$0x7C2] =	sst s22  }
0x1b: {  	s1 =	sshrl.u32 s0, $0x1;
	s30 =	sadd.s32 $0xF800, s2;
	[smem:$0x7CA] =	sst s28  }
0x1c: {  	s0 =	ssub.s32 s0, s1;
	[smem:$0x7CC] =	sst s30  }
0x1d: {  	s23 =	sadd.s32 $0xC800, s2;
	[smem:$0x7E1] =	sst s0  }
0x1e: {  	s24 =	sadd.s32 $0xD800, s2;
	[smem:$0x7C0] =	sst s23  }
0x1f: {  	s25 =	sadd.s32 $0xE000, s2;
	[smem:$0x7C4] =	sst s24  }
0x20: {  	s26 =	sadd.s32 $0xE800, s2;
	[smem:$0x7C6] =	sst s25  }
0x21: {  	s1 =	sadd.s32 $0x10000, s2;
	[smem:$0x7C8] =	sst s26  }
0x22: {  	[smem:$0x7CE] =	sst s1;
	s1 =	sadd.s32 $0x10800, s2  }
0x23: {  	[smem:$0x7D0] =	sst s1;
	s1 =	smul.u32 $0x14A000, s4;
	s4 =	sadd.s32 $0x11000, s2  }
0x24: {  	[smem:$0x79F] =	sst s4;
	s4 =	sadd.s32 $0x11800, s2  }
0x25: {  	s29 =	sadd.s32 $0x4800, s2;
	[smem:$0x7D3] =	sst s4;
	s4 =	sadd.s32 $0x12000, s2  }
0x26: {  	s12 =	sadd.s32 $0x5000, s2;
	[smem:$0x7D5] =	sst s4;
	s4 =	sadd.s32 $0x12800, s2  }
0x27: {  	s20 =	sadd.s32 $0xB000, s2;
	[smem:$0x7A3] =	sst s4;
	s4 =	sadd.s32 $0x13000, s2  }
0x28: {  	[smem:$0x7D8] =	sst s4;
	s4 =	sadd.s32 s2, s1;
	s2 =	sadd.s32 $0x13800, s2  }
0x29: {  	s3 =	sadd.s32 s1, s3;
	[smem:$0x7DA] =	sst s2  }
0x2a: {  	s5 =	sadd.s32 s1, s5;
	s9 =	sadd.s32 s1, s9;
	s2 =	rddreg [dreg:$0x0]  }
0x2b: {  	s10 =	sadd.s32 s1, s10;
	s4 =	sshrl.u32 s4, $0x3;
	s0 =	sadd.s32 $0x63A00, s2  }
0x2c: {  	s11 =	sadd.s32 s1, s11;
	s2 =	sshrl.u32 s3, $0x3;
	s4 =	sadd.s32 s0, s4  }
0x2d: {  	s3 =	sshrl.u32 s5, $0x3;
	s2 =	sadd.s32 s0, s2;
	[dreg:$0x5] =	wrdreg s4  }
0x2e: {  	s5 =	sadd.s32 s0, s3;
	s3 =	sadd.s32 s1, s6;
	[dreg:$0x6] =	wrdreg s2  }
0x2f: {  	[dreg:$0x7] =	wrdreg s5;
	s2 =	sshrl.u32 s3, $0x3;
	s4 =	sadd.s32 s1, s7  }
0x30: {  	s5 =	sadd.s32 s1, s8;
	s2 =	sadd.s32 s0, s2;
	s6 =	sshrl.u32 s4, $0x3  }
0x31: {  	s7 =	sshrl.u32 s5, $0x3;
	[dreg:$0x8] =	wrdreg s2;
	s2 =	sadd.s32 s0, s6  }
0x32: {  	s5 =	sshrl.u32 s10, $0x3;
	s8 =	sadd.s32 s0, s7;
	[dreg:$0x9] =	wrdreg s2  }
0x33: {  	s10 =	smov.u32 s12;
	s6 =	sshrl.u32 s11, $0x3;
	[dreg:$0xa] =	wrdreg s8  }
0x34: {  	s2 =	sshrl.u32 s9, $0x3;
	s9 =	sadd.s32 s1, s12;
	s12 =	sld [smem:$0x795]  }
0x35: {  	s7 =	sadd.s32 s0, s6;
	s6 =	sadd.s32 s1, s13;
	s13 =	sld [smem:$0x796]  }
0x36: {  	s8 =	sadd.s32 s1, s29;
	s2 =	sadd.s32 s0, s2;
	[dreg:$0xd] =	wrdreg s7  }
0x37: {  	s3 =	sshrl.u32 s9, $0x3;
	[dreg:$0xb] =	wrdreg s2;
	s2 =	sadd.s32 s0, s5  }
0x38: {  	[dreg:$0xc] =	wrdreg s2;
	s2 =	sshrl.u32 s8, $0x3;
	s11 =	sadd.s32 s1, s12  }
0x39: {  	s7 =	sadd.s32 s1, s13;
	s8 =	sadd.s32 s1, s31;
	s31 =	sld [smem:$0x797]  }
0x3a: {  	s2 =	sadd.s32 s0, s2;
	s4 =	sshrl.u32 s11, $0x3;
	s9 =	sshrl.u32 s7, $0x3  }
0x3b: {  	s11 =	sshrl.u32 s8, $0x3;
	s7 =	sadd.s32 s1, s14;
	[dreg:$0xe] =	wrdreg s2  }
0x3c: {  	s2 =	sadd.s32 s0, s3;
	s5 =	sadd.s32 s0, s4;
	s4 =	sadd.s32 s0, s11  }
0x3d: {  	s11 =	sshrl.u32 s7, $0x3;
	s3 =	sadd.s32 s1, s15;
	[dreg:$0xf] =	wrdreg s2  }
0x3e: {  	s15 =	sadd.s32 s1, s18;
	[dreg:$0x10] =	wrdreg s5;
	s2 =	sshrl.u32 s6, $0x3  }
0x3f: {  	[dreg:$0x13] =	wrdreg s4;
	s5 =	sadd.s32 s1, s31;
	s14 =	sadd.s32 s0, s11  }
0x40: {  	s4 =	sadd.s32 s1, s16;
	s11 =	sadd.s32 s1, s19;
	s19 =	smov.u32 s20  }
0x41: {  	s2 =	sadd.s32 s0, s2;
	[dreg:$0x16] =	wrdreg s14;
	s14 =	sadd.s32 s1, s20  }
0x42: {  	s20 =	sadd.s32 s1, s21;
	s21 =	sadd.s32 s1, s23;
	[dreg:$0x11] =	wrdreg s2  }
0x43: {  	s23 =	sadd.s32 s1, s22;
	s2 =	sadd.s32 s0, s9;
	s9 =	sld [smem:$0x798]  }
0x44: {  	[dreg:$0x12] =	wrdreg s2;
	s2 =	sshrl.u32 s5, $0x3;
	s5 =	sadd.s32 s1, s17  }
0x45: {  	s17 =	sshrl.u32 s15, $0x3;
	s2 =	sadd.s32 s0, s2;
	s7 =	sshrl.u32 s5, $0x3  }
0x46: {  	s5 =	sshrl.u32 s21, $0x3;
	s21 =	sld [smem:$0x7CE];
	s6 =	sadd.s32 s1, s9  }
0x47: {  	s18 =	sadd.s32 s0, s17;
	[dreg:$0x14] =	wrdreg s2;
	s8 =	sshrl.u32 s6, $0x3  }
0x48: {  	[dreg:$0x1c] =	wrdreg s18;
	s6 =	sshrl.u32 s4, $0x3;
	s2 =	sadd.s32 s0, s8  }
0x49: {  	s8 =	sadd.s32 s0, s7;
	[dreg:$0x15] =	wrdreg s2;
	s2 =	sshrl.u32 s3, $0x3  }
0x4a: {  	s4 =	sadd.s32 s1, s21;
	[dreg:$0x19] =	wrdreg s8;
	s2 =	sadd.s32 s0, s2  }
0x4b: {  	s8 =	sadd.s32 s1, s24;
	[dreg:$0x17] =	wrdreg s2;
	s2 =	sadd.s32 s0, s6  }
0x4c: {  	s6 =	sshrl.u32 s23, $0x3;
	s23 =	sshrl.u32 s4, $0x3;
	[dreg:$0x18] =	wrdreg s2  }
0x4d: {  	s2 =	sshrl.u32 s11, $0x3;
	s11 =	sadd.s32 s1, s25;
	s25 =	sld [smem:$0x7D0]  }
0x4e: {  	s7 =	sadd.s32 s0, s6;
	s24 =	sadd.s32 s0, s23;
	s23 =	sld [smem:$0x7DA]  }
0x4f: {  	[dreg:$0x1f] =	wrdreg s7  }
0x50: {  	[smem:$0x79E] =	sst s24  }
0x51: {  	s2 =	sadd.s32 s0, s2;
	s7 =	sld [smem:$0x79F]  }
0x52: {  	s16 =	sshrl.u32 s14, $0x3;
	s14 =	sadd.s32 s1, s26;
	[dreg:$0x1a] =	wrdreg s2  }
0x53: {  	s2 =	sadd.s32 s0, s16;
	s16 =	sshrl.u32 s14, $0x3;
	s14 =	sld [smem:$0x7D5]  }
0x54: {  	[dreg:$0x1b] =	wrdreg s2;
	s17 =	sadd.s32 s0, s16  }
0x55: {  	s2 =	sshrl.u32 s20, $0x3;
	s20 =	sadd.s32 s1, s30;
	[smem:$0x79B] =	sst s17  }
0x56: {  	s22 =	sshrl.u32 s20, $0x3;
	s20 =	sld [smem:$0x7A3]  }
0x57: {  	s2 =	sadd.s32 s0, s2;
	s17 =	sld [smem:$0x7D8]  }
0x58: {  	s18 =	sadd.s32 s1, s28;
	[dreg:$0x1d] =	wrdreg s2;
	s2 =	sadd.s32 s0, s5  }
0x59: {  	s21 =	stileid.u32;
	[dreg:$0x1e] =	wrdreg s2;
	s2 =	sshrl.u32 s8, $0x3  }
0x5a: {  	s15 =	sshrl.u32 s11, $0x3;
	s5 =	sld [smem:$0x7D3];
	s2 =	sadd.s32 s0, s2  }
0x5b: {  	s26 =	sadd.s32 s1, s7;
	[smem:$0x799] =	sst s2;
	s2 =	sadd.s32 s0, s15  }
0x5c: {  	s6 =	sshrl.u32 s26, $0x3;
	[smem:$0x79A] =	sst s2;
	s2 =	sshrl.u32 s18, $0x3  }
0x5d: {  	s16 =	sadd.s32 s1, s20;
	s4 =	sadd.s32 s1, s5;
	s2 =	sadd.s32 s0, s2  }
0x5e: {  	s3 =	sshrl.u32 s16, $0x3;
	[smem:$0x79C] =	sst s2;
	s2 =	sadd.s32 s0, s22  }
0x5f: {  	s3 =	sadd.s32 s0, s3;
	[smem:$0x79D] =	sst s2;
	s2 =	sadd.s32 s1, s25  }
0x60: {  	s8 =	sshrl.u32 s4, $0x3;
	[smem:$0x7A5] =	sst s3;
	s2 =	sshrl.u32 s2, $0x3  }
0x61: {  	s18 =	sadd.s32 s1, s17;
	s3 =	rddreg [dreg:$0x3];
	s2 =	sadd.s32 s0, s2  }
0x62: {  	s11 =	sadd.s32 s0, s8;
	[smem:$0x7A0] =	sst s2;
	s2 =	sadd.s32 s0, s6  }
0x63: {  	s4 =	sshrl.u32 s18, $0x3;
	[smem:$0x7A1] =	sst s2;
	s2 =	sadd.s32 s1, s14  }
0x64: {  	[smem:$0x7A2] =	sst s11;
	s15 =	sshrl.u32 s2, $0x3;
	s2 =	smul.u32 $0x1400, s21  }
0x65: {  	s22 =	sadd.s32 s0, s4;
	s4 =	rddreg [dreg:$0x2]  }
0x66: {  	[smem:$0x7A6] =	sst s22;
	s2 =	sadd.s32 s1, s2;
	s1 =	sadd.s32 s1, s23  }
0x67: {  	s5 =	sadd.s32 s0, s15;
	s1 =	sshrl.u32 s1, $0x3;
	s24 =	sadd.s32 $0x140000, s2  }
0x68: {  	[smem:$0x7A4] =	sst s5;
	s1 =	sadd.s32 s0, s1;
	s25 =	sshrl.u32 s24, $0x3  }
0x69: {  	[smem:$0x7A7] =	sst s1;
	s1 =	sadd.s32 s0, s25  }
0x6a: {  	s7 =	sadd.s32 s7, s4;
	[smem:$0x7A8] =	sst s1  }
0x6b: {  	s20 =	sadd.s32 s20, s4;
	_ =	strace $0x80000047;
	[smem:$0x7D2] =	sst s7  }
0x6c: {  	s29 =	sadd.s32 s29, s4;
	[smem:$0x7D7] =	sst s20  }
0x6d: {  	s30 =	sadd.s32 s10, s4;
	[smem:$0x7F1] =	sst s29  }
0x6e: {  	s10 =	sadd.s32 s12, s4;
	[smem:$0x7F2] =	sst s30  }
0x6f: {  	s12 =	sadd.s32 s13, s4;
	[smem:$0x7F3] =	sst s10  }
0x70: {  	s19 =	sadd.s32 s19, s4;
	[smem:$0x7F5] =	sst s12  }
0x71: {  	[smem:$0x7FD] =	sst s19  }
0x72: {  	s15 =	rddreg [dreg:$0x0]  }
0x73: {  	s14 =	sld [smem:$0x7A9];
	s17 =	sadd.s32 $0xBA00, s15  }
0x74: {  	s18 =	sadd.s32 $0x1C00, s15;
	[smem:$0x7AA] =	sst s17  }
0x75: {  	[smem:$0x7AB] =	sst s18  }
0x76: {  	s17 =	sld [smem:$0x7B5]  }
0x77: {  	s18 =	sld [smem:$0x7B6]  }
0x78: {  	s26 =	sshrl.u32 s2, $0x3;
	s2 =	stileid.u32;
	s21 =	sld [smem:$0x7AC]  }
0x79: {  	s11 =	smul.u32 $0x50000, s2;
	s22 =	sld [smem:$0x7AD]  }
0x7a: {  	s13 =	sadd.s32 s17, s4;
	s17 =	sadd.s32 s18, s4;
	s18 =	sld [smem:$0x7B8]  }
0x7b: {  	s23 =	sld [smem:$0x7AE];
	s1 =	sshll.u32 s14, $0x4  }
0x7c: {  	s24 =	sld [smem:$0x7AF];
	s1 =	sor.u32 s2, s1;
	s2 =	sshrl.u32 s11, $0x2  }
0x7d: {  	s25 =	sld [smem:$0x7B0];
	s5 =	sadd.s32 s2, s4;
	s2 =	sadd.s32 s18, s4  }
0x7e: {  	[smem:$0x7B9] =	sst s2  }
0x7f: {  	s2 =	sld [smem:$0x7BC]  }
0x80: {  	s0 =	sadd.s32 s0, s26;
	s26 =	sld [smem:$0x7B1]  }
0x81: {  	s7 =	sld [smem:$0x7D3]  }
0x82: {  	s20 =	sld [smem:$0x7D8];
	s2 =	sadd.s32 s2, s4  }
0x83: {  	[smem:$0x7BD] =	sst s2  }
0x84: {  	s2 =	sld [smem:$0x7BE]  }
0x85: {  	s16 =	sadd.s32 $0x15800, s15;
	s15 =	sld [smem:$0x7B4]  }
0x86: {  	s14 =	sld [smem:$0x7B3]  }
0x87: {  	s11 =	sld [smem:$0x7B2];
	s2 =	sadd.s32 s2, s4  }
0x88: {  	[smem:$0x7BF] =	sst s2  }
0x89: {  	s7 =	sadd.s32 s7, s4;
	s2 =	sld [smem:$0x7C0]  }
0x8a: {  	[smem:$0x7D4] =	sst s7  }
0x8b: {  	s6 =	sadd.s32 s21, s4;
	s7 =	sld [smem:$0x7D5]  }
0x8c: {  	[smem:$0x7E9] =	sst s6;
	s2 =	sadd.s32 s2, s4  }
0x8d: {  	[smem:$0x7C1] =	sst s2  }
0x8e: {  	s21 =	sadd.s32 s22, s4;
	s2 =	sld [smem:$0x7C2]  }
0x8f: {  	s22 =	sadd.s32 s23, s4;
	[smem:$0x7EA] =	sst s21  }
0x90: {  	s23 =	sadd.s32 s24, s4;
	[smem:$0x7EB] =	sst s22  }
0x91: {  	[smem:$0x7EC] =	sst s23;
	s2 =	sadd.s32 s2, s4  }
0x92: {  	[smem:$0x7C3] =	sst s2  }
0x93: {  	s24 =	sadd.s32 s25, s4;
	s2 =	sld [smem:$0x7C4]  }
0x94: {  	s25 =	sadd.s32 s26, s4;
	[smem:$0x7ED] =	sst s24  }
0x95: {  	[smem:$0x7EE] =	sst s25  }
0x96: {  	[smem:$0x7E8] =	sst s5;
	s2 =	sadd.s32 s2, s4  }
0x97: {  	[smem:$0x7C5] =	sst s2  }
0x98: {  	s2 =	sld [smem:$0x7C6]  }
0x99: {  	[smem:$0x7F6] =	sst s13  }
0x9a: {  	[smem:$0x7F9] =	sst s17;
	s26 =	sadd.s32 s11, s4;
	s11 =	sadd.s32 s15, s4  }
0x9b: {  	s15 =	sadd.s32 s9, s4;
	s9 =	sld [smem:$0x7B7];
	s2 =	sadd.s32 s2, s4  }
0x9c: {  	s1 =	smul.u32 $0x2710, s1;
	[smem:$0x7C7] =	sst s2  }
0x9d: {  	s2 =	sld [smem:$0x7C8]  }
0x9e: {  	s28 =	sadd.s32 s14, s4;
	[smem:$0x7DC] =	sst s1  }
0x9f: {  	s14 =	sadd.s32 s31, s4;
	[smem:$0x7F0] =	sst s28  }
0xa0: {  	[smem:$0x7F7] =	sst s14;
	s2 =	sadd.s32 s2, s4  }
0xa1: {  	[smem:$0x7C9] =	sst s2  }
0xa2: {  	s2 =	sld [smem:$0x7CA]  }
0xa3: {  	s7 =	sadd.s32 s7, s4;
	s18 =	sld [smem:$0x7BB]  }
0xa4: {  	[smem:$0x7D6] =	sst s7  }
0xa5: {  	s7 =	sadd.s32 s20, s4;
	s20 =	sld [smem:$0x7DA];
	s2 =	sadd.s32 s2, s4  }
0xa6: {  	[smem:$0x7CB] =	sst s2  }
0xa7: {  	s2 =	sld [smem:$0x7CC]  }
0xa8: {  	[smem:$0x7EF] =	sst s26  }
0xa9: {  	[smem:$0x7F4] =	sst s11  }
0xaa: {  	v0 =	vlaneseq.u32;
	[smem:$0x7F8] =	sst s15;
	s2 =	sadd.s32 s2, s4  }
0xab: {  	v3 =	vshrl.u32 v0, $0x3;
	[smem:$0x7CD] =	sst s2  }
0xac: {  	v4 =	vand.u32 $0x7, v0;
	v3 =	vmul.u32 $0x8, v3;
	s2 =	sld [smem:$0x7CE]  }
0xad: {  	v1 =	vmul.u32 $0x11, v0;
	[tilespmem:$0x1FEB0] =	vst v4;
	[smem:$0x7D9] =	sst s7  }
0xae: {  	[tilespmem:$0x1FEC0] =	vst v3;
	v3 =	vor.u32 $0x8, v0;
	s7 =	sadd.s32 $0x28100, s0;
	s31 =	sadd.s32 s9, s4;
	s9 =	sld [smem:$0x7BA]  }
0xaf: {  	[tilespmem:$0x1FED0] =	vst v3;
	v3 =	vadd.s32 $0x1, v1;
	[smem:$0x7DE] =	sst s7;
	s2 =	sadd.s32 s2, s4  }
0xb0: {  	[tilespmem:$0x1FEE0] =	vst v3;
	v3 =	vadd.s32 $0x2, v1;
	[smem:$0x7CF] =	sst s2  }
0xb1: {  	[tilespmem:$0x1FEF0] =	vst v3;
	v3 =	vadd.s32 $0x3, v1;
	s2 =	sld [smem:$0x7D0]  }
0xb2: {  	[tilespmem:$0x1FF00] =	vst v3;
	v3 =	vadd.s32 $0x4, v1;
	s18 =	sadd.s32 s18, s4;
	[smem:$0x7FA] =	sst s31  }
0xb3: {  	v2 =	vimm.f32 $0.0e+00;
	[tilespmem:$0x1FF10] =	vst v3;
	v3 =	vadd.s32 $0x5, v1;
	[smem:$0x7FC] =	sst s18;
	s9 =	sadd.s32 s9, s4  }
0xb4: {  	v24 =	vadd.s32 $0x113, v1;
	v25 =	vadd.s32 $0x114, v1;
	[tilespmem:$0x1FF20] =	vst v3;
	v3 =	vadd.s32 $0x6, v1;
	[smem:$0x7FB] =	sst s9;
	s2 =	sadd.s32 s2, s4  }
0xb5: {  	v26 =	vadd.s32 $0x115, v1;
	v27 =	vadd.s32 $0x116, v1;
	[tilespmem:$0x1FF30] =	vst v3;
	v3 =	vadd.s32 $0x7, v1;
	s4 =	sadd.s32 s20, s4;
	[smem:$0x7D1] =	sst s2  }
0xb6: {  	v28 =	vadd.s32 $0x117, v1;
	v29 =	vadd.s32 $0x118, v1;
	s8 =	stileid.u32;
	[tilespmem:$0x1FF40] =	vst v3;
	v3 =	vadd.s32 $0x8, v1;
	s20 =	sadd.s32 $0x28180, s0;
	[smem:$0x7DB] =	sst s4  }
0xb7: {  	vm0 =	vmmov $0xffff;
	v30 =	vadd.s32 $0x119, v1;
	[tilespmem:$0x1FF50] =	vst v3;
	v3 =	vadd.s32 $0x9, v1;
	s2 =	smul.u32 $0x5000, s8;
	s4 =	sadd.s32 $0x28080, s0;
	[smem:$0x7DF] =	sst s20  }
0xb8: {  	v31 =	vadd.s32 $0x11A, v1;
	v32 =	vadd.s32 $0x11B, v1;
	[tilespmem:$0x1FF60] =	vst v3;
	v3 =	vadd.s32 $0xA, v1;
	s0 =	sadd.s32 $0x28200, s0;
	[smem:$0x7DD] =	sst s4  }
0xb9: {  	v33 =	vadd.s32 $0x11C, v1;
	v34 =	vadd.s32 $0x11D, v1;
	[tilespmem:$0x1FF70] =	vst v3;
	v3 =	vadd.s32 $0xB, v1;
	[smem:$0x7E0] =	sst s0;
	s2 =	sshrl.u32 s2, $0x2  }
0xba: {  	v35 =	vadd.s32 $0x11E, v1;
	v36 =	vadd.s32 $0x11F, v1;
	[tilespmem:$0x1FF80] =	vst v3;
	v3 =	vadd.s32 $0xC, v1;
	s2 =	sadd.s32 s2, s3;
	s3 =	sld [smem:$0x7E1]  }
0xbb: {  	v37 =	vadd.s32 $0x220, v1;
	v38 =	vadd.s32 $0x221, v1;
	[tilespmem:$0x1FF90] =	vst v3;
	v3 =	vadd.s32 $0xD, v1;
	s4 =	sadd.s32 $0x400, s2;
	[smem:$0x7E6] =	sst s2  }
0xbc: {  	v39 =	vadd.s32 $0x222, v1;
	v40 =	vadd.s32 $0x223, v1;
	[tilespmem:$0x1FFA0] =	vst v3;
	v3 =	vadd.s32 $0xE, v1;
	s7 =	sadd.s32 $0x800, s2;
	[smem:$0x7E3] =	sst s4  }
0xbd: {  	v41 =	vadd.s32 $0x224, v1;
	v42 =	vadd.s32 $0x225, v1;
	p0 =	sgt.u32 s8, $0x7;
	[tilespmem:$0x1FFB0] =	vst v3;
	v3 =	vadd.s32 $0xF, v1;
	s8 =	sadd.s32 $0xC00, s2;
	[smem:$0x7E4] =	sst s7  }
0xbe: {  	v43 =	vadd.s32 $0x226, v1;
	v44 =	vadd.s32 $0x227, v1;
	[tilespmem:$0x1FFC0] =	vst v3;
	v3 =	vadd.s32 $0x110, v1;
	s20 =	sadd.s32 $0x1000, s2;
	[smem:$0x7E5] =	sst s8  }
0xbf: {  	v45 =	vadd.s32 $0x228, v1;
	v46 =	vadd.s32 $0x229, v1;
	[tilespmem:$0x1FFD0] =	vst v3;
	v3 =	vadd.s32 $0x111, v1;
	s2 =	simm.s32 $0x0;
	[smem:$0x7E7] =	sst s20;
	s20 =	simm.s32 $0xA080  }
0xc0: {  	v47 =	vadd.s32 $0x22A, v1;
	v48 =	vadd.s32 $0x22B, v1;
	[tilespmem:$0x1FFE0] =	vst v3;
	v3 =	vadd.s32 $0x112, v1;
	s4 =	simm.s32 $0xA100;
	s7 =	simm.s32 $0xA180;
	s0 =	smax.u32 s3, $0x1  }
0xc1: {  	v49 =	vadd.s32 $0x22C, v1;
	v50 =	vadd.s32 $0x22D, v1;
	v51 =	vadd.s32 $0x22E, v1;
	[tilespmem:$0x1FFF0] =	vst v3;
	s8 =	simm.s32 $0x7800;
	s3 =	simm.s32 $0x1;
	[smem:$0x7E2] =	sst s0  }
.LBB2_1:
0xc2: {  	s0 =	simm.s32 $0x0;
	s1 =	simm.s32 $0x200  }
.LBB2_2:
0xc3: {  	p1 =	sne.s32 s1, $0x1E00;
	[tilespmem:s0+$0xA670] =	vst v2  }
0xc4: {  	[tilespmem:s0+$0xA600] =	vst v2  }
0xc5: {  	[tilespmem:s0+$0xA610] =	vst v2  }
.Ltmp0:
0xc6: {  	[tilespmem:s0+$0xA620] =	vst v2;
	(pc) =	sbr.rel @p1 .LBB2_2-.Ltmp0, $4  }
0xc7: {  	[tilespmem:s0+$0xA630] =	vst v2  }
0xc8: {  	[tilespmem:s0+$0xA640] =	vst v2  }
0xc9: {  	[tilespmem:s0+$0xA650] =	vst v2  }
0xca: {  	[tilespmem:s0+$0xA660] =	vst v2;
	s0 =	sshra.s32 s1, $0x2;
	s1 =	sadd.s32 $0x200, s1  }
0xcb: {  	[tilespmem:s0+$0xA670] =	vst v2  }
0xcc: {  	[tilespmem:s0+$0xA600] =	vst v2  }
0xcd: {  	[tilespmem:s0+$0xA610] =	vst v2  }
0xce: {  	[tilespmem:s0+$0xA620] =	vst v2  }
0xcf: {  	[tilespmem:s0+$0xA630] =	vst v2  }
0xd0: {  	[tilespmem:s0+$0xA640] =	vst v2  }
0xd1: {  	[tilespmem:s0+$0xA650] =	vst v2  }
0xd2: {  	[tilespmem:s0+$0xA660] =	vst v2  }
0xd3: {  	[tilespmem:$0xAE00] =	vst v2  }
0xd4: {  	[tilespmem:$0xAE10] =	vst v2  }
0xd5: {  	[tilespmem:$0xAE20] =	vst v2  }
0xd6: {  	[tilespmem:$0xAE30] =	vst v2  }
0xd7: {  	[tilespmem:$0xAE40] =	vst v2  }
0xd8: {  	[tilespmem:$0xAE50] =	vst v2  }
0xd9: {  	[tilespmem:$0xAE60] =	vst v2  }
0xda: {  	[tilespmem:$0xAE70] =	vst v2  }
0xdb: {  	[tilespmem:$0xAE80] =	vst v2  }
0xdc: {  	[tilespmem:$0xAE90] =	vst v2  }
0xdd: {  	[tilespmem:$0xAEA0] =	vst v2  }
0xde: {  	[tilespmem:$0xAEB0] =	vst v2  }
0xdf: {  	[tilespmem:$0xAEC0] =	vst v2  }
0xe0: {  	[tilespmem:$0xAED0] =	vst v2  }
0xe1: {  	[tilespmem:$0xAEE0] =	vst v2  }
0xe2: {  	[tilespmem:$0xAEF0] =	vst v2  }
0xe3: {  	[tilespmem:$0xAF00] =	vst v2  }
0xe4: {  	[tilespmem:$0xAF10] =	vst v2  }
0xe5: {  	[tilespmem:$0xAF20] =	vst v2  }
0xe6: {  	[tilespmem:$0xAF30] =	vst v2  }
0xe7: {  	[tilespmem:$0xAF40] =	vst v2  }
0xe8: {  	[tilespmem:$0xAF50] =	vst v2  }
0xe9: {  	[tilespmem:$0xAF60] =	vst v2  }
0xea: {  	[tilespmem:$0xAF70] =	vst v2  }
0xeb: {  	[tilespmem:$0xAF80] =	vst v2  }
0xec: {  	[tilespmem:$0xAF90] =	vst v2  }
0xed: {  	[tilespmem:$0xAFA0] =	vst v2  }
0xee: {  	[tilespmem:$0xAFB0] =	vst v2  }
0xef: {  	[tilespmem:$0xAFC0] =	vst v2  }
0xf0: {  	[tilespmem:$0xAFD0] =	vst v2  }
0xf1: {  	[tilespmem:$0xAFE0] =	vst v2  }
0xf2: {  	[tilespmem:$0xAFF0] =	vst v2  }
0xf3: {  	[tilespmem:$0xB000] =	vst v2  }
0xf4: {  	[tilespmem:$0xB010] =	vst v2  }
0xf5: {  	[tilespmem:$0xB020] =	vst v2  }
0xf6: {  	[tilespmem:$0xB030] =	vst v2  }
0xf7: {  	[tilespmem:$0xB040] =	vst v2  }
0xf8: {  	[tilespmem:$0xB050] =	vst v2  }
0xf9: {  	[tilespmem:$0xB060] =	vst v2  }
0xfa: {  	[tilespmem:$0xB070] =	vst v2  }
0xfb: {  	[tilespmem:$0xB080] =	vst v2  }
0xfc: {  	[tilespmem:$0xB090] =	vst v2  }
0xfd: {  	[tilespmem:$0xB0A0] =	vst v2  }
0xfe: {  	[tilespmem:$0xB0B0] =	vst v2  }
0xff: {  	[tilespmem:$0xB0C0] =	vst v2  }
0x100: {  	[tilespmem:$0xB0D0] =	vst v2  }
0x101: {  	[tilespmem:$0xB0E0] =	vst v2  }
0x102: {  	[tilespmem:$0xB0F0] =	vst v2  }
0x103: {  	[tilespmem:$0xB100] =	vst v2  }
0x104: {  	[tilespmem:$0xB110] =	vst v2  }
0x105: {  	[tilespmem:$0xB120] =	vst v2  }
0x106: {  	[tilespmem:$0xB130] =	vst v2  }
0x107: {  	[tilespmem:$0xB140] =	vst v2  }
0x108: {  	[tilespmem:$0xB150] =	vst v2  }
0x109: {  	[tilespmem:$0xB160] =	vst v2  }
0x10a: {  	[tilespmem:$0xB170] =	vst v2  }
0x10b: {  	[tilespmem:$0xB180] =	vst v2  }
0x10c: {  	[tilespmem:$0xB190] =	vst v2  }
0x10d: {  	[tilespmem:$0xB1A0] =	vst v2  }
0x10e: {  	[tilespmem:$0xB1B0] =	vst v2  }
0x10f: {  	[tilespmem:$0xB1C0] =	vst v2  }
0x110: {  	[tilespmem:$0xB1D0] =	vst v2  }
0x111: {  	[tilespmem:$0xB1E0] =	vst v2  }
0x112: {  	[smem:$0x794] =	sst s2;
	s0 =	simm.s32 $0x0;
	s1 =	simm.s32 $0x200;
	[tilespmem:$0xB1F0] =	vst v2  }
.LBB2_4:
0x113: {  	p1 =	sne.s32 s1, $0x9E00;
	[tilespmem:s0+$0x7870] =	vst v2  }
0x114: {  	[tilespmem:s0+$0x7800] =	vst v2  }
0x115: {  	[tilespmem:s0+$0x7810] =	vst v2  }
.Ltmp1:
0x116: {  	[tilespmem:s0+$0x7820] =	vst v2;
	(pc) =	sbr.rel @p1 .LBB2_4-.Ltmp1, $4  }
0x117: {  	[tilespmem:s0+$0x7830] =	vst v2  }
0x118: {  	[tilespmem:s0+$0x7840] =	vst v2  }
0x119: {  	[tilespmem:s0+$0x7850] =	vst v2  }
0x11a: {  	[tilespmem:s0+$0x7860] =	vst v2;
	s0 =	sshra.s32 s1, $0x2;
	s1 =	sadd.s32 $0x200, s1  }
0x11b: {  	[tilespmem:s0+$0x7870] =	vst v2  }
0x11c: {  	[tilespmem:s0+$0x7800] =	vst v2  }
0x11d: {  	[tilespmem:s0+$0x7810] =	vst v2  }
0x11e: {  	[tilespmem:s0+$0x7820] =	vst v2  }
0x11f: {  	[tilespmem:s0+$0x7830] =	vst v2  }
0x120: {  	[tilespmem:s0+$0x7840] =	vst v2  }
0x121: {  	[tilespmem:s0+$0x7850] =	vst v2  }
0x122: {  	[tilespmem:s0+$0x7860] =	vst v2;
	s1 =	simm.s32 $0xA600;
	s2 =	simm.s32 $0x3  }
0x123: {  	[spmem:s5] =	stream.linear.scatter [tilespmem:s1], [sflag:$0x3], $0x800, $0x38;
	[tilespmem:$0x1FC00] =	vst v63  }
0x124: {  	_ =	swait.ge [sflag:s2], $0x800  }
0x125: {  	[sflag:s2] =	ssyncset.done $0x0  }
0x126: {  	[sflag:s2] =	ssyncadd.s32 $0xFFFFF800  }
0x127: {  	[spmem:s6] =	stream.linear.scatter [tilespmem:s1], [sflag:$0x3], $0x800, $0x38;
	[tilespmem:$0x1FC00] =	vst v63  }
0x128: {  	_ =	swait.ge [sflag:s2], $0x800  }
0x129: {  	[sflag:s2] =	ssyncset.done $0x0  }
0x12a: {  	[sflag:s2] =	ssyncadd.s32 $0xFFFFF800  }
0x12b: {  	[spmem:s21] =	stream.linear.scatter [tilespmem:s1], [sflag:$0x3], $0x800, $0x38;
	[tilespmem:$0x1FC00] =	vst v63  }
0x12c: {  	_ =	swait.ge [sflag:s2], $0x800  }
0x12d: {  	[sflag:s2] =	ssyncset.done $0x0  }
0x12e: {  	[sflag:s2] =	ssyncadd.s32 $0xFFFFF800  }
0x12f: {  	[spmem:s22] =	stream.linear.scatter [tilespmem:s1], [sflag:$0x3], $0x800, $0x38;
	[tilespmem:$0x1FC00] =	vst v63  }
0x130: {  	_ =	swait.ge [sflag:s2], $0x800  }
0x131: {  	[sflag:s2] =	ssyncset.done $0x0  }
0x132: {  	[sflag:s2] =	ssyncadd.s32 $0xFFFFF800  }
0x133: {  	[spmem:s23] =	stream.linear.scatter [tilespmem:s1], [sflag:$0x3], $0x800, $0x38;
	[tilespmem:$0x1FC00] =	vst v63  }
0x134: {  	_ =	swait.ge [sflag:s2], $0x800  }
0x135: {  	[sflag:s2] =	ssyncset.done $0x0  }
0x136: {  	[sflag:s2] =	ssyncadd.s32 $0xFFFFF800  }
0x137: {  	[spmem:s24] =	stream.linear.scatter [tilespmem:s1], [sflag:$0x3], $0x800, $0x38;
	[tilespmem:$0x1FC00] =	vst v63  }
0x138: {  	_ =	swait.ge [sflag:s2], $0x800  }
0x139: {  	[sflag:s2] =	ssyncset.done $0x0  }
0x13a: {  	[sflag:s2] =	ssyncadd.s32 $0xFFFFF800  }
0x13b: {  	[spmem:s25] =	stream.linear.scatter [tilespmem:s1], [sflag:$0x3], $0x800, $0x38;
	[tilespmem:$0x1FC00] =	vst v63  }
0x13c: {  	_ =	swait.ge [sflag:s2], $0x800  }
0x13d: {  	[sflag:s2] =	ssyncset.done $0x0  }
0x13e: {  	[sflag:s2] =	ssyncadd.s32 $0xFFFFF800  }
0x13f: {  	[spmem:s26] =	stream.linear.scatter [tilespmem:s1], [sflag:$0x3], $0x800, $0x38;
	[tilespmem:$0x1FC00] =	vst v63  }
0x140: {  	_ =	swait.ge [sflag:s2], $0x800  }
0x141: {  	[sflag:s2] =	ssyncset.done $0x0  }
0x142: {  	[sflag:s2] =	ssyncadd.s32 $0xFFFFF800  }
0x143: {  	[spmem:s28] =	stream.linear.scatter [tilespmem:s1], [sflag:$0x3], $0x800, $0x38;
	[tilespmem:$0x1FC00] =	vst v63  }
0x144: {  	_ =	swait.ge [sflag:s2], $0x800  }
0x145: {  	[sflag:s2] =	ssyncset.done $0x0  }
0x146: {  	[sflag:s2] =	ssyncadd.s32 $0xFFFFF800  }
0x147: {  	[spmem:s29] =	stream.linear.scatter [tilespmem:s1], [sflag:$0x3], $0x800, $0x38;
	[tilespmem:$0x1FC00] =	vst v63  }
0x148: {  	_ =	swait.ge [sflag:s2], $0x800  }
0x149: {  	[sflag:s2] =	ssyncset.done $0x0  }
0x14a: {  	[sflag:s2] =	ssyncadd.s32 $0xFFFFF800  }
0x14b: {  	[spmem:s30] =	stream.linear.scatter [tilespmem:s1], [sflag:$0x3], $0x800, $0x38;
	[tilespmem:$0x1FC00] =	vst v63  }
0x14c: {  	_ =	swait.ge [sflag:s2], $0x800  }
0x14d: {  	[sflag:s2] =	ssyncset.done $0x0  }
0x14e: {  	[sflag:s2] =	ssyncadd.s32 $0xFFFFF800  }
0x14f: {  	[spmem:s10] =	stream.linear.scatter [tilespmem:s1], [sflag:$0x3], $0x800, $0x38;
	[tilespmem:$0x1FC00] =	vst v63  }
0x150: {  	_ =	swait.ge [sflag:s2], $0x800  }
0x151: {  	[sflag:s2] =	ssyncset.done $0x0  }
0x152: {  	[sflag:s2] =	ssyncadd.s32 $0xFFFFF800  }
0x153: {  	[spmem:s11] =	stream.linear.scatter [tilespmem:s1], [sflag:$0x3], $0x800, $0x38;
	[tilespmem:$0x1FC00] =	vst v63  }
0x154: {  	_ =	swait.ge [sflag:s2], $0x800  }
0x155: {  	[sflag:s2] =	ssyncset.done $0x0  }
0x156: {  	[sflag:s2] =	ssyncadd.s32 $0xFFFFF800  }
0x157: {  	[spmem:s12] =	stream.linear.scatter [tilespmem:s1], [sflag:$0x3], $0x800, $0x38;
	[tilespmem:$0x1FC00] =	vst v63  }
0x158: {  	_ =	swait.ge [sflag:s2], $0x800  }
0x159: {  	[sflag:s2] =	ssyncset.done $0x0  }
0x15a: {  	[sflag:s2] =	ssyncadd.s32 $0xFFFFF800  }
0x15b: {  	[spmem:s13] =	stream.linear.scatter [tilespmem:s1], [sflag:$0x3], $0x800, $0x38;
	[tilespmem:$0x1FC00] =	vst v63  }
0x15c: {  	_ =	swait.ge [sflag:s2], $0x800  }
0x15d: {  	[sflag:s2] =	ssyncset.done $0x0  }
0x15e: {  	[sflag:s2] =	ssyncadd.s32 $0xFFFFF800  }
0x15f: {  	[spmem:s14] =	stream.linear.scatter [tilespmem:s1], [sflag:$0x3], $0x800, $0x38;
	[tilespmem:$0x1FC00] =	vst v63  }
0x160: {  	_ =	swait.ge [sflag:s2], $0x800  }
0x161: {  	[sflag:s2] =	ssyncset.done $0x0  }
0x162: {  	[sflag:s2] =	ssyncadd.s32 $0xFFFFF800  }
0x163: {  	[spmem:s15] =	stream.linear.scatter [tilespmem:s1], [sflag:$0x3], $0x800, $0x38;
	[tilespmem:$0x1FC00] =	vst v63  }
0x164: {  	_ =	swait.ge [sflag:s2], $0x800  }
0x165: {  	[sflag:s2] =	ssyncset.done $0x0  }
0x166: {  	[sflag:s2] =	ssyncadd.s32 $0xFFFFF800  }
0x167: {  	[spmem:s17] =	stream.linear.scatter [tilespmem:s1], [sflag:$0x3], $0x800, $0x38;
	[tilespmem:$0x1FC00] =	vst v63  }
0x168: {  	_ =	swait.ge [sflag:s2], $0x800  }
0x169: {  	[sflag:s2] =	ssyncset.done $0x0  }
0x16a: {  	[sflag:s2] =	ssyncadd.s32 $0xFFFFF800  }
0x16b: {  	[spmem:s31] =	stream.linear.scatter [tilespmem:s1], [sflag:$0x3], $0x800, $0x38;
	[tilespmem:$0x1FC00] =	vst v63  }
0x16c: {  	_ =	swait.ge [sflag:s2], $0x800  }
0x16d: {  	s11 =	sld [smem:$0x7B9]  }
0x16e: {  	[sflag:s2] =	ssyncset.done $0x0  }
0x16f: {  	[sflag:s2] =	ssyncadd.s32 $0xFFFFF800  }
0x170: {  	[spmem:s11] =	stream.linear.scatter [tilespmem:s1], [sflag:$0x3], $0x800, $0x38;
	[tilespmem:$0x1FC00] =	vst v63  }
0x171: {  	_ =	swait.ge [sflag:s2], $0x800  }
0x172: {  	[sflag:s2] =	ssyncset.done $0x0  }
0x173: {  	[sflag:s2] =	ssyncadd.s32 $0xFFFFF800  }
0x174: {  	[spmem:s9] =	stream.linear.scatter [tilespmem:s1], [sflag:$0x3], $0x800, $0x38;
	[tilespmem:$0x1FC00] =	vst v63  }
0x175: {  	_ =	swait.ge [sflag:s2], $0x800  }
0x176: {  	[sflag:s2] =	ssyncset.done $0x0  }
0x177: {  	[sflag:s2] =	ssyncadd.s32 $0xFFFFF800  }
0x178: {  	[spmem:s18] =	stream.linear.scatter [tilespmem:s1], [sflag:$0x3], $0x800, $0x38;
	[tilespmem:$0x1FC00] =	vst v63  }
0x179: {  	_ =	swait.ge [sflag:s2], $0x800  }
0x17a: {  	[sflag:s2] =	ssyncset.done $0x0  }
0x17b: {  	[sflag:s2] =	ssyncadd.s32 $0xFFFFF800  }
0x17c: {  	[spmem:s19] =	stream.linear.scatter [tilespmem:s1], [sflag:$0x3], $0x800, $0x38;
	[tilespmem:$0x1FC00] =	vst v63  }
0x17d: {  	_ =	swait.ge [sflag:s2], $0x800  }
0x17e: {  	s12 =	sld [smem:$0x7BD]  }
0x17f: {  	[sflag:s2] =	ssyncset.done $0x0  }
0x180: {  	[sflag:s2] =	ssyncadd.s32 $0xFFFFF800  }
0x181: {  	[spmem:s12] =	stream.linear.scatter [tilespmem:s1], [sflag:$0x3], $0x800, $0x38;
	[tilespmem:$0x1FC00] =	vst v63  }
0x182: {  	_ =	swait.ge [sflag:s2], $0x800  }
0x183: {  	s13 =	sld [smem:$0x7BF]  }
0x184: {  	[sflag:s2] =	ssyncset.done $0x0  }
0x185: {  	[sflag:s2] =	ssyncadd.s32 $0xFFFFF800  }
0x186: {  	[spmem:s13] =	stream.linear.scatter [tilespmem:s1], [sflag:$0x3], $0x800, $0x38;
	[tilespmem:$0x1FC00] =	vst v63  }
0x187: {  	_ =	swait.ge [sflag:s2], $0x800  }
0x188: {  	s14 =	sld [smem:$0x7C1]  }
0x189: {  	[sflag:s2] =	ssyncset.done $0x0  }
0x18a: {  	[sflag:s2] =	ssyncadd.s32 $0xFFFFF800  }
0x18b: {  	[spmem:s14] =	stream.linear.scatter [tilespmem:s1], [sflag:$0x3], $0x800, $0x38;
	[tilespmem:$0x1FC00] =	vst v63  }
0x18c: {  	_ =	swait.ge [sflag:s2], $0x800  }
0x18d: {  	s15 =	sld [smem:$0x7C3]  }
0x18e: {  	[sflag:s2] =	ssyncset.done $0x0  }
0x18f: {  	[sflag:s2] =	ssyncadd.s32 $0xFFFFF800  }
0x190: {  	[spmem:s15] =	stream.linear.scatter [tilespmem:s1], [sflag:$0x3], $0x800, $0x38;
	[tilespmem:$0x1FC00] =	vst v63  }
0x191: {  	_ =	swait.ge [sflag:s2], $0x800  }
0x192: {  	s17 =	sld [smem:$0x7C5]  }
0x193: {  	[sflag:s2] =	ssyncset.done $0x0  }
0x194: {  	[sflag:s2] =	ssyncadd.s32 $0xFFFFF800  }
0x195: {  	[spmem:s17] =	stream.linear.scatter [tilespmem:s1], [sflag:$0x3], $0x800, $0x38;
	[tilespmem:$0x1FC00] =	vst v63  }
0x196: {  	_ =	swait.ge [sflag:s2], $0x800  }
0x197: {  	s18 =	sld [smem:$0x7C7]  }
0x198: {  	[sflag:s2] =	ssyncset.done $0x0  }
0x199: {  	[sflag:s2] =	ssyncadd.s32 $0xFFFFF800  }
0x19a: {  	[spmem:s18] =	stream.linear.scatter [tilespmem:s1], [sflag:$0x3], $0x800, $0x38;
	[tilespmem:$0x1FC00] =	vst v63  }
0x19b: {  	_ =	swait.ge [sflag:s2], $0x800  }
0x19c: {  	s19 =	sld [smem:$0x7C9]  }
0x19d: {  	[sflag:s2] =	ssyncset.done $0x0  }
0x19e: {  	[sflag:s2] =	ssyncadd.s32 $0xFFFFF800  }
0x19f: {  	[spmem:s19] =	stream.linear.scatter [tilespmem:s1], [sflag:$0x3], $0x800, $0x38;
	[tilespmem:$0x1FC00] =	vst v63  }
0x1a0: {  	_ =	swait.ge [sflag:s2], $0x800  }
0x1a1: {  	s21 =	sld [smem:$0x7CB]  }
0x1a2: {  	[sflag:s2] =	ssyncset.done $0x0  }
0x1a3: {  	[sflag:s2] =	ssyncadd.s32 $0xFFFFF800  }
0x1a4: {  	[spmem:s21] =	stream.linear.scatter [tilespmem:s1], [sflag:$0x3], $0x800, $0x38;
	[tilespmem:$0x1FC00] =	vst v63  }
0x1a5: {  	_ =	swait.ge [sflag:s2], $0x800  }
0x1a6: {  	s22 =	sld [smem:$0x7CD]  }
0x1a7: {  	[sflag:s2] =	ssyncset.done $0x0  }
0x1a8: {  	[sflag:s2] =	ssyncadd.s32 $0xFFFFF800  }
0x1a9: {  	[spmem:s22] =	stream.linear.scatter [tilespmem:s1], [sflag:$0x3], $0x800, $0x38;
	[tilespmem:$0x1FC00] =	vst v63  }
0x1aa: {  	_ =	swait.ge [sflag:s2], $0x800  }
0x1ab: {  	s23 =	sld [smem:$0x7CF]  }
0x1ac: {  	[sflag:s2] =	ssyncset.done $0x0  }
0x1ad: {  	[sflag:s2] =	ssyncadd.s32 $0xFFFFF800  }
0x1ae: {  	[spmem:s23] =	stream.linear.scatter [tilespmem:s1], [sflag:$0x3], $0x800, $0x38;
	[tilespmem:$0x1FC00] =	vst v63  }
0x1af: {  	_ =	swait.ge [sflag:s2], $0x800  }
0x1b0: {  	s24 =	sld [smem:$0x7D1]  }
0x1b1: {  	[sflag:s2] =	ssyncset.done $0x0  }
0x1b2: {  	[sflag:s2] =	ssyncadd.s32 $0xFFFFF800  }
0x1b3: {  	[spmem:s24] =	stream.linear.scatter [tilespmem:s1], [sflag:$0x3], $0x800, $0x38;
	[tilespmem:$0x1FC00] =	vst v63  }
0x1b4: {  	_ =	swait.ge [sflag:s2], $0x800  }
0x1b5: {  	s25 =	sld [smem:$0x7D2]  }
0x1b6: {  	[sflag:s2] =	ssyncset.done $0x0  }
0x1b7: {  	[sflag:s2] =	ssyncadd.s32 $0xFFFFF800  }
0x1b8: {  	[spmem:s25] =	stream.linear.scatter [tilespmem:s1], [sflag:$0x3], $0x800, $0x38;
	[tilespmem:$0x1FC00] =	vst v63  }
0x1b9: {  	_ =	swait.ge [sflag:s2], $0x800  }
0x1ba: {  	s26 =	sld [smem:$0x7D4]  }
0x1bb: {  	[sflag:s2] =	ssyncset.done $0x0  }
0x1bc: {  	[sflag:s2] =	ssyncadd.s32 $0xFFFFF800  }
0x1bd: {  	[spmem:s26] =	stream.linear.scatter [tilespmem:s1], [sflag:$0x3], $0x800, $0x38;
	[tilespmem:$0x1FC00] =	vst v63  }
0x1be: {  	_ =	swait.ge [sflag:s2], $0x800  }
0x1bf: {  	s28 =	sld [smem:$0x7D6]  }
0x1c0: {  	[sflag:s2] =	ssyncset.done $0x0  }
0x1c1: {  	[sflag:s2] =	ssyncadd.s32 $0xFFFFF800  }
0x1c2: {  	[spmem:s28] =	stream.linear.scatter [tilespmem:s1], [sflag:$0x3], $0x800, $0x38;
	[tilespmem:$0x1FC00] =	vst v63  }
0x1c3: {  	_ =	swait.ge [sflag:s2], $0x800  }
0x1c4: {  	s29 =	sld [smem:$0x7D7]  }
0x1c5: {  	[sflag:s2] =	ssyncset.done $0x0  }
0x1c6: {  	[sflag:s2] =	ssyncadd.s32 $0xFFFFF800  }
0x1c7: {  	[spmem:s29] =	stream.linear.scatter [tilespmem:s1], [sflag:$0x3], $0x800, $0x38;
	[tilespmem:$0x1FC00] =	vst v63  }
0x1c8: {  	_ =	swait.ge [sflag:s2], $0x800  }
0x1c9: {  	s30 =	sld [smem:$0x7D9]  }
0x1ca: {  	[sflag:s2] =	ssyncset.done $0x0  }
0x1cb: {  	[sflag:s2] =	ssyncadd.s32 $0xFFFFF800  }
0x1cc: {  	[spmem:s30] =	stream.linear.scatter [tilespmem:s1], [sflag:$0x3], $0x800, $0x38;
	[tilespmem:$0x1FC00] =	vst v63  }
0x1cd: {  	_ =	swait.ge [sflag:s2], $0x800  }
0x1ce: {  	s31 =	sld [smem:$0x7DB]  }
0x1cf: {  	[sflag:s2] =	ssyncset.done $0x0  }
0x1d0: {  	[sflag:s2] =	ssyncadd.s32 $0xFFFFF800  }
0x1d1: {  	[spmem:s31] =	stream.linear.scatter [tilespmem:s1], [sflag:$0x3], $0x800, $0x38;
	[tilespmem:$0x1FC00] =	vst v63  }
0x1d2: {  	_ =	swait.ge [sflag:s2], $0x800  }
0x1d3: {  	s1 =	sld [smem:$0x7E6]  }
0x1d4: {  	[sflag:s2] =	ssyncset.done $0x0  }
0x1d5: {  	s0 =	simm.s32 @!p0 $0xAE00;
	[sflag:s2] =	ssyncadd.s32 $0xFFFFF800  }
0x1d6: {  	[spmem:s1] =	stream.linear.scatter @!p0 [tilespmem:s0], [sflag:$0x3], $0x400, $0x38;
	[tilespmem:$0x1FC00] =	vst v63  }
0x1d7: {  	s1 =	simm.s32 @!p0 $0x3  }
0x1d8: {  	_ =	swait.ge @!p0 [sflag:s1], $0x400  }
0x1d9: {  	s2 =	sld [smem:$0x7E3]  }
0x1da: {  	[sflag:s1] =	ssyncset.done @!p0 $0x0  }
0x1db: {  	[sflag:s1] =	ssyncadd.s32 @!p0 $0xFFFFFC00  }
0x1dc: {  	[spmem:s2] =	stream.linear.scatter @!p0 [tilespmem:s0], [sflag:$0x3], $0x400, $0x38;
	[tilespmem:$0x1FC00] =	vst v63  }
0x1dd: {  	_ =	swait.ge @!p0 [sflag:s1], $0x400  }
0x1de: {  	s2 =	sld [smem:$0x7E4]  }
0x1df: {  	[sflag:s1] =	ssyncset.done @!p0 $0x0  }
0x1e0: {  	[sflag:s1] =	ssyncadd.s32 @!p0 $0xFFFFFC00  }
0x1e1: {  	[spmem:s2] =	stream.linear.scatter @!p0 [tilespmem:s0], [sflag:$0x3], $0x400, $0x38;
	[tilespmem:$0x1FC00] =	vst v63  }
0x1e2: {  	_ =	swait.ge @!p0 [sflag:s1], $0x400  }
0x1e3: {  	s2 =	sld [smem:$0x7E5]  }
0x1e4: {  	[sflag:s1] =	ssyncset.done @!p0 $0x0  }
0x1e5: {  	[sflag:s1] =	ssyncadd.s32 @!p0 $0xFFFFFC00  }
0x1e6: {  	[spmem:s2] =	stream.linear.scatter @!p0 [tilespmem:s0], [sflag:$0x3], $0x400, $0x38;
	[tilespmem:$0x1FC00] =	vst v63  }
0x1e7: {  	_ =	swait.ge @!p0 [sflag:s1], $0x400  }
0x1e8: {  	s2 =	sld [smem:$0x7E7]  }
0x1e9: {  	[sflag:s1] =	ssyncset.done @!p0 $0x0  }
0x1ea: {  	[sflag:s1] =	ssyncadd.s32 @!p0 $0xFFFFFC00  }
0x1eb: {  	[spmem:s2] =	stream.linear.scatter @!p0 [tilespmem:s0], [sflag:$0x3], $0x400, $0x38;
	[tilespmem:$0x1FC00] =	vst v63  }
0x1ec: {  	_ =	swait.ge @!p0 [sflag:s1], $0x400  }
0x1ed: {  	s5 =	simm.s32 $0x0;
	[sflag:s1] =	ssyncset.done @!p0 $0x0  }
0x1ee: {  	s6 =	simm.s32 $0x2;
	s10 =	simm.s32 $0x0;
	[sflag:s1] =	ssyncadd.s32 @!p0 $0xFFFFFC00  }
0x1ef: {  	s11 =	simm.s32 $0x5000;
	s9 =	simm.s32 $0x50;
	[bflag:$0x0] =	sbarrier.arrive $0xFFFF  }
.LBB2_6:
0x1f0: {  	s1 =	sld [smem:$0x7DC]  }
0x1f1: {  	s0 =	smul.u32 $0x50, s5  }
0x1f2: {  	s18 =	sld [smem:$0x7AA]  }
0x1f3: {  	s0 =	sadd.s32 s1, s0  }
0x1f4: {  	s19 =	sld [smem:$0x7AB];
	s0 =	sshrl.u32 s0, $0x3  }
0x1f5: {  	s2 =	simm.s32 $0xA000;
	s1 =	sadd.s32 s18, s0  }
0x1f6: {  	[tilespmem:s2], [sflag:$0x1] =	stream.linear.gather [hbm4b:s1+s10], $0x50, $0x38;
	[tilespmem:$0x1FC00] =	vst v63  }
0x1f7: {  	s0 =	sadd.s32 s19, s0  }
0x1f8: {  	[tilespmem:s20], [sflag:$0x2] =	stream.linear.gather [hbm4b:s0+s10], $0x50, $0x38;
	[tilespmem:$0x1FC00] =	vst v63  }
0x1f9: {  	_ =	swait.ge [sflag:s3], $0x50  }
0x1fa: {  	[sflag:s3] =	ssyncset.done $0x0  }
0x1fb: {  	[sflag:s3] =	ssyncadd.s32 $0xFFFFFFB0  }
0x1fc: {  	_ =	swait.ge [sflag:s6], $0x50  }
0x1fd: {  	[sflag:s6] =	ssyncset.done $0x0  }
0x1fe: {  	[sflag:s6] =	ssyncadd.s32 $0xFFFFFFB0  }
0x1ff: {  	v3 =	vld [tilespmem:$0xA000];
	_ =	sdelay $0x2  }
0x200: {  	v5 =	vld [tilespmem:$0x1FEB0]  }
0x201: {  	v6 =	vld [tilespmem:$0x1FEC0]  }
0x202: {  	v7 =	vld [tilespmem:$0x1FED0];
	v4 =	vshll.u32 v3, $0x1  }
0x203: {  	v3 =	vand.u32 $0x7, v3;
	v4 =	vand.u32 $0xFFFFFFF0, v4  }
0x204: {  	v3 =	vor.u32 v3, v4  }
0x205: {  	v4 =	vperm.xlane v3, v5;
	_ =	sdelay $0x1  }
0x206: {  	v3 =	vperm.xlane v3, v7;
	v4 =	vadd.s32 v6, v4;
	_ =	sdelay $0x1  }
0x207: {  	v3 =	vadd.s32 v6, v3;
	_ =	sdelay $0x2  }
0x208: {  	[tilespmem:s10], [sflag:$0x1] =	stream.indirect_vreg.gather [hbm4b:s16+s10], $0x80, v4, vm0, $0xb8;
	[tilespmem:$0x1FC00] =	vst v63  }
0x209: {  	s21 =	simm.s32 $0x800  }
0x20a: {  	[tilespmem:s21], [sflag:$0x1] =	stream.indirect_vreg.gather [hbm4b:s16+s10], $0x80, v3, vm0, $0xb8;
	[tilespmem:$0x1FC00] =	vst v63  }
0x20b: {  	v3 =	vld [tilespmem:$0xA010];
	_ =	sdelay $0x4  }
0x20c: {  	v60 =	vshll.u32 v3, $0x1  }
0x20d: {  	v3 =	vand.u32 $0x7, v3;
	v4 =	vand.u32 $0xFFFFFFF0, v60  }
0x20e: {  	v3 =	vor.u32 v3, v4  }
0x20f: {  	v4 =	vperm.xlane v3, v5;
	_ =	sdelay $0x1  }
0x210: {  	v3 =	vperm.xlane v3, v7;
	v4 =	vadd.s32 v6, v4;
	_ =	sdelay $0x1  }
0x211: {  	v3 =	vadd.s32 v6, v3;
	_ =	sdelay $0x1  }
0x212: {  	s22 =	simm.s32 $0x1000  }
0x213: {  	[tilespmem:s22], [sflag:$0x1] =	stream.indirect_vreg.gather [hbm4b:s16+s10], $0x80, v4, vm0, $0xb8;
	[tilespmem:$0x1FC00] =	vst v63  }
0x214: {  	s23 =	simm.s32 $0x1800  }
0x215: {  	[tilespmem:s23], [sflag:$0x1] =	stream.indirect_vreg.gather [hbm4b:s16+s10], $0x80, v3, vm0, $0xb8;
	[tilespmem:$0x1FC00] =	vst v63  }
0x216: {  	v3 =	vld [tilespmem:$0xA020];
	_ =	sdelay $0x4  }
0x217: {  	v61 =	vshll.u32 v3, $0x1  }
0x218: {  	v3 =	vand.u32 $0x7, v3;
	v4 =	vand.u32 $0xFFFFFFF0, v61  }
0x219: {  	v3 =	vor.u32 v3, v4  }
0x21a: {  	v4 =	vperm.xlane v3, v5;
	_ =	sdelay $0x1  }
0x21b: {  	v3 =	vperm.xlane v3, v7;
	v4 =	vadd.s32 v6, v4;
	_ =	sdelay $0x1  }
0x21c: {  	v3 =	vadd.s32 v6, v3;
	_ =	sdelay $0x1  }
0x21d: {  	s24 =	simm.s32 $0x2000  }
0x21e: {  	[tilespmem:s24], [sflag:$0x1] =	stream.indirect_vreg.gather [hbm4b:s16+s10], $0x80, v4, vm0, $0xb8;
	[tilespmem:$0x1FC00] =	vst v63  }
0x21f: {  	s25 =	simm.s32 $0x2800  }
0x220: {  	[tilespmem:s25], [sflag:$0x1] =	stream.indirect_vreg.gather [hbm4b:s16+s10], $0x80, v3, vm0, $0xb8;
	[tilespmem:$0x1FC00] =	vst v63  }
0x221: {  	v3 =	vld [tilespmem:$0xA030];
	_ =	sdelay $0x4  }
0x222: {  	v62 =	vshll.u32 v3, $0x1  }
0x223: {  	v3 =	vand.u32 $0x7, v3;
	v4 =	vand.u32 $0xFFFFFFF0, v62  }
0x224: {  	v3 =	vor.u32 v3, v4  }
0x225: {  	v4 =	vperm.xlane v3, v5;
	_ =	sdelay $0x1  }
0x226: {  	v3 =	vperm.xlane v3, v7;
	v4 =	vadd.s32 v6, v4;
	_ =	sdelay $0x1  }
0x227: {  	v3 =	vadd.s32 v6, v3;
	_ =	sdelay $0x1  }
0x228: {  	s26 =	simm.s32 $0x3000  }
0x229: {  	[tilespmem:s26], [sflag:$0x1] =	stream.indirect_vreg.gather [hbm4b:s16+s10], $0x80, v4, vm0, $0xb8;
	[tilespmem:$0x1FC00] =	vst v63  }
0x22a: {  	s28 =	simm.s32 $0x3800  }
0x22b: {  	[tilespmem:s28], [sflag:$0x1] =	stream.indirect_vreg.gather [hbm4b:s16+s10], $0x80, v3, vm0, $0xb8;
	[tilespmem:$0x1FC00] =	vst v63  }
0x22c: {  	v3 =	vld [tilespmem:$0xA040];
	_ =	sdelay $0x4  }
0x22d: {  	v63 =	vshll.u32 v3, $0x1  }
0x22e: {  	v3 =	vand.u32 $0x7, v3;
	v4 =	vand.u32 $0xFFFFFFF0, v63  }
0x22f: {  	v3 =	vor.u32 v3, v4  }
0x230: {  	v4 =	vperm.xlane v3, v5;
	_ =	sdelay $0x1  }
0x231: {  	v3 =	vperm.xlane v3, v7;
	v4 =	vadd.s32 v6, v4;
	_ =	sdelay $0x1  }
0x232: {  	v3 =	vadd.s32 v6, v3;
	_ =	sdelay $0x1  }
0x233: {  	s29 =	simm.s32 $0x4000  }
0x234: {  	[tilespmem:s29], [sflag:$0x1] =	stream.indirect_vreg.gather [hbm4b:s16+s10], $0x80, v4, vm0, $0xb8;
	[tilespmem:$0x1FC00] =	vst v63  }
0x235: {  	s30 =	simm.s32 $0x4800  }
0x236: {  	[tilespmem:s30], [sflag:$0x1] =	stream.indirect_vreg.gather [hbm4b:s16+s10], $0x80, v3, vm0, $0xb8;
	[tilespmem:$0x1FC00] =	vst v63  }
0x237: {  	s31 =	rddreg [dreg:$0x1]  }
0x238: {  	[tilespmem:s11], [sflag:$0x2] =	stream.indirect.gather [hbm4b:s31+s9], $0x80, s20, s9, $0xb8;
	[tilespmem:$0x1FC00] =	vst v63  }
0x239: {  	_ =	swait.ge [sflag:s3], $0x5000  }
0x23a: {  	[sflag:s3] =	ssyncset.done $0x0  }
0x23b: {  	[sflag:s3] =	ssyncadd.s32 $0xFFFFB000  }
0x23c: {  	_ =	swait.ge [sflag:s6], $0x2800  }
0x23d: {  	[sflag:s6] =	ssyncset.done $0x0  }
0x23e: {  	s9 =	simm.s32 $0x0;
	[sflag:s6] =	ssyncadd.s32 $0xFFFFD800  }
.LBB2_7:
0x23f: {  	s11 =	sshll.u32 s9, $0x4  }
0x240: {  	v52 =	vor.u32 s11, v0;
	_ =	sdelay $0x4  }
0x241: {  	v53 =	vld.idx.msk [tilespmem:v52+s20+$0x0], $0xffff;
	_ =	sdelay $0x4  }
0x242: {  	v3 =	vshrl.u32 v53, $0x5  }
0x243: {  	s12 =	simm.s32 $0x0;
	p1 =	por $0x1, $0x1;
	[tilespmem:v52+s4+$0x0] =	vst.idx.msk $0xffff, v3  }
.LBB2_8:
0x244: {  	s1 =	sor.u32 s11, s12  }
0x245: {  	s0 =	sshll.u32 s1, $0x8  }
0x246: {  	s1 =	sshll.u32 s1, $0x7;
	s0 =	sand.u32 $0x3FFFFF00, s0  }
0x247: {  	s1 =	sand.u32 $0x3FFFFF80, s1;
	v3 =	vld [tilespmem:s0+$0x0]  }
0x248: {  	v4 =	vld [tilespmem:s1+$0x5000]  }
0x249: {  	s18 =	sor.u32 $0x1, s12;
	v5 =	vld [tilespmem:s0+$0x10]  }
0x24a: {  	s6 =	sor.u32 s11, s18;
	v6 =	vld [tilespmem:s1+$0x5010]  }
0x24b: {  	s14 =	sshll.u32 s6, $0x8  }
0x24c: {  	s17 =	sand.u32 $0x7800, s14;
	s14 =	smul.u32 $0x11, s12  }
0x24d: {  	s6 =	sshll.u32 s6, $0x7  }
0x24e: {  	s6 =	sand.u32 $0x3FFFFF80, s6;
	v7 =	vld [tilespmem:s17+$0x80];
	v54 =	vadd.s32 s14, v0  }
0x24f: {  	v8 =	vld [tilespmem:s6+$0x5000];
	v3 =	vmul.f32 v4, v3;
	v14 =	vmul.f32 v6, v5  }
0x250: {  	v9 =	vld [tilespmem:s17+$0x90]  }
0x251: {  	v55 =	vld [tilespmem:s6+$0x5010];
	v3 =	vadd.f32 v14, v3;
	_ =	sdelay $0x1  }
0x252: {  	s18 =	smul.u32 $0x11, s18;
	[tilespmem:v54+s7+$0x0] =	vst.idx.msk $0xffff, v3  }
0x253: {  	v17 =	vld [tilespmem:s0+$0x20]  }
0x254: {  	v15 =	vadd.s32 s18, v0;
	v18 =	vld [tilespmem:s1+$0x5020]  }
0x255: {  	v16 =	vmul.f32 v55, v9;
	v3 =	vmul.f32 v8, v7;
	v19 =	vld [tilespmem:s0+$0x30]  }
0x256: {  	v20 =	vld [tilespmem:s1+$0x5030]  }
0x257: {  	v3 =	vadd.f32 v16, v3;
	_ =	sdelay $0x1  }
0x258: {  	s26 =	sadd.s32 $0x110, s14;
	[tilespmem:v15+s7+$0x0] =	vst.idx.msk $0xffff, v3  }
0x259: {  	v22 =	vadd.s32 s26, v0;
	v3 =	vld [tilespmem:s17+$0xA0]  }
0x25a: {  	v4 =	vld [tilespmem:s6+$0x5020];
	v6 =	vmul.f32 v18, v17;
	v5 =	vmul.f32 v20, v19  }
0x25b: {  	v21 =	vld [tilespmem:s17+$0xB0]  }
0x25c: {  	v23 =	vld [tilespmem:s6+$0x5030];
	v5 =	vadd.f32 v5, v6;
	_ =	sdelay $0x1  }
0x25d: {  	[tilespmem:v22+s7+$0x0] =	vst.idx.msk $0xffff, v5  }
0x25e: {  	s28 =	sadd.s32 $0x121, s14;
	v5 =	vld [tilespmem:s0+$0x40]  }
0x25f: {  	v56 =	vadd.s32 s28, v0;
	v58 =	vld [tilespmem:s1+$0x5040]  }
0x260: {  	s25 =	sor.u32 $0x2, s12;
	v3 =	vmul.f32 v4, v3;
	v57 =	vmul.f32 v23, v21;
	v59 =	vld [tilespmem:s0+$0x50]  }
0x261: {  	s31 =	sor.u32 s11, s25;
	v60 =	vld [tilespmem:s1+$0x5050]  }
0x262: {  	s2 =	sshll.u32 s31, $0x8;
	v3 =	vadd.f32 v57, v3  }
0x263: {  	s18 =	sand.u32 $0x7800, s2  }
0x264: {  	v13 =	vld [tilespmem:s18+$0x110];
	s29 =	sadd.s32 $0x220, s14;
	[tilespmem:v56+s7+$0x0] =	vst.idx.msk $0xffff, v3  }
0x265: {  	v62 =	vadd.s32 s29, v0;
	s26 =	sor.u32 $0x3, s12;
	v3 =	vld [tilespmem:s17+$0xC0]  }
0x266: {  	s3 =	sor.u32 s11, s26;
	v6 =	vld [tilespmem:s6+$0x5040];
	v5 =	vmul.f32 v58, v5;
	v4 =	vmul.f32 v60, v59  }
0x267: {  	s13 =	sshll.u32 s3, $0x8;
	v61 =	vld [tilespmem:s17+$0xD0]  }
0x268: {  	s19 =	sand.u32 $0x7800, s13;
	v63 =	vld [tilespmem:s6+$0x5050];
	v4 =	vadd.f32 v4, v5  }
0x269: {  	v15 =	vld [tilespmem:s19+$0x180]  }
0x26a: {  	v17 =	vld [tilespmem:s19+$0x190];
	[tilespmem:v62+s7+$0x0] =	vst.idx.msk $0xffff, v4  }
0x26b: {  	s30 =	sadd.s32 $0x231, s14;
	v55 =	vld [tilespmem:s0+$0x60]  }
0x26c: {  	v10 =	vadd.s32 s30, v0;
	v56 =	vld [tilespmem:s1+$0x5060]  }
0x26d: {  	v3 =	vmul.f32 v6, v3;
	v11 =	vmul.f32 v63, v61;
	v57 =	vld [tilespmem:s0+$0x70];
	s0 =	sshll.u32 s31, $0x7  }
0x26e: {  	s28 =	sor.u32 $0x4, s12;
	v58 =	vld [tilespmem:s1+$0x5070];
	s23 =	sand.u32 $0x3FFFFF80, s0  }
0x26f: {  	s21 =	sor.u32 s11, s28;
	v3 =	vadd.f32 v11, v3;
	v12 =	vld [tilespmem:s23+$0x5000]  }
0x270: {  	s22 =	sshll.u32 s21, $0x8;
	v14 =	vld [tilespmem:s23+$0x5010]  }
0x271: {  	s1 =	sand.u32 $0x7800, s22;
	[tilespmem:v10+s7+$0x0] =	vst.idx.msk $0xffff, v3;
	v3 =	vld [tilespmem:s18+$0x100]  }
0x272: {  	s0 =	sshll.u32 s3, $0x7;
	v19 =	vld [tilespmem:s1+$0x200]  }
0x273: {  	s15 =	smul.u32 $0x11, s25;
	v21 =	vld [tilespmem:s1+$0x210];
	s24 =	sand.u32 $0x3FFFFF80, s0  }
0x274: {  	s25 =	sshll.u32 s21, $0x7;
	v16 =	vld [tilespmem:s24+$0x5000]  }
0x275: {  	v60 =	vadd.s32 s15, v0;
	s0 =	sand.u32 $0x3FFFFF80, s25;
	v61 =	vld [tilespmem:s24+$0x5010]  }
0x276: {  	v20 =	vld [tilespmem:s0+$0x5000];
	v18 =	vmul.f32 v14, v13;
	v3 =	vmul.f32 v12, v3  }
0x277: {  	s26 =	smul.u32 $0x11, s26;
	v63 =	vld [tilespmem:s0+$0x5010]  }
0x278: {  	v54 =	vld [tilespmem:s17+$0xE0];
	v3 =	vadd.f32 v18, v3  }
0x279: {  	v62 =	vadd.s32 s26, v0;
	v59 =	vld [tilespmem:s6+$0x5060]  }
0x27a: {  	v22 =	vmul.f32 v61, v17;
	v61 =	vld [tilespmem:s6+$0x5070];
	[tilespmem:v60+s7+$0x0] =	vst.idx.msk $0xffff, v3;
	v3 =	vmul.f32 v16, v15  }
0x27b: {  	s28 =	smul.u32 $0x11, s28;
	v23 =	vld [tilespmem:s18+$0x120]  }
0x27c: {  	v12 =	vld [tilespmem:s23+$0x5020];
	v3 =	vadd.f32 v22, v3  }
0x27d: {  	v14 =	vadd.s32 s28, v0;
	v13 =	vld [tilespmem:s18+$0x130]  }
0x27e: {  	v4 =	vmul.f32 v63, v21;
	v15 =	vld [tilespmem:s23+$0x5030];
	[tilespmem:v62+s7+$0x0] =	vst.idx.msk $0xffff, v3;
	v3 =	vmul.f32 v20, v19  }
0x27f: {  	v16 =	vld [tilespmem:s19+$0x1A0]  }
0x280: {  	v17 =	vld [tilespmem:s24+$0x5020];
	v3 =	vadd.f32 v4, v3  }
0x281: {  	s29 =	sadd.s32 $0x132, s14;
	v18 =	vld [tilespmem:s19+$0x1B0]  }
0x282: {  	v19 =	vadd.s32 s29, v0;
	v20 =	vld [tilespmem:s24+$0x5030];
	[tilespmem:v14+s7+$0x0] =	vst.idx.msk $0xffff, v3  }
0x283: {  	v7 =	vmul.f32 v15, v13;
	v3 =	vmul.f32 v12, v23;
	v21 =	vld [tilespmem:s1+$0x220]  }
0x284: {  	v22 =	vld [tilespmem:s0+$0x5020]  }
0x285: {  	s30 =	sadd.s32 $0x143, s14;
	v23 =	vld [tilespmem:s1+$0x230];
	v3 =	vadd.f32 v7, v3  }
0x286: {  	v12 =	vadd.s32 s30, v0;
	v10 =	vld [tilespmem:s0+$0x5030]  }
0x287: {  	v60 =	vld [tilespmem:s17+$0xF0];
	v4 =	vmul.f32 v20, v18;
	[tilespmem:v19+s7+$0x0] =	vst.idx.msk $0xffff, v3;
	v3 =	vmul.f32 v17, v16  }
0x288: {  	v13 =	vld [tilespmem:s18+$0x140]  }
0x289: {  	s31 =	sadd.s32 $0x154, s14;
	v14 =	vld [tilespmem:s23+$0x5040];
	v3 =	vadd.f32 v4, v3  }
0x28a: {  	v16 =	vadd.s32 s31, v0;
	v15 =	vld [tilespmem:s18+$0x150]  }
0x28b: {  	v17 =	vld [tilespmem:s23+$0x5050];
	v7 =	vmul.f32 v10, v23;
	[tilespmem:v12+s7+$0x0] =	vst.idx.msk $0xffff, v3;
	v3 =	vmul.f32 v22, v21  }
0x28c: {  	v18 =	vld [tilespmem:s19+$0x1C0]  }
0x28d: {  	v19 =	vld [tilespmem:s24+$0x5040];
	v3 =	vadd.f32 v7, v3  }
0x28e: {  	s2 =	sadd.s32 $0x242, s14;
	v20 =	vld [tilespmem:s19+$0x1D0]  }
0x28f: {  	v21 =	vadd.s32 s2, v0;
	v11 =	vld [tilespmem:s24+$0x5050];
	[tilespmem:v16+s7+$0x0] =	vst.idx.msk $0xffff, v3  }
0x290: {  	s28 =	sor.u32 $0x7, s12;
	v4 =	vmul.f32 v17, v15;
	v3 =	vmul.f32 v14, v13;
	v22 =	vld [tilespmem:s1+$0x240]  }
0x291: {  	s15 =	sor.u32 $0x5, s12;
	s22 =	sor.u32 $0x6, s12;
	s12 =	sor.u32 s11, s28;
	v12 =	vld [tilespmem:s0+$0x5040]  }
0x292: {  	s3 =	sadd.s32 $0x253, s14;
	s29 =	sshll.u32 s12, $0x8;
	v23 =	vld [tilespmem:s1+$0x250];
	v3 =	vadd.f32 v4, v3  }
0x293: {  	s30 =	sand.u32 $0x7800, s29;
	v13 =	vadd.s32 s3, v0;
	v14 =	vld [tilespmem:s0+$0x5050]  }
0x294: {  	v16 =	vmul.f32 v11, v20;
	v11 =	vld [tilespmem:s30+$0x390];
	[tilespmem:v21+s7+$0x0] =	vst.idx.msk $0xffff, v3;
	v3 =	vmul.f32 v19, v18  }
0x295: {  	v62 =	vld [tilespmem:s18+$0x160]  }
0x296: {  	v63 =	vld [tilespmem:s23+$0x5060];
	v7 =	vadd.f32 v16, v3  }
0x297: {  	v5 =	vld [tilespmem:s23+$0x5070]  }
0x298: {  	v3 =	vld [tilespmem:s18+$0x170];
	[tilespmem:v13+s7+$0x0] =	vst.idx.msk $0xffff, v7  }
0x299: {  	v4 =	vld [tilespmem:s19+$0x1E0]  }
0x29a: {  	s12 =	sshll.u32 s12, $0x7;
	v7 =	vld [tilespmem:s19+$0x1F0];
	s19 =	sor.u32 s11, s15  }
0x29b: {  	s12 =	sand.u32 $0x3FFFFF80, s12;
	v18 =	vmul.f32 v12, v22;
	v12 =	vld [tilespmem:s30+$0x380];
	s21 =	sshll.u32 s19, $0x8  }
0x29c: {  	v13 =	vld [tilespmem:s12+$0x5000];
	s17 =	sshll.u32 s19, $0x7;
	s23 =	sand.u32 $0x7800, s21  }
0x29d: {  	s18 =	sand.u32 $0x3FFFFF80, s17;
	v10 =	vld [tilespmem:s23+$0x280]  }
0x29e: {  	s13 =	sadd.s32 $0x264, s14;
	s25 =	sor.u32 s11, s22;
	v21 =	vld [tilespmem:s18+$0x5000]  }
0x29f: {  	s26 =	sshll.u32 s25, $0x8;
	v17 =	vadd.s32 s13, v0;
	v22 =	vld [tilespmem:s23+$0x290]  }
0x2a0: {  	v19 =	vmul.f32 v14, v23;
	s19 =	sand.u32 $0x7800, s26;
	v23 =	vld [tilespmem:s18+$0x5010]  }
0x2a1: {  	s17 =	sshll.u32 s25, $0x7;
	v14 =	vld [tilespmem:s19+$0x300]  }
0x2a2: {  	s6 =	smul.u32 $0x11, s15;
	v20 =	vadd.f32 v19, v18;
	v16 =	vld [tilespmem:s19+$0x310];
	s17 =	sand.u32 $0x3FFFFF80, s17  }
0x2a3: {  	v15 =	vld [tilespmem:s17+$0x5000]  }
0x2a4: {  	[tilespmem:v17+s7+$0x0] =	vst.idx.msk $0xffff, v20;
	v17 =	vadd.s32 s6, v0;
	v18 =	vld [tilespmem:s17+$0x5010]  }
0x2a5: {  	v6 =	vld [tilespmem:s24+$0x5060];
	v10 =	vmul.f32 v21, v10;
	v21 =	vmul.f32 v23, v22  }
0x2a6: {  	v9 =	vld [tilespmem:s24+$0x5070];
	s24 =	smul.u32 $0x11, s22  }
0x2a7: {  	v20 =	vld [tilespmem:s12+$0x5010];
	v10 =	vadd.f32 v21, v10  }
0x2a8: {  	v8 =	vld [tilespmem:s1+$0x260];
	v19 =	vadd.s32 s24, v0  }
0x2a9: {  	v22 =	vmul.f32 v15, v14;
	v23 =	vmul.f32 v18, v16;
	v21 =	vld [tilespmem:s0+$0x5060];
	[tilespmem:v17+s7+$0x0] =	vst.idx.msk $0xffff, v10  }
0x2aa: {  	s31 =	smul.u32 $0x11, s28;
	v15 =	vld [tilespmem:s23+$0x2A0]  }
0x2ab: {  	v10 =	vadd.f32 v23, v22;
	v16 =	vld [tilespmem:s18+$0x5020]  }
0x2ac: {  	v17 =	vadd.s32 s31, v0;
	v14 =	vld [tilespmem:s23+$0x2B0]  }
0x2ad: {  	v11 =	vmul.f32 v20, v11;
	v22 =	vmul.f32 v13, v12;
	v18 =	vld [tilespmem:s18+$0x5030];
	[tilespmem:v19+s7+$0x0] =	vst.idx.msk $0xffff, v10  }
0x2ae: {  	v12 =	vld [tilespmem:s19+$0x320]  }
0x2af: {  	v10 =	vadd.f32 v11, v22;
	v13 =	vld [tilespmem:s17+$0x5020]  }
0x2b0: {  	s2 =	sadd.s32 $0x165, s14;
	v11 =	vld [tilespmem:s19+$0x330]  }
0x2b1: {  	v19 =	vadd.s32 s2, v0;
	v20 =	vld [tilespmem:s17+$0x5030];
	[tilespmem:v17+s7+$0x0] =	vst.idx.msk $0xffff, v10  }
0x2b2: {  	v23 =	vmul.f32 v16, v15;
	v14 =	vmul.f32 v18, v14;
	v15 =	vld [tilespmem:s30+$0x3A0]  }
0x2b3: {  	v16 =	vld [tilespmem:s12+$0x5020]  }
0x2b4: {  	s3 =	sadd.s32 $0x176, s14;
	v18 =	vld [tilespmem:s12+$0x5030];
	v10 =	vadd.f32 v14, v23  }
0x2b5: {  	v17 =	vadd.s32 s3, v0;
	v14 =	vld [tilespmem:s30+$0x3B0]  }
0x2b6: {  	v22 =	vld [tilespmem:s1+$0x270];
	v11 =	vmul.f32 v20, v11;
	[tilespmem:v19+s7+$0x0] =	vst.idx.msk $0xffff, v10;
	v19 =	vmul.f32 v13, v12  }
0x2b7: {  	v12 =	vld [tilespmem:s23+$0x2C0]  }
0x2b8: {  	s13 =	sadd.s32 $0x187, s14;
	v13 =	vld [tilespmem:s18+$0x5040];
	v10 =	vadd.f32 v11, v19  }
0x2b9: {  	v20 =	vld [tilespmem:s18+$0x5050];
	v19 =	vadd.s32 s13, v0  }
0x2ba: {  	v23 =	vmul.f32 v16, v15;
	v11 =	vld [tilespmem:s23+$0x2D0];
	v14 =	vmul.f32 v18, v14;
	[tilespmem:v17+s7+$0x0] =	vst.idx.msk $0xffff, v10  }
0x2bb: {  	v15 =	vld [tilespmem:s19+$0x340]  }
0x2bc: {  	v16 =	vld [tilespmem:s17+$0x5040];
	v10 =	vadd.f32 v14, v23  }
0x2bd: {  	s15 =	sadd.s32 $0x275, s14;
	v14 =	vld [tilespmem:s19+$0x350]  }
0x2be: {  	v17 =	vadd.s32 s15, v0;
	v18 =	vld [tilespmem:s17+$0x5050];
	[tilespmem:v19+s7+$0x0] =	vst.idx.msk $0xffff, v10  }
0x2bf: {  	v23 =	vmul.f32 v13, v12;
	v11 =	vmul.f32 v20, v11;
	v12 =	vld [tilespmem:s30+$0x3C0]  }
0x2c0: {  	v13 =	vld [tilespmem:s12+$0x5040]  }
0x2c1: {  	s21 =	sadd.s32 $0x286, s14;
	v20 =	vld [tilespmem:s12+$0x5050];
	v10 =	vadd.f32 v11, v23  }
0x2c2: {  	v19 =	vadd.s32 s21, v0;
	v11 =	vld [tilespmem:s30+$0x3D0]  }
0x2c3: {  	v23 =	vld [tilespmem:s0+$0x5070];
	v14 =	vmul.f32 v18, v14;
	[tilespmem:v17+s7+$0x0] =	vst.idx.msk $0xffff, v10;
	v10 =	vmul.f32 v16, v15  }
0x2c4: {  	v15 =	vld [tilespmem:s23+$0x2E0]  }
0x2c5: {  	s22 =	sadd.s32 $0x297, s14;
	v16 =	vld [tilespmem:s23+$0x2F0];
	v10 =	vadd.f32 v14, v10  }
0x2c6: {  	v17 =	vld [tilespmem:s18+$0x5060];
	v14 =	vadd.s32 s22, v0  }
0x2c7: {  	v18 =	vld [tilespmem:s18+$0x5070];
	v11 =	vmul.f32 v20, v11;
	[tilespmem:v19+s7+$0x0] =	vst.idx.msk $0xffff, v10;
	v10 =	vmul.f32 v13, v12  }
0x2c8: {  	v12 =	vld [tilespmem:s19+$0x360]  }
0x2c9: {  	v56 =	vmul.f32 v56, v55;
	v20 =	vld [tilespmem:s19+$0x370];
	v10 =	vadd.f32 v11, v10  }
0x2ca: {  	v58 =	vmul.f32 v58, v57;
	v57 =	vmul.f32 v63, v62;
	s26 =	sadd.s32 $0x363, s14;
	s24 =	sadd.s32 $0x341, s14;
	v11 =	vld [tilespmem:s17+$0x5060]  }
0x2cb: {  	v3 =	vmul.f32 v5, v3;
	v62 =	vadd.s32 s26, v0;
	v55 =	vadd.s32 s24, v0;
	[tilespmem:v14+s7+$0x0] =	vst.idx.msk $0xffff, v10;
	v14 =	vld [tilespmem:s17+$0x5070]  }
0x2cc: {  	s25 =	sadd.s32 $0x352, s14;
	v13 =	vadd.f32 v58, v56;
	v19 =	vmul.f32 v59, v54;
	v54 =	vmul.f32 v61, v60;
	v56 =	vld [tilespmem:s30+$0x3E0]  }
0x2cd: {  	s28 =	sadd.s32 $0x374, s14;
	v4 =	vmul.f32 v6, v4;
	v60 =	vadd.s32 s25, v0;
	v61 =	vmul.f32 v9, v7;
	v58 =	vld [tilespmem:s12+$0x5060]  }
0x2ce: {  	v63 =	vmul.f32 v23, v22;
	v23 =	vadd.s32 s28, v0;
	v19 =	vadd.f32 v54, v19;
	v9 =	vld [tilespmem:s30+$0x3F0]  }
0x2cf: {  	v8 =	vmul.f32 v21, v8;
	s23 =	sadd.s32 $0x330, s14;
	v4 =	vadd.f32 v61, v4;
	v22 =	vld [tilespmem:s12+$0x5070]  }
0x2d0: {  	s29 =	sadd.s32 $0x385, s14;
	v3 =	vadd.f32 v3, v57;
	v10 =	vadd.s32 s23, v0;
	[tilespmem:v55+s7+$0x0] =	vst.idx.msk $0xffff, v19  }
0x2d1: {  	v54 =	vadd.f32 v63, v8;
	v55 =	vadd.s32 s29, v0;
	[tilespmem:v62+s7+$0x0] =	vst.idx.msk $0xffff, v4;
	s30 =	sadd.s32 $0x396, s14  }
0x2d2: {  	s31 =	sadd.s32 $0x3A7, s14;
	v57 =	vmul.f32 v18, v16;
	[tilespmem:v60+s7+$0x0] =	vst.idx.msk $0xffff, v3;
	v3 =	vmul.f32 v17, v15;
	v59 =	vadd.s32 s30, v0  }
0x2d3: {  	p2 =	por p1, p1;
	v62 =	vadd.s32 s31, v0;
	[tilespmem:v23+s7+$0x0] =	vst.idx.msk $0xffff, v54;
	v60 =	vmul.f32 v11, v12;
	v61 =	vmul.f32 v14, v20  }
.Ltmp2:
0x2d4: {  	v3 =	vadd.f32 v57, v3;
	v63 =	vmul.f32 v58, v56;
	v9 =	vmul.f32 v22, v9;
	(pc) =	sbr.rel @p2 .LBB2_8-.Ltmp2, $4  }
0x2d5: {  	[tilespmem:v10+s7+$0x0] =	vst.idx.msk $0xffff, v13;
	v4 =	vadd.f32 v61, v60  }
0x2d6: {  	[tilespmem:v55+s7+$0x0] =	vst.idx.msk $0xffff, v3;
	v3 =	vadd.f32 v9, v63  }
0x2d7: {  	[tilespmem:v59+s7+$0x0] =	vst.idx.msk $0xffff, v4  }
0x2d8: {  	p1 =	por $0x0, $0x0;
	s12 =	simm.s32 $0x8;
	[tilespmem:v62+s7+$0x0] =	vst.idx.msk $0xffff, v3  }
0x2d9: {  	v4 =	vld [tilespmem:$0x1FEE0];
	_ =	sdelay $0x1  }
0x2da: {  	v5 =	vld [tilespmem:$0x1FEF0];
	_ =	sdelay $0x1  }
0x2db: {  	v6 =	vld [tilespmem:$0x1FF00]  }
0x2dc: {  	v3 =	vld.idx.msk [tilespmem:v1+s7+$0x0], $0xffff  }
0x2dd: {  	v20 =	vld [tilespmem:$0x1FF10]  }
0x2de: {  	v21 =	vld [tilespmem:$0x1FF20]  }
0x2df: {  	v4 =	vld.idx.msk [tilespmem:v4+s7+$0x0], $0xffff  }
0x2e0: {  	v22 =	vld [tilespmem:$0x1FF30]  }
0x2e1: {  	v5 =	vld.idx.msk [tilespmem:v5+s7+$0x0], $0xffff  }
0x2e2: {  	v23 =	vld [tilespmem:$0x1FF40];
	v3 =	vadd.f32 $0.0e+00, v3  }
0x2e3: {  	v6 =	vld.idx.msk [tilespmem:v6+s7+$0x0], $0xffff  }
0x2e4: {  	v54 =	vld [tilespmem:$0x1FF50];
	v3 =	vadd.f32 v4, v3  }
0x2e5: {  	v4 =	vld.idx.msk [tilespmem:v20+s7+$0x0], $0xffff  }
0x2e6: {  	v55 =	vld [tilespmem:$0x1FF60];
	v3 =	vadd.f32 v5, v3  }
0x2e7: {  	v5 =	vld.idx.msk [tilespmem:v21+s7+$0x0], $0xffff  }
0x2e8: {  	v56 =	vld [tilespmem:$0x1FF70];
	v3 =	vadd.f32 v6, v3  }
0x2e9: {  	v6 =	vld.idx.msk [tilespmem:v22+s7+$0x0], $0xffff  }
0x2ea: {  	v57 =	vld [tilespmem:$0x1FF80];
	v3 =	vadd.f32 v4, v3  }
0x2eb: {  	v4 =	vld.idx.msk [tilespmem:v23+s7+$0x0], $0xffff  }
0x2ec: {  	v58 =	vld [tilespmem:$0x1FF90];
	v3 =	vadd.f32 v5, v3  }
0x2ed: {  	v5 =	vld.idx.msk [tilespmem:v54+s7+$0x0], $0xffff  }
0x2ee: {  	v59 =	vld [tilespmem:$0x1FFA0];
	v3 =	vadd.f32 v6, v3  }
0x2ef: {  	v6 =	vld.idx.msk [tilespmem:v55+s7+$0x0], $0xffff  }
0x2f0: {  	v60 =	vld [tilespmem:$0x1FFB0];
	v3 =	vadd.f32 v4, v3  }
0x2f1: {  	v4 =	vld.idx.msk [tilespmem:v56+s7+$0x0], $0xffff  }
0x2f2: {  	v61 =	vld [tilespmem:$0x1FFC0];
	v3 =	vadd.f32 v5, v3  }
0x2f3: {  	v5 =	vld.idx.msk [tilespmem:v57+s7+$0x0], $0xffff  }
0x2f4: {  	v3 =	vadd.f32 v6, v3  }
0x2f5: {  	v6 =	vld.idx.msk [tilespmem:v58+s7+$0x0], $0xffff  }
0x2f6: {  	v3 =	vadd.f32 v4, v3  }
0x2f7: {  	v4 =	vld.idx.msk [tilespmem:v59+s7+$0x0], $0xffff  }
0x2f8: {  	v3 =	vadd.f32 v5, v3  }
0x2f9: {  	v5 =	vld.idx.msk [tilespmem:v60+s7+$0x0], $0xffff  }
0x2fa: {  	v3 =	vadd.f32 v6, v3  }
0x2fb: {  	v6 =	vld.idx.msk [tilespmem:v61+s7+$0x0], $0xffff  }
0x2fc: {  	v3 =	vadd.f32 v4, v3;
	_ =	sdelay $0x1  }
0x2fd: {  	v3 =	vadd.f32 v5, v3;
	_ =	sdelay $0x1  }
0x2fe: {  	v3 =	vadd.f32 v6, v3;
	_ =	sdelay $0x1  }
0x2ff: {  	v3 =	vmul.f32 $1.442695020e+00, v3;
	_ =	sdelay $0x1  }
0x300: {  	(erf) = vpow2.f32 v3;
	_ =	sdelay $0x2  }
0x301: {  	v63 =	vld [tilespmem:$0x1FFD0];
	v3 =	vshll.u32 v53, $0x2  }
0x302: {  	v62 =	vshll.u32 v52, $0x7;
	v3 =	vand.u32 $0x7C, v3  }
0x303: {  	v8 =	vld [tilespmem:$0x1FFE0];
	v3 =	vor.u32 v62, v3;
	_ =	sdelay $0x1  }
0x304: {  	v9 =	vld [tilespmem:$0x1FFF0];
	_ =	sdelay $0x1  }
0x305: {  	v52 =	vpop (erf)  }
0x306: {  	[tilespmem:v3+s8+$0x0] =	vst.idx.msk $0xffff, v52  }
0x307: {  	v4 =	vld.idx.msk [tilespmem:v63+s7+$0x0], $0xffff;
	_ =	sdelay $0x1  }
0x308: {  	v5 =	vld.idx.msk [tilespmem:v8+s7+$0x0], $0xffff;
	_ =	sdelay $0x1  }
0x309: {  	v6 =	vld.idx.msk [tilespmem:v9+s7+$0x0], $0xffff  }
0x30a: {  	v4 =	vadd.f32 $0.0e+00, v4  }
0x30b: {  	v7 =	vld.idx.msk [tilespmem:v24+s7+$0x0], $0xffff  }
0x30c: {  	v4 =	vadd.f32 v5, v4  }
0x30d: {  	v10 =	vld.idx.msk [tilespmem:v25+s7+$0x0], $0xffff  }
0x30e: {  	v4 =	vadd.f32 v6, v4  }
0x30f: {  	v11 =	vld.idx.msk [tilespmem:v26+s7+$0x0], $0xffff  }
0x310: {  	v4 =	vadd.f32 v7, v4  }
0x311: {  	v12 =	vld.idx.msk [tilespmem:v27+s7+$0x0], $0xffff  }
0x312: {  	v4 =	vadd.f32 v10, v4  }
0x313: {  	v13 =	vld.idx.msk [tilespmem:v28+s7+$0x0], $0xffff  }
0x314: {  	v4 =	vadd.f32 v11, v4  }
0x315: {  	v14 =	vld.idx.msk [tilespmem:v29+s7+$0x0], $0xffff  }
0x316: {  	v4 =	vadd.f32 v12, v4  }
0x317: {  	v15 =	vld.idx.msk [tilespmem:v30+s7+$0x0], $0xffff  }
0x318: {  	v4 =	vadd.f32 v13, v4  }
0x319: {  	v16 =	vld.idx.msk [tilespmem:v31+s7+$0x0], $0xffff  }
0x31a: {  	v4 =	vadd.f32 v14, v4  }
0x31b: {  	v17 =	vld.idx.msk [tilespmem:v32+s7+$0x0], $0xffff  }
0x31c: {  	v4 =	vadd.f32 v15, v4  }
0x31d: {  	v18 =	vld.idx.msk [tilespmem:v33+s7+$0x0], $0xffff  }
0x31e: {  	v4 =	vadd.f32 v16, v4  }
0x31f: {  	v19 =	vld.idx.msk [tilespmem:v34+s7+$0x0], $0xffff  }
0x320: {  	v4 =	vadd.f32 v17, v4  }
0x321: {  	v20 =	vld.idx.msk [tilespmem:v35+s7+$0x0], $0xffff  }
0x322: {  	v4 =	vadd.f32 v18, v4  }
0x323: {  	v21 =	vld.idx.msk [tilespmem:v36+s7+$0x0], $0xffff  }
0x324: {  	v4 =	vadd.f32 v19, v4;
	_ =	sdelay $0x1  }
0x325: {  	v4 =	vadd.f32 v20, v4;
	_ =	sdelay $0x1  }
0x326: {  	v4 =	vadd.f32 v21, v4;
	_ =	sdelay $0x1  }
0x327: {  	v4 =	vmul.f32 $1.442695020e+00, v4;
	_ =	sdelay $0x1  }
0x328: {  	(erf) = vpow2.f32 v4;
	_ =	sdelay $0x4  }
0x329: {  	v22 =	vor.u32 $0x1, v3;
	_ =	sdelay $0x3  }
0x32a: {  	v53 =	vpop (erf)  }
0x32b: {  	[tilespmem:v22+s8+$0x0] =	vst.idx.msk $0xffff, v53  }
0x32c: {  	v4 =	vld.idx.msk [tilespmem:v37+s7+$0x0], $0xffff;
	_ =	sdelay $0x1  }
0x32d: {  	v23 =	vld.idx.msk [tilespmem:v38+s7+$0x0], $0xffff;
	_ =	sdelay $0x1  }
0x32e: {  	v54 =	vld.idx.msk [tilespmem:v39+s7+$0x0], $0xffff  }
0x32f: {  	v4 =	vadd.f32 $0.0e+00, v4  }
0x330: {  	v55 =	vld.idx.msk [tilespmem:v40+s7+$0x0], $0xffff  }
0x331: {  	v4 =	vadd.f32 v23, v4  }
0x332: {  	v56 =	vld.idx.msk [tilespmem:v41+s7+$0x0], $0xffff  }
0x333: {  	v4 =	vadd.f32 v54, v4  }
0x334: {  	v57 =	vld.idx.msk [tilespmem:v42+s7+$0x0], $0xffff  }
0x335: {  	v4 =	vadd.f32 v55, v4  }
0x336: {  	v58 =	vld.idx.msk [tilespmem:v43+s7+$0x0], $0xffff  }
0x337: {  	v4 =	vadd.f32 v56, v4  }
0x338: {  	v59 =	vld.idx.msk [tilespmem:v44+s7+$0x0], $0xffff  }
0x339: {  	v4 =	vadd.f32 v57, v4  }
0x33a: {  	v60 =	vld.idx.msk [tilespmem:v45+s7+$0x0], $0xffff  }
0x33b: {  	v4 =	vadd.f32 v58, v4  }
0x33c: {  	v61 =	vld.idx.msk [tilespmem:v46+s7+$0x0], $0xffff  }
0x33d: {  	v4 =	vadd.f32 v59, v4  }
0x33e: {  	v62 =	vld.idx.msk [tilespmem:v47+s7+$0x0], $0xffff  }
0x33f: {  	v4 =	vadd.f32 v60, v4  }
0x340: {  	v63 =	vld.idx.msk [tilespmem:v48+s7+$0x0], $0xffff  }
0x341: {  	v4 =	vadd.f32 v61, v4  }
0x342: {  	v12 =	vld.idx.msk [tilespmem:v49+s7+$0x0], $0xffff  }
0x343: {  	v13 =	vadd.s32 $0x22F, v1;
	v4 =	vadd.f32 v62, v4  }
0x344: {  	v8 =	vld.idx.msk [tilespmem:v50+s7+$0x0], $0xffff  }
0x345: {  	v4 =	vadd.f32 v63, v4  }
0x346: {  	v14 =	vld.idx.msk [tilespmem:v51+s7+$0x0], $0xffff  }
0x347: {  	v4 =	vadd.f32 v12, v4  }
0x348: {  	v5 =	vld.idx.msk [tilespmem:v13+s7+$0x0], $0xffff  }
0x349: {  	v4 =	vadd.f32 v8, v4;
	_ =	sdelay $0x1  }
0x34a: {  	v4 =	vadd.f32 v14, v4;
	_ =	sdelay $0x1  }
0x34b: {  	v4 =	vadd.f32 v5, v4;
	_ =	sdelay $0x1  }
0x34c: {  	v4 =	vmul.f32 $1.442695020e+00, v4;
	_ =	sdelay $0x1  }
0x34d: {  	(erf) = vpow2.f32 v4;
	_ =	sdelay $0x4  }
0x34e: {  	v15 =	vor.u32 $0x2, v3  }
0x34f: {  	v16 =	vadd.s32 $0x330, v1;
	_ =	sdelay $0x1  }
0x350: {  	v17 =	vadd.s32 $0x331, v1  }
0x351: {  	v54 =	vpop (erf)  }
0x352: {  	v18 =	vadd.s32 $0x332, v1;
	[tilespmem:v15+s8+$0x0] =	vst.idx.msk $0xffff, v54  }
0x353: {  	v5 =	vld.idx.msk [tilespmem:v16+s7+$0x0], $0xffff  }
0x354: {  	v19 =	vadd.s32 $0x333, v1  }
0x355: {  	v6 =	vld.idx.msk [tilespmem:v17+s7+$0x0], $0xffff  }
0x356: {  	v20 =	vadd.s32 $0x334, v1  }
0x357: {  	v4 =	vld.idx.msk [tilespmem:v18+s7+$0x0], $0xffff  }
0x358: {  	v9 =	vadd.s32 $0x335, v1;
	v5 =	vadd.f32 $0.0e+00, v5  }
0x359: {  	v7 =	vld.idx.msk [tilespmem:v19+s7+$0x0], $0xffff  }
0x35a: {  	v21 =	vadd.s32 $0x336, v1;
	v5 =	vadd.f32 v6, v5  }
0x35b: {  	v8 =	vld.idx.msk [tilespmem:v20+s7+$0x0], $0xffff  }
0x35c: {  	v22 =	vadd.s32 $0x337, v1;
	v4 =	vadd.f32 v4, v5  }
0x35d: {  	v9 =	vld.idx.msk [tilespmem:v9+s7+$0x0], $0xffff  }
0x35e: {  	v23 =	vadd.s32 $0x338, v1;
	v4 =	vadd.f32 v7, v4  }
0x35f: {  	v6 =	vld.idx.msk [tilespmem:v21+s7+$0x0], $0xffff  }
0x360: {  	v55 =	vadd.s32 $0x339, v1;
	v4 =	vadd.f32 v8, v4  }
0x361: {  	v5 =	vld.idx.msk [tilespmem:v22+s7+$0x0], $0xffff  }
0x362: {  	v56 =	vadd.s32 $0x33A, v1;
	v4 =	vadd.f32 v9, v4  }
0x363: {  	v7 =	vld.idx.msk [tilespmem:v23+s7+$0x0], $0xffff  }
0x364: {  	v57 =	vadd.s32 $0x33B, v1;
	v4 =	vadd.f32 v6, v4  }
0x365: {  	v8 =	vld.idx.msk [tilespmem:v55+s7+$0x0], $0xffff  }
0x366: {  	v58 =	vadd.s32 $0x33C, v1;
	v4 =	vadd.f32 v5, v4  }
0x367: {  	v9 =	vld.idx.msk [tilespmem:v56+s7+$0x0], $0xffff  }
0x368: {  	v59 =	vadd.s32 $0x33D, v1;
	v4 =	vadd.f32 v7, v4  }
0x369: {  	v6 =	vld.idx.msk [tilespmem:v57+s7+$0x0], $0xffff  }
0x36a: {  	v60 =	vadd.s32 $0x33E, v1;
	v4 =	vadd.f32 v8, v4  }
0x36b: {  	v5 =	vld.idx.msk [tilespmem:v58+s7+$0x0], $0xffff  }
0x36c: {  	v61 =	vadd.s32 $0x33F, v1;
	v4 =	vadd.f32 v9, v4  }
0x36d: {  	v7 =	vld.idx.msk [tilespmem:v59+s7+$0x0], $0xffff  }
0x36e: {  	v4 =	vadd.f32 v6, v4  }
0x36f: {  	v62 =	vld.idx.msk [tilespmem:v60+s7+$0x0], $0xffff  }
0x370: {  	v4 =	vadd.f32 v5, v4  }
0x371: {  	v63 =	vld.idx.msk [tilespmem:v61+s7+$0x0], $0xffff  }
0x372: {  	v4 =	vadd.f32 v7, v4;
	_ =	sdelay $0x1  }
0x373: {  	v4 =	vadd.f32 v62, v4;
	_ =	sdelay $0x1  }
0x374: {  	v4 =	vadd.f32 v63, v4;
	_ =	sdelay $0x1  }
0x375: {  	v4 =	vmul.f32 $1.442695020e+00, v4;
	_ =	sdelay $0x1  }
0x376: {  	(erf) = vpow2.f32 v4;
	_ =	sdelay $0x4  }
0x377: {  	v3 =	vor.u32 $0x3, v3;
	_ =	sdelay $0x3  }
0x378: {  	v55 =	vpop (erf)  }
0x379: {  	s0 =	simm.s32 $0x0;
	p1 =	por $0x1, $0x1;
	[tilespmem:v3+s8+$0x0] =	vst.idx.msk $0xffff, v55  }
.LBB2_10:
0x37a: {  	s1 =	sor.u32 s11, s0  }
0x37b: {  	s6 =	sor.u32 $0x1, s0;
	s18 =	sor.u32 $0x2, s0;
	s28 =	sor.u32 $0x3, s0  }
0x37c: {  	s29 =	sor.u32 $0x4, s0;
	s30 =	sor.u32 $0x5, s0;
	s21 =	sor.u32 $0x6, s0  }
0x37d: {  	s15 =	sor.u32 $0x7, s0;
	s12 =	sshll.u32 s1, $0x8;
	s17 =	sor.u32 s11, s6  }
0x37e: {  	s31 =	sor.u32 s11, s18;
	s12 =	sand.u32 $0x3FFFFF00, s12;
	s14 =	sshll.u32 s17, $0x8  }
0x37f: {  	s3 =	sor.u32 s11, s28;
	s19 =	sshll.u32 s31, $0x8;
	s14 =	sand.u32 $0x7800, s14;
	v3 =	vld [tilespmem:s12+$0x400]  }
0x380: {  	s2 =	sor.u32 s11, s29;
	s23 =	sshll.u32 s3, $0x8;
	s19 =	sand.u32 $0x7800, s19;
	v4 =	vld [tilespmem:s14+$0x480]  }
0x381: {  	v56 =	vmov s0;
	s13 =	sor.u32 s11, s30;
	s24 =	sshll.u32 s2, $0x8;
	s23 =	sand.u32 $0x7800, s23;
	v5 =	vld [tilespmem:s19+$0x500]  }
0x382: {  	v6 =	vperm.xlane v52, v56;
	v57 =	vmov s6;
	s22 =	sor.u32 s11, s21;
	s26 =	sshll.u32 s13, $0x8;
	s24 =	sand.u32 $0x3FFFFF00, s24;
	v7 =	vld [tilespmem:s23+$0x580]  }
0x383: {  	v58 =	vmov s18;
	s6 =	sor.u32 s11, s15;
	v8 =	vperm.xlane v52, v57;
	s25 =	sshll.u32 s22, $0x8;
	s26 =	sand.u32 $0x7C00, s26;
	v9 =	vld [tilespmem:s24+$0x200]  }
0x384: {  	s1 =	sshll.u32 s1, $0x7;
	v60 =	vmov s28;
	v10 =	vperm.xlane v52, v58;
	s28 =	sshll.u32 s6, $0x8;
	s18 =	sor.u32 $0x300, s25;
	v11 =	vld [tilespmem:s26+$0x280];
	v3 =	vmul.f32 v3, v6  }
0x385: {  	v59 =	vmov s29;
	s29 =	sand.u32 $0x3FFFFF80, s1;
	s17 =	sshll.u32 s17, $0x7;
	v12 =	vperm.xlane v52, v60;
	v13 =	vld [tilespmem:s18+$0x0];
	s18 =	sor.u32 $0x380, s28;
	v4 =	vmul.f32 v4, v8  }
0x386: {  	v61 =	vmov s30;
	s31 =	sshll.u32 s31, $0x7;
	s30 =	sand.u32 $0x3FFFFF80, s17;
	v14 =	vld [tilespmem:s18+$0x0];
	[tilespmem:s29+$0x5000] =	vst v3;
	v3 =	vmul.f32 v5, v10;
	v5 =	vperm.xlane v52, v59  }
0x387: {  	v62 =	vmov s21;
	s1 =	sshll.u32 s3, $0x7;
	v21 =	vperm.xlane v52, v61;
	s31 =	sand.u32 $0x3FFFFF80, s31;
	v20 =	vmul.f32 v7, v12;
	v15 =	vld [tilespmem:s12+$0x410];
	[tilespmem:s30+$0x5000] =	vst v4  }
0x388: {  	v63 =	vmov s15;
	s2 =	sshll.u32 s2, $0x7;
	s0 =	sand.u32 $0x3FFFFF80, s1;
	v16 =	vld [tilespmem:s14+$0x490];
	[tilespmem:s31+$0x5000] =	vst v3;
	v3 =	vmul.f32 v9, v5;
	v9 =	vperm.xlane v52, v62  }
0x389: {  	s3 =	sshll.u32 s13, $0x7;
	s1 =	sand.u32 $0x3FFFFF80, s2;
	v22 =	vmul.f32 v11, v21;
	v11 =	vperm.xlane v52, v63;
	[tilespmem:s0+$0x5000] =	vst v20;
	v17 =	vld [tilespmem:s19+$0x510]  }
0x38a: {  	s13 =	sshll.u32 s22, $0x7;
	s17 =	sand.u32 $0x3FFFFF80, s3;
	[tilespmem:s1+$0x5000] =	vst v3;
	v3 =	vld [tilespmem:s23+$0x590];
	v13 =	vmul.f32 v13, v9  }
0x38b: {  	s15 =	sshll.u32 s6, $0x7;
	s18 =	sand.u32 $0x3FFFFF80, s13;
	[tilespmem:s17+$0x5000] =	vst v22;
	v14 =	vmul.f32 v14, v11;
	v23 =	vld [tilespmem:s24+$0x210]  }
0x38c: {  	s21 =	sor.u32 $0x310, s25;
	s6 =	sand.u32 $0x3FFFFF80, s15;
	v18 =	vld [tilespmem:s26+$0x290];
	v6 =	vmul.f32 v15, v6;
	[tilespmem:s18+$0x5000] =	vst v13  }
0x38d: {  	s22 =	sor.u32 $0x390, s28;
	[tilespmem:s6+$0x5000] =	vst v14;
	v8 =	vmul.f32 v16, v8;
	v13 =	vld [tilespmem:s21+$0x0]  }
0x38e: {  	v20 =	vld [tilespmem:s22+$0x0];
	[tilespmem:s29+$0x5010] =	vst v6;
	v19 =	vmul.f32 v17, v10  }
0x38f: {  	v16 =	vld [tilespmem:s12+$0x420];
	[tilespmem:s30+$0x5010] =	vst v8;
	v3 =	vmul.f32 v3, v12  }
0x390: {  	v8 =	vld [tilespmem:s14+$0x4A0];
	[tilespmem:s31+$0x5010] =	vst v19;
	v4 =	vmul.f32 v23, v5  }
0x391: {  	v17 =	vld [tilespmem:s19+$0x520];
	[tilespmem:s0+$0x5010] =	vst v3;
	v3 =	vmul.f32 v18, v21  }
0x392: {  	v6 =	vperm.xlane v53, v56;
	v21 =	vld [tilespmem:s23+$0x5A0];
	[tilespmem:s1+$0x5010] =	vst v4;
	v22 =	vmul.f32 v13, v9  }
0x393: {  	v9 =	vperm.xlane v53, v57;
	v23 =	vld [tilespmem:s24+$0x220];
	[tilespmem:s17+$0x5010] =	vst v3;
	v3 =	vmul.f32 v20, v11  }
0x394: {  	s3 =	sor.u32 $0x320, s25;
	v11 =	vperm.xlane v53, v58;
	v18 =	vmul.f32 v16, v6;
	v13 =	vld [tilespmem:s26+$0x2A0];
	[tilespmem:s18+$0x5010] =	vst v22  }
0x395: {  	s13 =	sor.u32 $0x3A0, s28;
	v19 =	vmul.f32 v8, v9;
	v8 =	vperm.xlane v53, v60;
	v20 =	vld [tilespmem:s3+$0x0];
	[tilespmem:s6+$0x5010] =	vst v3  }
0x396: {  	v5 =	vperm.xlane v53, v59;
	[tilespmem:s29+$0x5020] =	vst v18;
	v3 =	vmul.f32 v17, v11;
	v10 =	vld [tilespmem:s13+$0x0]  }
0x397: {  	v7 =	vperm.xlane v53, v61;
	v15 =	vld [tilespmem:s12+$0x430];
	[tilespmem:s30+$0x5020] =	vst v19;
	v21 =	vmul.f32 v21, v8  }
0x398: {  	v12 =	vperm.xlane v53, v62;
	v22 =	vld [tilespmem:s14+$0x4B0];
	[tilespmem:s31+$0x5020] =	vst v3;
	v3 =	vmul.f32 v23, v5  }
0x399: {  	v23 =	vld [tilespmem:s19+$0x530];
	[tilespmem:s0+$0x5020] =	vst v21;
	v19 =	vmul.f32 v13, v7;
	v13 =	vperm.xlane v53, v63  }
0x39a: {  	[tilespmem:s1+$0x5020] =	vst v3;
	v3 =	vld [tilespmem:s23+$0x5B0];
	v14 =	vmul.f32 v20, v12  }
0x39b: {  	[tilespmem:s17+$0x5020] =	vst v19;
	v20 =	vld [tilespmem:s24+$0x230];
	v10 =	vmul.f32 v10, v13  }
0x39c: {  	s15 =	sor.u32 $0x330, s25;
	v6 =	vmul.f32 v15, v6;
	v21 =	vld [tilespmem:s26+$0x2B0];
	[tilespmem:s18+$0x5020] =	vst v14  }
0x39d: {  	s21 =	sor.u32 $0x3B0, s28;
	v9 =	vmul.f32 v22, v9;
	v14 =	vld [tilespmem:s15+$0x0];
	[tilespmem:s6+$0x5020] =	vst v10  }
0x39e: {  	[tilespmem:s29+$0x5030] =	vst v6;
	v22 =	vmul.f32 v23, v11;
	v10 =	vld [tilespmem:s21+$0x0]  }
0x39f: {  	v23 =	vld [tilespmem:s12+$0x440];
	[tilespmem:s30+$0x5030] =	vst v9;
	v3 =	vmul.f32 v3, v8  }
0x3a0: {  	v16 =	vld [tilespmem:s14+$0x4C0];
	[tilespmem:s31+$0x5030] =	vst v22;
	v4 =	vmul.f32 v20, v5  }
0x3a1: {  	v17 =	vld [tilespmem:s19+$0x540];
	[tilespmem:s0+$0x5030] =	vst v3;
	v3 =	vmul.f32 v21, v7  }
0x3a2: {  	v6 =	vperm.xlane v54, v56;
	v18 =	vld [tilespmem:s23+$0x5C0];
	[tilespmem:s1+$0x5030] =	vst v4;
	v19 =	vmul.f32 v14, v12  }
0x3a3: {  	v9 =	vperm.xlane v54, v57;
	v12 =	vld [tilespmem:s24+$0x240];
	[tilespmem:s17+$0x5030] =	vst v3;
	v3 =	vmul.f32 v10, v13  }
0x3a4: {  	s22 =	sor.u32 $0x340, s25;
	v11 =	vperm.xlane v54, v58;
	v20 =	vmul.f32 v23, v6;
	v13 =	vld [tilespmem:s26+$0x2C0];
	[tilespmem:s18+$0x5030] =	vst v19  }
0x3a5: {  	s3 =	sor.u32 $0x3C0, s28;
	v8 =	vperm.xlane v54, v60;
	v21 =	vmul.f32 v16, v9;
	v22 =	vld [tilespmem:s22+$0x0];
	[tilespmem:s6+$0x5030] =	vst v3  }
0x3a6: {  	v5 =	vperm.xlane v54, v59;
	[tilespmem:s29+$0x5040] =	vst v20;
	v3 =	vmul.f32 v17, v11;
	v10 =	vld [tilespmem:s3+$0x0]  }
0x3a7: {  	v7 =	vperm.xlane v54, v61;
	v15 =	vld [tilespmem:s12+$0x450];
	[tilespmem:s30+$0x5040] =	vst v21;
	v23 =	vmul.f32 v18, v8  }
0x3a8: {  	v16 =	vld [tilespmem:s14+$0x4D0];
	[tilespmem:s31+$0x5040] =	vst v3;
	v3 =	vmul.f32 v12, v5;
	v12 =	vperm.xlane v54, v62  }
0x3a9: {  	v20 =	vld [tilespmem:s19+$0x550];
	[tilespmem:s0+$0x5040] =	vst v23;
	v21 =	vmul.f32 v13, v7;
	v13 =	vperm.xlane v54, v63  }
0x3aa: {  	[tilespmem:s1+$0x5040] =	vst v3;
	v3 =	vld [tilespmem:s23+$0x5D0];
	v14 =	vmul.f32 v22, v12  }
0x3ab: {  	[tilespmem:s17+$0x5040] =	vst v21;
	v22 =	vld [tilespmem:s24+$0x250];
	v10 =	vmul.f32 v10, v13  }
0x3ac: {  	s13 =	sor.u32 $0x350, s25;
	v6 =	vmul.f32 v15, v6;
	[tilespmem:s18+$0x5040] =	vst v14;
	v23 =	vld [tilespmem:s26+$0x2D0]  }
0x3ad: {  	s15 =	sor.u32 $0x3D0, s28;
	v9 =	vmul.f32 v16, v9;
	[tilespmem:s6+$0x5040] =	vst v10;
	v18 =	vld [tilespmem:s13+$0x0]  }
0x3ae: {  	[tilespmem:s29+$0x5050] =	vst v6;
	v19 =	vmul.f32 v20, v11;
	v20 =	vld [tilespmem:s15+$0x0]  }
0x3af: {  	[tilespmem:s30+$0x5050] =	vst v9;
	v3 =	vmul.f32 v3, v8;
	v21 =	vld [tilespmem:s12+$0x460]  }
0x3b0: {  	[tilespmem:s31+$0x5050] =	vst v19;
	v4 =	vmul.f32 v22, v5;
	v22 =	vld [tilespmem:s14+$0x4E0]  }
0x3b1: {  	[tilespmem:s0+$0x5050] =	vst v3;
	v3 =	vmul.f32 v23, v7;
	v6 =	vld [tilespmem:s19+$0x560]  }
0x3b2: {  	[tilespmem:s1+$0x5050] =	vst v4;
	v4 =	vperm.xlane v55, v56;
	v23 =	vmul.f32 v18, v12;
	v56 =	vld [tilespmem:s23+$0x5E0]  }
0x3b3: {  	v10 =	vperm.xlane v55, v57;
	[tilespmem:s17+$0x5050] =	vst v3;
	v3 =	vld [tilespmem:s24+$0x260];
	v11 =	vmul.f32 v20, v13  }
0x3b4: {  	s21 =	sor.u32 $0x360, s25;
	v12 =	vperm.xlane v55, v58;
	v8 =	vmul.f32 v21, v4;
	v57 =	vld [tilespmem:s26+$0x2E0];
	[tilespmem:s18+$0x5050] =	vst v23  }
0x3b5: {  	s22 =	sor.u32 $0x3E0, s28;
	v7 =	vperm.xlane v55, v60;
	v5 =	vmul.f32 v22, v10;
	v58 =	vld [tilespmem:s21+$0x0];
	[tilespmem:s6+$0x5050] =	vst v11  }
0x3b6: {  	v11 =	vld [tilespmem:s22+$0x0];
	[tilespmem:s29+$0x5060] =	vst v8;
	v6 =	vmul.f32 v6, v12;
	v8 =	vperm.xlane v55, v59  }
0x3b7: {  	v9 =	vperm.xlane v55, v61;
	v15 =	vld [tilespmem:s12+$0x470];
	[tilespmem:s30+$0x5060] =	vst v5;
	v60 =	vmul.f32 v56, v7  }
0x3b8: {  	v21 =	vperm.xlane v55, v62;
	v61 =	vld [tilespmem:s14+$0x4F0];
	[tilespmem:s31+$0x5060] =	vst v6;
	v3 =	vmul.f32 v3, v8  }
0x3b9: {  	v56 =	vperm.xlane v55, v63;
	v22 =	vld [tilespmem:s19+$0x570];
	[tilespmem:s0+$0x5060] =	vst v60;
	v23 =	vmul.f32 v57, v9  }
0x3ba: {  	v18 =	vld [tilespmem:s23+$0x5F0];
	[tilespmem:s1+$0x5060] =	vst v3;
	v3 =	vmul.f32 v58, v21  }
0x3bb: {  	v57 =	vld [tilespmem:s24+$0x270];
	[tilespmem:s17+$0x5060] =	vst v23;
	v58 =	vmul.f32 v11, v56  }
0x3bc: {  	v59 =	vld [tilespmem:s26+$0x2F0];
	v4 =	vmul.f32 v15, v4;
	[tilespmem:s18+$0x5060] =	vst v3;
	s26 =	sor.u32 $0x370, s25  }
0x3bd: {  	s28 =	sor.u32 $0x3F0, s28;
	v3 =	vld [tilespmem:s26+$0x0];
	v10 =	vmul.f32 v61, v10;
	[tilespmem:s6+$0x5060] =	vst v58  }
0x3be: {  	[tilespmem:s29+$0x5070] =	vst v4;
	v60 =	vld [tilespmem:s28+$0x0];
	v61 =	vmul.f32 v22, v12  }
0x3bf: {  	[tilespmem:s30+$0x5070] =	vst v10;
	v7 =	vmul.f32 v18, v7  }
0x3c0: {  	p2 =	por p1, p1;
	[tilespmem:s31+$0x5070] =	vst v61;
	v62 =	vmul.f32 v57, v8  }
.Ltmp3:
0x3c1: {  	[tilespmem:s0+$0x5070] =	vst v7;
	v63 =	vmul.f32 v59, v9;
	(pc) =	sbr.rel @p2 .LBB2_10-.Ltmp3, $4  }
0x3c2: {  	[tilespmem:s1+$0x5070] =	vst v62;
	v3 =	vmul.f32 v3, v21  }
0x3c3: {  	[tilespmem:s17+$0x5070] =	vst v63;
	v4 =	vmul.f32 v60, v56  }
0x3c4: {  	[tilespmem:s18+$0x5070] =	vst v3  }
0x3c5: {  	p1 =	por $0x0, $0x0;
	s0 =	simm.s32 $0x8;
	[tilespmem:s6+$0x5070] =	vst v4  }
0x3c6: {  	s9 =	sadd.s32 $0x1, s9  }
0x3c7: {  	p1 =	sne.s32 s9, $0x5  }
.Ltmp4:
0x3c8: {  	_ = 	snop;
	(pc) =	sbr.rel @p1 .LBB2_7-.Ltmp4, $1  }
0x3c9: {  	_ =	sdelay $0x3  }
0x3ca: {  	s0 =	rddreg [dreg:$0x2];
	s9 =	simm.s32 $0x50;
	s11 =	simm.s32 $0x5000  }
0x3cb: {  	[spmem:s0] =	stream.indirect.scatter.add.f32 [tilespmem:s11], [sflag:$0x1], $0x80, s20, s9, $0xb8;
	[tilespmem:$0x1FC00] =	vst v63  }
0x3cc: {  	s31 =	rddreg [dreg:$0x3];
	s3 =	simm.s32 $0x1  }
0x3cd: {  	[spmem:s31] =	stream.indirect.scatter.add.f32 [tilespmem:s8], [sflag:$0x2], $0x80, s4, s9, $0xb8;
	[tilespmem:$0x1FC00] =	vst v63  }
0x3ce: {  	_ =	swait.ge [sflag:s3], $0x2800  }
0x3cf: {  	[sflag:s3] =	ssyncset.done $0x0  }
0x3d0: {  	s6 =	simm.s32 $0x2;
	[sflag:s3] =	ssyncadd.s32 $0xFFFFD800  }
0x3d1: {  	_ =	swait.ge [sflag:s6], $0x2800  }
0x3d2: {  	[sflag:s6] =	ssyncset.done $0x0  }
0x3d3: {  	[sflag:s6] =	ssyncadd.s32 $0xFFFFD800  }
0x3d4: {  	v3 =	vld.idx.msk [tilespmem:v0+s20+$0x0], $0xffff;
	_ =	sdelay $0x4  }
0x3d5: {  	v4 =	vmul.u32 $0x80, v0;
	v3 =	vshll.u32 v3, $0x2  }
0x3d6: {  	v3 =	vand.u32 $0x7C, v3  }
0x3d7: {  	v6 =	vor.u32 $0x1, v4;
	v5 =	vor.u32 v4, v3  }
0x3d8: {  	v7 =	vor.u32 $0x2, v4;
	v6 =	vor.u32 v6, v3  }
0x3d9: {  	v8 =	vor.u32 $0x3, v4;
	v7 =	vor.u32 v7, v3  }
0x3da: {  	v3 =	vor.u32 v8, v3  }
0x3db: {  	v17 =	vor.u32 $0x10, v0  }
0x3dc: {  	[tilespmem:v5+s8+$0x0] =	vst.idx.msk $0xffff, v2  }
0x3dd: {  	[tilespmem:v6+s8+$0x0] =	vst.idx.msk $0xffff, v2  }
0x3de: {  	[tilespmem:v7+s8+$0x0] =	vst.idx.msk $0xffff, v2  }
0x3df: {  	[tilespmem:v3+s8+$0x0] =	vst.idx.msk $0xffff, v2  }
0x3e0: {  	v3 =	vld.idx.msk [tilespmem:v17+s20+$0x0], $0xffff;
	_ =	sdelay $0x4  }
0x3e1: {  	v3 =	vshll.u32 v3, $0x2  }
0x3e2: {  	v18 =	vor.u32 $0x800, v4;
	v3 =	vand.u32 $0x7C, v3  }
0x3e3: {  	v19 =	vor.u32 $0x801, v4;
	v5 =	vor.u32 v18, v3  }
0x3e4: {  	v20 =	vor.u32 $0x802, v4;
	v6 =	vor.u32 v19, v3  }
0x3e5: {  	v21 =	vor.u32 $0x803, v4;
	v7 =	vor.u32 v20, v3  }
0x3e6: {  	v3 =	vor.u32 v21, v3  }
0x3e7: {  	v22 =	vor.u32 $0x20, v0  }
0x3e8: {  	[tilespmem:v5+s8+$0x0] =	vst.idx.msk $0xffff, v2  }
0x3e9: {  	[tilespmem:v6+s8+$0x0] =	vst.idx.msk $0xffff, v2  }
0x3ea: {  	[tilespmem:v7+s8+$0x0] =	vst.idx.msk $0xffff, v2  }
0x3eb: {  	[tilespmem:v3+s8+$0x0] =	vst.idx.msk $0xffff, v2  }
0x3ec: {  	v3 =	vld.idx.msk [tilespmem:v22+s20+$0x0], $0xffff;
	_ =	sdelay $0x4  }
0x3ed: {  	v3 =	vshll.u32 v3, $0x2  }
0x3ee: {  	v23 =	vor.u32 $0x1000, v4;
	v3 =	vand.u32 $0x7C, v3  }
0x3ef: {  	v52 =	vor.u32 $0x1001, v4;
	v5 =	vor.u32 v23, v3  }
0x3f0: {  	v53 =	vor.u32 $0x1002, v4;
	v6 =	vor.u32 v52, v3  }
0x3f1: {  	v54 =	vor.u32 $0x1003, v4;
	v7 =	vor.u32 v53, v3  }
0x3f2: {  	v3 =	vor.u32 v54, v3  }
0x3f3: {  	v55 =	vor.u32 $0x30, v0  }
0x3f4: {  	[tilespmem:v5+s8+$0x0] =	vst.idx.msk $0xffff, v2  }
0x3f5: {  	[tilespmem:v6+s8+$0x0] =	vst.idx.msk $0xffff, v2  }
0x3f6: {  	[tilespmem:v7+s8+$0x0] =	vst.idx.msk $0xffff, v2  }
0x3f7: {  	[tilespmem:v3+s8+$0x0] =	vst.idx.msk $0xffff, v2  }
0x3f8: {  	v3 =	vld.idx.msk [tilespmem:v55+s20+$0x0], $0xffff;
	_ =	sdelay $0x4  }
0x3f9: {  	v3 =	vshll.u32 v3, $0x2  }
0x3fa: {  	v56 =	vor.u32 $0x1800, v4;
	v3 =	vand.u32 $0x7C, v3  }
0x3fb: {  	v57 =	vor.u32 $0x1801, v4;
	v5 =	vor.u32 v56, v3  }
0x3fc: {  	v58 =	vor.u32 $0x1802, v4;
	v6 =	vor.u32 v57, v3  }
0x3fd: {  	v59 =	vor.u32 $0x1803, v4;
	v7 =	vor.u32 v58, v3  }
0x3fe: {  	v3 =	vor.u32 v59, v3  }
0x3ff: {  	v60 =	vor.u32 $0x40, v0  }
0x400: {  	[tilespmem:v5+s8+$0x0] =	vst.idx.msk $0xffff, v2  }
0x401: {  	[tilespmem:v6+s8+$0x0] =	vst.idx.msk $0xffff, v2  }
0x402: {  	[tilespmem:v7+s8+$0x0] =	vst.idx.msk $0xffff, v2  }
0x403: {  	[tilespmem:v3+s8+$0x0] =	vst.idx.msk $0xffff, v2  }
0x404: {  	v3 =	vld.idx.msk [tilespmem:v60+s20+$0x0], $0xffff;
	_ =	sdelay $0x4  }
0x405: {  	v3 =	vshll.u32 v3, $0x2  }
0x406: {  	v61 =	vor.u32 $0x2000, v4;
	v3 =	vand.u32 $0x7C, v3  }
0x407: {  	v62 =	vor.u32 $0x2001, v4;
	v5 =	vor.u32 v61, v3  }
0x408: {  	v63 =	vor.u32 $0x2002, v4;
	v6 =	vor.u32 v62, v3  }
0x409: {  	s5 =	sadd.s32 $0x1, s5;
	v4 =	vor.u32 $0x2003, v4;
	v7 =	vor.u32 v63, v3  }
0x40a: {  	p1 =	sne.s32 s5, $0x7D;
	v3 =	vor.u32 v4, v3  }
.Ltmp5:
0x40b: {  	_ = 	snop;
	(pc) =	sbr.rel @p1 .LBB2_6-.Ltmp5, $4  }
0x40c: {  	[tilespmem:v5+s8+$0x0] =	vst.idx.msk $0xffff, v2  }
0x40d: {  	[tilespmem:v6+s8+$0x0] =	vst.idx.msk $0xffff, v2  }
0x40e: {  	[tilespmem:v7+s8+$0x0] =	vst.idx.msk $0xffff, v2  }
0x40f: {  	[tilespmem:v3+s8+$0x0] =	vst.idx.msk $0xffff, v2  }
0x410: {  	[bflag:$0x0] =	sbarrier.arrive $0xFFFF  }
0x411: {  	s5 =	sld [smem:$0x7E8];
	_ =	sdelay $0x1  }
0x412: {  	s2 =	simm.s32 $0xA600;
	s3 =	simm.s32 $0x3  }
0x413: {  	[tilespmem:s2], [sflag:$0x3] =	stream.linear.gather [spmem:s5], $0x800, $0x38;
	[tilespmem:$0x1FC00] =	vst v63  }
0x414: {  	_ =	swait.ge [sflag:s3], $0x800  }
0x415: {  	[sflag:s3] =	ssyncset.done $0x0  }
0x416: {  	s0 =	simm.s32 $0x0;
	s1 =	rddreg [dreg:$0x5];
	[sflag:s3] =	ssyncadd.s32 $0xFFFFF800  }
0x417: {  	[hbm4b:s1+s0] =	stream.linear.scatter [tilespmem:s2], [sflag:$0x3], $0x800, $0x38;
	[tilespmem:$0x1FC00] =	vst v63  }
0x418: {  	_ =	swait.ge [sflag:s3], $0x800  }
0x419: {  	s6 =	sld [smem:$0x7E9]  }
0x41a: {  	[sflag:s3] =	ssyncset.done $0x0  }
0x41b: {  	[sflag:s3] =	ssyncadd.s32 $0xFFFFF800  }
0x41c: {  	[tilespmem:s2], [sflag:$0x3] =	stream.linear.gather [spmem:s6], $0x800, $0x38;
	[tilespmem:$0x1FC00] =	vst v63  }
0x41d: {  	_ =	swait.ge [sflag:s3], $0x800  }
0x41e: {  	[sflag:s3] =	ssyncset.done $0x0  }
0x41f: {  	s21 =	rddreg [dreg:$0x6];
	[sflag:s3] =	ssyncadd.s32 $0xFFFFF800  }
0x420: {  	[hbm4b:s21+s0] =	stream.linear.scatter [tilespmem:s2], [sflag:$0x3], $0x800, $0x38;
	[tilespmem:$0x1FC00] =	vst v63  }
0x421: {  	_ =	swait.ge [sflag:s3], $0x800  }
0x422: {  	s21 =	sld [smem:$0x7EA]  }
0x423: {  	[sflag:s3] =	ssyncset.done $0x0  }
0x424: {  	[sflag:s3] =	ssyncadd.s32 $0xFFFFF800  }
0x425: {  	[tilespmem:s2], [sflag:$0x3] =	stream.linear.gather [spmem:s21], $0x800, $0x38;
	[tilespmem:$0x1FC00] =	vst v63  }
0x426: {  	_ =	swait.ge [sflag:s3], $0x800  }
0x427: {  	[sflag:s3] =	ssyncset.done $0x0  }
0x428: {  	s22 =	rddreg [dreg:$0x7];
	[sflag:s3] =	ssyncadd.s32 $0xFFFFF800  }
0x429: {  	[hbm4b:s22+s0] =	stream.linear.scatter [tilespmem:s2], [sflag:$0x3], $0x800, $0x38;
	[tilespmem:$0x1FC00] =	vst v63  }
0x42a: {  	_ =	swait.ge [sflag:s3], $0x800  }
0x42b: {  	s22 =	sld [smem:$0x7EB]  }
0x42c: {  	[sflag:s3] =	ssyncset.done $0x0  }
0x42d: {  	[sflag:s3] =	ssyncadd.s32 $0xFFFFF800  }
0x42e: {  	[tilespmem:s2], [sflag:$0x3] =	stream.linear.gather [spmem:s22], $0x800, $0x38;
	[tilespmem:$0x1FC00] =	vst v63  }
0x42f: {  	_ =	swait.ge [sflag:s3], $0x800  }
0x430: {  	[sflag:s3] =	ssyncset.done $0x0  }
0x431: {  	s23 =	rddreg [dreg:$0x8];
	[sflag:s3] =	ssyncadd.s32 $0xFFFFF800  }
0x432: {  	[hbm4b:s23+s0] =	stream.linear.scatter [tilespmem:s2], [sflag:$0x3], $0x800, $0x38;
	[tilespmem:$0x1FC00] =	vst v63  }
0x433: {  	_ =	swait.ge [sflag:s3], $0x800  }
0x434: {  	s23 =	sld [smem:$0x7EC]  }
0x435: {  	[sflag:s3] =	ssyncset.done $0x0  }
0x436: {  	[sflag:s3] =	ssyncadd.s32 $0xFFFFF800  }
0x437: {  	[tilespmem:s2], [sflag:$0x3] =	stream.linear.gather [spmem:s23], $0x800, $0x38;
	[tilespmem:$0x1FC00] =	vst v63  }
0x438: {  	_ =	swait.ge [sflag:s3], $0x800  }
0x439: {  	[sflag:s3] =	ssyncset.done $0x0  }
0x43a: {  	s24 =	rddreg [dreg:$0x9];
	[sflag:s3] =	ssyncadd.s32 $0xFFFFF800  }
0x43b: {  	[hbm4b:s24+s0] =	stream.linear.scatter [tilespmem:s2], [sflag:$0x3], $0x800, $0x38;
	[tilespmem:$0x1FC00] =	vst v63  }
0x43c: {  	_ =	swait.ge [sflag:s3], $0x800  }
0x43d: {  	s24 =	sld [smem:$0x7ED]  }
0x43e: {  	[sflag:s3] =	ssyncset.done $0x0  }
0x43f: {  	[sflag:s3] =	ssyncadd.s32 $0xFFFFF800  }
0x440: {  	[tilespmem:s2], [sflag:$0x3] =	stream.linear.gather [spmem:s24], $0x800, $0x38;
	[tilespmem:$0x1FC00] =	vst v63  }
0x441: {  	_ =	swait.ge [sflag:s3], $0x800  }
0x442: {  	[sflag:s3] =	ssyncset.done $0x0  }
0x443: {  	s25 =	rddreg [dreg:$0xa];
	[sflag:s3] =	ssyncadd.s32 $0xFFFFF800  }
0x444: {  	[hbm4b:s25+s0] =	stream.linear.scatter [tilespmem:s2], [sflag:$0x3], $0x800, $0x38;
	[tilespmem:$0x1FC00] =	vst v63  }
0x445: {  	_ =	swait.ge [sflag:s3], $0x800  }
0x446: {  	s25 =	sld [smem:$0x7EE]  }
0x447: {  	[sflag:s3] =	ssyncset.done $0x0  }
0x448: {  	[sflag:s3] =	ssyncadd.s32 $0xFFFFF800  }
0x449: {  	[tilespmem:s2], [sflag:$0x3] =	stream.linear.gather [spmem:s25], $0x800, $0x38;
	[tilespmem:$0x1FC00] =	vst v63  }
0x44a: {  	_ =	swait.ge [sflag:s3], $0x800  }
0x44b: {  	[sflag:s3] =	ssyncset.done $0x0  }
0x44c: {  	s26 =	rddreg [dreg:$0xb];
	[sflag:s3] =	ssyncadd.s32 $0xFFFFF800  }
0x44d: {  	[hbm4b:s26+s0] =	stream.linear.scatter [tilespmem:s2], [sflag:$0x3], $0x800, $0x38;
	[tilespmem:$0x1FC00] =	vst v63  }
0x44e: {  	_ =	swait.ge [sflag:s3], $0x800  }
0x44f: {  	s26 =	sld [smem:$0x7EF]  }
0x450: {  	[sflag:s3] =	ssyncset.done $0x0  }
0x451: {  	[sflag:s3] =	ssyncadd.s32 $0xFFFFF800  }
0x452: {  	[tilespmem:s2], [sflag:$0x3] =	stream.linear.gather [spmem:s26], $0x800, $0x38;
	[tilespmem:$0x1FC00] =	vst v63  }
0x453: {  	_ =	swait.ge [sflag:s3], $0x800  }
0x454: {  	[sflag:s3] =	ssyncset.done $0x0  }
0x455: {  	s9 =	rddreg [dreg:$0xc];
	[sflag:s3] =	ssyncadd.s32 $0xFFFFF800  }
0x456: {  	[hbm4b:s9+s0] =	stream.linear.scatter [tilespmem:s2], [sflag:$0x3], $0x800, $0x38;
	[tilespmem:$0x1FC00] =	vst v63  }
0x457: {  	_ =	swait.ge [sflag:s3], $0x800  }
0x458: {  	s28 =	sld [smem:$0x7F0]  }
0x459: {  	[sflag:s3] =	ssyncset.done $0x0  }
0x45a: {  	[sflag:s3] =	ssyncadd.s32 $0xFFFFF800  }
0x45b: {  	[tilespmem:s2], [sflag:$0x3] =	stream.linear.gather [spmem:s28], $0x800, $0x38;
	[tilespmem:$0x1FC00] =	vst v63  }
0x45c: {  	_ =	swait.ge [sflag:s3], $0x800  }
0x45d: {  	[sflag:s3] =	ssyncset.done $0x0  }
0x45e: {  	s10 =	rddreg [dreg:$0xd];
	[sflag:s3] =	ssyncadd.s32 $0xFFFFF800  }
0x45f: {  	[hbm4b:s10+s0] =	stream.linear.scatter [tilespmem:s2], [sflag:$0x3], $0x800, $0x38;
	[tilespmem:$0x1FC00] =	vst v63  }
0x460: {  	_ =	swait.ge [sflag:s3], $0x800  }
0x461: {  	s29 =	sld [smem:$0x7F1]  }
0x462: {  	[sflag:s3] =	ssyncset.done $0x0  }
0x463: {  	[sflag:s3] =	ssyncadd.s32 $0xFFFFF800  }
0x464: {  	[tilespmem:s2], [sflag:$0x3] =	stream.linear.gather [spmem:s29], $0x800, $0x38;
	[tilespmem:$0x1FC00] =	vst v63  }
0x465: {  	_ =	swait.ge [sflag:s3], $0x800  }
0x466: {  	[sflag:s3] =	ssyncset.done $0x0  }
0x467: {  	s11 =	rddreg [dreg:$0xe];
	[sflag:s3] =	ssyncadd.s32 $0xFFFFF800  }
0x468: {  	[hbm4b:s11+s0] =	stream.linear.scatter [tilespmem:s2], [sflag:$0x3], $0x800, $0x38;
	[tilespmem:$0x1FC00] =	vst v63  }
0x469: {  	_ =	swait.ge [sflag:s3], $0x800  }
0x46a: {  	s30 =	sld [smem:$0x7F2]  }
0x46b: {  	[sflag:s3] =	ssyncset.done $0x0  }
0x46c: {  	[sflag:s3] =	ssyncadd.s32 $0xFFFFF800  }
0x46d: {  	[tilespmem:s2], [sflag:$0x3] =	stream.linear.gather [spmem:s30], $0x800, $0x38;
	[tilespmem:$0x1FC00] =	vst v63  }
0x46e: {  	_ =	swait.ge [sflag:s3], $0x800  }
0x46f: {  	[sflag:s3] =	ssyncset.done $0x0  }
0x470: {  	s12 =	rddreg [dreg:$0xf];
	[sflag:s3] =	ssyncadd.s32 $0xFFFFF800  }
0x471: {  	[hbm4b:s12+s0] =	stream.linear.scatter [tilespmem:s2], [sflag:$0x3], $0x800, $0x38;
	[tilespmem:$0x1FC00] =	vst v63  }
0x472: {  	_ =	swait.ge [sflag:s3], $0x800  }
0x473: {  	s10 =	sld [smem:$0x7F3]  }
0x474: {  	[sflag:s3] =	ssyncset.done $0x0  }
0x475: {  	[sflag:s3] =	ssyncadd.s32 $0xFFFFF800  }
0x476: {  	[tilespmem:s2], [sflag:$0x3] =	stream.linear.gather [spmem:s10], $0x800, $0x38;
	[tilespmem:$0x1FC00] =	vst v63  }
0x477: {  	_ =	swait.ge [sflag:s3], $0x800  }
0x478: {  	[sflag:s3] =	ssyncset.done $0x0  }
0x479: {  	s13 =	rddreg [dreg:$0x10];
	[sflag:s3] =	ssyncadd.s32 $0xFFFFF800  }
0x47a: {  	[hbm4b:s13+s0] =	stream.linear.scatter [tilespmem:s2], [sflag:$0x3], $0x800, $0x38;
	[tilespmem:$0x1FC00] =	vst v63  }
0x47b: {  	_ =	swait.ge [sflag:s3], $0x800  }
0x47c: {  	s11 =	sld [smem:$0x7F4]  }
0x47d: {  	[sflag:s3] =	ssyncset.done $0x0  }
0x47e: {  	[sflag:s3] =	ssyncadd.s32 $0xFFFFF800  }
0x47f: {  	[tilespmem:s2], [sflag:$0x3] =	stream.linear.gather [spmem:s11], $0x800, $0x38;
	[tilespmem:$0x1FC00] =	vst v63  }
0x480: {  	_ =	swait.ge [sflag:s3], $0x800  }
0x481: {  	[sflag:s3] =	ssyncset.done $0x0  }
0x482: {  	s14 =	rddreg [dreg:$0x11];
	[sflag:s3] =	ssyncadd.s32 $0xFFFFF800  }
0x483: {  	[hbm4b:s14+s0] =	stream.linear.scatter [tilespmem:s2], [sflag:$0x3], $0x800, $0x38;
	[tilespmem:$0x1FC00] =	vst v63  }
0x484: {  	_ =	swait.ge [sflag:s3], $0x800  }
0x485: {  	s12 =	sld [smem:$0x7F5]  }
0x486: {  	[sflag:s3] =	ssyncset.done $0x0  }
0x487: {  	[sflag:s3] =	ssyncadd.s32 $0xFFFFF800  }
0x488: {  	[tilespmem:s2], [sflag:$0x3] =	stream.linear.gather [spmem:s12], $0x800, $0x38;
	[tilespmem:$0x1FC00] =	vst v63  }
0x489: {  	_ =	swait.ge [sflag:s3], $0x800  }
0x48a: {  	[sflag:s3] =	ssyncset.done $0x0  }
0x48b: {  	s15 =	rddreg [dreg:$0x12];
	[sflag:s3] =	ssyncadd.s32 $0xFFFFF800  }
0x48c: {  	[hbm4b:s15+s0] =	stream.linear.scatter [tilespmem:s2], [sflag:$0x3], $0x800, $0x38;
	[tilespmem:$0x1FC00] =	vst v63  }
0x48d: {  	_ =	swait.ge [sflag:s3], $0x800  }
0x48e: {  	s13 =	sld [smem:$0x7F6]  }
0x48f: {  	[sflag:s3] =	ssyncset.done $0x0  }
0x490: {  	[sflag:s3] =	ssyncadd.s32 $0xFFFFF800  }
0x491: {  	[tilespmem:s2], [sflag:$0x3] =	stream.linear.gather [spmem:s13], $0x800, $0x38;
	[tilespmem:$0x1FC00] =	vst v63  }
0x492: {  	_ =	swait.ge [sflag:s3], $0x800  }
0x493: {  	[sflag:s3] =	ssyncset.done $0x0  }
0x494: {  	s17 =	rddreg [dreg:$0x13];
	[sflag:s3] =	ssyncadd.s32 $0xFFFFF800  }
0x495: {  	[hbm4b:s17+s0] =	stream.linear.scatter [tilespmem:s2], [sflag:$0x3], $0x800, $0x38;
	[tilespmem:$0x1FC00] =	vst v63  }
0x496: {  	_ =	swait.ge [sflag:s3], $0x800  }
0x497: {  	s14 =	sld [smem:$0x7F7]  }
0x498: {  	[sflag:s3] =	ssyncset.done $0x0  }
0x499: {  	[sflag:s3] =	ssyncadd.s32 $0xFFFFF800  }
0x49a: {  	[tilespmem:s2], [sflag:$0x3] =	stream.linear.gather [spmem:s14], $0x800, $0x38;
	[tilespmem:$0x1FC00] =	vst v63  }
0x49b: {  	_ =	swait.ge [sflag:s3], $0x800  }
0x49c: {  	[sflag:s3] =	ssyncset.done $0x0  }
0x49d: {  	s18 =	rddreg [dreg:$0x14];
	[sflag:s3] =	ssyncadd.s32 $0xFFFFF800  }
0x49e: {  	[hbm4b:s18+s0] =	stream.linear.scatter [tilespmem:s2], [sflag:$0x3], $0x800, $0x38;
	[tilespmem:$0x1FC00] =	vst v63  }
0x49f: {  	_ =	swait.ge [sflag:s3], $0x800  }
0x4a0: {  	s15 =	sld [smem:$0x7F8]  }
0x4a1: {  	[sflag:s3] =	ssyncset.done $0x0  }
0x4a2: {  	[sflag:s3] =	ssyncadd.s32 $0xFFFFF800  }
0x4a3: {  	[tilespmem:s2], [sflag:$0x3] =	stream.linear.gather [spmem:s15], $0x800, $0x38;
	[tilespmem:$0x1FC00] =	vst v63  }
0x4a4: {  	_ =	swait.ge [sflag:s3], $0x800  }
0x4a5: {  	[sflag:s3] =	ssyncset.done $0x0  }
0x4a6: {  	s19 =	rddreg [dreg:$0x15];
	[sflag:s3] =	ssyncadd.s32 $0xFFFFF800  }
0x4a7: {  	[hbm4b:s19+s0] =	stream.linear.scatter [tilespmem:s2], [sflag:$0x3], $0x800, $0x38;
	[tilespmem:$0x1FC00] =	vst v63  }
0x4a8: {  	_ =	swait.ge [sflag:s3], $0x800  }
0x4a9: {  	s17 =	sld [smem:$0x7F9]  }
0x4aa: {  	[sflag:s3] =	ssyncset.done $0x0  }
0x4ab: {  	[sflag:s3] =	ssyncadd.s32 $0xFFFFF800  }
0x4ac: {  	[tilespmem:s2], [sflag:$0x3] =	stream.linear.gather [spmem:s17], $0x800, $0x38;
	[tilespmem:$0x1FC00] =	vst v63  }
0x4ad: {  	_ =	swait.ge [sflag:s3], $0x800  }
0x4ae: {  	[sflag:s3] =	ssyncset.done $0x0  }
0x4af: {  	s9 =	rddreg [dreg:$0x16];
	[sflag:s3] =	ssyncadd.s32 $0xFFFFF800  }
0x4b0: {  	[hbm4b:s9+s0] =	stream.linear.scatter [tilespmem:s2], [sflag:$0x3], $0x800, $0x38;
	[tilespmem:$0x1FC00] =	vst v63  }
0x4b1: {  	_ =	swait.ge [sflag:s3], $0x800  }
0x4b2: {  	s31 =	sld [smem:$0x7FA]  }
0x4b3: {  	[sflag:s3] =	ssyncset.done $0x0  }
0x4b4: {  	[sflag:s3] =	ssyncadd.s32 $0xFFFFF800  }
0x4b5: {  	[tilespmem:s2], [sflag:$0x3] =	stream.linear.gather [spmem:s31], $0x800, $0x38;
	[tilespmem:$0x1FC00] =	vst v63  }
0x4b6: {  	_ =	swait.ge [sflag:s3], $0x800  }
0x4b7: {  	[sflag:s3] =	ssyncset.done $0x0  }
0x4b8: {  	s18 =	rddreg [dreg:$0x17];
	[sflag:s3] =	ssyncadd.s32 $0xFFFFF800  }
0x4b9: {  	[hbm4b:s18+s0] =	stream.linear.scatter [tilespmem:s2], [sflag:$0x3], $0x800, $0x38;
	[tilespmem:$0x1FC00] =	vst v63  }
0x4ba: {  	_ =	swait.ge [sflag:s3], $0x800  }
0x4bb: {  	s19 =	sld [smem:$0x7B9]  }
0x4bc: {  	[sflag:s3] =	ssyncset.done $0x0  }
0x4bd: {  	[sflag:s3] =	ssyncadd.s32 $0xFFFFF800  }
0x4be: {  	[tilespmem:s2], [sflag:$0x3] =	stream.linear.gather [spmem:s19], $0x800, $0x38;
	[tilespmem:$0x1FC00] =	vst v63  }
0x4bf: {  	_ =	swait.ge [sflag:s3], $0x800  }
0x4c0: {  	[sflag:s3] =	ssyncset.done $0x0  }
0x4c1: {  	s9 =	rddreg [dreg:$0x18];
	[sflag:s3] =	ssyncadd.s32 $0xFFFFF800  }
0x4c2: {  	[hbm4b:s9+s0] =	stream.linear.scatter [tilespmem:s2], [sflag:$0x3], $0x800, $0x38;
	[tilespmem:$0x1FC00] =	vst v63  }
0x4c3: {  	_ =	swait.ge [sflag:s3], $0x800  }
0x4c4: {  	s9 =	sld [smem:$0x7FB]  }
0x4c5: {  	[sflag:s3] =	ssyncset.done $0x0  }
0x4c6: {  	[sflag:s3] =	ssyncadd.s32 $0xFFFFF800  }
0x4c7: {  	[tilespmem:s2], [sflag:$0x3] =	stream.linear.gather [spmem:s9], $0x800, $0x38;
	[tilespmem:$0x1FC00] =	vst v63  }
0x4c8: {  	_ =	swait.ge [sflag:s3], $0x800  }
0x4c9: {  	[sflag:s3] =	ssyncset.done $0x0  }
0x4ca: {  	s18 =	rddreg [dreg:$0x19];
	[sflag:s3] =	ssyncadd.s32 $0xFFFFF800  }
0x4cb: {  	[hbm4b:s18+s0] =	stream.linear.scatter [tilespmem:s2], [sflag:$0x3], $0x800, $0x38;
	[tilespmem:$0x1FC00] =	vst v63  }
0x4cc: {  	_ =	swait.ge [sflag:s3], $0x800  }
0x4cd: {  	s18 =	sld [smem:$0x7FC]  }
0x4ce: {  	[sflag:s3] =	ssyncset.done $0x0  }
0x4cf: {  	[sflag:s3] =	ssyncadd.s32 $0xFFFFF800  }
0x4d0: {  	[tilespmem:s2], [sflag:$0x3] =	stream.linear.gather [spmem:s18], $0x800, $0x38;
	[tilespmem:$0x1FC00] =	vst v63  }
0x4d1: {  	_ =	swait.ge [sflag:s3], $0x800  }
0x4d2: {  	[sflag:s3] =	ssyncset.done $0x0  }
0x4d3: {  	s19 =	rddreg [dreg:$0x1a];
	[sflag:s3] =	ssyncadd.s32 $0xFFFFF800  }
0x4d4: {  	[hbm4b:s19+s0] =	stream.linear.scatter [tilespmem:s2], [sflag:$0x3], $0x800, $0x38;
	[tilespmem:$0x1FC00] =	vst v63  }
0x4d5: {  	_ =	swait.ge [sflag:s3], $0x800  }
0x4d6: {  	s19 =	sld [smem:$0x7FD]  }
0x4d7: {  	[sflag:s3] =	ssyncset.done $0x0  }
0x4d8: {  	[sflag:s3] =	ssyncadd.s32 $0xFFFFF800  }
0x4d9: {  	[tilespmem:s2], [sflag:$0x3] =	stream.linear.gather [spmem:s19], $0x800, $0x38;
	[tilespmem:$0x1FC00] =	vst v63  }
0x4da: {  	_ =	swait.ge [sflag:s3], $0x800  }
0x4db: {  	[sflag:s3] =	ssyncset.done $0x0  }
0x4dc: {  	s1 =	rddreg [dreg:$0x1b];
	[sflag:s3] =	ssyncadd.s32 $0xFFFFF800  }
0x4dd: {  	[hbm4b:s1+s0] =	stream.linear.scatter [tilespmem:s2], [sflag:$0x3], $0x800, $0x38;
	[tilespmem:$0x1FC00] =	vst v63  }
0x4de: {  	_ =	swait.ge [sflag:s3], $0x800  }
0x4df: {  	s1 =	sld [smem:$0x7BD]  }
0x4e0: {  	[sflag:s3] =	ssyncset.done $0x0  }
0x4e1: {  	[sflag:s3] =	ssyncadd.s32 $0xFFFFF800  }
0x4e2: {  	[tilespmem:s2], [sflag:$0x3] =	stream.linear.gather [spmem:s1], $0x800, $0x38;
	[tilespmem:$0x1FC00] =	vst v63  }
0x4e3: {  	_ =	swait.ge [sflag:s3], $0x800  }
0x4e4: {  	[sflag:s3] =	ssyncset.done $0x0  }
0x4e5: {  	s1 =	rddreg [dreg:$0x1c];
	[sflag:s3] =	ssyncadd.s32 $0xFFFFF800  }
0x4e6: {  	[hbm4b:s1+s0] =	stream.linear.scatter [tilespmem:s2], [sflag:$0x3], $0x800, $0x38;
	[tilespmem:$0x1FC00] =	vst v63  }
0x4e7: {  	_ =	swait.ge [sflag:s3], $0x800  }
0x4e8: {  	s1 =	sld [smem:$0x7BF]  }
0x4e9: {  	[sflag:s3] =	ssyncset.done $0x0  }
0x4ea: {  	[sflag:s3] =	ssyncadd.s32 $0xFFFFF800  }
0x4eb: {  	[tilespmem:s2], [sflag:$0x3] =	stream.linear.gather [spmem:s1], $0x800, $0x38;
	[tilespmem:$0x1FC00] =	vst v63  }
0x4ec: {  	_ =	swait.ge [sflag:s3], $0x800  }
0x4ed: {  	[sflag:s3] =	ssyncset.done $0x0  }
0x4ee: {  	s1 =	rddreg [dreg:$0x1d];
	[sflag:s3] =	ssyncadd.s32 $0xFFFFF800  }
0x4ef: {  	[hbm4b:s1+s0] =	stream.linear.scatter [tilespmem:s2], [sflag:$0x3], $0x800, $0x38;
	[tilespmem:$0x1FC00] =	vst v63  }
0x4f0: {  	_ =	swait.ge [sflag:s3], $0x800  }
0x4f1: {  	s1 =	sld [smem:$0x7C1]  }
0x4f2: {  	[sflag:s3] =	ssyncset.done $0x0  }
0x4f3: {  	[sflag:s3] =	ssyncadd.s32 $0xFFFFF800  }
0x4f4: {  	[tilespmem:s2], [sflag:$0x3] =	stream.linear.gather [spmem:s1], $0x800, $0x38;
	[tilespmem:$0x1FC00] =	vst v63  }
0x4f5: {  	_ =	swait.ge [sflag:s3], $0x800  }
0x4f6: {  	[sflag:s3] =	ssyncset.done $0x0  }
0x4f7: {  	s1 =	rddreg [dreg:$0x1e];
	[sflag:s3] =	ssyncadd.s32 $0xFFFFF800  }
0x4f8: {  	[hbm4b:s1+s0] =	stream.linear.scatter [tilespmem:s2], [sflag:$0x3], $0x800, $0x38;
	[tilespmem:$0x1FC00] =	vst v63  }
0x4f9: {  	_ =	swait.ge [sflag:s3], $0x800  }
0x4fa: {  	s1 =	sld [smem:$0x7C3]  }
0x4fb: {  	[sflag:s3] =	ssyncset.done $0x0  }
0x4fc: {  	[sflag:s3] =	ssyncadd.s32 $0xFFFFF800  }
0x4fd: {  	[tilespmem:s2], [sflag:$0x3] =	stream.linear.gather [spmem:s1], $0x800, $0x38;
	[tilespmem:$0x1FC00] =	vst v63  }
0x4fe: {  	_ =	swait.ge [sflag:s3], $0x800  }
0x4ff: {  	[sflag:s3] =	ssyncset.done $0x0  }
0x500: {  	s1 =	rddreg [dreg:$0x1f];
	[sflag:s3] =	ssyncadd.s32 $0xFFFFF800  }
0x501: {  	[hbm4b:s1+s0] =	stream.linear.scatter [tilespmem:s2], [sflag:$0x3], $0x800, $0x38;
	[tilespmem:$0x1FC00] =	vst v63  }
0x502: {  	_ =	swait.ge [sflag:s3], $0x800  }
0x503: {  	s1 =	sld [smem:$0x7C5]  }
0x504: {  	[sflag:s3] =	ssyncset.done $0x0  }
0x505: {  	[sflag:s3] =	ssyncadd.s32 $0xFFFFF800  }
0x506: {  	[tilespmem:s2], [sflag:$0x3] =	stream.linear.gather [spmem:s1], $0x800, $0x38;
	[tilespmem:$0x1FC00] =	vst v63  }
0x507: {  	_ =	swait.ge [sflag:s3], $0x800  }
0x508: {  	s1 =	sld [smem:$0x799]  }
0x509: {  	[sflag:s3] =	ssyncset.done $0x0  }
0x50a: {  	[sflag:s3] =	ssyncadd.s32 $0xFFFFF800  }
0x50b: {  	[hbm4b:s1+s0] =	stream.linear.scatter [tilespmem:s2], [sflag:$0x3], $0x800, $0x38;
	[tilespmem:$0x1FC00] =	vst v63  }
0x50c: {  	_ =	swait.ge [sflag:s3], $0x800  }
0x50d: {  	s1 =	sld [smem:$0x7C7]  }
0x50e: {  	[sflag:s3] =	ssyncset.done $0x0  }
0x50f: {  	[sflag:s3] =	ssyncadd.s32 $0xFFFFF800  }
0x510: {  	[tilespmem:s2], [sflag:$0x3] =	stream.linear.gather [spmem:s1], $0x800, $0x38;
	[tilespmem:$0x1FC00] =	vst v63  }
0x511: {  	_ =	swait.ge [sflag:s3], $0x800  }
0x512: {  	s1 =	sld [smem:$0x79A]  }
0x513: {  	[sflag:s3] =	ssyncset.done $0x0  }
0x514: {  	[sflag:s3] =	ssyncadd.s32 $0xFFFFF800  }
0x515: {  	[hbm4b:s1+s0] =	stream.linear.scatter [tilespmem:s2], [sflag:$0x3], $0x800, $0x38;
	[tilespmem:$0x1FC00] =	vst v63  }
0x516: {  	_ =	swait.ge [sflag:s3], $0x800  }
0x517: {  	s1 =	sld [smem:$0x7C9]  }
0x518: {  	[sflag:s3] =	ssyncset.done $0x0  }
0x519: {  	[sflag:s3] =	ssyncadd.s32 $0xFFFFF800  }
0x51a: {  	[tilespmem:s2], [sflag:$0x3] =	stream.linear.gather [spmem:s1], $0x800, $0x38;
	[tilespmem:$0x1FC00] =	vst v63  }
0x51b: {  	_ =	swait.ge [sflag:s3], $0x800  }
0x51c: {  	s1 =	sld [smem:$0x79B]  }
0x51d: {  	[sflag:s3] =	ssyncset.done $0x0  }
0x51e: {  	[sflag:s3] =	ssyncadd.s32 $0xFFFFF800  }
0x51f: {  	[hbm4b:s1+s0] =	stream.linear.scatter [tilespmem:s2], [sflag:$0x3], $0x800, $0x38;
	[tilespmem:$0x1FC00] =	vst v63  }
0x520: {  	_ =	swait.ge [sflag:s3], $0x800  }
0x521: {  	s1 =	sld [smem:$0x7CB]  }
0x522: {  	[sflag:s3] =	ssyncset.done $0x0  }
0x523: {  	[sflag:s3] =	ssyncadd.s32 $0xFFFFF800  }
0x524: {  	[tilespmem:s2], [sflag:$0x3] =	stream.linear.gather [spmem:s1], $0x800, $0x38;
	[tilespmem:$0x1FC00] =	vst v63  }
0x525: {  	_ =	swait.ge [sflag:s3], $0x800  }
0x526: {  	s1 =	sld [smem:$0x79C]  }
0x527: {  	[sflag:s3] =	ssyncset.done $0x0  }
0x528: {  	[sflag:s3] =	ssyncadd.s32 $0xFFFFF800  }
0x529: {  	[hbm4b:s1+s0] =	stream.linear.scatter [tilespmem:s2], [sflag:$0x3], $0x800, $0x38;
	[tilespmem:$0x1FC00] =	vst v63  }
0x52a: {  	_ =	swait.ge [sflag:s3], $0x800  }
0x52b: {  	s1 =	sld [smem:$0x7CD]  }
0x52c: {  	[sflag:s3] =	ssyncset.done $0x0  }
0x52d: {  	[sflag:s3] =	ssyncadd.s32 $0xFFFFF800  }
0x52e: {  	[tilespmem:s2], [sflag:$0x3] =	stream.linear.gather [spmem:s1], $0x800, $0x38;
	[tilespmem:$0x1FC00] =	vst v63  }
0x52f: {  	_ =	swait.ge [sflag:s3], $0x800  }
0x530: {  	s1 =	sld [smem:$0x79D]  }
0x531: {  	[sflag:s3] =	ssyncset.done $0x0  }
0x532: {  	[sflag:s3] =	ssyncadd.s32 $0xFFFFF800  }
0x533: {  	[hbm4b:s1+s0] =	stream.linear.scatter [tilespmem:s2], [sflag:$0x3], $0x800, $0x38;
	[tilespmem:$0x1FC00] =	vst v63  }
0x534: {  	_ =	swait.ge [sflag:s3], $0x800  }
0x535: {  	s1 =	sld [smem:$0x7CF]  }
0x536: {  	[sflag:s3] =	ssyncset.done $0x0  }
0x537: {  	[sflag:s3] =	ssyncadd.s32 $0xFFFFF800  }
0x538: {  	[tilespmem:s2], [sflag:$0x3] =	stream.linear.gather [spmem:s1], $0x800, $0x38;
	[tilespmem:$0x1FC00] =	vst v63  }
0x539: {  	_ =	swait.ge [sflag:s3], $0x800  }
0x53a: {  	s1 =	sld [smem:$0x79E]  }
0x53b: {  	[sflag:s3] =	ssyncset.done $0x0  }
0x53c: {  	[sflag:s3] =	ssyncadd.s32 $0xFFFFF800  }
0x53d: {  	[hbm4b:s1+s0] =	stream.linear.scatter [tilespmem:s2], [sflag:$0x3], $0x800, $0x38;
	[tilespmem:$0x1FC00] =	vst v63  }
0x53e: {  	_ =	swait.ge [sflag:s3], $0x800  }
0x53f: {  	s1 =	sld [smem:$0x7D1]  }
0x540: {  	[sflag:s3] =	ssyncset.done $0x0  }
0x541: {  	[sflag:s3] =	ssyncadd.s32 $0xFFFFF800  }
0x542: {  	[tilespmem:s2], [sflag:$0x3] =	stream.linear.gather [spmem:s1], $0x800, $0x38;
	[tilespmem:$0x1FC00] =	vst v63  }
0x543: {  	_ =	swait.ge [sflag:s3], $0x800  }
0x544: {  	s1 =	sld [smem:$0x7A0]  }
0x545: {  	[sflag:s3] =	ssyncset.done $0x0  }
0x546: {  	[sflag:s3] =	ssyncadd.s32 $0xFFFFF800  }
0x547: {  	[hbm4b:s1+s0] =	stream.linear.scatter [tilespmem:s2], [sflag:$0x3], $0x800, $0x38;
	[tilespmem:$0x1FC00] =	vst v63  }
0x548: {  	_ =	swait.ge [sflag:s3], $0x800  }
0x549: {  	s1 =	sld [smem:$0x7D2]  }
0x54a: {  	[sflag:s3] =	ssyncset.done $0x0  }
0x54b: {  	[sflag:s3] =	ssyncadd.s32 $0xFFFFF800  }
0x54c: {  	[tilespmem:s2], [sflag:$0x3] =	stream.linear.gather [spmem:s1], $0x800, $0x38;
	[tilespmem:$0x1FC00] =	vst v63  }
0x54d: {  	_ =	swait.ge [sflag:s3], $0x800  }
0x54e: {  	s1 =	sld [smem:$0x7A1]  }
0x54f: {  	[sflag:s3] =	ssyncset.done $0x0  }
0x550: {  	[sflag:s3] =	ssyncadd.s32 $0xFFFFF800  }
0x551: {  	[hbm4b:s1+s0] =	stream.linear.scatter [tilespmem:s2], [sflag:$0x3], $0x800, $0x38;
	[tilespmem:$0x1FC00] =	vst v63  }
0x552: {  	_ =	swait.ge [sflag:s3], $0x800  }
0x553: {  	s1 =	sld [smem:$0x7D4]  }
0x554: {  	[sflag:s3] =	ssyncset.done $0x0  }
0x555: {  	[sflag:s3] =	ssyncadd.s32 $0xFFFFF800  }
0x556: {  	[tilespmem:s2], [sflag:$0x3] =	stream.linear.gather [spmem:s1], $0x800, $0x38;
	[tilespmem:$0x1FC00] =	vst v63  }
0x557: {  	_ =	swait.ge [sflag:s3], $0x800  }
0x558: {  	s1 =	sld [smem:$0x7A2]  }
0x559: {  	[sflag:s3] =	ssyncset.done $0x0  }
0x55a: {  	[sflag:s3] =	ssyncadd.s32 $0xFFFFF800  }
0x55b: {  	[hbm4b:s1+s0] =	stream.linear.scatter [tilespmem:s2], [sflag:$0x3], $0x800, $0x38;
	[tilespmem:$0x1FC00] =	vst v63  }
0x55c: {  	_ =	swait.ge [sflag:s3], $0x800  }
0x55d: {  	s1 =	sld [smem:$0x7D6]  }
0x55e: {  	[sflag:s3] =	ssyncset.done $0x0  }
0x55f: {  	[sflag:s3] =	ssyncadd.s32 $0xFFFFF800  }
0x560: {  	[tilespmem:s2], [sflag:$0x3] =	stream.linear.gather [spmem:s1], $0x800, $0x38;
	[tilespmem:$0x1FC00] =	vst v63  }
0x561: {  	_ =	swait.ge [sflag:s3], $0x800  }
0x562: {  	s1 =	sld [smem:$0x7A4]  }
0x563: {  	[sflag:s3] =	ssyncset.done $0x0  }
0x564: {  	[sflag:s3] =	ssyncadd.s32 $0xFFFFF800  }
0x565: {  	[hbm4b:s1+s0] =	stream.linear.scatter [tilespmem:s2], [sflag:$0x3], $0x800, $0x38;
	[tilespmem:$0x1FC00] =	vst v63  }
0x566: {  	_ =	swait.ge [sflag:s3], $0x800  }
0x567: {  	s1 =	sld [smem:$0x7D7]  }
0x568: {  	[sflag:s3] =	ssyncset.done $0x0  }
0x569: {  	[sflag:s3] =	ssyncadd.s32 $0xFFFFF800  }
0x56a: {  	[tilespmem:s2], [sflag:$0x3] =	stream.linear.gather [spmem:s1], $0x800, $0x38;
	[tilespmem:$0x1FC00] =	vst v63  }
0x56b: {  	_ =	swait.ge [sflag:s3], $0x800  }
0x56c: {  	s1 =	sld [smem:$0x7A5]  }
0x56d: {  	[sflag:s3] =	ssyncset.done $0x0  }
0x56e: {  	[sflag:s3] =	ssyncadd.s32 $0xFFFFF800  }
0x56f: {  	[hbm4b:s1+s0] =	stream.linear.scatter [tilespmem:s2], [sflag:$0x3], $0x800, $0x38;
	[tilespmem:$0x1FC00] =	vst v63  }
0x570: {  	_ =	swait.ge [sflag:s3], $0x800  }
0x571: {  	s1 =	sld [smem:$0x7D9]  }
0x572: {  	[sflag:s3] =	ssyncset.done $0x0  }
0x573: {  	[sflag:s3] =	ssyncadd.s32 $0xFFFFF800  }
0x574: {  	[tilespmem:s2], [sflag:$0x3] =	stream.linear.gather [spmem:s1], $0x800, $0x38;
	[tilespmem:$0x1FC00] =	vst v63  }
0x575: {  	_ =	swait.ge [sflag:s3], $0x800  }
0x576: {  	s1 =	sld [smem:$0x7A6]  }
0x577: {  	[sflag:s3] =	ssyncset.done $0x0  }
0x578: {  	[sflag:s3] =	ssyncadd.s32 $0xFFFFF800  }
0x579: {  	[hbm4b:s1+s0] =	stream.linear.scatter [tilespmem:s2], [sflag:$0x3], $0x800, $0x38;
	[tilespmem:$0x1FC00] =	vst v63  }
0x57a: {  	_ =	swait.ge [sflag:s3], $0x800  }
0x57b: {  	s1 =	sld [smem:$0x7DB]  }
0x57c: {  	[sflag:s3] =	ssyncset.done $0x0  }
0x57d: {  	[sflag:s3] =	ssyncadd.s32 $0xFFFFF800  }
0x57e: {  	[tilespmem:s2], [sflag:$0x3] =	stream.linear.gather [spmem:s1], $0x800, $0x38;
	[tilespmem:$0x1FC00] =	vst v63  }
0x57f: {  	_ =	swait.ge [sflag:s3], $0x800  }
0x580: {  	s1 =	sld [smem:$0x7A7]  }
0x581: {  	[sflag:s3] =	ssyncset.done $0x0  }
0x582: {  	[sflag:s3] =	ssyncadd.s32 $0xFFFFF800  }
0x583: {  	[hbm4b:s1+s0] =	stream.linear.scatter [tilespmem:s2], [sflag:$0x3], $0x800, $0x38;
	[tilespmem:$0x1FC00] =	vst v63  }
0x584: {  	_ =	swait.ge [sflag:s3], $0x800  }
0x585: {  	s1 =	sld [smem:$0x7E6]  }
0x586: {  	[sflag:s3] =	ssyncset.done $0x0  }
0x587: {  	s0 =	simm.s32 @!p0 $0xAE00;
	[sflag:s3] =	ssyncadd.s32 $0xFFFFF800  }
0x588: {  	[tilespmem:s0], [sflag:$0x3] =	stream.linear.gather @!p0 [spmem:s1], $0x400, $0x38;
	[tilespmem:$0x1FC00] =	vst v63  }
0x589: {  	s1 =	simm.s32 @!p0 $0x3  }
0x58a: {  	_ =	swait.ge @!p0 [sflag:s1], $0x400  }
0x58b: {  	s3 =	sld [smem:$0x7A8]  }
0x58c: {  	[sflag:s1] =	ssyncset.done @!p0 $0x0  }
0x58d: {  	s2 =	simm.s32 @!p0 $0x0;
	[sflag:s1] =	ssyncadd.s32 @!p0 $0xFFFFFC00  }
0x58e: {  	[hbm4b:s3+s2] =	stream.linear.scatter @!p0 [tilespmem:s0], [sflag:$0x3], $0x400, $0x38;
	[tilespmem:$0x1FC00] =	vst v63  }
0x58f: {  	_ =	swait.ge @!p0 [sflag:s1], $0x400  }
0x590: {  	s3 =	sld [smem:$0x7E3]  }
0x591: {  	[sflag:s1] =	ssyncset.done @!p0 $0x0  }
0x592: {  	[sflag:s1] =	ssyncadd.s32 @!p0 $0xFFFFFC00  }
0x593: {  	[tilespmem:s0], [sflag:$0x3] =	stream.linear.gather @!p0 [spmem:s3], $0x400, $0x38;
	[tilespmem:$0x1FC00] =	vst v63  }
0x594: {  	_ =	swait.ge @!p0 [sflag:s1], $0x400  }
0x595: {  	s3 =	sld [smem:$0x7DD]  }
0x596: {  	[sflag:s1] =	ssyncset.done @!p0 $0x0  }
0x597: {  	[sflag:s1] =	ssyncadd.s32 @!p0 $0xFFFFFC00  }
0x598: {  	[hbm4b:s3+s2] =	stream.linear.scatter @!p0 [tilespmem:s0], [sflag:$0x3], $0x400, $0x38;
	[tilespmem:$0x1FC00] =	vst v63  }
0x599: {  	_ =	swait.ge @!p0 [sflag:s1], $0x400  }
0x59a: {  	s3 =	sld [smem:$0x7E4]  }
0x59b: {  	[sflag:s1] =	ssyncset.done @!p0 $0x0  }
0x59c: {  	[sflag:s1] =	ssyncadd.s32 @!p0 $0xFFFFFC00  }
0x59d: {  	[tilespmem:s0], [sflag:$0x3] =	stream.linear.gather @!p0 [spmem:s3], $0x400, $0x38;
	[tilespmem:$0x1FC00] =	vst v63  }
0x59e: {  	_ =	swait.ge @!p0 [sflag:s1], $0x400  }
0x59f: {  	s3 =	sld [smem:$0x7DE]  }
0x5a0: {  	[sflag:s1] =	ssyncset.done @!p0 $0x0  }
0x5a1: {  	[sflag:s1] =	ssyncadd.s32 @!p0 $0xFFFFFC00  }
0x5a2: {  	[hbm4b:s3+s2] =	stream.linear.scatter @!p0 [tilespmem:s0], [sflag:$0x3], $0x400, $0x38;
	[tilespmem:$0x1FC00] =	vst v63  }
0x5a3: {  	_ =	swait.ge @!p0 [sflag:s1], $0x400  }
0x5a4: {  	s3 =	sld [smem:$0x7E5]  }
0x5a5: {  	[sflag:s1] =	ssyncset.done @!p0 $0x0  }
0x5a6: {  	[sflag:s1] =	ssyncadd.s32 @!p0 $0xFFFFFC00  }
0x5a7: {  	[tilespmem:s0], [sflag:$0x3] =	stream.linear.gather @!p0 [spmem:s3], $0x400, $0x38;
	[tilespmem:$0x1FC00] =	vst v63  }
0x5a8: {  	_ =	swait.ge @!p0 [sflag:s1], $0x400  }
0x5a9: {  	s3 =	sld [smem:$0x7DF]  }
0x5aa: {  	[sflag:s1] =	ssyncset.done @!p0 $0x0  }
0x5ab: {  	[sflag:s1] =	ssyncadd.s32 @!p0 $0xFFFFFC00  }
0x5ac: {  	[hbm4b:s3+s2] =	stream.linear.scatter @!p0 [tilespmem:s0], [sflag:$0x3], $0x400, $0x38;
	[tilespmem:$0x1FC00] =	vst v63  }
0x5ad: {  	_ =	swait.ge @!p0 [sflag:s1], $0x400  }
0x5ae: {  	s3 =	sld [smem:$0x7E7]  }
0x5af: {  	[sflag:s1] =	ssyncset.done @!p0 $0x0  }
0x5b0: {  	[sflag:s1] =	ssyncadd.s32 @!p0 $0xFFFFFC00  }
0x5b1: {  	[tilespmem:s0], [sflag:$0x3] =	stream.linear.gather @!p0 [spmem:s3], $0x400, $0x38;
	[tilespmem:$0x1FC00] =	vst v63  }
0x5b2: {  	_ =	swait.ge @!p0 [sflag:s1], $0x400  }
0x5b3: {  	s3 =	sld [smem:$0x7E0]  }
0x5b4: {  	[sflag:s1] =	ssyncset.done @!p0 $0x0  }
0x5b5: {  	[sflag:s1] =	ssyncadd.s32 @!p0 $0xFFFFFC00  }
0x5b6: {  	[hbm4b:s3+s2] =	stream.linear.scatter @!p0 [tilespmem:s0], [sflag:$0x3], $0x400, $0x38;
	[tilespmem:$0x1FC00] =	vst v63  }
0x5b7: {  	_ =	swait.ge @!p0 [sflag:s1], $0x400  }
0x5b8: {  	s0 =	sld [smem:$0x794];
	_ =	sdelay $0x2  }
0x5b9: {  	s2 =	sadd.s32 $0x1, s0;
	s0 =	sld [smem:$0x7E2];
	_ =	sdelay $0x2  }
0x5ba: {  	p1 =	sne.s32 s2, s0  }
.Ltmp6:
0x5bb: {  	_ = 	snop;
	(pc) =	sbr.rel @p1 .LBB2_1-.Ltmp6, $3  }
0x5bc: {  	_ =	sdelay $0x1  }
0x5bd: {  	[sflag:s1] =	ssyncset.done @!p0 $0x0  }
0x5be: {  	s3 =	simm.s32 $0x1;
	[sflag:s1] =	ssyncadd.s32 @!p0 $0xFFFFFC00  }
0x5bf: {  	_ =	sfence.sel $0x180000  }
0x5c0: {  	[bflag:$0x0] =	sbarrier.arrive $0xFFFF  }
0x5c1: {  	_ =	strace $0x90000047  }
0x5c2: {  	s0 =	stileid.u32;
	[bflag:$0x2] =	sbarrier.arrive $0xFFFF  }
0x5c3: {  	p0 =	sne.s32 s0, $0x0;
	s0 =	rddreg [dreg:$0x4]  }
0x5c4: {  	s0 =	sadd.s32 @!p0 $0x100000, s0  }
0x5c5: {  	[sflag:s0] =	ssyncadd.tile.s32 @!p0 $0x1;
	_ =	shalt  }
.Lfunc_end2:
_tile_overlayer_lowered:
.L_overlay_start_2:
0x5c6: {  	(tag) =	ssettag $0x2  }
0x5c7: {  	s0 =	rddreg [dreg:$0x0];
	s2 =	stileid.u32  }
0x5c8: {  	s1 =	rddreg [dreg:$0x1];
	p0 =	sne.s32 s2, $0x0  }
0x5c9: {  	s3 =	rddreg [dreg:$0x2];
	[bflag:$0x3] =	sbarrier.arrive $0xFFFF;
	s2 =	simm.s32 @!p0 $0x1C03  }
0x5ca: {  	[timem:s3], [sflag:s2] =	dma.local @!p0 [hbm:s0], s1  }
0x5cb: {  	s0 =	simm.s32 @!p0 $0x3  }
0x5cc: {  	_ =	swait.ge @!p0 [sflag:s0], s1  }
0x5cd: {  	s1 =	ssub.s32 @!p0 $0x0, s1;
	[sflag:s0] =	ssyncset.done @!p0 $0x0  }
0x5ce: {  	[sflag:s0] =	ssyncadd.s32 @!p0 s1  }
0x5cf: {  	[bflag:$0x3] =	sbarrier.arrive $0xFFFF  }
0x5d0: {  	_ =	shalt  }

</sc_bundles>
